<compile_context>
chip_gen: v7x
topology: tpu7x:2x2x1
jax: 0.10.2.dev20260603
libtpu: 0.0.44.dev20260713+nightly
codegen_flags: <defaults>
</compile_context>

<pallas_src>
import functools

import jax
import jax.numpy as jnp
from jax import lax
from jax.experimental import pallas as pl
from jax.experimental.pallas import tpu as pltpu
from jax.experimental.pallas import tpu_sc as plsc

N_NODES = 10000
N_EDGES = 320000
D = 128

NUM_SC = 2
NUM_SUB = 16
NW = NUM_SC * NUM_SUB
CHUNK = 80
NB_G = 4
NB_S = 4

NC_PHASES = (63, 62)
E_PHASES = tuple(NW * CHUNK * nc for nc in NC_PHASES)
N_PHASES = len(NC_PHASES)
assert sum(E_PHASES) == N_EDGES

EDGE_BLOCK = 2560
NODE_BLOCK = 2000

N_PER_SUB = 624
N_LAST_SUB = N_NODES - (NUM_SUB - 1) * N_PER_SUB

_sc_mesh = plsc.VectorSubcoreMesh(core_axis_name="c", subcore_axis_name="s")


S_SLOTS = NUM_SUB * NB_G * CHUNK


def _make_gather_body(nc, eoff):
    def body(node_hbm, src_hbm, dst_hbm, ident_hbm, n2e_hbm,
             idxs, idxd, rows_a, rows_b, ival, stage,
             isem_s, isem_d, gsem_a, gsem_b, csem, asem, ssem):
        s = lax.axis_index("s")
        wid = lax.axis_index("c") * NUM_SUB + s
        base0 = wid * nc * CHUNK

        for b in range(NB_G):
            pltpu.sync_copy(
                ident_hbm.at[pl.ds(s * NB_G * CHUNK + b * CHUNK, CHUNK)],
                ival.at[b])

        def slot(b):
            return pl.multiple_of((s * NB_G + b) * CHUNK, 8)

        def fire_idx(t, b):
            base = eoff + base0 + t * CHUNK
            pltpu.async_copy(src_hbm.at[pl.ds(base, CHUNK)], idxs.at[b],
                             isem_s.at[b])
            pltpu.async_copy(dst_hbm.at[pl.ds(base, CHUNK)], idxd.at[b],
                             isem_d.at[b])

        def wait_idx(b):
            pltpu.make_async_copy(src_hbm.at[pl.ds(base0, CHUNK)], idxs.at[b],
                                  isem_s.at[b]).wait()
            pltpu.make_async_copy(dst_hbm.at[pl.ds(base0, CHUNK)], idxd.at[b],
                                  isem_d.at[b]).wait()

        def fire_gather(b):
            pltpu.async_copy(node_hbm.at[idxs.at[b]], rows_a.at[b],
                             gsem_a.at[b])
            pltpu.async_copy(node_hbm.at[idxd.at[b]], rows_b.at[b],
                             gsem_b.at[b])

        def wait_gather(b):
            pltpu.make_async_copy(node_hbm.at[idxs.at[b]], rows_a.at[b],
                                  gsem_a.at[b]).wait()
            pltpu.make_async_copy(node_hbm.at[idxd.at[b]], rows_b.at[b],
                                  gsem_b.at[b]).wait()

        def fire_copy(b):
            pltpu.async_copy(rows_a.at[b], stage.at[pl.ds(slot(b), CHUNK)],
                             csem.at[b])

        def wait_copy(b):
            pltpu.make_async_copy(rows_a.at[b],
                                  stage.at[pl.ds(slot(b), CHUNK)],
                                  csem.at[b]).wait()

        def fire_add(b):
            pltpu.async_copy(rows_b.at[b], stage.at[ival.at[b]], asem.at[b],
                             add=True)

        def wait_add(b):
            pltpu.make_async_copy(rows_b.at[b], stage.at[ival.at[b]],
                                  asem.at[b]).wait()

        def fire_store(t, b):
            base = base0 + t * CHUNK
            pltpu.async_copy(stage.at[pl.ds(slot(b), CHUNK)],
                             n2e_hbm.at[pl.ds(base, CHUNK)], ssem.at[b])

        def wait_store(b):
            pltpu.make_async_copy(stage.at[pl.ds(slot(b), CHUNK)],
                                  n2e_hbm.at[pl.ds(base0, CHUNK)],
                                  ssem.at[b]).wait()

        @pl.loop(0, nc + 4)
        def _(t):
            @pl.when(t < nc)
            def _():
                fire_idx(t, lax.rem(t, NB_G))

            u = t - 1

            @pl.when(jnp.logical_and(u >= 0, u < nc))
            def _():
                bu = lax.rem(u, NB_G)
                wait_idx(bu)
                fire_gather(bu)

            v = t - 2

            @pl.when(jnp.logical_and(v >= 0, v < nc))
            def _():
                bv = lax.rem(v, NB_G)
                wait_gather(bv)

                @pl.when(v >= NB_G)
                def _():
                    wait_store(bv)

                fire_copy(bv)

            w = t - 3

            @pl.when(jnp.logical_and(w >= 0, w < nc))
            def _():
                bw = lax.rem(w, NB_G)
                wait_copy(bw)
                fire_add(bw)

            x = t - 4

            @pl.when(jnp.logical_and(x >= 0, x < nc))
            def _():
                bx = lax.rem(x, NB_G)
                wait_add(bx)
                fire_store(x, bx)

        for b in range(NB_G):
            wait_store(b)

    return body


def _sc_gather(node_rep, src, dst, ident, nc, eoff):
    e_phase = NW * CHUNK * nc
    fn = pl.kernel(
        _make_gather_body(nc, eoff),
        out_type=jax.ShapeDtypeStruct((e_phase, D), jnp.float32),
        mesh=_sc_mesh,
        scratch_types=[
            pltpu.VMEM((NB_G, CHUNK), jnp.int32),
            pltpu.VMEM((NB_G, CHUNK), jnp.int32),
            pltpu.VMEM((NB_G, CHUNK, D), jnp.float32),
            pltpu.VMEM((NB_G, CHUNK, D), jnp.float32),
            pltpu.VMEM((NB_G, CHUNK), jnp.int32),
            pltpu.VMEM_SHARED((S_SLOTS, D), jnp.float32),
            pltpu.SemaphoreType.DMA((NB_G,)),
            pltpu.SemaphoreType.DMA((NB_G,)),
            pltpu.SemaphoreType.DMA((NB_G,)),
            pltpu.SemaphoreType.DMA((NB_G,)),
            pltpu.SemaphoreType.DMA((NB_G,)),
            pltpu.SemaphoreType.DMA((NB_G,)),
            pltpu.SemaphoreType.DMA((NB_G,)),
        ],
    )
    return fn(node_rep, src, dst, ident)


def _make_scatter_body(nc, eoff):
    def body(eo_hbm, src_hbm, dst_hbm, zeros_hbm, part_hbm,
             idxs, idxd, rows, acc, isem_s, isem_d, gsem, asem_s, asem_d):
        c = lax.axis_index("c")
        s = lax.axis_index("s")
        wid = c * NUM_SUB + s
        base0 = wid * nc * CHUNK

        @pl.when(s < NUM_SUB - 1)
        def _():
            pltpu.sync_copy(zeros_hbm.at[pl.ds(s * N_PER_SUB, N_PER_SUB)],
                            acc.at[pl.ds(s * N_PER_SUB, N_PER_SUB)])

        @pl.when(s == NUM_SUB - 1)
        def _():
            pltpu.sync_copy(zeros_hbm.at[pl.ds(s * N_PER_SUB, N_LAST_SUB)],
                            acc.at[pl.ds(s * N_PER_SUB, N_LAST_SUB)])

        plsc.subcore_barrier()

        def fire_loads(t, b):
            base = base0 + t * CHUNK
            pltpu.async_copy(src_hbm.at[pl.ds(eoff + base, CHUNK)], idxs.at[b],
                             isem_s.at[b])
            pltpu.async_copy(dst_hbm.at[pl.ds(eoff + base, CHUNK)], idxd.at[b],
                             isem_d.at[b])
            pltpu.async_copy(eo_hbm.at[pl.ds(base, CHUNK)], rows.at[b],
                             gsem.at[b])

        def wait_loads(b):
            pltpu.make_async_copy(src_hbm.at[pl.ds(base0, CHUNK)], idxs.at[b],
                                  isem_s.at[b]).wait()
            pltpu.make_async_copy(dst_hbm.at[pl.ds(base0, CHUNK)], idxd.at[b],
                                  isem_d.at[b]).wait()
            pltpu.make_async_copy(eo_hbm.at[pl.ds(base0, CHUNK)], rows.at[b],
                                  gsem.at[b]).wait()

        def fire_adds(b):
            pltpu.async_copy(rows.at[b], acc.at[idxs.at[b]], asem_s.at[b],
                             add=True)
            pltpu.async_copy(rows.at[b], acc.at[idxd.at[b]], asem_d.at[b],
                             add=True)

        def wait_adds(b):
            pltpu.make_async_copy(rows.at[b], acc.at[idxs.at[b]],
                                  asem_s.at[b]).wait()
            pltpu.make_async_copy(rows.at[b], acc.at[idxd.at[b]],
                                  asem_d.at[b]).wait()

        @pl.loop(0, nc + NB_S - 1)
        def _(t):
            @pl.when(t < nc)
            def _():
                b = lax.rem(t, NB_S)

                @pl.when(t >= NB_S)
                def _():
                    wait_adds(b)

                fire_loads(t, b)

            comp = t - (NB_S - 1)

            @pl.when(comp >= 0)
            def _():
                bc = lax.rem(comp, NB_S)
                wait_loads(bc)
                fire_adds(bc)

        for b in range(NB_S):
            wait_adds(b)

        plsc.subcore_barrier()

        @pl.when(s < NUM_SUB - 1)
        def _():
            pltpu.sync_copy(acc.at[pl.ds(s * N_PER_SUB, N_PER_SUB)],
                            part_hbm.at[c].at[pl.ds(s * N_PER_SUB, N_PER_SUB)])

        @pl.when(s == NUM_SUB - 1)
        def _():
            pltpu.sync_copy(acc.at[pl.ds(s * N_PER_SUB, N_LAST_SUB)],
                            part_hbm.at[c].at[pl.ds(s * N_PER_SUB, N_LAST_SUB)])

    return body


def _sc_scatter(edge_out_slice, src, dst, zeros, nc, eoff):
    fn = pl.kernel(
        _make_scatter_body(nc, eoff),
        out_type=jax.ShapeDtypeStruct((NUM_SC, N_NODES, D), jnp.float32),
        mesh=_sc_mesh,
        scratch_types=[
            pltpu.VMEM((NB_S, CHUNK), jnp.int32),
            pltpu.VMEM((NB_S, CHUNK), jnp.int32),
            pltpu.VMEM((NB_S, CHUNK, D), jnp.float32),
            pltpu.VMEM_SHARED((N_NODES, D), jnp.float32),
            pltpu.SemaphoreType.DMA((NB_S,)),
            pltpu.SemaphoreType.DMA((NB_S,)),
            pltpu.SemaphoreType.DMA((NB_S,)),
            pltpu.SemaphoreType.DMA((NB_S,)),
            pltpu.SemaphoreType.DMA((NB_S,)),
        ],
    )
    return fn(edge_out_slice, src, dst, zeros)


def _edge_mlp_body(er_ref, n2e_ref, w1_ref, b1_ref, w2_ref, b2_ref,
                   out_ref):
    x = jnp.concatenate([er_ref[...].astype(jnp.bfloat16),
                         n2e_ref[...].astype(jnp.bfloat16)], axis=-1)
    h = jnp.dot(x, w1_ref[...].astype(jnp.bfloat16),
                preferred_element_type=jnp.float32)
    h = jnp.maximum(h + b1_ref[...], 0.0).astype(jnp.bfloat16)
    o = jnp.dot(h, w2_ref[...].astype(jnp.bfloat16),
                preferred_element_type=jnp.float32)
    out_ref[...] = jnp.maximum(o + b2_ref[...], 0.0)


def _edge_mlp_phase(edge_rep, n2e_p, W1, bias1, W2, bias2, blk_off):
    n = n2e_p.shape[0]
    row = lambda i: (i, 0)
    er_map = lambda i: (i + blk_off, 0)
    full = lambda i: (0, 0)
    return pl.pallas_call(
        _edge_mlp_body,
        grid=(n // EDGE_BLOCK,),
        in_specs=[
            pl.BlockSpec((EDGE_BLOCK, D), er_map),
            pl.BlockSpec((EDGE_BLOCK, D), row),
            pl.BlockSpec((2 * D, 2 * D), full),
            pl.BlockSpec((1, 2 * D), full),
            pl.BlockSpec((2 * D, D), full),
            pl.BlockSpec((1, D), full),
        ],
        out_specs=pl.BlockSpec((EDGE_BLOCK, D), row),
        out_shape=jax.ShapeDtypeStruct((n, D), jnp.float32),
    )(edge_rep, n2e_p, W1, bias1.reshape(1, -1), W2, bias2.reshape(1, -1))


N_PART = 2 * N_PHASES


def _node_mlp_body(*refs):
    nr_ref = refs[0]
    extras = refs[1:1 + N_PART]
    w1_ref, b1_ref, w2_ref, b2_ref, out_ref = refs[1 + N_PART:]
    e2n = extras[0][...]
    for e in extras[1:]:
        e2n = e2n + e[...]
    x = jnp.concatenate([nr_ref[...].astype(jnp.bfloat16),
                         e2n.astype(jnp.bfloat16)], axis=-1)
    h = jnp.dot(x, w1_ref[...].astype(jnp.bfloat16),
                preferred_element_type=jnp.float32)
    h = jnp.maximum(h + b1_ref[...], 0.0).astype(jnp.bfloat16)
    o = jnp.dot(h, w2_ref[...].astype(jnp.bfloat16),
                preferred_element_type=jnp.float32)
    out_ref[...] = jnp.maximum(o + b2_ref[...], 0.0)


def _node_mlp(node_rep, partials, W1, bias1, W2, bias2):
    row = lambda i: (i, 0)
    full = lambda i: (0, 0)
    return pl.pallas_call(
        _node_mlp_body,
        grid=(N_NODES // NODE_BLOCK,),
        in_specs=[pl.BlockSpec((NODE_BLOCK, D), row)] * (1 + N_PART) + [
            pl.BlockSpec((2 * D, 2 * D), full),
            pl.BlockSpec((1, 2 * D), full),
            pl.BlockSpec((2 * D, D), full),
            pl.BlockSpec((1, D), full),
        ],
        out_specs=pl.BlockSpec((NODE_BLOCK, D), row),
        out_shape=jax.ShapeDtypeStruct((N_NODES, D), jnp.float32),
    )(node_rep, *partials, W1, bias1.reshape(1, -1), W2, bias2.reshape(1, -1))


def _copy_first_body(src_ref, out_ref):
    out_ref[...] = src_ref[...]


def _copy_next_body(prev_ref, src_ref, out_ref):
    out_ref[...] = src_ref[...]


def _assemble_edge_out(prev, eo_p, blk_off):
    nblk = eo_p.shape[0] // EDGE_BLOCK
    row = lambda i: (i, 0)
    out_map = lambda i: (i + blk_off, 0)
    out_shape = jax.ShapeDtypeStruct((N_EDGES, D), jnp.float32)
    if prev is None:
        return pl.pallas_call(
            _copy_first_body,
            grid=(nblk,),
            in_specs=[pl.BlockSpec((EDGE_BLOCK, D), row)],
            out_specs=pl.BlockSpec((EDGE_BLOCK, D), out_map),
            out_shape=out_shape,
        )(eo_p)
    return pl.pallas_call(
        _copy_next_body,
        grid=(nblk,),
        in_specs=[
            pl.BlockSpec((8, D), lambda i: (0, 0)),
            pl.BlockSpec((EDGE_BLOCK, D), row),
        ],
        out_specs=pl.BlockSpec((EDGE_BLOCK, D), out_map),
        out_shape=out_shape,
        input_output_aliases={0: 0},
    )(prev, eo_p)


def kernel(node_rep, edge_rep, edge_index, We1, be1, We2, be2, Wn1, bn1, Wn2, bn2):
    src = edge_index[0]
    dst = edge_index[1]
    zeros = jnp.zeros((N_NODES, D), jnp.float32)

    bounds = [0]
    for e in E_PHASES:
        bounds.append(bounds[-1] + e)

    ident = (jnp.arange(NUM_SUB * NB_G, dtype=jnp.int32)[:, None] * CHUNK
             + jnp.arange(CHUNK, dtype=jnp.int32)[None, :]).reshape(-1)

    gathered = [_sc_gather(node_rep, src, dst, ident, NC_PHASES[p], bounds[p])
                for p in range(N_PHASES)]

    eo_slices = []
    for p in range(N_PHASES):
        eo_slices.append(_edge_mlp_phase(edge_rep, gathered[p], We1, be1,
                                         We2, be2, bounds[p] // EDGE_BLOCK))

    partials = []
    for p in range(N_PHASES):
        part = _sc_scatter(eo_slices[p], src, dst, zeros, NC_PHASES[p],
                           bounds[p])
        partials.extend([part[0], part[1]])

    edge_out = jnp.concatenate(eo_slices, axis=0)
    node_out = _node_mlp(node_rep, partials, Wn1, bn1, Wn2, bn2)
    return (node_out, edge_out)

# --- scband reference (transcript-rebuilt; emitter-appended) ---
"""Pipeline reference for scband-edge-node-50869592655511 (READ-ONLY COPY).

The authoritative reference and input builder live on the scoring server;
editing this copy changes nothing except your own understanding.
"""

import jax, jax.numpy as jnp
import numpy as np

N_NODES = 10000
N_EDGES = 320000
REP_DIM = 128


def _mlp(x, W1, b1, W2, b2):
    # get_mlp_invertible(2*d, 2*d, d, 2): 2-layer MLP with ReLU nonlinearity
    h = jax.nn.relu(x @ W1 + b1)
    return jax.nn.relu(h @ W2 + b2)


def setup_inputs(seed: int = 0) -> dict:
    key = jax.random.key(seed)
    ks = jax.random.split(key, 12)
    d = REP_DIM
    node_rep = jax.random.normal(ks[0], (N_NODES, d), jnp.float32)
    edge_rep = jax.random.normal(ks[1], (N_EDGES, d), jnp.float32)
    edge_index = jax.random.randint(ks[2], (2, N_EDGES), 0, N_NODES, jnp.int32)
    s1 = 1.0 / np.sqrt(2 * d)
    s2 = 1.0 / np.sqrt(2 * d)
    # edge_mlp_0: in=2d, hidden=2d, out=d
    We1 = jax.random.normal(ks[3], (2 * d, 2 * d), jnp.float32) * s1
    be1 = jnp.zeros((2 * d,), jnp.float32)
    We2 = jax.random.normal(ks[4], (2 * d, d), jnp.float32) * s2
    be2 = jnp.zeros((d,), jnp.float32)
    # node_mlp: in=2d, hidden=2d, out=d
    Wn1 = jax.random.normal(ks[5], (2 * d, 2 * d), jnp.float32) * s1
    bn1 = jnp.zeros((2 * d,), jnp.float32)
    Wn2 = jax.random.normal(ks[6], (2 * d, d), jnp.float32) * s2
    bn2 = jnp.zeros((d,), jnp.float32)
    return {
        "node_rep": node_rep,
        "edge_rep": edge_rep,
        "edge_index": edge_index,
        "We1": We1, "be1": be1, "We2": We2, "be2": be2,
        "Wn1": Wn1, "bn1": bn1, "Wn2": Wn2, "bn2": bn2,
    }


def reference(node_rep, edge_rep, edge_index, We1, be1, We2, be2, Wn1, bn1, Wn2, bn2):
    src = edge_index[0]
    dst = edge_index[1]
    # gather_from_ptensors(node_rep, G, edge): 0th-order gather of node reps
    # onto each edge subgraph = sum of the two endpoint node features
    node2edge = jnp.take(node_rep, src, axis=0) + jnp.take(node_rep, dst, axis=0)
    edge_out = _mlp(jnp.concatenate([edge_rep, node2edge], axis=-1), We1, be1, We2, be2)
    # gather_from_ptensors(edge_out, G, node): each node accumulates the
    # features of all incident edges (scatter-add over both endpoints)
    edge2node = jnp.zeros((node_rep.shape[0], edge_out.shape[1]), edge_out.dtype)
    edge2node = edge2node.at[src].add(edge_out).at[dst].add(edge_out)
    node_out = _mlp(jnp.concatenate([node_rep, edge2node], axis=-1), Wn1, bn1, Wn2, bn2)
    return (node_out, edge_out)

if __name__ == "__main__":
    import jax
    _d = setup_inputs()
    print(jax.jit(kernel)(*tuple(_d.values())))

</pallas_src>

<mosaic_0001>
#map = affine_map<(d0, d1) -> (0, 0)>
#map1 = affine_map<(d0, d1) -> (0)>
module attributes {stable_mosaic.version = 14 : i64} {
  func.func @body(%arg0: i32, %arg1: i32, %arg2: memref<10000x128xf32, #tpu.memory_space<hbm>>, %arg3: memref<320000xi32, #tpu.memory_space<hbm>>, %arg4: memref<320000xi32, #tpu.memory_space<hbm>>, %arg5: memref<5120xi32, #tpu.memory_space<hbm>>, %arg6: memref<158720x128xf32, #tpu.memory_space<hbm>>, %arg7: memref<4x80xi32, #tpu.memory_space<vmem>>, %arg8: memref<4x80xi32, #tpu.memory_space<vmem>>, %arg9: memref<4x80x128xf32, #tpu.memory_space<vmem>>, %arg10: memref<4x80x128xf32, #tpu.memory_space<vmem>>, %arg11: memref<4x80xi32, #tpu.memory_space<vmem>>, %arg12: memref<5120x128xf32, #tpu.memory_space<vmem_shared>>, %arg13: memref<4x!tpu.dma_semaphore, #tpu.memory_space<semaphore_mem>>, %arg14: memref<4x!tpu.dma_semaphore, #tpu.memory_space<semaphore_mem>>, %arg15: memref<4x!tpu.dma_semaphore, #tpu.memory_space<semaphore_mem>>, %arg16: memref<4x!tpu.dma_semaphore, #tpu.memory_space<semaphore_mem>>, %arg17: memref<4x!tpu.dma_semaphore, #tpu.memory_space<semaphore_mem>>, %arg18: memref<4x!tpu.dma_semaphore, #tpu.memory_space<semaphore_mem>>, %arg19: memref<4x!tpu.dma_semaphore, #tpu.memory_space<semaphore_mem>>) attributes {dimension_semantics = [#tpu.dimension_semantics<core_parallel>, #tpu.dimension_semantics<subcore_parallel>], iteration_bounds = array<i64: 2, 16>, scalar_prefetch = 0 : i64, scratch_operands = 13 : i64, tpu.core_type = #tpu.core_type<sc_vector_subcore>, window_params = [{transform_indices = #map}, {transform_indices = #map1}, {transform_indices = #map1}, {transform_indices = #map1}, {transform_indices = #map}]} {
    %mul3A = arith.constant 16 : i32
    %mul3A_0 = arith.muli %arg0, %mul3A : i32
    %add3A = arith.addi %mul3A_0, %arg1 : i32
    %mul3A_1 = arith.constant 62 : i32
    %mul3A_2 = arith.muli %add3A, %mul3A_1 : i32
    %mul3A_3 = arith.constant 80 : i32
    %mul3A_4 = arith.muli %mul3A_2, %mul3A_3 : i32
    %mul3A_5 = arith.constant 4 : i32
    %mul3A_6 = arith.muli %arg1, %mul3A_5 : i32
    %mul3A_7 = arith.constant 80 : i32
    %mul3A_8 = arith.muli %mul3A_6, %mul3A_7 : i32
    %add3A_9 = arith.constant 0 : i32
    %add3A_10 = arith.addi %mul3A_8, %add3A_9 : i32
    %run_scoped3A = arith.constant 0 : i32
    "tpu.region"() ({
      %run_scoped3A_90 = tpu.sem_alloc : memref<!tpu.dma_semaphore, #tpu.memory_space<semaphore_mem>>
      %dma_start3A = arith.constant 0 : i32
      %dma_start3A_91 = tpu.memref_slice %arg11[%run_scoped3A, %dma_start3A] : memref<4x80xi32, #tpu.memory_space<vmem>> -> memref<1x80xi32, #tpu.memory_space<vmem>>
      %dma_start3A_92 = tpu.memref_squeeze %dma_start3A_91 : memref<1x80xi32, #tpu.memory_space<vmem>> -> memref<80xi32, #tpu.memory_space<vmem>>
      %dma_start3A_93 = tpu.memref_slice %arg5[%add3A_10] : memref<5120xi32, #tpu.memory_space<hbm>> -> memref<80xi32, #tpu.memory_space<hbm>>
      %dma_start3A_94 = arith.constant 0 : i32
      %dma_start3A_95 = tpu.memref_slice %arg11[%run_scoped3A, %dma_start3A_94] : memref<4x80xi32, #tpu.memory_space<vmem>> -> memref<1x80xi32, #tpu.memory_space<vmem>>
      %dma_start3A_96 = tpu.memref_squeeze %dma_start3A_95 : memref<1x80xi32, #tpu.memory_space<vmem>> -> memref<80xi32, #tpu.memory_space<vmem>>
      %dma_start3A_97 = tpu.memref_slice %arg5[%add3A_10] : memref<5120xi32, #tpu.memory_space<hbm>> -> memref<80xi32, #tpu.memory_space<hbm>>
      tpu.enqueue_dma source(%dma_start3A_97 : memref<80xi32, #tpu.memory_space<hbm>>) target(%dma_start3A_96 : memref<80xi32, #tpu.memory_space<vmem>>) target_semaphore(%run_scoped3A_90 : memref<!tpu.dma_semaphore, #tpu.memory_space<semaphore_mem>>)
      %dma_wait3A_98 = arith.constant 0 : i32
      %dma_wait3A_99 = tpu.memref_slice %arg11[%run_scoped3A, %dma_wait3A_98] : memref<4x80xi32, #tpu.memory_space<vmem>> -> memref<1x80xi32, #tpu.memory_space<vmem>>
      %dma_wait3A_100 = tpu.memref_squeeze %dma_wait3A_99 : memref<1x80xi32, #tpu.memory_space<vmem>> -> memref<80xi32, #tpu.memory_space<vmem>>
      %dma_wait3A_101 = tpu.memref_slice %arg5[%add3A_10] : memref<5120xi32, #tpu.memory_space<hbm>> -> memref<80xi32, #tpu.memory_space<hbm>>
      %dma_wait3A_102 = arith.constant 0 : i32
      %dma_wait3A_103 = tpu.memref_slice %arg11[%run_scoped3A, %dma_wait3A_102] : memref<4x80xi32, #tpu.memory_space<vmem>> -> memref<1x80xi32, #tpu.memory_space<vmem>>
      %dma_wait3A_104 = tpu.memref_squeeze %dma_wait3A_103 : memref<1x80xi32, #tpu.memory_space<vmem>> -> memref<80xi32, #tpu.memory_space<vmem>>
      %dma_wait3A_105 = tpu.memref_slice %arg5[%add3A_10] : memref<5120xi32, #tpu.memory_space<hbm>> -> memref<80xi32, #tpu.memory_space<hbm>>
      tpu.wait_dma2 semaphore(%run_scoped3A_90 : memref<!tpu.dma_semaphore, #tpu.memory_space<semaphore_mem>>) src(%dma_wait3A_105 : memref<80xi32, #tpu.memory_space<hbm>>) dst(%dma_wait3A_104 : memref<80xi32, #tpu.memory_space<vmem>>)
      tpu.yield
    }) : () -> ()
    %mul3A_11 = arith.constant 4 : i32
    %mul3A_12 = arith.muli %arg1, %mul3A_11 : i32
    %mul3A_13 = arith.constant 80 : i32
    %mul3A_14 = arith.muli %mul3A_12, %mul3A_13 : i32
    %add3A_15 = arith.constant 80 : i32
    %add3A_16 = arith.addi %mul3A_14, %add3A_15 : i32
    %run_scoped3A_17 = arith.constant 1 : i32
    "tpu.region"() ({
      %run_scoped3A_90 = tpu.sem_alloc : memref<!tpu.dma_semaphore, #tpu.memory_space<semaphore_mem>>
      %dma_start3A = arith.constant 0 : i32
      %dma_start3A_91 = tpu.memref_slice %arg11[%run_scoped3A_17, %dma_start3A] : memref<4x80xi32, #tpu.memory_space<vmem>> -> memref<1x80xi32, #tpu.memory_space<vmem>>
      %dma_start3A_92 = tpu.memref_squeeze %dma_start3A_91 : memref<1x80xi32, #tpu.memory_space<vmem>> -> memref<80xi32, #tpu.memory_space<vmem>>
      %dma_start3A_93 = tpu.memref_slice %arg5[%add3A_16] : memref<5120xi32, #tpu.memory_space<hbm>> -> memref<80xi32, #tpu.memory_space<hbm>>
      %dma_start3A_94 = arith.constant 0 : i32
      %dma_start3A_95 = tpu.memref_slice %arg11[%run_scoped3A_17, %dma_start3A_94] : memref<4x80xi32, #tpu.memory_space<vmem>> -> memref<1x80xi32, #tpu.memory_space<vmem>>
      %dma_start3A_96 = tpu.memref_squeeze %dma_start3A_95 : memref<1x80xi32, #tpu.memory_space<vmem>> -> memref<80xi32, #tpu.memory_space<vmem>>
      %dma_start3A_97 = tpu.memref_slice %arg5[%add3A_16] : memref<5120xi32, #tpu.memory_space<hbm>> -> memref<80xi32, #tpu.memory_space<hbm>>
      tpu.enqueue_dma source(%dma_start3A_97 : memref<80xi32, #tpu.memory_space<hbm>>) target(%dma_start3A_96 : memref<80xi32, #tpu.memory_space<vmem>>) target_semaphore(%run_scoped3A_90 : memref<!tpu.dma_semaphore, #tpu.memory_space<semaphore_mem>>)
      %dma_wait3A_98 = arith.constant 0 : i32
      %dma_wait3A_99 = tpu.memref_slice %arg11[%run_scoped3A_17, %dma_wait3A_98] : memref<4x80xi32, #tpu.memory_space<vmem>> -> memref<1x80xi32, #tpu.memory_space<vmem>>
      %dma_wait3A_100 = tpu.memref_squeeze %dma_wait3A_99 : memref<1x80xi32, #tpu.memory_space<vmem>> -> memref<80xi32, #tpu.memory_space<vmem>>
      %dma_wait3A_101 = tpu.memref_slice %arg5[%add3A_16] : memref<5120xi32, #tpu.memory_space<hbm>> -> memref<80xi32, #tpu.memory_space<hbm>>
      %dma_wait3A_102 = arith.constant 0 : i32
      %dma_wait3A_103 = tpu.memref_slice %arg11[%run_scoped3A_17, %dma_wait3A_102] : memref<4x80xi32, #tpu.memory_space<vmem>> -> memref<1x80xi32, #tpu.memory_space<vmem>>
      %dma_wait3A_104 = tpu.memref_squeeze %dma_wait3A_103 : memref<1x80xi32, #tpu.memory_space<vmem>> -> memref<80xi32, #tpu.memory_space<vmem>>
      %dma_wait3A_105 = tpu.memref_slice %arg5[%add3A_16] : memref<5120xi32, #tpu.memory_space<hbm>> -> memref<80xi32, #tpu.memory_space<hbm>>
      tpu.wait_dma2 semaphore(%run_scoped3A_90 : memref<!tpu.dma_semaphore, #tpu.memory_space<semaphore_mem>>) src(%dma_wait3A_105 : memref<80xi32, #tpu.memory_space<hbm>>) dst(%dma_wait3A_104 : memref<80xi32, #tpu.memory_space<vmem>>)
      tpu.yield
    }) : () -> ()
    %mul3A_18 = arith.constant 4 : i32
    %mul3A_19 = arith.muli %arg1, %mul3A_18 : i32
    %mul3A_20 = arith.constant 80 : i32
    %mul3A_21 = arith.muli %mul3A_19, %mul3A_20 : i32
    %add3A_22 = arith.constant 160 : i32
    %add3A_23 = arith.addi %mul3A_21, %add3A_22 : i32
    %run_scoped3A_24 = arith.constant 2 : i32
    "tpu.region"() ({
      %run_scoped3A_90 = tpu.sem_alloc : memref<!tpu.dma_semaphore, #tpu.memory_space<semaphore_mem>>
      %dma_start3A = arith.constant 0 : i32
      %dma_start3A_91 = tpu.memref_slice %arg11[%run_scoped3A_24, %dma_start3A] : memref<4x80xi32, #tpu.memory_space<vmem>> -> memref<1x80xi32, #tpu.memory_space<vmem>>
      %dma_start3A_92 = tpu.memref_squeeze %dma_start3A_91 : memref<1x80xi32, #tpu.memory_space<vmem>> -> memref<80xi32, #tpu.memory_space<vmem>>
      %dma_start3A_93 = tpu.memref_slice %arg5[%add3A_23] : memref<5120xi32, #tpu.memory_space<hbm>> -> memref<80xi32, #tpu.memory_space<hbm>>
      %dma_start3A_94 = arith.constant 0 : i32
      %dma_start3A_95 = tpu.memref_slice %arg11[%run_scoped3A_24, %dma_start3A_94] : memref<4x80xi32, #tpu.memory_space<vmem>> -> memref<1x80xi32, #tpu.memory_space<vmem>>
      %dma_start3A_96 = tpu.memref_squeeze %dma_start3A_95 : memref<1x80xi32, #tpu.memory_space<vmem>> -> memref<80xi32, #tpu.memory_space<vmem>>
      %dma_start3A_97 = tpu.memref_slice %arg5[%add3A_23] : memref<5120xi32, #tpu.memory_space<hbm>> -> memref<80xi32, #tpu.memory_space<hbm>>
      tpu.enqueue_dma source(%dma_start3A_97 : memref<80xi32, #tpu.memory_space<hbm>>) target(%dma_start3A_96 : memref<80xi32, #tpu.memory_space<vmem>>) target_semaphore(%run_scoped3A_90 : memref<!tpu.dma_semaphore, #tpu.memory_space<semaphore_mem>>)
      %dma_wait3A_98 = arith.constant 0 : i32
      %dma_wait3A_99 = tpu.memref_slice %arg11[%run_scoped3A_24, %dma_wait3A_98] : memref<4x80xi32, #tpu.memory_space<vmem>> -> memref<1x80xi32, #tpu.memory_space<vmem>>
      %dma_wait3A_100 = tpu.memref_squeeze %dma_wait3A_99 : memref<1x80xi32, #tpu.memory_space<vmem>> -> memref<80xi32, #tpu.memory_space<vmem>>
      %dma_wait3A_101 = tpu.memref_slice %arg5[%add3A_23] : memref<5120xi32, #tpu.memory_space<hbm>> -> memref<80xi32, #tpu.memory_space<hbm>>
      %dma_wait3A_102 = arith.constant 0 : i32
      %dma_wait3A_103 = tpu.memref_slice %arg11[%run_scoped3A_24, %dma_wait3A_102] : memref<4x80xi32, #tpu.memory_space<vmem>> -> memref<1x80xi32, #tpu.memory_space<vmem>>
      %dma_wait3A_104 = tpu.memref_squeeze %dma_wait3A_103 : memref<1x80xi32, #tpu.memory_space<vmem>> -> memref<80xi32, #tpu.memory_space<vmem>>
      %dma_wait3A_105 = tpu.memref_slice %arg5[%add3A_23] : memref<5120xi32, #tpu.memory_space<hbm>> -> memref<80xi32, #tpu.memory_space<hbm>>
      tpu.wait_dma2 semaphore(%run_scoped3A_90 : memref<!tpu.dma_semaphore, #tpu.memory_space<semaphore_mem>>) src(%dma_wait3A_105 : memref<80xi32, #tpu.memory_space<hbm>>) dst(%dma_wait3A_104 : memref<80xi32, #tpu.memory_space<vmem>>)
      tpu.yield
    }) : () -> ()
    %mul3A_25 = arith.constant 4 : i32
    %mul3A_26 = arith.muli %arg1, %mul3A_25 : i32
    %mul3A_27 = arith.constant 80 : i32
    %mul3A_28 = arith.muli %mul3A_26, %mul3A_27 : i32
    %add3A_29 = arith.constant 240 : i32
    %add3A_30 = arith.addi %mul3A_28, %add3A_29 : i32
    %run_scoped3A_31 = arith.constant 3 : i32
    "tpu.region"() ({
      %run_scoped3A_90 = tpu.sem_alloc : memref<!tpu.dma_semaphore, #tpu.memory_space<semaphore_mem>>
      %dma_start3A = arith.constant 0 : i32
      %dma_start3A_91 = tpu.memref_slice %arg11[%run_scoped3A_31, %dma_start3A] : memref<4x80xi32, #tpu.memory_space<vmem>> -> memref<1x80xi32, #tpu.memory_space<vmem>>
      %dma_start3A_92 = tpu.memref_squeeze %dma_start3A_91 : memref<1x80xi32, #tpu.memory_space<vmem>> -> memref<80xi32, #tpu.memory_space<vmem>>
      %dma_start3A_93 = tpu.memref_slice %arg5[%add3A_30] : memref<5120xi32, #tpu.memory_space<hbm>> -> memref<80xi32, #tpu.memory_space<hbm>>
      %dma_start3A_94 = arith.constant 0 : i32
      %dma_start3A_95 = tpu.memref_slice %arg11[%run_scoped3A_31, %dma_start3A_94] : memref<4x80xi32, #tpu.memory_space<vmem>> -> memref<1x80xi32, #tpu.memory_space<vmem>>
      %dma_start3A_96 = tpu.memref_squeeze %dma_start3A_95 : memref<1x80xi32, #tpu.memory_space<vmem>> -> memref<80xi32, #tpu.memory_space<vmem>>
      %dma_start3A_97 = tpu.memref_slice %arg5[%add3A_30] : memref<5120xi32, #tpu.memory_space<hbm>> -> memref<80xi32, #tpu.memory_space<hbm>>
      tpu.enqueue_dma source(%dma_start3A_97 : memref<80xi32, #tpu.memory_space<hbm>>) target(%dma_start3A_96 : memref<80xi32, #tpu.memory_space<vmem>>) target_semaphore(%run_scoped3A_90 : memref<!tpu.dma_semaphore, #tpu.memory_space<semaphore_mem>>)
      %dma_wait3A_98 = arith.constant 0 : i32
      %dma_wait3A_99 = tpu.memref_slice %arg11[%run_scoped3A_31, %dma_wait3A_98] : memref<4x80xi32, #tpu.memory_space<vmem>> -> memref<1x80xi32, #tpu.memory_space<vmem>>
      %dma_wait3A_100 = tpu.memref_squeeze %dma_wait3A_99 : memref<1x80xi32, #tpu.memory_space<vmem>> -> memref<80xi32, #tpu.memory_space<vmem>>
      %dma_wait3A_101 = tpu.memref_slice %arg5[%add3A_30] : memref<5120xi32, #tpu.memory_space<hbm>> -> memref<80xi32, #tpu.memory_space<hbm>>
      %dma_wait3A_102 = arith.constant 0 : i32
      %dma_wait3A_103 = tpu.memref_slice %arg11[%run_scoped3A_31, %dma_wait3A_102] : memref<4x80xi32, #tpu.memory_space<vmem>> -> memref<1x80xi32, #tpu.memory_space<vmem>>
      %dma_wait3A_104 = tpu.memref_squeeze %dma_wait3A_103 : memref<1x80xi32, #tpu.memory_space<vmem>> -> memref<80xi32, #tpu.memory_space<vmem>>
      %dma_wait3A_105 = tpu.memref_slice %arg5[%add3A_30] : memref<5120xi32, #tpu.memory_space<hbm>> -> memref<80xi32, #tpu.memory_space<hbm>>
      tpu.wait_dma2 semaphore(%run_scoped3A_90 : memref<!tpu.dma_semaphore, #tpu.memory_space<semaphore_mem>>) src(%dma_wait3A_105 : memref<80xi32, #tpu.memory_space<hbm>>) dst(%dma_wait3A_104 : memref<80xi32, #tpu.memory_space<vmem>>)
      tpu.yield
    }) : () -> ()
    %scan3A = arith.constant 0 : i32
    %scan3A_32 = arith.constant 66 : i32
    %scan3A_33 = arith.addi %scan3A, %scan3A_32 : i32
    %scan3A_34 = arith.constant 1 : i32
    scf.for %scan3A_90 = %scan3A to %scan3A_33 step %scan3A_34  : i32 {
      %mul3A_91 = arith.constant 1 : i32
      %mul3A_92 = arith.muli %scan3A_90, %mul3A_91 : i32
      %add3A_93 = arith.constant 0 : i32
      %add3A_94 = arith.addi %add3A_93, %mul3A_92 : i32
      %lt3A = arith.constant 62 : i32
      %lt3A_95 = arith.cmpi slt, %add3A_94, %lt3A : i32
      %convert_element_type3A = arith.extui %lt3A_95 : i1 to i32
      %cond3A = arith.constant 0 : i32
      %cond3A_96 = arith.cmpi ne, %convert_element_type3A, %cond3A : i32
      scf.if %cond3A_96 {
        %rem3A = arith.constant 4 : i32
        %rem3A_134 = arith.remsi %add3A_94, %rem3A : i32
        %add3A_135 = arith.constant 161280 : i32
        %add3A_136 = arith.addi %add3A_135, %mul3A_4 : i32
        %mul3A_137 = arith.constant 80 : i32
        %mul3A_138 = arith.muli %add3A_94, %mul3A_137 : i32
        %add3A_139 = arith.addi %add3A_136, %mul3A_138 : i32
        %dma_start3A = arith.constant 0 : i32
        %dma_start3A_140 = tpu.memref_slice %arg7[%rem3A_134, %dma_start3A] : memref<4x80xi32, #tpu.memory_space<vmem>> -> memref<1x80xi32, #tpu.memory_space<vmem>>
        %dma_start3A_141 = tpu.memref_squeeze %dma_start3A_140 : memref<1x80xi32, #tpu.memory_space<vmem>> -> memref<80xi32, #tpu.memory_space<vmem>>
        %dma_start3A_142 = tpu.memref_slice %arg3[%add3A_139] : memref<320000xi32, #tpu.memory_space<hbm>> -> memref<80xi32, #tpu.memory_space<hbm>>
        %dma_start3A_143 = tpu.memref_slice %arg13[%rem3A_134] : memref<4x!tpu.dma_semaphore, #tpu.memory_space<semaphore_mem>> -> memref<1x!tpu.dma_semaphore, #tpu.memory_space<semaphore_mem>>
        %dma_start3A_144 = tpu.memref_squeeze %dma_start3A_143 : memref<1x!tpu.dma_semaphore, #tpu.memory_space<semaphore_mem>> -> memref<!tpu.dma_semaphore, #tpu.memory_space<semaphore_mem>>
        %dma_start3A_145 = arith.constant 0 : i32
        %dma_start3A_146 = tpu.memref_slice %arg7[%rem3A_134, %dma_start3A_145] : memref<4x80xi32, #tpu.memory_space<vmem>> -> memref<1x80xi32, #tpu.memory_space<vmem>>
        %dma_start3A_147 = tpu.memref_squeeze %dma_start3A_146 : memref<1x80xi32, #tpu.memory_space<vmem>> -> memref<80xi32, #tpu.memory_space<vmem>>
        %dma_start3A_148 = tpu.memref_slice %arg3[%add3A_139] : memref<320000xi32, #tpu.memory_space<hbm>> -> memref<80xi32, #tpu.memory_space<hbm>>
        tpu.enqueue_dma source(%dma_start3A_148 : memref<80xi32, #tpu.memory_space<hbm>>) target(%dma_start3A_147 : memref<80xi32, #tpu.memory_space<vmem>>) target_semaphore(%dma_start3A_144 : memref<!tpu.dma_semaphore, #tpu.memory_space<semaphore_mem>>)
        %dma_start3A_149 = arith.constant 0 : i32
        %dma_start3A_150 = tpu.memref_slice %arg8[%rem3A_134, %dma_start3A_149] : memref<4x80xi32, #tpu.memory_space<vmem>> -> memref<1x80xi32, #tpu.memory_space<vmem>>
        %dma_start3A_151 = tpu.memref_squeeze %dma_start3A_150 : memref<1x80xi32, #tpu.memory_space<vmem>> -> memref<80xi32, #tpu.memory_space<vmem>>
        %dma_start3A_152 = tpu.memref_slice %arg4[%add3A_139] : memref<320000xi32, #tpu.memory_space<hbm>> -> memref<80xi32, #tpu.memory_space<hbm>>
        %dma_start3A_153 = tpu.memref_slice %arg14[%rem3A_134] : memref<4x!tpu.dma_semaphore, #tpu.memory_space<semaphore_mem>> -> memref<1x!tpu.dma_semaphore, #tpu.memory_space<semaphore_mem>>
        %dma_start3A_154 = tpu.memref_squeeze %dma_start3A_153 : memref<1x!tpu.dma_semaphore, #tpu.memory_space<semaphore_mem>> -> memref<!tpu.dma_semaphore, #tpu.memory_space<semaphore_mem>>
        %dma_start3A_155 = arith.constant 0 : i32
        %dma_start3A_156 = tpu.memref_slice %arg8[%rem3A_134, %dma_start3A_155] : memref<4x80xi32, #tpu.memory_space<vmem>> -> memref<1x80xi32, #tpu.memory_space<vmem>>
        %dma_start3A_157 = tpu.memref_squeeze %dma_start3A_156 : memref<1x80xi32, #tpu.memory_space<vmem>> -> memref<80xi32, #tpu.memory_space<vmem>>
        %dma_start3A_158 = tpu.memref_slice %arg4[%add3A_139] : memref<320000xi32, #tpu.memory_space<hbm>> -> memref<80xi32, #tpu.memory_space<hbm>>
        tpu.enqueue_dma source(%dma_start3A_158 : memref<80xi32, #tpu.memory_space<hbm>>) target(%dma_start3A_157 : memref<80xi32, #tpu.memory_space<vmem>>) target_semaphore(%dma_start3A_154 : memref<!tpu.dma_semaphore, #tpu.memory_space<semaphore_mem>>)
      } else {
      }
      %sub3A = arith.constant 1 : i32
      %sub3A_97 = arith.subi %add3A_94, %sub3A : i32
      %ge3A = arith.constant 0 : i32
      %ge3A_98 = arith.cmpi sge, %sub3A_97, %ge3A : i32
      %lt3A_99 = arith.constant 62 : i32
      %lt3A_100 = arith.cmpi slt, %sub3A_97, %lt3A_99 : i32
      %and3A = arith.andi %ge3A_98, %lt3A_100 : i1
      %convert_element_type3A_101 = arith.extui %and3A : i1 to i32
      %cond3A_102 = arith.constant 0 : i32
      %cond3A_103 = arith.cmpi ne, %convert_element_type3A_101, %cond3A_102 : i32
      scf.if %cond3A_103 {
        %rem3A = arith.constant 4 : i32
        %rem3A_134 = arith.remsi %sub3A_97, %rem3A : i32
        %dma_wait3A_135 = arith.constant 0 : i32
        %dma_wait3A_136 = tpu.memref_slice %arg7[%rem3A_134, %dma_wait3A_135] : memref<4x80xi32, #tpu.memory_space<vmem>> -> memref<1x80xi32, #tpu.memory_space<vmem>>
        %dma_wait3A_137 = tpu.memref_squeeze %dma_wait3A_136 : memref<1x80xi32, #tpu.memory_space<vmem>> -> memref<80xi32, #tpu.memory_space<vmem>>
        %dma_wait3A_138 = tpu.memref_slice %arg3[%mul3A_4] : memref<320000xi32, #tpu.memory_space<hbm>> -> memref<80xi32, #tpu.memory_space<hbm>>
        %dma_wait3A_139 = tpu.memref_slice %arg13[%rem3A_134] : memref<4x!tpu.dma_semaphore, #tpu.memory_space<semaphore_mem>> -> memref<1x!tpu.dma_semaphore, #tpu.memory_space<semaphore_mem>>
        %dma_wait3A_140 = tpu.memref_squeeze %dma_wait3A_139 : memref<1x!tpu.dma_semaphore, #tpu.memory_space<semaphore_mem>> -> memref<!tpu.dma_semaphore, #tpu.memory_space<semaphore_mem>>
        %dma_wait3A_141 = arith.constant 0 : i32
        %dma_wait3A_142 = tpu.memref_slice %arg7[%rem3A_134, %dma_wait3A_141] : memref<4x80xi32, #tpu.memory_space<vmem>> -> memref<1x80xi32, #tpu.memory_space<vmem>>
        %dma_wait3A_143 = tpu.memref_squeeze %dma_wait3A_142 : memref<1x80xi32, #tpu.memory_space<vmem>> -> memref<80xi32, #tpu.memory_space<vmem>>
        %dma_wait3A_144 = tpu.memref_slice %arg3[%mul3A_4] : memref<320000xi32, #tpu.memory_space<hbm>> -> memref<80xi32, #tpu.memory_space<hbm>>
        tpu.wait_dma2 semaphore(%dma_wait3A_140 : memref<!tpu.dma_semaphore, #tpu.memory_space<semaphore_mem>>) src(%dma_wait3A_144 : memref<80xi32, #tpu.memory_space<hbm>>) dst(%dma_wait3A_143 : memref<80xi32, #tpu.memory_space<vmem>>)
        %dma_wait3A_145 = arith.constant 0 : i32
        %dma_wait3A_146 = tpu.memref_slice %arg8[%rem3A_134, %dma_wait3A_145] : memref<4x80xi32, #tpu.memory_space<vmem>> -> memref<1x80xi32, #tpu.memory_space<vmem>>
        %dma_wait3A_147 = tpu.memref_squeeze %dma_wait3A_146 : memref<1x80xi32, #tpu.memory_space<vmem>> -> memref<80xi32, #tpu.memory_space<vmem>>
        %dma_wait3A_148 = tpu.memref_slice %arg4[%mul3A_4] : memref<320000xi32, #tpu.memory_space<hbm>> -> memref<80xi32, #tpu.memory_space<hbm>>
        %dma_wait3A_149 = tpu.memref_slice %arg14[%rem3A_134] : memref<4x!tpu.dma_semaphore, #tpu.memory_space<semaphore_mem>> -> memref<1x!tpu.dma_semaphore, #tpu.memory_space<semaphore_mem>>
        %dma_wait3A_150 = tpu.memref_squeeze %dma_wait3A_149 : memref<1x!tpu.dma_semaphore, #tpu.memory_space<semaphore_mem>> -> memref<!tpu.dma_semaphore, #tpu.memory_space<semaphore_mem>>
        %dma_wait3A_151 = arith.constant 0 : i32
        %dma_wait3A_152 = tpu.memref_slice %arg8[%rem3A_134, %dma_wait3A_151] : memref<4x80xi32, #tpu.memory_space<vmem>> -> memref<1x80xi32, #tpu.memory_space<vmem>>
        %dma_wait3A_153 = tpu.memref_squeeze %dma_wait3A_152 : memref<1x80xi32, #tpu.memory_space<vmem>> -> memref<80xi32, #tpu.memory_space<vmem>>
        %dma_wait3A_154 = tpu.memref_slice %arg4[%mul3A_4] : memref<320000xi32, #tpu.memory_space<hbm>> -> memref<80xi32, #tpu.memory_space<hbm>>
        tpu.wait_dma2 semaphore(%dma_wait3A_150 : memref<!tpu.dma_semaphore, #tpu.memory_space<semaphore_mem>>) src(%dma_wait3A_154 : memref<80xi32, #tpu.memory_space<hbm>>) dst(%dma_wait3A_153 : memref<80xi32, #tpu.memory_space<vmem>>)
        %dma_start3A = arith.constant 0 : i32
        %dma_start3A_155 = arith.constant 0 : i32
        %dma_start3A_156 = tpu.memref_slice %arg9[%rem3A_134, %dma_start3A, %dma_start3A_155] : memref<4x80x128xf32, #tpu.memory_space<vmem>> -> memref<1x80x128xf32, #tpu.memory_space<vmem>>
        %dma_start3A_157 = tpu.memref_squeeze %dma_start3A_156 : memref<1x80x128xf32, #tpu.memory_space<vmem>> -> memref<80x128xf32, #tpu.memory_space<vmem>>
        %dma_start3A_158 = arith.constant 0 : i32
        %dma_start3A_159 = tpu.memref_slice %arg7[%rem3A_134, %dma_start3A_158] : memref<4x80xi32, #tpu.memory_space<vmem>> -> memref<1x80xi32, #tpu.memory_space<vmem>>
        %dma_start3A_160 = tpu.memref_squeeze %dma_start3A_159 : memref<1x80xi32, #tpu.memory_space<vmem>> -> memref<80xi32, #tpu.memory_space<vmem>>
        %dma_start3A_161 = arith.constant 0 : i32
        %dma_start3A_162 = arith.constant 0 : i32
        %dma_start3A_163 = tpu.memref_slice %arg2[%dma_start3A_161, %dma_start3A_162] : memref<10000x128xf32, #tpu.memory_space<hbm>> -> memref<10000x128xf32, #tpu.memory_space<hbm>>
        %dma_start3A_164 = tpu.memref_slice %arg15[%rem3A_134] : memref<4x!tpu.dma_semaphore, #tpu.memory_space<semaphore_mem>> -> memref<1x!tpu.dma_semaphore, #tpu.memory_space<semaphore_mem>>
        %dma_start3A_165 = tpu.memref_squeeze %dma_start3A_164 : memref<1x!tpu.dma_semaphore, #tpu.memory_space<semaphore_mem>> -> memref<!tpu.dma_semaphore, #tpu.memory_space<semaphore_mem>>
        tpu.enqueue_indirect_dma source(%dma_start3A_163 : memref<10000x128xf32, #tpu.memory_space<hbm>>) target(%dma_start3A_157 : memref<80x128xf32, #tpu.memory_space<vmem>>) offsets(%dma_start3A_160 : memref<80xi32, #tpu.memory_space<vmem>>) semaphore(%dma_start3A_165 : memref<!tpu.dma_semaphore, #tpu.memory_space<semaphore_mem>>)
        %dma_start3A_166 = arith.constant 0 : i32
        %dma_start3A_167 = arith.constant 0 : i32
        %dma_start3A_168 = tpu.memref_slice %arg10[%rem3A_134, %dma_start3A_166, %dma_start3A_167] : memref<4x80x128xf32, #tpu.memory_space<vmem>> -> memref<1x80x128xf32, #tpu.memory_space<vmem>>
        %dma_start3A_169 = tpu.memref_squeeze %dma_start3A_168 : memref<1x80x128xf32, #tpu.memory_space<vmem>> -> memref<80x128xf32, #tpu.memory_space<vmem>>
        %dma_start3A_170 = arith.constant 0 : i32
        %dma_start3A_171 = tpu.memref_slice %arg8[%rem3A_134, %dma_start3A_170] : memref<4x80xi32, #tpu.memory_space<vmem>> -> memref<1x80xi32, #tpu.memory_space<vmem>>
        %dma_start3A_172 = tpu.memref_squeeze %dma_start3A_171 : memref<1x80xi32, #tpu.memory_space<vmem>> -> memref<80xi32, #tpu.memory_space<vmem>>
        %dma_start3A_173 = arith.constant 0 : i32
        %dma_start3A_174 = arith.constant 0 : i32
        %dma_start3A_175 = tpu.memref_slice %arg2[%dma_start3A_173, %dma_start3A_174] : memref<10000x128xf32, #tpu.memory_space<hbm>> -> memref<10000x128xf32, #tpu.memory_space<hbm>>
        %dma_start3A_176 = tpu.memref_slice %arg16[%rem3A_134] : memref<4x!tpu.dma_semaphore, #tpu.memory_space<semaphore_mem>> -> memref<1x!tpu.dma_semaphore, #tpu.memory_space<semaphore_mem>>
        %dma_start3A_177 = tpu.memref_squeeze %dma_start3A_176 : memref<1x!tpu.dma_semaphore, #tpu.memory_space<semaphore_mem>> -> memref<!tpu.dma_semaphore, #tpu.memory_space<semaphore_mem>>
        tpu.enqueue_indirect_dma source(%dma_start3A_175 : memref<10000x128xf32, #tpu.memory_space<hbm>>) target(%dma_start3A_169 : memref<80x128xf32, #tpu.memory_space<vmem>>) offsets(%dma_start3A_172 : memref<80xi32, #tpu.memory_space<vmem>>) semaphore(%dma_start3A_177 : memref<!tpu.dma_semaphore, #tpu.memory_space<semaphore_mem>>)
      } else {
      }
      %sub3A_104 = arith.constant 2 : i32
      %sub3A_105 = arith.subi %add3A_94, %sub3A_104 : i32
      %ge3A_106 = arith.constant 0 : i32
      %ge3A_107 = arith.cmpi sge, %sub3A_105, %ge3A_106 : i32
      %lt3A_108 = arith.constant 62 : i32
      %lt3A_109 = arith.cmpi slt, %sub3A_105, %lt3A_108 : i32
      %and3A_110 = arith.andi %ge3A_107, %lt3A_109 : i1
      %convert_element_type3A_111 = arith.extui %and3A_110 : i1 to i32
      %cond3A_112 = arith.constant 0 : i32
      %cond3A_113 = arith.cmpi ne, %convert_element_type3A_111, %cond3A_112 : i32
      scf.if %cond3A_113 {
        %rem3A = arith.constant 4 : i32
        %rem3A_134 = arith.remsi %sub3A_105, %rem3A : i32
        %dma_wait3A_135 = arith.constant 0 : i32
        %dma_wait3A_136 = arith.constant 0 : i32
        %dma_wait3A_137 = tpu.memref_slice %arg9[%rem3A_134, %dma_wait3A_135, %dma_wait3A_136] : memref<4x80x128xf32, #tpu.memory_space<vmem>> -> memref<1x80x128xf32, #tpu.memory_space<vmem>>
        %dma_wait3A_138 = tpu.memref_squeeze %dma_wait3A_137 : memref<1x80x128xf32, #tpu.memory_space<vmem>> -> memref<80x128xf32, #tpu.memory_space<vmem>>
        %dma_wait3A_139 = arith.constant 0 : i32
        %dma_wait3A_140 = tpu.memref_slice %arg7[%rem3A_134, %dma_wait3A_139] : memref<4x80xi32, #tpu.memory_space<vmem>> -> memref<1x80xi32, #tpu.memory_space<vmem>>
        %dma_wait3A_141 = tpu.memref_squeeze %dma_wait3A_140 : memref<1x80xi32, #tpu.memory_space<vmem>> -> memref<80xi32, #tpu.memory_space<vmem>>
        %dma_wait3A_142 = arith.constant 0 : i32
        %dma_wait3A_143 = arith.constant 0 : i32
        %dma_wait3A_144 = tpu.memref_slice %arg2[%dma_wait3A_142, %dma_wait3A_143] : memref<10000x128xf32, #tpu.memory_space<hbm>> -> memref<10000x128xf32, #tpu.memory_space<hbm>>
        %dma_wait3A_145 = tpu.memref_slice %arg15[%rem3A_134] : memref<4x!tpu.dma_semaphore, #tpu.memory_space<semaphore_mem>> -> memref<1x!tpu.dma_semaphore, #tpu.memory_space<semaphore_mem>>
        %dma_wait3A_146 = tpu.memref_squeeze %dma_wait3A_145 : memref<1x!tpu.dma_semaphore, #tpu.memory_space<semaphore_mem>> -> memref<!tpu.dma_semaphore, #tpu.memory_space<semaphore_mem>>
        tpu.wait_indirect_dma semaphore(%dma_wait3A_146 : memref<!tpu.dma_semaphore, #tpu.memory_space<semaphore_mem>>) src(%dma_wait3A_144 : memref<10000x128xf32, #tpu.memory_space<hbm>>) dst(%dma_wait3A_138 : memref<80x128xf32, #tpu.memory_space<vmem>>)
        %dma_wait3A_147 = arith.constant 0 : i32
        %dma_wait3A_148 = arith.constant 0 : i32
        %dma_wait3A_149 = tpu.memref_slice %arg10[%rem3A_134, %dma_wait3A_147, %dma_wait3A_148] : memref<4x80x128xf32, #tpu.memory_space<vmem>> -> memref<1x80x128xf32, #tpu.memory_space<vmem>>
        %dma_wait3A_150 = tpu.memref_squeeze %dma_wait3A_149 : memref<1x80x128xf32, #tpu.memory_space<vmem>> -> memref<80x128xf32, #tpu.memory_space<vmem>>
        %dma_wait3A_151 = arith.constant 0 : i32
        %dma_wait3A_152 = tpu.memref_slice %arg8[%rem3A_134, %dma_wait3A_151] : memref<4x80xi32, #tpu.memory_space<vmem>> -> memref<1x80xi32, #tpu.memory_space<vmem>>
        %dma_wait3A_153 = tpu.memref_squeeze %dma_wait3A_152 : memref<1x80xi32, #tpu.memory_space<vmem>> -> memref<80xi32, #tpu.memory_space<vmem>>
        %dma_wait3A_154 = arith.constant 0 : i32
        %dma_wait3A_155 = arith.constant 0 : i32
        %dma_wait3A_156 = tpu.memref_slice %arg2[%dma_wait3A_154, %dma_wait3A_155] : memref<10000x128xf32, #tpu.memory_space<hbm>> -> memref<10000x128xf32, #tpu.memory_space<hbm>>
        %dma_wait3A_157 = tpu.memref_slice %arg16[%rem3A_134] : memref<4x!tpu.dma_semaphore, #tpu.memory_space<semaphore_mem>> -> memref<1x!tpu.dma_semaphore, #tpu.memory_space<semaphore_mem>>
        %dma_wait3A_158 = tpu.memref_squeeze %dma_wait3A_157 : memref<1x!tpu.dma_semaphore, #tpu.memory_space<semaphore_mem>> -> memref<!tpu.dma_semaphore, #tpu.memory_space<semaphore_mem>>
        tpu.wait_indirect_dma semaphore(%dma_wait3A_158 : memref<!tpu.dma_semaphore, #tpu.memory_space<semaphore_mem>>) src(%dma_wait3A_156 : memref<10000x128xf32, #tpu.memory_space<hbm>>) dst(%dma_wait3A_150 : memref<80x128xf32, #tpu.memory_space<vmem>>)
        %ge3A_159 = arith.constant 4 : i32
        %ge3A_160 = arith.cmpi sge, %sub3A_105, %ge3A_159 : i32
        %convert_element_type3A_161 = arith.extui %ge3A_160 : i1 to i32
        %cond3A_162 = arith.constant 0 : i32
        %cond3A_163 = arith.cmpi ne, %convert_element_type3A_161, %cond3A_162 : i32
        scf.if %cond3A_163 {
          %mul3A_183 = arith.constant 4 : i32
          %mul3A_184 = arith.muli %arg1, %mul3A_183 : i32
          %add3A_185 = arith.addi %mul3A_184, %rem3A_134 : i32
          %mul3A_186 = arith.constant 80 : i32
          %mul3A_187 = arith.muli %add3A_185, %mul3A_186 : i32
          %multiple_of3A_188 = tpu.assume_multiple %mul3A_187, 8 : i32
          %dma_wait3A_189 = tpu.memref_slice %arg19[%rem3A_134] : memref<4x!tpu.dma_semaphore, #tpu.memory_space<semaphore_mem>> -> memref<1x!tpu.dma_semaphore, #tpu.memory_space<semaphore_mem>>
          %dma_wait3A_190 = tpu.memref_squeeze %dma_wait3A_189 : memref<1x!tpu.dma_semaphore, #tpu.memory_space<semaphore_mem>> -> memref<!tpu.dma_semaphore, #tpu.memory_space<semaphore_mem>>
          %dma_wait3A_191 = arith.constant 0 : i32
          %dma_wait3A_192 = tpu.memref_slice %arg6[%mul3A_4, %dma_wait3A_191] : memref<158720x128xf32, #tpu.memory_space<hbm>> -> memref<80x128xf32, #tpu.memory_space<hbm>>
          %dma_wait3A_193 = arith.constant 0 : i32
          %dma_wait3A_194 = tpu.memref_slice %arg12[%multiple_of3A_188, %dma_wait3A_193] : memref<5120x128xf32, #tpu.memory_space<vmem_shared>> -> memref<80x128xf32, #tpu.memory_space<vmem_shared>>
          tpu.wait_dma2 semaphore(%dma_wait3A_190 : memref<!tpu.dma_semaphore, #tpu.memory_space<semaphore_mem>>) src(%dma_wait3A_194 : memref<80x128xf32, #tpu.memory_space<vmem_shared>>) dst(%dma_wait3A_192 : memref<80x128xf32, #tpu.memory_space<hbm>>)
        } else {
        }
        %mul3A_164 = arith.constant 4 : i32
        %mul3A_165 = arith.muli %arg1, %mul3A_164 : i32
        %add3A_166 = arith.addi %mul3A_165, %rem3A_134 : i32
        %mul3A_167 = arith.constant 80 : i32
        %mul3A_168 = arith.muli %add3A_166, %mul3A_167 : i32
        %multiple_of3A_169 = tpu.assume_multiple %mul3A_168, 8 : i32
        %dma_start3A = arith.constant 0 : i32
        %dma_start3A_170 = arith.constant 0 : i32
        %dma_start3A_171 = tpu.memref_slice %arg9[%rem3A_134, %dma_start3A, %dma_start3A_170] : memref<4x80x128xf32, #tpu.memory_space<vmem>> -> memref<1x80x128xf32, #tpu.memory_space<vmem>>
        %dma_start3A_172 = tpu.memref_squeeze %dma_start3A_171 : memref<1x80x128xf32, #tpu.memory_space<vmem>> -> memref<80x128xf32, #tpu.memory_space<vmem>>
        %dma_start3A_173 = arith.constant 0 : i32
        %dma_start3A_174 = tpu.memref_slice %arg12[%multiple_of3A_169, %dma_start3A_173] : memref<5120x128xf32, #tpu.memory_space<vmem_shared>> -> memref<80x128xf32, #tpu.memory_space<vmem_shared>>
        %dma_start3A_175 = tpu.memref_slice %arg17[%rem3A_134] : memref<4x!tpu.dma_semaphore, #tpu.memory_space<semaphore_mem>> -> memref<1x!tpu.dma_semaphore, #tpu.memory_space<semaphore_mem>>
        %dma_start3A_176 = tpu.memref_squeeze %dma_start3A_175 : memref<1x!tpu.dma_semaphore, #tpu.memory_space<semaphore_mem>> -> memref<!tpu.dma_semaphore, #tpu.memory_space<semaphore_mem>>
        %dma_start3A_177 = arith.constant 0 : i32
        %dma_start3A_178 = tpu.memref_slice %arg12[%multiple_of3A_169, %dma_start3A_177] : memref<5120x128xf32, #tpu.memory_space<vmem_shared>> -> memref<80x128xf32, #tpu.memory_space<vmem_shared>>
        %dma_start3A_179 = arith.constant 0 : i32
        %dma_start3A_180 = arith.constant 0 : i32
        %dma_start3A_181 = tpu.memref_slice %arg9[%rem3A_134, %dma_start3A_179, %dma_start3A_180] : memref<4x80x128xf32, #tpu.memory_space<vmem>> -> memref<1x80x128xf32, #tpu.memory_space<vmem>>
        %dma_start3A_182 = tpu.memref_squeeze %dma_start3A_181 : memref<1x80x128xf32, #tpu.memory_space<vmem>> -> memref<80x128xf32, #tpu.memory_space<vmem>>
        tpu.enqueue_dma source(%dma_start3A_182 : memref<80x128xf32, #tpu.memory_space<vmem>>) target(%dma_start3A_178 : memref<80x128xf32, #tpu.memory_space<vmem_shared>>) target_semaphore(%dma_start3A_176 : memref<!tpu.dma_semaphore, #tpu.memory_space<semaphore_mem>>)
      } else {
      }
      %sub3A_114 = arith.constant 3 : i32
      %sub3A_115 = arith.subi %add3A_94, %sub3A_114 : i32
      %ge3A_116 = arith.constant 0 : i32
      %ge3A_117 = arith.cmpi sge, %sub3A_115, %ge3A_116 : i32
      %lt3A_118 = arith.constant 62 : i32
      %lt3A_119 = arith.cmpi slt, %sub3A_115, %lt3A_118 : i32
      %and3A_120 = arith.andi %ge3A_117, %lt3A_119 : i1
      %convert_element_type3A_121 = arith.extui %and3A_120 : i1 to i32
      %cond3A_122 = arith.constant 0 : i32
      %cond3A_123 = arith.cmpi ne, %convert_element_type3A_121, %cond3A_122 : i32
      scf.if %cond3A_123 {
        %rem3A = arith.constant 4 : i32
        %rem3A_134 = arith.remsi %sub3A_115, %rem3A : i32
        %mul3A_135 = arith.constant 4 : i32
        %mul3A_136 = arith.muli %arg1, %mul3A_135 : i32
        %add3A_137 = arith.addi %mul3A_136, %rem3A_134 : i32
        %mul3A_138 = arith.constant 80 : i32
        %mul3A_139 = arith.muli %add3A_137, %mul3A_138 : i32
        %multiple_of3A_140 = tpu.assume_multiple %mul3A_139, 8 : i32
        %dma_wait3A_141 = arith.constant 0 : i32
        %dma_wait3A_142 = arith.constant 0 : i32
        %dma_wait3A_143 = tpu.memref_slice %arg9[%rem3A_134, %dma_wait3A_141, %dma_wait3A_142] : memref<4x80x128xf32, #tpu.memory_space<vmem>> -> memref<1x80x128xf32, #tpu.memory_space<vmem>>
        %dma_wait3A_144 = tpu.memref_squeeze %dma_wait3A_143 : memref<1x80x128xf32, #tpu.memory_space<vmem>> -> memref<80x128xf32, #tpu.memory_space<vmem>>
        %dma_wait3A_145 = arith.constant 0 : i32
        %dma_wait3A_146 = tpu.memref_slice %arg12[%multiple_of3A_140, %dma_wait3A_145] : memref<5120x128xf32, #tpu.memory_space<vmem_shared>> -> memref<80x128xf32, #tpu.memory_space<vmem_shared>>
        %dma_wait3A_147 = tpu.memref_slice %arg17[%rem3A_134] : memref<4x!tpu.dma_semaphore, #tpu.memory_space<semaphore_mem>> -> memref<1x!tpu.dma_semaphore, #tpu.memory_space<semaphore_mem>>
        %dma_wait3A_148 = tpu.memref_squeeze %dma_wait3A_147 : memref<1x!tpu.dma_semaphore, #tpu.memory_space<semaphore_mem>> -> memref<!tpu.dma_semaphore, #tpu.memory_space<semaphore_mem>>
        %dma_wait3A_149 = arith.constant 0 : i32
        %dma_wait3A_150 = tpu.memref_slice %arg12[%multiple_of3A_140, %dma_wait3A_149] : memref<5120x128xf32, #tpu.memory_space<vmem_shared>> -> memref<80x128xf32, #tpu.memory_space<vmem_shared>>
        %dma_wait3A_151 = arith.constant 0 : i32
        %dma_wait3A_152 = arith.constant 0 : i32
        %dma_wait3A_153 = tpu.memref_slice %arg9[%rem3A_134, %dma_wait3A_151, %dma_wait3A_152] : memref<4x80x128xf32, #tpu.memory_space<vmem>> -> memref<1x80x128xf32, #tpu.memory_space<vmem>>
        %dma_wait3A_154 = tpu.memref_squeeze %dma_wait3A_153 : memref<1x80x128xf32, #tpu.memory_space<vmem>> -> memref<80x128xf32, #tpu.memory_space<vmem>>
        tpu.wait_dma2 semaphore(%dma_wait3A_148 : memref<!tpu.dma_semaphore, #tpu.memory_space<semaphore_mem>>) src(%dma_wait3A_154 : memref<80x128xf32, #tpu.memory_space<vmem>>) dst(%dma_wait3A_150 : memref<80x128xf32, #tpu.memory_space<vmem_shared>>)
        %dma_start3A = arith.constant 0 : i32
        %dma_start3A_155 = arith.constant 0 : i32
        %dma_start3A_156 = tpu.memref_slice %arg10[%rem3A_134, %dma_start3A, %dma_start3A_155] : memref<4x80x128xf32, #tpu.memory_space<vmem>> -> memref<1x80x128xf32, #tpu.memory_space<vmem>>
        %dma_start3A_157 = tpu.memref_squeeze %dma_start3A_156 : memref<1x80x128xf32, #tpu.memory_space<vmem>> -> memref<80x128xf32, #tpu.memory_space<vmem>>
        %dma_start3A_158 = arith.constant 0 : i32
        %dma_start3A_159 = tpu.memref_slice %arg11[%rem3A_134, %dma_start3A_158] : memref<4x80xi32, #tpu.memory_space<vmem>> -> memref<1x80xi32, #tpu.memory_space<vmem>>
        %dma_start3A_160 = tpu.memref_squeeze %dma_start3A_159 : memref<1x80xi32, #tpu.memory_space<vmem>> -> memref<80xi32, #tpu.memory_space<vmem>>
        %dma_start3A_161 = arith.constant 0 : i32
        %dma_start3A_162 = arith.constant 0 : i32
        %dma_start3A_163 = tpu.memref_slice %arg12[%dma_start3A_161, %dma_start3A_162] : memref<5120x128xf32, #tpu.memory_space<vmem_shared>> -> memref<5120x128xf32, #tpu.memory_space<vmem_shared>>
        %dma_start3A_164 = tpu.memref_slice %arg18[%rem3A_134] : memref<4x!tpu.dma_semaphore, #tpu.memory_space<semaphore_mem>> -> memref<1x!tpu.dma_semaphore, #tpu.memory_space<semaphore_mem>>
        %dma_start3A_165 = tpu.memref_squeeze %dma_start3A_164 : memref<1x!tpu.dma_semaphore, #tpu.memory_space<semaphore_mem>> -> memref<!tpu.dma_semaphore, #tpu.memory_space<semaphore_mem>>
        tpu.enqueue_indirect_dma source(%dma_start3A_157 : memref<80x128xf32, #tpu.memory_space<vmem>>) target(%dma_start3A_163 : memref<5120x128xf32, #tpu.memory_space<vmem_shared>>) offsets(%dma_start3A_160 : memref<80xi32, #tpu.memory_space<vmem>>) semaphore(%dma_start3A_165 : memref<!tpu.dma_semaphore, #tpu.memory_space<semaphore_mem>>) {add = true}
      } else {
      }
      %sub3A_124 = arith.constant 4 : i32
      %sub3A_125 = arith.subi %add3A_94, %sub3A_124 : i32
      %ge3A_126 = arith.constant 0 : i32
      %ge3A_127 = arith.cmpi sge, %sub3A_125, %ge3A_126 : i32
      %lt3A_128 = arith.constant 62 : i32
      %lt3A_129 = arith.cmpi slt, %sub3A_125, %lt3A_128 : i32
      %and3A_130 = arith.andi %ge3A_127, %lt3A_129 : i1
      %convert_element_type3A_131 = arith.extui %and3A_130 : i1 to i32
      %cond3A_132 = arith.constant 0 : i32
      %cond3A_133 = arith.cmpi ne, %convert_element_type3A_131, %cond3A_132 : i32
      scf.if %cond3A_133 {
        %rem3A = arith.constant 4 : i32
        %rem3A_134 = arith.remsi %sub3A_125, %rem3A : i32
        %dma_wait3A_135 = arith.constant 0 : i32
        %dma_wait3A_136 = arith.constant 0 : i32
        %dma_wait3A_137 = tpu.memref_slice %arg10[%rem3A_134, %dma_wait3A_135, %dma_wait3A_136] : memref<4x80x128xf32, #tpu.memory_space<vmem>> -> memref<1x80x128xf32, #tpu.memory_space<vmem>>
        %dma_wait3A_138 = tpu.memref_squeeze %dma_wait3A_137 : memref<1x80x128xf32, #tpu.memory_space<vmem>> -> memref<80x128xf32, #tpu.memory_space<vmem>>
        %dma_wait3A_139 = arith.constant 0 : i32
        %dma_wait3A_140 = tpu.memref_slice %arg11[%rem3A_134, %dma_wait3A_139] : memref<4x80xi32, #tpu.memory_space<vmem>> -> memref<1x80xi32, #tpu.memory_space<vmem>>
        %dma_wait3A_141 = tpu.memref_squeeze %dma_wait3A_140 : memref<1x80xi32, #tpu.memory_space<vmem>> -> memref<80xi32, #tpu.memory_space<vmem>>
        %dma_wait3A_142 = arith.constant 0 : i32
        %dma_wait3A_143 = arith.constant 0 : i32
        %dma_wait3A_144 = tpu.memref_slice %arg12[%dma_wait3A_142, %dma_wait3A_143] : memref<5120x128xf32, #tpu.memory_space<vmem_shared>> -> memref<5120x128xf32, #tpu.memory_space<vmem_shared>>
        %dma_wait3A_145 = tpu.memref_slice %arg18[%rem3A_134] : memref<4x!tpu.dma_semaphore, #tpu.memory_space<semaphore_mem>> -> memref<1x!tpu.dma_semaphore, #tpu.memory_space<semaphore_mem>>
        %dma_wait3A_146 = tpu.memref_squeeze %dma_wait3A_145 : memref<1x!tpu.dma_semaphore, #tpu.memory_space<semaphore_mem>> -> memref<!tpu.dma_semaphore, #tpu.memory_space<semaphore_mem>>
        tpu.wait_indirect_dma semaphore(%dma_wait3A_146 : memref<!tpu.dma_semaphore, #tpu.memory_space<semaphore_mem>>) src(%dma_wait3A_138 : memref<80x128xf32, #tpu.memory_space<vmem>>) dst(%dma_wait3A_144 : memref<5120x128xf32, #tpu.memory_space<vmem_shared>>)
        %mul3A_147 = arith.constant 80 : i32
        %mul3A_148 = arith.muli %sub3A_125, %mul3A_147 : i32
        %add3A_149 = arith.addi %mul3A_4, %mul3A_148 : i32
        %mul3A_150 = arith.constant 4 : i32
        %mul3A_151 = arith.muli %arg1, %mul3A_150 : i32
        %add3A_152 = arith.addi %mul3A_151, %rem3A_134 : i32
        %mul3A_153 = arith.constant 80 : i32
        %mul3A_154 = arith.muli %add3A_152, %mul3A_153 : i32
        %multiple_of3A_155 = tpu.assume_multiple %mul3A_154, 8 : i32
        %dma_start3A = tpu.memref_slice %arg19[%rem3A_134] : memref<4x!tpu.dma_semaphore, #tpu.memory_space<semaphore_mem>> -> memref<1x!tpu.dma_semaphore, #tpu.memory_space<semaphore_mem>>
        %dma_start3A_156 = tpu.memref_squeeze %dma_start3A : memref<1x!tpu.dma_semaphore, #tpu.memory_space<semaphore_mem>> -> memref<!tpu.dma_semaphore, #tpu.memory_space<semaphore_mem>>
        %dma_start3A_157 = arith.constant 0 : i32
        %dma_start3A_158 = tpu.memref_slice %arg6[%add3A_149, %dma_start3A_157] : memref<158720x128xf32, #tpu.memory_space<hbm>> -> memref<80x128xf32, #tpu.memory_space<hbm>>
        %dma_start3A_159 = arith.constant 0 : i32
        %dma_start3A_160 = tpu.memref_slice %arg12[%multiple_of3A_155, %dma_start3A_159] : memref<5120x128xf32, #tpu.memory_space<vmem_shared>> -> memref<80x128xf32, #tpu.memory_space<vmem_shared>>
        tpu.enqueue_dma source(%dma_start3A_160 : memref<80x128xf32, #tpu.memory_space<vmem_shared>>) target(%dma_start3A_158 : memref<80x128xf32, #tpu.memory_space<hbm>>) target_semaphore(%dma_start3A_156 : memref<!tpu.dma_semaphore, #tpu.memory_space<semaphore_mem>>)
      } else {
      }
    }
    %scan3A_35 = arith.constant 66 : i32
    %mul3A_36 = arith.constant 4 : i32
    %mul3A_37 = arith.muli %arg1, %mul3A_36 : i32
    %add3A_38 = arith.constant 0 : i32
    %add3A_39 = arith.addi %mul3A_37, %add3A_38 : i32
    %mul3A_40 = arith.constant 80 : i32
    %mul3A_41 = arith.muli %add3A_39, %mul3A_40 : i32
    %multiple_of3A = tpu.assume_multiple %mul3A_41, 8 : i32
    %dma_wait3A = arith.constant 0 : i32
    %dma_wait3A_42 = tpu.memref_slice %arg19[%dma_wait3A] : memref<4x!tpu.dma_semaphore, #tpu.memory_space<semaphore_mem>> -> memref<1x!tpu.dma_semaphore, #tpu.memory_space<semaphore_mem>>
    %dma_wait3A_43 = tpu.memref_squeeze %dma_wait3A_42 : memref<1x!tpu.dma_semaphore, #tpu.memory_space<semaphore_mem>> -> memref<!tpu.dma_semaphore, #tpu.memory_space<semaphore_mem>>
    %dma_wait3A_44 = arith.constant 0 : i32
    %dma_wait3A_45 = tpu.memref_slice %arg6[%mul3A_4, %dma_wait3A_44] : memref<158720x128xf32, #tpu.memory_space<hbm>> -> memref<80x128xf32, #tpu.memory_space<hbm>>
    %dma_wait3A_46 = arith.constant 0 : i32
    %dma_wait3A_47 = tpu.memref_slice %arg12[%multiple_of3A, %dma_wait3A_46] : memref<5120x128xf32, #tpu.memory_space<vmem_shared>> -> memref<80x128xf32, #tpu.memory_space<vmem_shared>>
    tpu.wait_dma2 semaphore(%dma_wait3A_43 : memref<!tpu.dma_semaphore, #tpu.memory_space<semaphore_mem>>) src(%dma_wait3A_47 : memref<80x128xf32, #tpu.memory_space<vmem_shared>>) dst(%dma_wait3A_45 : memref<80x128xf32, #tpu.memory_space<hbm>>)
    %mul3A_48 = arith.constant 4 : i32
    %mul3A_49 = arith.muli %arg1, %mul3A_48 : i32
    %add3A_50 = arith.constant 1 : i32
    %add3A_51 = arith.addi %mul3A_49, %add3A_50 : i32
    %mul3A_52 = arith.constant 80 : i32
    %mul3A_53 = arith.muli %add3A_51, %mul3A_52 : i32
    %multiple_of3A_54 = tpu.assume_multiple %mul3A_53, 8 : i32
    %dma_wait3A_55 = arith.constant 1 : i32
    %dma_wait3A_56 = tpu.memref_slice %arg19[%dma_wait3A_55] : memref<4x!tpu.dma_semaphore, #tpu.memory_space<semaphore_mem>> -> memref<1x!tpu.dma_semaphore, #tpu.memory_space<semaphore_mem>>
    %dma_wait3A_57 = tpu.memref_squeeze %dma_wait3A_56 : memref<1x!tpu.dma_semaphore, #tpu.memory_space<semaphore_mem>> -> memref<!tpu.dma_semaphore, #tpu.memory_space<semaphore_mem>>
    %dma_wait3A_58 = arith.constant 0 : i32
    %dma_wait3A_59 = tpu.memref_slice %arg6[%mul3A_4, %dma_wait3A_58] : memref<158720x128xf32, #tpu.memory_space<hbm>> -> memref<80x128xf32, #tpu.memory_space<hbm>>
    %dma_wait3A_60 = arith.constant 0 : i32
    %dma_wait3A_61 = tpu.memref_slice %arg12[%multiple_of3A_54, %dma_wait3A_60] : memref<5120x128xf32, #tpu.memory_space<vmem_shared>> -> memref<80x128xf32, #tpu.memory_space<vmem_shared>>
    tpu.wait_dma2 semaphore(%dma_wait3A_57 : memref<!tpu.dma_semaphore, #tpu.memory_space<semaphore_mem>>) src(%dma_wait3A_61 : memref<80x128xf32, #tpu.memory_space<vmem_shared>>) dst(%dma_wait3A_59 : memref<80x128xf32, #tpu.memory_space<hbm>>)
    %mul3A_62 = arith.constant 4 : i32
    %mul3A_63 = arith.muli %arg1, %mul3A_62 : i32
    %add3A_64 = arith.constant 2 : i32
    %add3A_65 = arith.addi %mul3A_63, %add3A_64 : i32
    %mul3A_66 = arith.constant 80 : i32
    %mul3A_67 = arith.muli %add3A_65, %mul3A_66 : i32
    %multiple_of3A_68 = tpu.assume_multiple %mul3A_67, 8 : i32
    %dma_wait3A_69 = arith.constant 2 : i32
    %dma_wait3A_70 = tpu.memref_slice %arg19[%dma_wait3A_69] : memref<4x!tpu.dma_semaphore, #tpu.memory_space<semaphore_mem>> -> memref<1x!tpu.dma_semaphore, #tpu.memory_space<semaphore_mem>>
    %dma_wait3A_71 = tpu.memref_squeeze %dma_wait3A_70 : memref<1x!tpu.dma_semaphore, #tpu.memory_space<semaphore_mem>> -> memref<!tpu.dma_semaphore, #tpu.memory_space<semaphore_mem>>
    %dma_wait3A_72 = arith.constant 0 : i32
    %dma_wait3A_73 = tpu.memref_slice %arg6[%mul3A_4, %dma_wait3A_72] : memref<158720x128xf32, #tpu.memory_space<hbm>> -> memref<80x128xf32, #tpu.memory_space<hbm>>
    %dma_wait3A_74 = arith.constant 0 : i32
    %dma_wait3A_75 = tpu.memref_slice %arg12[%multiple_of3A_68, %dma_wait3A_74] : memref<5120x128xf32, #tpu.memory_space<vmem_shared>> -> memref<80x128xf32, #tpu.memory_space<vmem_shared>>
    tpu.wait_dma2 semaphore(%dma_wait3A_71 : memref<!tpu.dma_semaphore, #tpu.memory_space<semaphore_mem>>) src(%dma_wait3A_75 : memref<80x128xf32, #tpu.memory_space<vmem_shared>>) dst(%dma_wait3A_73 : memref<80x128xf32, #tpu.memory_space<hbm>>)
    %mul3A_76 = arith.constant 4 : i32
    %mul3A_77 = arith.muli %arg1, %mul3A_76 : i32
    %add3A_78 = arith.constant 3 : i32
    %add3A_79 = arith.addi %mul3A_77, %add3A_78 : i32
    %mul3A_80 = arith.constant 80 : i32
    %mul3A_81 = arith.muli %add3A_79, %mul3A_80 : i32
    %multiple_of3A_82 = tpu.assume_multiple %mul3A_81, 8 : i32
    %dma_wait3A_83 = arith.constant 3 : i32
    %dma_wait3A_84 = tpu.memref_slice %arg19[%dma_wait3A_83] : memref<4x!tpu.dma_semaphore, #tpu.memory_space<semaphore_mem>> -> memref<1x!tpu.dma_semaphore, #tpu.memory_space<semaphore_mem>>
    %dma_wait3A_85 = tpu.memref_squeeze %dma_wait3A_84 : memref<1x!tpu.dma_semaphore, #tpu.memory_space<semaphore_mem>> -> memref<!tpu.dma_semaphore, #tpu.memory_space<semaphore_mem>>
    %dma_wait3A_86 = arith.constant 0 : i32
    %dma_wait3A_87 = tpu.memref_slice %arg6[%mul3A_4, %dma_wait3A_86] : memref<158720x128xf32, #tpu.memory_space<hbm>> -> memref<80x128xf32, #tpu.memory_space<hbm>>
    %dma_wait3A_88 = arith.constant 0 : i32
    %dma_wait3A_89 = tpu.memref_slice %arg12[%multiple_of3A_82, %dma_wait3A_88] : memref<5120x128xf32, #tpu.memory_space<vmem_shared>> -> memref<80x128xf32, #tpu.memory_space<vmem_shared>>
    tpu.wait_dma2 semaphore(%dma_wait3A_85 : memref<!tpu.dma_semaphore, #tpu.memory_space<semaphore_mem>>) src(%dma_wait3A_89 : memref<80x128xf32, #tpu.memory_space<vmem_shared>>) dst(%dma_wait3A_87 : memref<80x128xf32, #tpu.memory_space<hbm>>)
    return
  }
}

#map = affine_map<(d0, d1) -> (0, 0)>
#map1 = affine_map<(d0, d1) -> (0)>
module attributes {stable_mosaic.version = 14 : i64} {
  func.func @body(%arg0: i32, %arg1: i32, %arg2: memref<10000x128xf32, #tpu.memory_space<hbm>>, %arg3: memref<320000xi32, #tpu.memory_space<hbm>>, %arg4: memref<320000xi32, #tpu.memory_space<hbm>>, %arg5: memref<5120xi32, #tpu.memory_space<hbm>>, %arg6: memref<161280x128xf32, #tpu.memory_space<hbm>>, %arg7: memref<4x80xi32, #tpu.memory_space<vmem>>, %arg8: memref<4x80xi32, #tpu.memory_space<vmem>>, %arg9: memref<4x80x128xf32, #tpu.memory_space<vmem>>, %arg10: memref<4x80x128xf32, #tpu.memory_space<vmem>>, %arg11: memref<4x80xi32, #tpu.memory_space<vmem>>, %arg12: memref<5120x128xf32, #tpu.memory_space<vmem_shared>>, %arg13: memref<4x!tpu.dma_semaphore, #tpu.memory_space<semaphore_mem>>, %arg14: memref<4x!tpu.dma_semaphore, #tpu.memory_space<semaphore_mem>>, %arg15: memref<4x!tpu.dma_semaphore, #tpu.memory_space<semaphore_mem>>, %arg16: memref<4x!tpu.dma_semaphore, #tpu.memory_space<semaphore_mem>>, %arg17: memref<4x!tpu.dma_semaphore, #tpu.memory_space<semaphore_mem>>, %arg18: memref<4x!tpu.dma_semaphore, #tpu.memory_space<semaphore_mem>>, %arg19: memref<4x!tpu.dma_semaphore, #tpu.memory_space<semaphore_mem>>) attributes {dimension_semantics = [#tpu.dimension_semantics<core_parallel>, #tpu.dimension_semantics<subcore_parallel>], iteration_bounds = array<i64: 2, 16>, scalar_prefetch = 0 : i64, scratch_operands = 13 : i64, tpu.core_type = #tpu.core_type<sc_vector_subcore>, window_params = [{transform_indices = #map}, {transform_indices = #map1}, {transform_indices = #map1}, {transform_indices = #map1}, {transform_indices = #map}]} {
    %mul3A = arith.constant 16 : i32
    %mul3A_0 = arith.muli %arg0, %mul3A : i32
    %add3A = arith.addi %mul3A_0, %arg1 : i32
    %mul3A_1 = arith.constant 63 : i32
    %mul3A_2 = arith.muli %add3A, %mul3A_1 : i32
    %mul3A_3 = arith.constant 80 : i32
    %mul3A_4 = arith.muli %mul3A_2, %mul3A_3 : i32
    %mul3A_5 = arith.constant 4 : i32
    %mul3A_6 = arith.muli %arg1, %mul3A_5 : i32
    %mul3A_7 = arith.constant 80 : i32
    %mul3A_8 = arith.muli %mul3A_6, %mul3A_7 : i32
    %add3A_9 = arith.constant 0 : i32
    %add3A_10 = arith.addi %mul3A_8, %add3A_9 : i32
    %run_scoped3A = arith.constant 0 : i32
    "tpu.region"() ({
      %run_scoped3A_90 = tpu.sem_alloc : memref<!tpu.dma_semaphore, #tpu.memory_space<semaphore_mem>>
      %dma_start3A = arith.constant 0 : i32
      %dma_start3A_91 = tpu.memref_slice %arg11[%run_scoped3A, %dma_start3A] : memref<4x80xi32, #tpu.memory_space<vmem>> -> memref<1x80xi32, #tpu.memory_space<vmem>>
      %dma_start3A_92 = tpu.memref_squeeze %dma_start3A_91 : memref<1x80xi32, #tpu.memory_space<vmem>> -> memref<80xi32, #tpu.memory_space<vmem>>
      %dma_start3A_93 = tpu.memref_slice %arg5[%add3A_10] : memref<5120xi32, #tpu.memory_space<hbm>> -> memref<80xi32, #tpu.memory_space<hbm>>
      %dma_start3A_94 = arith.constant 0 : i32
      %dma_start3A_95 = tpu.memref_slice %arg11[%run_scoped3A, %dma_start3A_94] : memref<4x80xi32, #tpu.memory_space<vmem>> -> memref<1x80xi32, #tpu.memory_space<vmem>>
      %dma_start3A_96 = tpu.memref_squeeze %dma_start3A_95 : memref<1x80xi32, #tpu.memory_space<vmem>> -> memref<80xi32, #tpu.memory_space<vmem>>
      %dma_start3A_97 = tpu.memref_slice %arg5[%add3A_10] : memref<5120xi32, #tpu.memory_space<hbm>> -> memref<80xi32, #tpu.memory_space<hbm>>
      tpu.enqueue_dma source(%dma_start3A_97 : memref<80xi32, #tpu.memory_space<hbm>>) target(%dma_start3A_96 : memref<80xi32, #tpu.memory_space<vmem>>) target_semaphore(%run_scoped3A_90 : memref<!tpu.dma_semaphore, #tpu.memory_space<semaphore_mem>>)
      %dma_wait3A_98 = arith.constant 0 : i32
      %dma_wait3A_99 = tpu.memref_slice %arg11[%run_scoped3A, %dma_wait3A_98] : memref<4x80xi32, #tpu.memory_space<vmem>> -> memref<1x80xi32, #tpu.memory_space<vmem>>
      %dma_wait3A_100 = tpu.memref_squeeze %dma_wait3A_99 : memref<1x80xi32, #tpu.memory_space<vmem>> -> memref<80xi32, #tpu.memory_space<vmem>>
      %dma_wait3A_101 = tpu.memref_slice %arg5[%add3A_10] : memref<5120xi32, #tpu.memory_space<hbm>> -> memref<80xi32, #tpu.memory_space<hbm>>
      %dma_wait3A_102 = arith.constant 0 : i32
      %dma_wait3A_103 = tpu.memref_slice %arg11[%run_scoped3A, %dma_wait3A_102] : memref<4x80xi32, #tpu.memory_space<vmem>> -> memref<1x80xi32, #tpu.memory_space<vmem>>
      %dma_wait3A_104 = tpu.memref_squeeze %dma_wait3A_103 : memref<1x80xi32, #tpu.memory_space<vmem>> -> memref<80xi32, #tpu.memory_space<vmem>>
      %dma_wait3A_105 = tpu.memref_slice %arg5[%add3A_10] : memref<5120xi32, #tpu.memory_space<hbm>> -> memref<80xi32, #tpu.memory_space<hbm>>
      tpu.wait_dma2 semaphore(%run_scoped3A_90 : memref<!tpu.dma_semaphore, #tpu.memory_space<semaphore_mem>>) src(%dma_wait3A_105 : memref<80xi32, #tpu.memory_space<hbm>>) dst(%dma_wait3A_104 : memref<80xi32, #tpu.memory_space<vmem>>)
      tpu.yield
    }) : () -> ()
    %mul3A_11 = arith.constant 4 : i32
    %mul3A_12 = arith.muli %arg1, %mul3A_11 : i32
    %mul3A_13 = arith.constant 80 : i32
    %mul3A_14 = arith.muli %mul3A_12, %mul3A_13 : i32
    %add3A_15 = arith.constant 80 : i32
    %add3A_16 = arith.addi %mul3A_14, %add3A_15 : i32
    %run_scoped3A_17 = arith.constant 1 : i32
    "tpu.region"() ({
      %run_scoped3A_90 = tpu.sem_alloc : memref<!tpu.dma_semaphore, #tpu.memory_space<semaphore_mem>>
      %dma_start3A = arith.constant 0 : i32
      %dma_start3A_91 = tpu.memref_slice %arg11[%run_scoped3A_17, %dma_start3A] : memref<4x80xi32, #tpu.memory_space<vmem>> -> memref<1x80xi32, #tpu.memory_space<vmem>>
      %dma_start3A_92 = tpu.memref_squeeze %dma_start3A_91 : memref<1x80xi32, #tpu.memory_space<vmem>> -> memref<80xi32, #tpu.memory_space<vmem>>
      %dma_start3A_93 = tpu.memref_slice %arg5[%add3A_16] : memref<5120xi32, #tpu.memory_space<hbm>> -> memref<80xi32, #tpu.memory_space<hbm>>
      %dma_start3A_94 = arith.constant 0 : i32
      %dma_start3A_95 = tpu.memref_slice %arg11[%run_scoped3A_17, %dma_start3A_94] : memref<4x80xi32, #tpu.memory_space<vmem>> -> memref<1x80xi32, #tpu.memory_space<vmem>>
      %dma_start3A_96 = tpu.memref_squeeze %dma_start3A_95 : memref<1x80xi32, #tpu.memory_space<vmem>> -> memref<80xi32, #tpu.memory_space<vmem>>
      %dma_start3A_97 = tpu.memref_slice %arg5[%add3A_16] : memref<5120xi32, #tpu.memory_space<hbm>> -> memref<80xi32, #tpu.memory_space<hbm>>
      tpu.enqueue_dma source(%dma_start3A_97 : memref<80xi32, #tpu.memory_space<hbm>>) target(%dma_start3A_96 : memref<80xi32, #tpu.memory_space<vmem>>) target_semaphore(%run_scoped3A_90 : memref<!tpu.dma_semaphore, #tpu.memory_space<semaphore_mem>>)
      %dma_wait3A_98 = arith.constant 0 : i32
      %dma_wait3A_99 = tpu.memref_slice %arg11[%run_scoped3A_17, %dma_wait3A_98] : memref<4x80xi32, #tpu.memory_space<vmem>> -> memref<1x80xi32, #tpu.memory_space<vmem>>
      %dma_wait3A_100 = tpu.memref_squeeze %dma_wait3A_99 : memref<1x80xi32, #tpu.memory_space<vmem>> -> memref<80xi32, #tpu.memory_space<vmem>>
      %dma_wait3A_101 = tpu.memref_slice %arg5[%add3A_16] : memref<5120xi32, #tpu.memory_space<hbm>> -> memref<80xi32, #tpu.memory_space<hbm>>
      %dma_wait3A_102 = arith.constant 0 : i32
      %dma_wait3A_103 = tpu.memref_slice %arg11[%run_scoped3A_17, %dma_wait3A_102] : memref<4x80xi32, #tpu.memory_space<vmem>> -> memref<1x80xi32, #tpu.memory_space<vmem>>
      %dma_wait3A_104 = tpu.memref_squeeze %dma_wait3A_103 : memref<1x80xi32, #tpu.memory_space<vmem>> -> memref<80xi32, #tpu.memory_space<vmem>>
      %dma_wait3A_105 = tpu.memref_slice %arg5[%add3A_16] : memref<5120xi32, #tpu.memory_space<hbm>> -> memref<80xi32, #tpu.memory_space<hbm>>
      tpu.wait_dma2 semaphore(%run_scoped3A_90 : memref<!tpu.dma_semaphore, #tpu.memory_space<semaphore_mem>>) src(%dma_wait3A_105 : memref<80xi32, #tpu.memory_space<hbm>>) dst(%dma_wait3A_104 : memref<80xi32, #tpu.memory_space<vmem>>)
      tpu.yield
    }) : () -> ()
    %mul3A_18 = arith.constant 4 : i32
    %mul3A_19 = arith.muli %arg1, %mul3A_18 : i32
    %mul3A_20 = arith.constant 80 : i32
    %mul3A_21 = arith.muli %mul3A_19, %mul3A_20 : i32
    %add3A_22 = arith.constant 160 : i32
    %add3A_23 = arith.addi %mul3A_21, %add3A_22 : i32
    %run_scoped3A_24 = arith.constant 2 : i32
    "tpu.region"() ({
      %run_scoped3A_90 = tpu.sem_alloc : memref<!tpu.dma_semaphore, #tpu.memory_space<semaphore_mem>>
      %dma_start3A = arith.constant 0 : i32
      %dma_start3A_91 = tpu.memref_slice %arg11[%run_scoped3A_24, %dma_start3A] : memref<4x80xi32, #tpu.memory_space<vmem>> -> memref<1x80xi32, #tpu.memory_space<vmem>>
      %dma_start3A_92 = tpu.memref_squeeze %dma_start3A_91 : memref<1x80xi32, #tpu.memory_space<vmem>> -> memref<80xi32, #tpu.memory_space<vmem>>
      %dma_start3A_93 = tpu.memref_slice %arg5[%add3A_23] : memref<5120xi32, #tpu.memory_space<hbm>> -> memref<80xi32, #tpu.memory_space<hbm>>
      %dma_start3A_94 = arith.constant 0 : i32
      %dma_start3A_95 = tpu.memref_slice %arg11[%run_scoped3A_24, %dma_start3A_94] : memref<4x80xi32, #tpu.memory_space<vmem>> -> memref<1x80xi32, #tpu.memory_space<vmem>>
      %dma_start3A_96 = tpu.memref_squeeze %dma_start3A_95 : memref<1x80xi32, #tpu.memory_space<vmem>> -> memref<80xi32, #tpu.memory_space<vmem>>
      %dma_start3A_97 = tpu.memref_slice %arg5[%add3A_23] : memref<5120xi32, #tpu.memory_space<hbm>> -> memref<80xi32, #tpu.memory_space<hbm>>
      tpu.enqueue_dma source(%dma_start3A_97 : memref<80xi32, #tpu.memory_space<hbm>>) target(%dma_start3A_96 : memref<80xi32, #tpu.memory_space<vmem>>) target_semaphore(%run_scoped3A_90 : memref<!tpu.dma_semaphore, #tpu.memory_space<semaphore_mem>>)
      %dma_wait3A_98 = arith.constant 0 : i32
      %dma_wait3A_99 = tpu.memref_slice %arg11[%run_scoped3A_24, %dma_wait3A_98] : memref<4x80xi32, #tpu.memory_space<vmem>> -> memref<1x80xi32, #tpu.memory_space<vmem>>
      %dma_wait3A_100 = tpu.memref_squeeze %dma_wait3A_99 : memref<1x80xi32, #tpu.memory_space<vmem>> -> memref<80xi32, #tpu.memory_space<vmem>>
      %dma_wait3A_101 = tpu.memref_slice %arg5[%add3A_23] : memref<5120xi32, #tpu.memory_space<hbm>> -> memref<80xi32, #tpu.memory_space<hbm>>
      %dma_wait3A_102 = arith.constant 0 : i32
      %dma_wait3A_103 = tpu.memref_slice %arg11[%run_scoped3A_24, %dma_wait3A_102] : memref<4x80xi32, #tpu.memory_space<vmem>> -> memref<1x80xi32, #tpu.memory_space<vmem>>
      %dma_wait3A_104 = tpu.memref_squeeze %dma_wait3A_103 : memref<1x80xi32, #tpu.memory_space<vmem>> -> memref<80xi32, #tpu.memory_space<vmem>>
      %dma_wait3A_105 = tpu.memref_slice %arg5[%add3A_23] : memref<5120xi32, #tpu.memory_space<hbm>> -> memref<80xi32, #tpu.memory_space<hbm>>
      tpu.wait_dma2 semaphore(%run_scoped3A_90 : memref<!tpu.dma_semaphore, #tpu.memory_space<semaphore_mem>>) src(%dma_wait3A_105 : memref<80xi32, #tpu.memory_space<hbm>>) dst(%dma_wait3A_104 : memref<80xi32, #tpu.memory_space<vmem>>)
      tpu.yield
    }) : () -> ()
    %mul3A_25 = arith.constant 4 : i32
    %mul3A_26 = arith.muli %arg1, %mul3A_25 : i32
    %mul3A_27 = arith.constant 80 : i32
    %mul3A_28 = arith.muli %mul3A_26, %mul3A_27 : i32
    %add3A_29 = arith.constant 240 : i32
    %add3A_30 = arith.addi %mul3A_28, %add3A_29 : i32
    %run_scoped3A_31 = arith.constant 3 : i32
    "tpu.region"() ({
      %run_scoped3A_90 = tpu.sem_alloc : memref<!tpu.dma_semaphore, #tpu.memory_space<semaphore_mem>>
      %dma_start3A = arith.constant 0 : i32
      %dma_start3A_91 = tpu.memref_slice %arg11[%run_scoped3A_31, %dma_start3A] : memref<4x80xi32, #tpu.memory_space<vmem>> -> memref<1x80xi32, #tpu.memory_space<vmem>>
      %dma_start3A_92 = tpu.memref_squeeze %dma_start3A_91 : memref<1x80xi32, #tpu.memory_space<vmem>> -> memref<80xi32, #tpu.memory_space<vmem>>
      %dma_start3A_93 = tpu.memref_slice %arg5[%add3A_30] : memref<5120xi32, #tpu.memory_space<hbm>> -> memref<80xi32, #tpu.memory_space<hbm>>
      %dma_start3A_94 = arith.constant 0 : i32
      %dma_start3A_95 = tpu.memref_slice %arg11[%run_scoped3A_31, %dma_start3A_94] : memref<4x80xi32, #tpu.memory_space<vmem>> -> memref<1x80xi32, #tpu.memory_space<vmem>>
      %dma_start3A_96 = tpu.memref_squeeze %dma_start3A_95 : memref<1x80xi32, #tpu.memory_space<vmem>> -> memref<80xi32, #tpu.memory_space<vmem>>
      %dma_start3A_97 = tpu.memref_slice %arg5[%add3A_30] : memref<5120xi32, #tpu.memory_space<hbm>> -> memref<80xi32, #tpu.memory_space<hbm>>
      tpu.enqueue_dma source(%dma_start3A_97 : memref<80xi32, #tpu.memory_space<hbm>>) target(%dma_start3A_96 : memref<80xi32, #tpu.memory_space<vmem>>) target_semaphore(%run_scoped3A_90 : memref<!tpu.dma_semaphore, #tpu.memory_space<semaphore_mem>>)
      %dma_wait3A_98 = arith.constant 0 : i32
      %dma_wait3A_99 = tpu.memref_slice %arg11[%run_scoped3A_31, %dma_wait3A_98] : memref<4x80xi32, #tpu.memory_space<vmem>> -> memref<1x80xi32, #tpu.memory_space<vmem>>
      %dma_wait3A_100 = tpu.memref_squeeze %dma_wait3A_99 : memref<1x80xi32, #tpu.memory_space<vmem>> -> memref<80xi32, #tpu.memory_space<vmem>>
      %dma_wait3A_101 = tpu.memref_slice %arg5[%add3A_30] : memref<5120xi32, #tpu.memory_space<hbm>> -> memref<80xi32, #tpu.memory_space<hbm>>
      %dma_wait3A_102 = arith.constant 0 : i32
      %dma_wait3A_103 = tpu.memref_slice %arg11[%run_scoped3A_31, %dma_wait3A_102] : memref<4x80xi32, #tpu.memory_space<vmem>> -> memref<1x80xi32, #tpu.memory_space<vmem>>
      %dma_wait3A_104 = tpu.memref_squeeze %dma_wait3A_103 : memref<1x80xi32, #tpu.memory_space<vmem>> -> memref<80xi32, #tpu.memory_space<vmem>>
      %dma_wait3A_105 = tpu.memref_slice %arg5[%add3A_30] : memref<5120xi32, #tpu.memory_space<hbm>> -> memref<80xi32, #tpu.memory_space<hbm>>
      tpu.wait_dma2 semaphore(%run_scoped3A_90 : memref<!tpu.dma_semaphore, #tpu.memory_space<semaphore_mem>>) src(%dma_wait3A_105 : memref<80xi32, #tpu.memory_space<hbm>>) dst(%dma_wait3A_104 : memref<80xi32, #tpu.memory_space<vmem>>)
      tpu.yield
    }) : () -> ()
    %scan3A = arith.constant 0 : i32
    %scan3A_32 = arith.constant 67 : i32
    %scan3A_33 = arith.addi %scan3A, %scan3A_32 : i32
    %scan3A_34 = arith.constant 1 : i32
    scf.for %scan3A_90 = %scan3A to %scan3A_33 step %scan3A_34  : i32 {
      %mul3A_91 = arith.constant 1 : i32
      %mul3A_92 = arith.muli %scan3A_90, %mul3A_91 : i32
      %add3A_93 = arith.constant 0 : i32
      %add3A_94 = arith.addi %add3A_93, %mul3A_92 : i32
      %lt3A = arith.constant 63 : i32
      %lt3A_95 = arith.cmpi slt, %add3A_94, %lt3A : i32
      %convert_element_type3A = arith.extui %lt3A_95 : i1 to i32
      %cond3A = arith.constant 0 : i32
      %cond3A_96 = arith.cmpi ne, %convert_element_type3A, %cond3A : i32
      scf.if %cond3A_96 {
        %rem3A = arith.constant 4 : i32
        %rem3A_134 = arith.remsi %add3A_94, %rem3A : i32
        %add3A_135 = arith.constant 0 : i32
        %add3A_136 = arith.addi %add3A_135, %mul3A_4 : i32
        %mul3A_137 = arith.constant 80 : i32
        %mul3A_138 = arith.muli %add3A_94, %mul3A_137 : i32
        %add3A_139 = arith.addi %add3A_136, %mul3A_138 : i32
        %dma_start3A = arith.constant 0 : i32
        %dma_start3A_140 = tpu.memref_slice %arg7[%rem3A_134, %dma_start3A] : memref<4x80xi32, #tpu.memory_space<vmem>> -> memref<1x80xi32, #tpu.memory_space<vmem>>
        %dma_start3A_141 = tpu.memref_squeeze %dma_start3A_140 : memref<1x80xi32, #tpu.memory_space<vmem>> -> memref<80xi32, #tpu.memory_space<vmem>>
        %dma_start3A_142 = tpu.memref_slice %arg3[%add3A_139] : memref<320000xi32, #tpu.memory_space<hbm>> -> memref<80xi32, #tpu.memory_space<hbm>>
        %dma_start3A_143 = tpu.memref_slice %arg13[%rem3A_134] : memref<4x!tpu.dma_semaphore, #tpu.memory_space<semaphore_mem>> -> memref<1x!tpu.dma_semaphore, #tpu.memory_space<semaphore_mem>>
        %dma_start3A_144 = tpu.memref_squeeze %dma_start3A_143 : memref<1x!tpu.dma_semaphore, #tpu.memory_space<semaphore_mem>> -> memref<!tpu.dma_semaphore, #tpu.memory_space<semaphore_mem>>
        %dma_start3A_145 = arith.constant 0 : i32
        %dma_start3A_146 = tpu.memref_slice %arg7[%rem3A_134, %dma_start3A_145] : memref<4x80xi32, #tpu.memory_space<vmem>> -> memref<1x80xi32, #tpu.memory_space<vmem>>
        %dma_start3A_147 = tpu.memref_squeeze %dma_start3A_146 : memref<1x80xi32, #tpu.memory_space<vmem>> -> memref<80xi32, #tpu.memory_space<vmem>>
        %dma_start3A_148 = tpu.memref_slice %arg3[%add3A_139] : memref<320000xi32, #tpu.memory_space<hbm>> -> memref<80xi32, #tpu.memory_space<hbm>>
        tpu.enqueue_dma source(%dma_start3A_148 : memref<80xi32, #tpu.memory_space<hbm>>) target(%dma_start3A_147 : memref<80xi32, #tpu.memory_space<vmem>>) target_semaphore(%dma_start3A_144 : memref<!tpu.dma_semaphore, #tpu.memory_space<semaphore_mem>>)
        %dma_start3A_149 = arith.constant 0 : i32
        %dma_start3A_150 = tpu.memref_slice %arg8[%rem3A_134, %dma_start3A_149] : memref<4x80xi32, #tpu.memory_space<vmem>> -> memref<1x80xi32, #tpu.memory_space<vmem>>
        %dma_start3A_151 = tpu.memref_squeeze %dma_start3A_150 : memref<1x80xi32, #tpu.memory_space<vmem>> -> memref<80xi32, #tpu.memory_space<vmem>>
        %dma_start3A_152 = tpu.memref_slice %arg4[%add3A_139] : memref<320000xi32, #tpu.memory_space<hbm>> -> memref<80xi32, #tpu.memory_space<hbm>>
        %dma_start3A_153 = tpu.memref_slice %arg14[%rem3A_134] : memref<4x!tpu.dma_semaphore, #tpu.memory_space<semaphore_mem>> -> memref<1x!tpu.dma_semaphore, #tpu.memory_space<semaphore_mem>>
        %dma_start3A_154 = tpu.memref_squeeze %dma_start3A_153 : memref<1x!tpu.dma_semaphore, #tpu.memory_space<semaphore_mem>> -> memref<!tpu.dma_semaphore, #tpu.memory_space<semaphore_mem>>
        %dma_start3A_155 = arith.constant 0 : i32
        %dma_start3A_156 = tpu.memref_slice %arg8[%rem3A_134, %dma_start3A_155] : memref<4x80xi32, #tpu.memory_space<vmem>> -> memref<1x80xi32, #tpu.memory_space<vmem>>
        %dma_start3A_157 = tpu.memref_squeeze %dma_start3A_156 : memref<1x80xi32, #tpu.memory_space<vmem>> -> memref<80xi32, #tpu.memory_space<vmem>>
        %dma_start3A_158 = tpu.memref_slice %arg4[%add3A_139] : memref<320000xi32, #tpu.memory_space<hbm>> -> memref<80xi32, #tpu.memory_space<hbm>>
        tpu.enqueue_dma source(%dma_start3A_158 : memref<80xi32, #tpu.memory_space<hbm>>) target(%dma_start3A_157 : memref<80xi32, #tpu.memory_space<vmem>>) target_semaphore(%dma_start3A_154 : memref<!tpu.dma_semaphore, #tpu.memory_space<semaphore_mem>>)
      } else {
      }
      %sub3A = arith.constant 1 : i32
      %sub3A_97 = arith.subi %add3A_94, %sub3A : i32
      %ge3A = arith.constant 0 : i32
      %ge3A_98 = arith.cmpi sge, %sub3A_97, %ge3A : i32
      %lt3A_99 = arith.constant 63 : i32
      %lt3A_100 = arith.cmpi slt, %sub3A_97, %lt3A_99 : i32
      %and3A = arith.andi %ge3A_98, %lt3A_100 : i1
      %convert_element_type3A_101 = arith.extui %and3A : i1 to i32
      %cond3A_102 = arith.constant 0 : i32
      %cond3A_103 = arith.cmpi ne, %convert_element_type3A_101, %cond3A_102 : i32
      scf.if %cond3A_103 {
        %rem3A = arith.constant 4 : i32
        %rem3A_134 = arith.remsi %sub3A_97, %rem3A : i32
        %dma_wait3A_135 = arith.constant 0 : i32
        %dma_wait3A_136 = tpu.memref_slice %arg7[%rem3A_134, %dma_wait3A_135] : memref<4x80xi32, #tpu.memory_space<vmem>> -> memref<1x80xi32, #tpu.memory_space<vmem>>
        %dma_wait3A_137 = tpu.memref_squeeze %dma_wait3A_136 : memref<1x80xi32, #tpu.memory_space<vmem>> -> memref<80xi32, #tpu.memory_space<vmem>>
        %dma_wait3A_138 = tpu.memref_slice %arg3[%mul3A_4] : memref<320000xi32, #tpu.memory_space<hbm>> -> memref<80xi32, #tpu.memory_space<hbm>>
        %dma_wait3A_139 = tpu.memref_slice %arg13[%rem3A_134] : memref<4x!tpu.dma_semaphore, #tpu.memory_space<semaphore_mem>> -> memref<1x!tpu.dma_semaphore, #tpu.memory_space<semaphore_mem>>
        %dma_wait3A_140 = tpu.memref_squeeze %dma_wait3A_139 : memref<1x!tpu.dma_semaphore, #tpu.memory_space<semaphore_mem>> -> memref<!tpu.dma_semaphore, #tpu.memory_space<semaphore_mem>>
        %dma_wait3A_141 = arith.constant 0 : i32
        %dma_wait3A_142 = tpu.memref_slice %arg7[%rem3A_134, %dma_wait3A_141] : memref<4x80xi32, #tpu.memory_space<vmem>> -> memref<1x80xi32, #tpu.memory_space<vmem>>
        %dma_wait3A_143 = tpu.memref_squeeze %dma_wait3A_142 : memref<1x80xi32, #tpu.memory_space<vmem>> -> memref<80xi32, #tpu.memory_space<vmem>>
        %dma_wait3A_144 = tpu.memref_slice %arg3[%mul3A_4] : memref<320000xi32, #tpu.memory_space<hbm>> -> memref<80xi32, #tpu.memory_space<hbm>>
        tpu.wait_dma2 semaphore(%dma_wait3A_140 : memref<!tpu.dma_semaphore, #tpu.memory_space<semaphore_mem>>) src(%dma_wait3A_144 : memref<80xi32, #tpu.memory_space<hbm>>) dst(%dma_wait3A_143 : memref<80xi32, #tpu.memory_space<vmem>>)
        %dma_wait3A_145 = arith.constant 0 : i32
        %dma_wait3A_146 = tpu.memref_slice %arg8[%rem3A_134, %dma_wait3A_145] : memref<4x80xi32, #tpu.memory_space<vmem>> -> memref<1x80xi32, #tpu.memory_space<vmem>>
        %dma_wait3A_147 = tpu.memref_squeeze %dma_wait3A_146 : memref<1x80xi32, #tpu.memory_space<vmem>> -> memref<80xi32, #tpu.memory_space<vmem>>
        %dma_wait3A_148 = tpu.memref_slice %arg4[%mul3A_4] : memref<320000xi32, #tpu.memory_space<hbm>> -> memref<80xi32, #tpu.memory_space<hbm>>
        %dma_wait3A_149 = tpu.memref_slice %arg14[%rem3A_134] : memref<4x!tpu.dma_semaphore, #tpu.memory_space<semaphore_mem>> -> memref<1x!tpu.dma_semaphore, #tpu.memory_space<semaphore_mem>>
        %dma_wait3A_150 = tpu.memref_squeeze %dma_wait3A_149 : memref<1x!tpu.dma_semaphore, #tpu.memory_space<semaphore_mem>> -> memref<!tpu.dma_semaphore, #tpu.memory_space<semaphore_mem>>
        %dma_wait3A_151 = arith.constant 0 : i32
        %dma_wait3A_152 = tpu.memref_slice %arg8[%rem3A_134, %dma_wait3A_151] : memref<4x80xi32, #tpu.memory_space<vmem>> -> memref<1x80xi32, #tpu.memory_space<vmem>>
        %dma_wait3A_153 = tpu.memref_squeeze %dma_wait3A_152 : memref<1x80xi32, #tpu.memory_space<vmem>> -> memref<80xi32, #tpu.memory_space<vmem>>
        %dma_wait3A_154 = tpu.memref_slice %arg4[%mul3A_4] : memref<320000xi32, #tpu.memory_space<hbm>> -> memref<80xi32, #tpu.memory_space<hbm>>
        tpu.wait_dma2 semaphore(%dma_wait3A_150 : memref<!tpu.dma_semaphore, #tpu.memory_space<semaphore_mem>>) src(%dma_wait3A_154 : memref<80xi32, #tpu.memory_space<hbm>>) dst(%dma_wait3A_153 : memref<80xi32, #tpu.memory_space<vmem>>)
        %dma_start3A = arith.constant 0 : i32
        %dma_start3A_155 = arith.constant 0 : i32
        %dma_start3A_156 = tpu.memref_slice %arg9[%rem3A_134, %dma_start3A, %dma_start3A_155] : memref<4x80x128xf32, #tpu.memory_space<vmem>> -> memref<1x80x128xf32, #tpu.memory_space<vmem>>
        %dma_start3A_157 = tpu.memref_squeeze %dma_start3A_156 : memref<1x80x128xf32, #tpu.memory_space<vmem>> -> memref<80x128xf32, #tpu.memory_space<vmem>>
        %dma_start3A_158 = arith.constant 0 : i32
        %dma_start3A_159 = tpu.memref_slice %arg7[%rem3A_134, %dma_start3A_158] : memref<4x80xi32, #tpu.memory_space<vmem>> -> memref<1x80xi32, #tpu.memory_space<vmem>>
        %dma_start3A_160 = tpu.memref_squeeze %dma_start3A_159 : memref<1x80xi32, #tpu.memory_space<vmem>> -> memref<80xi32, #tpu.memory_space<vmem>>
        %dma_start3A_161 = arith.constant 0 : i32
        %dma_start3A_162 = arith.constant 0 : i32
        %dma_start3A_163 = tpu.memref_slice %arg2[%dma_start3A_161, %dma_start3A_162] : memref<10000x128xf32, #tpu.memory_space<hbm>> -> memref<10000x128xf32, #tpu.memory_space<hbm>>
        %dma_start3A_164 = tpu.memref_slice %arg15[%rem3A_134] : memref<4x!tpu.dma_semaphore, #tpu.memory_space<semaphore_mem>> -> memref<1x!tpu.dma_semaphore, #tpu.memory_space<semaphore_mem>>
        %dma_start3A_165 = tpu.memref_squeeze %dma_start3A_164 : memref<1x!tpu.dma_semaphore, #tpu.memory_space<semaphore_mem>> -> memref<!tpu.dma_semaphore, #tpu.memory_space<semaphore_mem>>
        tpu.enqueue_indirect_dma source(%dma_start3A_163 : memref<10000x128xf32, #tpu.memory_space<hbm>>) target(%dma_start3A_157 : memref<80x128xf32, #tpu.memory_space<vmem>>) offsets(%dma_start3A_160 : memref<80xi32, #tpu.memory_space<vmem>>) semaphore(%dma_start3A_165 : memref<!tpu.dma_semaphore, #tpu.memory_space<semaphore_mem>>)
        %dma_start3A_166 = arith.constant 0 : i32
        %dma_start3A_167 = arith.constant 0 : i32
        %dma_start3A_168 = tpu.memref_slice %arg10[%rem3A_134, %dma_start3A_166, %dma_start3A_167] : memref<4x80x128xf32, #tpu.memory_space<vmem>> -> memref<1x80x128xf32, #tpu.memory_space<vmem>>
        %dma_start3A_169 = tpu.memref_squeeze %dma_start3A_168 : memref<1x80x128xf32, #tpu.memory_space<vmem>> -> memref<80x128xf32, #tpu.memory_space<vmem>>
        %dma_start3A_170 = arith.constant 0 : i32
        %dma_start3A_171 = tpu.memref_slice %arg8[%rem3A_134, %dma_start3A_170] : memref<4x80xi32, #tpu.memory_space<vmem>> -> memref<1x80xi32, #tpu.memory_space<vmem>>
        %dma_start3A_172 = tpu.memref_squeeze %dma_start3A_171 : memref<1x80xi32, #tpu.memory_space<vmem>> -> memref<80xi32, #tpu.memory_space<vmem>>
        %dma_start3A_173 = arith.constant 0 : i32
        %dma_start3A_174 = arith.constant 0 : i32
        %dma_start3A_175 = tpu.memref_slice %arg2[%dma_start3A_173, %dma_start3A_174] : memref<10000x128xf32, #tpu.memory_space<hbm>> -> memref<10000x128xf32, #tpu.memory_space<hbm>>
        %dma_start3A_176 = tpu.memref_slice %arg16[%rem3A_134] : memref<4x!tpu.dma_semaphore, #tpu.memory_space<semaphore_mem>> -> memref<1x!tpu.dma_semaphore, #tpu.memory_space<semaphore_mem>>
        %dma_start3A_177 = tpu.memref_squeeze %dma_start3A_176 : memref<1x!tpu.dma_semaphore, #tpu.memory_space<semaphore_mem>> -> memref<!tpu.dma_semaphore, #tpu.memory_space<semaphore_mem>>
        tpu.enqueue_indirect_dma source(%dma_start3A_175 : memref<10000x128xf32, #tpu.memory_space<hbm>>) target(%dma_start3A_169 : memref<80x128xf32, #tpu.memory_space<vmem>>) offsets(%dma_start3A_172 : memref<80xi32, #tpu.memory_space<vmem>>) semaphore(%dma_start3A_177 : memref<!tpu.dma_semaphore, #tpu.memory_space<semaphore_mem>>)
      } else {
      }
      %sub3A_104 = arith.constant 2 : i32
      %sub3A_105 = arith.subi %add3A_94, %sub3A_104 : i32
      %ge3A_106 = arith.constant 0 : i32
      %ge3A_107 = arith.cmpi sge, %sub3A_105, %ge3A_106 : i32
      %lt3A_108 = arith.constant 63 : i32
      %lt3A_109 = arith.cmpi slt, %sub3A_105, %lt3A_108 : i32
      %and3A_110 = arith.andi %ge3A_107, %lt3A_109 : i1
      %convert_element_type3A_111 = arith.extui %and3A_110 : i1 to i32
      %cond3A_112 = arith.constant 0 : i32
      %cond3A_113 = arith.cmpi ne, %convert_element_type3A_111, %cond3A_112 : i32
      scf.if %cond3A_113 {
        %rem3A = arith.constant 4 : i32
        %rem3A_134 = arith.remsi %sub3A_105, %rem3A : i32
        %dma_wait3A_135 = arith.constant 0 : i32
        %dma_wait3A_136 = arith.constant 0 : i32
        %dma_wait3A_137 = tpu.memref_slice %arg9[%rem3A_134, %dma_wait3A_135, %dma_wait3A_136] : memref<4x80x128xf32, #tpu.memory_space<vmem>> -> memref<1x80x128xf32, #tpu.memory_space<vmem>>
        %dma_wait3A_138 = tpu.memref_squeeze %dma_wait3A_137 : memref<1x80x128xf32, #tpu.memory_space<vmem>> -> memref<80x128xf32, #tpu.memory_space<vmem>>
        %dma_wait3A_139 = arith.constant 0 : i32
        %dma_wait3A_140 = tpu.memref_slice %arg7[%rem3A_134, %dma_wait3A_139] : memref<4x80xi32, #tpu.memory_space<vmem>> -> memref<1x80xi32, #tpu.memory_space<vmem>>
        %dma_wait3A_141 = tpu.memref_squeeze %dma_wait3A_140 : memref<1x80xi32, #tpu.memory_space<vmem>> -> memref<80xi32, #tpu.memory_space<vmem>>
        %dma_wait3A_142 = arith.constant 0 : i32
        %dma_wait3A_143 = arith.constant 0 : i32
        %dma_wait3A_144 = tpu.memref_slice %arg2[%dma_wait3A_142, %dma_wait3A_143] : memref<10000x128xf32, #tpu.memory_space<hbm>> -> memref<10000x128xf32, #tpu.memory_space<hbm>>
        %dma_wait3A_145 = tpu.memref_slice %arg15[%rem3A_134] : memref<4x!tpu.dma_semaphore, #tpu.memory_space<semaphore_mem>> -> memref<1x!tpu.dma_semaphore, #tpu.memory_space<semaphore_mem>>
        %dma_wait3A_146 = tpu.memref_squeeze %dma_wait3A_145 : memref<1x!tpu.dma_semaphore, #tpu.memory_space<semaphore_mem>> -> memref<!tpu.dma_semaphore, #tpu.memory_space<semaphore_mem>>
        tpu.wait_indirect_dma semaphore(%dma_wait3A_146 : memref<!tpu.dma_semaphore, #tpu.memory_space<semaphore_mem>>) src(%dma_wait3A_144 : memref<10000x128xf32, #tpu.memory_space<hbm>>) dst(%dma_wait3A_138 : memref<80x128xf32, #tpu.memory_space<vmem>>)
        %dma_wait3A_147 = arith.constant 0 : i32
        %dma_wait3A_148 = arith.constant 0 : i32
        %dma_wait3A_149 = tpu.memref_slice %arg10[%rem3A_134, %dma_wait3A_147, %dma_wait3A_148] : memref<4x80x128xf32, #tpu.memory_space<vmem>> -> memref<1x80x128xf32, #tpu.memory_space<vmem>>
        %dma_wait3A_150 = tpu.memref_squeeze %dma_wait3A_149 : memref<1x80x128xf32, #tpu.memory_space<vmem>> -> memref<80x128xf32, #tpu.memory_space<vmem>>
        %dma_wait3A_151 = arith.constant 0 : i32
        %dma_wait3A_152 = tpu.memref_slice %arg8[%rem3A_134, %dma_wait3A_151] : memref<4x80xi32, #tpu.memory_space<vmem>> -> memref<1x80xi32, #tpu.memory_space<vmem>>
        %dma_wait3A_153 = tpu.memref_squeeze %dma_wait3A_152 : memref<1x80xi32, #tpu.memory_space<vmem>> -> memref<80xi32, #tpu.memory_space<vmem>>
        %dma_wait3A_154 = arith.constant 0 : i32
        %dma_wait3A_155 = arith.constant 0 : i32
        %dma_wait3A_156 = tpu.memref_slice %arg2[%dma_wait3A_154, %dma_wait3A_155] : memref<10000x128xf32, #tpu.memory_space<hbm>> -> memref<10000x128xf32, #tpu.memory_space<hbm>>
        %dma_wait3A_157 = tpu.memref_slice %arg16[%rem3A_134] : memref<4x!tpu.dma_semaphore, #tpu.memory_space<semaphore_mem>> -> memref<1x!tpu.dma_semaphore, #tpu.memory_space<semaphore_mem>>
        %dma_wait3A_158 = tpu.memref_squeeze %dma_wait3A_157 : memref<1x!tpu.dma_semaphore, #tpu.memory_space<semaphore_mem>> -> memref<!tpu.dma_semaphore, #tpu.memory_space<semaphore_mem>>
        tpu.wait_indirect_dma semaphore(%dma_wait3A_158 : memref<!tpu.dma_semaphore, #tpu.memory_space<semaphore_mem>>) src(%dma_wait3A_156 : memref<10000x128xf32, #tpu.memory_space<hbm>>) dst(%dma_wait3A_150 : memref<80x128xf32, #tpu.memory_space<vmem>>)
        %ge3A_159 = arith.constant 4 : i32
        %ge3A_160 = arith.cmpi sge, %sub3A_105, %ge3A_159 : i32
        %convert_element_type3A_161 = arith.extui %ge3A_160 : i1 to i32
        %cond3A_162 = arith.constant 0 : i32
        %cond3A_163 = arith.cmpi ne, %convert_element_type3A_161, %cond3A_162 : i32
        scf.if %cond3A_163 {
          %mul3A_183 = arith.constant 4 : i32
          %mul3A_184 = arith.muli %arg1, %mul3A_183 : i32
          %add3A_185 = arith.addi %mul3A_184, %rem3A_134 : i32
          %mul3A_186 = arith.constant 80 : i32
          %mul3A_187 = arith.muli %add3A_185, %mul3A_186 : i32
          %multiple_of3A_188 = tpu.assume_multiple %mul3A_187, 8 : i32
          %dma_wait3A_189 = tpu.memref_slice %arg19[%rem3A_134] : memref<4x!tpu.dma_semaphore, #tpu.memory_space<semaphore_mem>> -> memref<1x!tpu.dma_semaphore, #tpu.memory_space<semaphore_mem>>
          %dma_wait3A_190 = tpu.memref_squeeze %dma_wait3A_189 : memref<1x!tpu.dma_semaphore, #tpu.memory_space<semaphore_mem>> -> memref<!tpu.dma_semaphore, #tpu.memory_space<semaphore_mem>>
          %dma_wait3A_191 = arith.constant 0 : i32
          %dma_wait3A_192 = tpu.memref_slice %arg6[%mul3A_4, %dma_wait3A_191] : memref<161280x128xf32, #tpu.memory_space<hbm>> -> memref<80x128xf32, #tpu.memory_space<hbm>>
          %dma_wait3A_193 = arith.constant 0 : i32
          %dma_wait3A_194 = tpu.memref_slice %arg12[%multiple_of3A_188, %dma_wait3A_193] : memref<5120x128xf32, #tpu.memory_space<vmem_shared>> -> memref<80x128xf32, #tpu.memory_space<vmem_shared>>
          tpu.wait_dma2 semaphore(%dma_wait3A_190 : memref<!tpu.dma_semaphore, #tpu.memory_space<semaphore_mem>>) src(%dma_wait3A_194 : memref<80x128xf32, #tpu.memory_space<vmem_shared>>) dst(%dma_wait3A_192 : memref<80x128xf32, #tpu.memory_space<hbm>>)
        } else {
        }
        %mul3A_164 = arith.constant 4 : i32
        %mul3A_165 = arith.muli %arg1, %mul3A_164 : i32
        %add3A_166 = arith.addi %mul3A_165, %rem3A_134 : i32
        %mul3A_167 = arith.constant 80 : i32
        %mul3A_168 = arith.muli %add3A_166, %mul3A_167 : i32
        %multiple_of3A_169 = tpu.assume_multiple %mul3A_168, 8 : i32
        %dma_start3A = arith.constant 0 : i32
        %dma_start3A_170 = arith.constant 0 : i32
        %dma_start3A_171 = tpu.memref_slice %arg9[%rem3A_134, %dma_start3A, %dma_start3A_170] : memref<4x80x128xf32, #tpu.memory_space<vmem>> -> memref<1x80x128xf32, #tpu.memory_space<vmem>>
        %dma_start3A_172 = tpu.memref_squeeze %dma_start3A_171 : memref<1x80x128xf32, #tpu.memory_space<vmem>> -> memref<80x128xf32, #tpu.memory_space<vmem>>
        %dma_start3A_173 = arith.constant 0 : i32
        %dma_start3A_174 = tpu.memref_slice %arg12[%multiple_of3A_169, %dma_start3A_173] : memref<5120x128xf32, #tpu.memory_space<vmem_shared>> -> memref<80x128xf32, #tpu.memory_space<vmem_shared>>
        %dma_start3A_175 = tpu.memref_slice %arg17[%rem3A_134] : memref<4x!tpu.dma_semaphore, #tpu.memory_space<semaphore_mem>> -> memref<1x!tpu.dma_semaphore, #tpu.memory_space<semaphore_mem>>
        %dma_start3A_176 = tpu.memref_squeeze %dma_start3A_175 : memref<1x!tpu.dma_semaphore, #tpu.memory_space<semaphore_mem>> -> memref<!tpu.dma_semaphore, #tpu.memory_space<semaphore_mem>>
        %dma_start3A_177 = arith.constant 0 : i32
        %dma_start3A_178 = tpu.memref_slice %arg12[%multiple_of3A_169, %dma_start3A_177] : memref<5120x128xf32, #tpu.memory_space<vmem_shared>> -> memref<80x128xf32, #tpu.memory_space<vmem_shared>>
        %dma_start3A_179 = arith.constant 0 : i32
        %dma_start3A_180 = arith.constant 0 : i32
        %dma_start3A_181 = tpu.memref_slice %arg9[%rem3A_134, %dma_start3A_179, %dma_start3A_180] : memref<4x80x128xf32, #tpu.memory_space<vmem>> -> memref<1x80x128xf32, #tpu.memory_space<vmem>>
        %dma_start3A_182 = tpu.memref_squeeze %dma_start3A_181 : memref<1x80x128xf32, #tpu.memory_space<vmem>> -> memref<80x128xf32, #tpu.memory_space<vmem>>
        tpu.enqueue_dma source(%dma_start3A_182 : memref<80x128xf32, #tpu.memory_space<vmem>>) target(%dma_start3A_178 : memref<80x128xf32, #tpu.memory_space<vmem_shared>>) target_semaphore(%dma_start3A_176 : memref<!tpu.dma_semaphore, #tpu.memory_space<semaphore_mem>>)
      } else {
      }
      %sub3A_114 = arith.constant 3 : i32
      %sub3A_115 = arith.subi %add3A_94, %sub3A_114 : i32
      %ge3A_116 = arith.constant 0 : i32
      %ge3A_117 = arith.cmpi sge, %sub3A_115, %ge3A_116 : i32
      %lt3A_118 = arith.constant 63 : i32
      %lt3A_119 = arith.cmpi slt, %sub3A_115, %lt3A_118 : i32
      %and3A_120 = arith.andi %ge3A_117, %lt3A_119 : i1
      %convert_element_type3A_121 = arith.extui %and3A_120 : i1 to i32
      %cond3A_122 = arith.constant 0 : i32
      %cond3A_123 = arith.cmpi ne, %convert_element_type3A_121, %cond3A_122 : i32
      scf.if %cond3A_123 {
        %rem3A = arith.constant 4 : i32
        %rem3A_134 = arith.remsi %sub3A_115, %rem3A : i32
        %mul3A_135 = arith.constant 4 : i32
        %mul3A_136 = arith.muli %arg1, %mul3A_135 : i32
        %add3A_137 = arith.addi %mul3A_136, %rem3A_134 : i32
        %mul3A_138 = arith.constant 80 : i32
        %mul3A_139 = arith.muli %add3A_137, %mul3A_138 : i32
        %multiple_of3A_140 = tpu.assume_multiple %mul3A_139, 8 : i32
        %dma_wait3A_141 = arith.constant 0 : i32
        %dma_wait3A_142 = arith.constant 0 : i32
        %dma_wait3A_143 = tpu.memref_slice %arg9[%rem3A_134, %dma_wait3A_141, %dma_wait3A_142] : memref<4x80x128xf32, #tpu.memory_space<vmem>> -> memref<1x80x128xf32, #tpu.memory_space<vmem>>
        %dma_wait3A_144 = tpu.memref_squeeze %dma_wait3A_143 : memref<1x80x128xf32, #tpu.memory_space<vmem>> -> memref<80x128xf32, #tpu.memory_space<vmem>>
        %dma_wait3A_145 = arith.constant 0 : i32
        %dma_wait3A_146 = tpu.memref_slice %arg12[%multiple_of3A_140, %dma_wait3A_145] : memref<5120x128xf32, #tpu.memory_space<vmem_shared>> -> memref<80x128xf32, #tpu.memory_space<vmem_shared>>
        %dma_wait3A_147 = tpu.memref_slice %arg17[%rem3A_134] : memref<4x!tpu.dma_semaphore, #tpu.memory_space<semaphore_mem>> -> memref<1x!tpu.dma_semaphore, #tpu.memory_space<semaphore_mem>>
        %dma_wait3A_148 = tpu.memref_squeeze %dma_wait3A_147 : memref<1x!tpu.dma_semaphore, #tpu.memory_space<semaphore_mem>> -> memref<!tpu.dma_semaphore, #tpu.memory_space<semaphore_mem>>
        %dma_wait3A_149 = arith.constant 0 : i32
        %dma_wait3A_150 = tpu.memref_slice %arg12[%multiple_of3A_140, %dma_wait3A_149] : memref<5120x128xf32, #tpu.memory_space<vmem_shared>> -> memref<80x128xf32, #tpu.memory_space<vmem_shared>>
        %dma_wait3A_151 = arith.constant 0 : i32
        %dma_wait3A_152 = arith.constant 0 : i32
        %dma_wait3A_153 = tpu.memref_slice %arg9[%rem3A_134, %dma_wait3A_151, %dma_wait3A_152] : memref<4x80x128xf32, #tpu.memory_space<vmem>> -> memref<1x80x128xf32, #tpu.memory_space<vmem>>
        %dma_wait3A_154 = tpu.memref_squeeze %dma_wait3A_153 : memref<1x80x128xf32, #tpu.memory_space<vmem>> -> memref<80x128xf32, #tpu.memory_space<vmem>>
        tpu.wait_dma2 semaphore(%dma_wait3A_148 : memref<!tpu.dma_semaphore, #tpu.memory_space<semaphore_mem>>) src(%dma_wait3A_154 : memref<80x128xf32, #tpu.memory_space<vmem>>) dst(%dma_wait3A_150 : memref<80x128xf32, #tpu.memory_space<vmem_shared>>)
        %dma_start3A = arith.constant 0 : i32
        %dma_start3A_155 = arith.constant 0 : i32
        %dma_start3A_156 = tpu.memref_slice %arg10[%rem3A_134, %dma_start3A, %dma_start3A_155] : memref<4x80x128xf32, #tpu.memory_space<vmem>> -> memref<1x80x128xf32, #tpu.memory_space<vmem>>
        %dma_start3A_157 = tpu.memref_squeeze %dma_start3A_156 : memref<1x80x128xf32, #tpu.memory_space<vmem>> -> memref<80x128xf32, #tpu.memory_space<vmem>>
        %dma_start3A_158 = arith.constant 0 : i32
        %dma_start3A_159 = tpu.memref_slice %arg11[%rem3A_134, %dma_start3A_158] : memref<4x80xi32, #tpu.memory_space<vmem>> -> memref<1x80xi32, #tpu.memory_space<vmem>>
        %dma_start3A_160 = tpu.memref_squeeze %dma_start3A_159 : memref<1x80xi32, #tpu.memory_space<vmem>> -> memref<80xi32, #tpu.memory_space<vmem>>
        %dma_start3A_161 = arith.constant 0 : i32
        %dma_start3A_162 = arith.constant 0 : i32
        %dma_start3A_163 = tpu.memref_slice %arg12[%dma_start3A_161, %dma_start3A_162] : memref<5120x128xf32, #tpu.memory_space<vmem_shared>> -> memref<5120x128xf32, #tpu.memory_space<vmem_shared>>
        %dma_start3A_164 = tpu.memref_slice %arg18[%rem3A_134] : memref<4x!tpu.dma_semaphore, #tpu.memory_space<semaphore_mem>> -> memref<1x!tpu.dma_semaphore, #tpu.memory_space<semaphore_mem>>
        %dma_start3A_165 = tpu.memref_squeeze %dma_start3A_164 : memref<1x!tpu.dma_semaphore, #tpu.memory_space<semaphore_mem>> -> memref<!tpu.dma_semaphore, #tpu.memory_space<semaphore_mem>>
        tpu.enqueue_indirect_dma source(%dma_start3A_157 : memref<80x128xf32, #tpu.memory_space<vmem>>) target(%dma_start3A_163 : memref<5120x128xf32, #tpu.memory_space<vmem_shared>>) offsets(%dma_start3A_160 : memref<80xi32, #tpu.memory_space<vmem>>) semaphore(%dma_start3A_165 : memref<!tpu.dma_semaphore, #tpu.memory_space<semaphore_mem>>) {add = true}
      } else {
      }
      %sub3A_124 = arith.constant 4 : i32
      %sub3A_125 = arith.subi %add3A_94, %sub3A_124 : i32
      %ge3A_126 = arith.constant 0 : i32
      %ge3A_127 = arith.cmpi sge, %sub3A_125, %ge3A_126 : i32
      %lt3A_128 = arith.constant 63 : i32
      %lt3A_129 = arith.cmpi slt, %sub3A_125, %lt3A_128 : i32
      %and3A_130 = arith.andi %ge3A_127, %lt3A_129 : i1
      %convert_element_type3A_131 = arith.extui %and3A_130 : i1 to i32
      %cond3A_132 = arith.constant 0 : i32
      %cond3A_133 = arith.cmpi ne, %convert_element_type3A_131, %cond3A_132 : i32
      scf.if %cond3A_133 {
        %rem3A = arith.constant 4 : i32
        %rem3A_134 = arith.remsi %sub3A_125, %rem3A : i32
        %dma_wait3A_135 = arith.constant 0 : i32
        %dma_wait3A_136 = arith.constant 0 : i32
        %dma_wait3A_137 = tpu.memref_slice %arg10[%rem3A_134, %dma_wait3A_135, %dma_wait3A_136] : memref<4x80x128xf32, #tpu.memory_space<vmem>> -> memref<1x80x128xf32, #tpu.memory_space<vmem>>
        %dma_wait3A_138 = tpu.memref_squeeze %dma_wait3A_137 : memref<1x80x128xf32, #tpu.memory_space<vmem>> -> memref<80x128xf32, #tpu.memory_space<vmem>>
        %dma_wait3A_139 = arith.constant 0 : i32
        %dma_wait3A_140 = tpu.memref_slice %arg11[%rem3A_134, %dma_wait3A_139] : memref<4x80xi32, #tpu.memory_space<vmem>> -> memref<1x80xi32, #tpu.memory_space<vmem>>
        %dma_wait3A_141 = tpu.memref_squeeze %dma_wait3A_140 : memref<1x80xi32, #tpu.memory_space<vmem>> -> memref<80xi32, #tpu.memory_space<vmem>>
        %dma_wait3A_142 = arith.constant 0 : i32
        %dma_wait3A_143 = arith.constant 0 : i32
        %dma_wait3A_144 = tpu.memref_slice %arg12[%dma_wait3A_142, %dma_wait3A_143] : memref<5120x128xf32, #tpu.memory_space<vmem_shared>> -> memref<5120x128xf32, #tpu.memory_space<vmem_shared>>
        %dma_wait3A_145 = tpu.memref_slice %arg18[%rem3A_134] : memref<4x!tpu.dma_semaphore, #tpu.memory_space<semaphore_mem>> -> memref<1x!tpu.dma_semaphore, #tpu.memory_space<semaphore_mem>>
        %dma_wait3A_146 = tpu.memref_squeeze %dma_wait3A_145 : memref<1x!tpu.dma_semaphore, #tpu.memory_space<semaphore_mem>> -> memref<!tpu.dma_semaphore, #tpu.memory_space<semaphore_mem>>
        tpu.wait_indirect_dma semaphore(%dma_wait3A_146 : memref<!tpu.dma_semaphore, #tpu.memory_space<semaphore_mem>>) src(%dma_wait3A_138 : memref<80x128xf32, #tpu.memory_space<vmem>>) dst(%dma_wait3A_144 : memref<5120x128xf32, #tpu.memory_space<vmem_shared>>)
        %mul3A_147 = arith.constant 80 : i32
        %mul3A_148 = arith.muli %sub3A_125, %mul3A_147 : i32
        %add3A_149 = arith.addi %mul3A_4, %mul3A_148 : i32
        %mul3A_150 = arith.constant 4 : i32
        %mul3A_151 = arith.muli %arg1, %mul3A_150 : i32
        %add3A_152 = arith.addi %mul3A_151, %rem3A_134 : i32
        %mul3A_153 = arith.constant 80 : i32
        %mul3A_154 = arith.muli %add3A_152, %mul3A_153 : i32
        %multiple_of3A_155 = tpu.assume_multiple %mul3A_154, 8 : i32
        %dma_start3A = tpu.memref_slice %arg19[%rem3A_134] : memref<4x!tpu.dma_semaphore, #tpu.memory_space<semaphore_mem>> -> memref<1x!tpu.dma_semaphore, #tpu.memory_space<semaphore_mem>>
        %dma_start3A_156 = tpu.memref_squeeze %dma_start3A : memref<1x!tpu.dma_semaphore, #tpu.memory_space<semaphore_mem>> -> memref<!tpu.dma_semaphore, #tpu.memory_space<semaphore_mem>>
        %dma_start3A_157 = arith.constant 0 : i32
        %dma_start3A_158 = tpu.memref_slice %arg6[%add3A_149, %dma_start3A_157] : memref<161280x128xf32, #tpu.memory_space<hbm>> -> memref<80x128xf32, #tpu.memory_space<hbm>>
        %dma_start3A_159 = arith.constant 0 : i32
        %dma_start3A_160 = tpu.memref_slice %arg12[%multiple_of3A_155, %dma_start3A_159] : memref<5120x128xf32, #tpu.memory_space<vmem_shared>> -> memref<80x128xf32, #tpu.memory_space<vmem_shared>>
        tpu.enqueue_dma source(%dma_start3A_160 : memref<80x128xf32, #tpu.memory_space<vmem_shared>>) target(%dma_start3A_158 : memref<80x128xf32, #tpu.memory_space<hbm>>) target_semaphore(%dma_start3A_156 : memref<!tpu.dma_semaphore, #tpu.memory_space<semaphore_mem>>)
      } else {
      }
    }
    %scan3A_35 = arith.constant 67 : i32
    %mul3A_36 = arith.constant 4 : i32
    %mul3A_37 = arith.muli %arg1, %mul3A_36 : i32
    %add3A_38 = arith.constant 0 : i32
    %add3A_39 = arith.addi %mul3A_37, %add3A_38 : i32
    %mul3A_40 = arith.constant 80 : i32
    %mul3A_41 = arith.muli %add3A_39, %mul3A_40 : i32
    %multiple_of3A = tpu.assume_multiple %mul3A_41, 8 : i32
    %dma_wait3A = arith.constant 0 : i32
    %dma_wait3A_42 = tpu.memref_slice %arg19[%dma_wait3A] : memref<4x!tpu.dma_semaphore, #tpu.memory_space<semaphore_mem>> -> memref<1x!tpu.dma_semaphore, #tpu.memory_space<semaphore_mem>>
    %dma_wait3A_43 = tpu.memref_squeeze %dma_wait3A_42 : memref<1x!tpu.dma_semaphore, #tpu.memory_space<semaphore_mem>> -> memref<!tpu.dma_semaphore, #tpu.memory_space<semaphore_mem>>
    %dma_wait3A_44 = arith.constant 0 : i32
    %dma_wait3A_45 = tpu.memref_slice %arg6[%mul3A_4, %dma_wait3A_44] : memref<161280x128xf32, #tpu.memory_space<hbm>> -> memref<80x128xf32, #tpu.memory_space<hbm>>
    %dma_wait3A_46 = arith.constant 0 : i32
    %dma_wait3A_47 = tpu.memref_slice %arg12[%multiple_of3A, %dma_wait3A_46] : memref<5120x128xf32, #tpu.memory_space<vmem_shared>> -> memref<80x128xf32, #tpu.memory_space<vmem_shared>>
    tpu.wait_dma2 semaphore(%dma_wait3A_43 : memref<!tpu.dma_semaphore, #tpu.memory_space<semaphore_mem>>) src(%dma_wait3A_47 : memref<80x128xf32, #tpu.memory_space<vmem_shared>>) dst(%dma_wait3A_45 : memref<80x128xf32, #tpu.memory_space<hbm>>)
    %mul3A_48 = arith.constant 4 : i32
    %mul3A_49 = arith.muli %arg1, %mul3A_48 : i32
    %add3A_50 = arith.constant 1 : i32
    %add3A_51 = arith.addi %mul3A_49, %add3A_50 : i32
    %mul3A_52 = arith.constant 80 : i32
    %mul3A_53 = arith.muli %add3A_51, %mul3A_52 : i32
    %multiple_of3A_54 = tpu.assume_multiple %mul3A_53, 8 : i32
    %dma_wait3A_55 = arith.constant 1 : i32
    %dma_wait3A_56 = tpu.memref_slice %arg19[%dma_wait3A_55] : memref<4x!tpu.dma_semaphore, #tpu.memory_space<semaphore_mem>> -> memref<1x!tpu.dma_semaphore, #tpu.memory_space<semaphore_mem>>
    %dma_wait3A_57 = tpu.memref_squeeze %dma_wait3A_56 : memref<1x!tpu.dma_semaphore, #tpu.memory_space<semaphore_mem>> -> memref<!tpu.dma_semaphore, #tpu.memory_space<semaphore_mem>>
    %dma_wait3A_58 = arith.constant 0 : i32
    %dma_wait3A_59 = tpu.memref_slice %arg6[%mul3A_4, %dma_wait3A_58] : memref<161280x128xf32, #tpu.memory_space<hbm>> -> memref<80x128xf32, #tpu.memory_space<hbm>>
    %dma_wait3A_60 = arith.constant 0 : i32
    %dma_wait3A_61 = tpu.memref_slice %arg12[%multiple_of3A_54, %dma_wait3A_60] : memref<5120x128xf32, #tpu.memory_space<vmem_shared>> -> memref<80x128xf32, #tpu.memory_space<vmem_shared>>
    tpu.wait_dma2 semaphore(%dma_wait3A_57 : memref<!tpu.dma_semaphore, #tpu.memory_space<semaphore_mem>>) src(%dma_wait3A_61 : memref<80x128xf32, #tpu.memory_space<vmem_shared>>) dst(%dma_wait3A_59 : memref<80x128xf32, #tpu.memory_space<hbm>>)
    %mul3A_62 = arith.constant 4 : i32
    %mul3A_63 = arith.muli %arg1, %mul3A_62 : i32
    %add3A_64 = arith.constant 2 : i32
    %add3A_65 = arith.addi %mul3A_63, %add3A_64 : i32
    %mul3A_66 = arith.constant 80 : i32
    %mul3A_67 = arith.muli %add3A_65, %mul3A_66 : i32
    %multiple_of3A_68 = tpu.assume_multiple %mul3A_67, 8 : i32
    %dma_wait3A_69 = arith.constant 2 : i32
    %dma_wait3A_70 = tpu.memref_slice %arg19[%dma_wait3A_69] : memref<4x!tpu.dma_semaphore, #tpu.memory_space<semaphore_mem>> -> memref<1x!tpu.dma_semaphore, #tpu.memory_space<semaphore_mem>>
    %dma_wait3A_71 = tpu.memref_squeeze %dma_wait3A_70 : memref<1x!tpu.dma_semaphore, #tpu.memory_space<semaphore_mem>> -> memref<!tpu.dma_semaphore, #tpu.memory_space<semaphore_mem>>
    %dma_wait3A_72 = arith.constant 0 : i32
    %dma_wait3A_73 = tpu.memref_slice %arg6[%mul3A_4, %dma_wait3A_72] : memref<161280x128xf32, #tpu.memory_space<hbm>> -> memref<80x128xf32, #tpu.memory_space<hbm>>
    %dma_wait3A_74 = arith.constant 0 : i32
    %dma_wait3A_75 = tpu.memref_slice %arg12[%multiple_of3A_68, %dma_wait3A_74] : memref<5120x128xf32, #tpu.memory_space<vmem_shared>> -> memref<80x128xf32, #tpu.memory_space<vmem_shared>>
    tpu.wait_dma2 semaphore(%dma_wait3A_71 : memref<!tpu.dma_semaphore, #tpu.memory_space<semaphore_mem>>) src(%dma_wait3A_75 : memref<80x128xf32, #tpu.memory_space<vmem_shared>>) dst(%dma_wait3A_73 : memref<80x128xf32, #tpu.memory_space<hbm>>)
    %mul3A_76 = arith.constant 4 : i32
    %mul3A_77 = arith.muli %arg1, %mul3A_76 : i32
    %add3A_78 = arith.constant 3 : i32
    %add3A_79 = arith.addi %mul3A_77, %add3A_78 : i32
    %mul3A_80 = arith.constant 80 : i32
    %mul3A_81 = arith.muli %add3A_79, %mul3A_80 : i32
    %multiple_of3A_82 = tpu.assume_multiple %mul3A_81, 8 : i32
    %dma_wait3A_83 = arith.constant 3 : i32
    %dma_wait3A_84 = tpu.memref_slice %arg19[%dma_wait3A_83] : memref<4x!tpu.dma_semaphore, #tpu.memory_space<semaphore_mem>> -> memref<1x!tpu.dma_semaphore, #tpu.memory_space<semaphore_mem>>
    %dma_wait3A_85 = tpu.memref_squeeze %dma_wait3A_84 : memref<1x!tpu.dma_semaphore, #tpu.memory_space<semaphore_mem>> -> memref<!tpu.dma_semaphore, #tpu.memory_space<semaphore_mem>>
    %dma_wait3A_86 = arith.constant 0 : i32
    %dma_wait3A_87 = tpu.memref_slice %arg6[%mul3A_4, %dma_wait3A_86] : memref<161280x128xf32, #tpu.memory_space<hbm>> -> memref<80x128xf32, #tpu.memory_space<hbm>>
    %dma_wait3A_88 = arith.constant 0 : i32
    %dma_wait3A_89 = tpu.memref_slice %arg12[%multiple_of3A_82, %dma_wait3A_88] : memref<5120x128xf32, #tpu.memory_space<vmem_shared>> -> memref<80x128xf32, #tpu.memory_space<vmem_shared>>
    tpu.wait_dma2 semaphore(%dma_wait3A_85 : memref<!tpu.dma_semaphore, #tpu.memory_space<semaphore_mem>>) src(%dma_wait3A_89 : memref<80x128xf32, #tpu.memory_space<vmem_shared>>) dst(%dma_wait3A_87 : memref<80x128xf32, #tpu.memory_space<hbm>>)
    return
  }
}

#map = affine_map<(d0, d1) -> (0, 0)>
#map1 = affine_map<(d0, d1) -> (0)>
#map2 = affine_map<(d0, d1) -> (0, 0, 0)>
module attributes {stable_mosaic.version = 14 : i64} {
  func.func @body(%arg0: i32, %arg1: i32, %arg2: memref<161280x128xf32, #tpu.memory_space<hbm>>, %arg3: memref<320000xi32, #tpu.memory_space<hbm>>, %arg4: memref<320000xi32, #tpu.memory_space<hbm>>, %arg5: memref<10000x128xf32, #tpu.memory_space<hbm>>, %arg6: memref<2x10000x128xf32, #tpu.memory_space<hbm>>, %arg7: memref<4x80xi32, #tpu.memory_space<vmem>>, %arg8: memref<4x80xi32, #tpu.memory_space<vmem>>, %arg9: memref<4x80x128xf32, #tpu.memory_space<vmem>>, %arg10: memref<10000x128xf32, #tpu.memory_space<vmem_shared>>, %arg11: memref<4x!tpu.dma_semaphore, #tpu.memory_space<semaphore_mem>>, %arg12: memref<4x!tpu.dma_semaphore, #tpu.memory_space<semaphore_mem>>, %arg13: memref<4x!tpu.dma_semaphore, #tpu.memory_space<semaphore_mem>>, %arg14: memref<4x!tpu.dma_semaphore, #tpu.memory_space<semaphore_mem>>, %arg15: memref<4x!tpu.dma_semaphore, #tpu.memory_space<semaphore_mem>>) attributes {dimension_semantics = [#tpu.dimension_semantics<core_parallel>, #tpu.dimension_semantics<subcore_parallel>], iteration_bounds = array<i64: 2, 16>, scalar_prefetch = 0 : i64, scratch_operands = 9 : i64, tpu.core_type = #tpu.core_type<sc_vector_subcore>, window_params = [{transform_indices = #map}, {transform_indices = #map1}, {transform_indices = #map1}, {transform_indices = #map}, {transform_indices = #map2}]} {
    %mul3A = arith.constant 16 : i32
    %mul3A_0 = arith.muli %arg0, %mul3A : i32
    %add3A = arith.addi %mul3A_0, %arg1 : i32
    %mul3A_1 = arith.constant 63 : i32
    %mul3A_2 = arith.muli %add3A, %mul3A_1 : i32
    %mul3A_3 = arith.constant 80 : i32
    %mul3A_4 = arith.muli %mul3A_2, %mul3A_3 : i32
    %lt3A = arith.constant 15 : i32
    %lt3A_5 = arith.cmpi slt, %arg1, %lt3A : i32
    %convert_element_type3A = arith.extui %lt3A_5 : i1 to i32
    %cond3A = arith.constant 0 : i32
    %cond3A_6 = arith.cmpi ne, %convert_element_type3A, %cond3A : i32
    scf.if %cond3A_6 {
      %mul3A_145 = arith.constant 624 : i32
      %mul3A_146 = arith.muli %arg1, %mul3A_145 : i32
      %mul3A_147 = arith.constant 624 : i32
      %mul3A_148 = arith.muli %arg1, %mul3A_147 : i32
      "tpu.region"() ({
        %run_scoped3A = tpu.sem_alloc : memref<!tpu.dma_semaphore, #tpu.memory_space<semaphore_mem>>
        %dma_start3A = arith.constant 0 : i32
        %dma_start3A_149 = tpu.memref_slice %arg10[%mul3A_148, %dma_start3A] : memref<10000x128xf32, #tpu.memory_space<vmem_shared>> -> memref<624x128xf32, #tpu.memory_space<vmem_shared>>
        %dma_start3A_150 = arith.constant 0 : i32
        %dma_start3A_151 = tpu.memref_slice %arg5[%mul3A_146, %dma_start3A_150] : memref<10000x128xf32, #tpu.memory_space<hbm>> -> memref<624x128xf32, #tpu.memory_space<hbm>>
        tpu.enqueue_dma source(%dma_start3A_151 : memref<624x128xf32, #tpu.memory_space<hbm>>) target(%dma_start3A_149 : memref<624x128xf32, #tpu.memory_space<vmem_shared>>) target_semaphore(%run_scoped3A : memref<!tpu.dma_semaphore, #tpu.memory_space<semaphore_mem>>)
        %dma_wait3A_152 = arith.constant 0 : i32
        %dma_wait3A_153 = tpu.memref_slice %arg10[%mul3A_148, %dma_wait3A_152] : memref<10000x128xf32, #tpu.memory_space<vmem_shared>> -> memref<624x128xf32, #tpu.memory_space<vmem_shared>>
        %dma_wait3A_154 = arith.constant 0 : i32
        %dma_wait3A_155 = tpu.memref_slice %arg5[%mul3A_146, %dma_wait3A_154] : memref<10000x128xf32, #tpu.memory_space<hbm>> -> memref<624x128xf32, #tpu.memory_space<hbm>>
        tpu.wait_dma2 semaphore(%run_scoped3A : memref<!tpu.dma_semaphore, #tpu.memory_space<semaphore_mem>>) src(%dma_wait3A_155 : memref<624x128xf32, #tpu.memory_space<hbm>>) dst(%dma_wait3A_153 : memref<624x128xf32, #tpu.memory_space<vmem_shared>>)
        tpu.yield
      }) : () -> ()
    } else {
    }
    %eq3A = arith.constant 15 : i32
    %eq3A_7 = arith.cmpi eq, %arg1, %eq3A : i32
    %convert_element_type3A_8 = arith.extui %eq3A_7 : i1 to i32
    %cond3A_9 = arith.constant 0 : i32
    %cond3A_10 = arith.cmpi ne, %convert_element_type3A_8, %cond3A_9 : i32
    scf.if %cond3A_10 {
      %mul3A_145 = arith.constant 624 : i32
      %mul3A_146 = arith.muli %arg1, %mul3A_145 : i32
      %mul3A_147 = arith.constant 624 : i32
      %mul3A_148 = arith.muli %arg1, %mul3A_147 : i32
      "tpu.region"() ({
        %run_scoped3A = tpu.sem_alloc : memref<!tpu.dma_semaphore, #tpu.memory_space<semaphore_mem>>
        %dma_start3A = arith.constant 0 : i32
        %dma_start3A_149 = tpu.memref_slice %arg10[%mul3A_148, %dma_start3A] : memref<10000x128xf32, #tpu.memory_space<vmem_shared>> -> memref<640x128xf32, #tpu.memory_space<vmem_shared>>
        %dma_start3A_150 = arith.constant 0 : i32
        %dma_start3A_151 = tpu.memref_slice %arg5[%mul3A_146, %dma_start3A_150] : memref<10000x128xf32, #tpu.memory_space<hbm>> -> memref<640x128xf32, #tpu.memory_space<hbm>>
        tpu.enqueue_dma source(%dma_start3A_151 : memref<640x128xf32, #tpu.memory_space<hbm>>) target(%dma_start3A_149 : memref<640x128xf32, #tpu.memory_space<vmem_shared>>) target_semaphore(%run_scoped3A : memref<!tpu.dma_semaphore, #tpu.memory_space<semaphore_mem>>)
        %dma_wait3A_152 = arith.constant 0 : i32
        %dma_wait3A_153 = tpu.memref_slice %arg10[%mul3A_148, %dma_wait3A_152] : memref<10000x128xf32, #tpu.memory_space<vmem_shared>> -> memref<640x128xf32, #tpu.memory_space<vmem_shared>>
        %dma_wait3A_154 = arith.constant 0 : i32
        %dma_wait3A_155 = tpu.memref_slice %arg5[%mul3A_146, %dma_wait3A_154] : memref<10000x128xf32, #tpu.memory_space<hbm>> -> memref<640x128xf32, #tpu.memory_space<hbm>>
        tpu.wait_dma2 semaphore(%run_scoped3A : memref<!tpu.dma_semaphore, #tpu.memory_space<semaphore_mem>>) src(%dma_wait3A_155 : memref<640x128xf32, #tpu.memory_space<hbm>>) dst(%dma_wait3A_153 : memref<640x128xf32, #tpu.memory_space<vmem_shared>>)
        tpu.yield
      }) : () -> ()
    } else {
    }
    %barrier3A = arith.constant 0 : index
    tpu.barrier barrier_id(%barrier3A)
    %scan3A = arith.constant 0 : i32
    %scan3A_11 = arith.constant 66 : i32
    %scan3A_12 = arith.addi %scan3A, %scan3A_11 : i32
    %scan3A_13 = arith.constant 1 : i32
    scf.for %scan3A_145 = %scan3A to %scan3A_12 step %scan3A_13  : i32 {
      %mul3A_146 = arith.constant 1 : i32
      %mul3A_147 = arith.muli %scan3A_145, %mul3A_146 : i32
      %add3A_148 = arith.constant 0 : i32
      %add3A_149 = arith.addi %add3A_148, %mul3A_147 : i32
      %lt3A_150 = arith.constant 63 : i32
      %lt3A_151 = arith.cmpi slt, %add3A_149, %lt3A_150 : i32
      %convert_element_type3A_152 = arith.extui %lt3A_151 : i1 to i32
      %cond3A_153 = arith.constant 0 : i32
      %cond3A_154 = arith.cmpi ne, %convert_element_type3A_152, %cond3A_153 : i32
      scf.if %cond3A_154 {
        %rem3A = arith.constant 4 : i32
        %rem3A_160 = arith.remsi %add3A_149, %rem3A : i32
        %ge3A_161 = arith.constant 4 : i32
        %ge3A_162 = arith.cmpi sge, %add3A_149, %ge3A_161 : i32
        %convert_element_type3A_163 = arith.extui %ge3A_162 : i1 to i32
        %cond3A_164 = arith.constant 0 : i32
        %cond3A_165 = arith.cmpi ne, %convert_element_type3A_163, %cond3A_164 : i32
        scf.if %cond3A_165 {
          %dma_wait3A_206 = arith.constant 0 : i32
          %dma_wait3A_207 = arith.constant 0 : i32
          %dma_wait3A_208 = tpu.memref_slice %arg9[%rem3A_160, %dma_wait3A_206, %dma_wait3A_207] : memref<4x80x128xf32, #tpu.memory_space<vmem>> -> memref<1x80x128xf32, #tpu.memory_space<vmem>>
          %dma_wait3A_209 = tpu.memref_squeeze %dma_wait3A_208 : memref<1x80x128xf32, #tpu.memory_space<vmem>> -> memref<80x128xf32, #tpu.memory_space<vmem>>
          %dma_wait3A_210 = arith.constant 0 : i32
          %dma_wait3A_211 = tpu.memref_slice %arg7[%rem3A_160, %dma_wait3A_210] : memref<4x80xi32, #tpu.memory_space<vmem>> -> memref<1x80xi32, #tpu.memory_space<vmem>>
          %dma_wait3A_212 = tpu.memref_squeeze %dma_wait3A_211 : memref<1x80xi32, #tpu.memory_space<vmem>> -> memref<80xi32, #tpu.memory_space<vmem>>
          %dma_wait3A_213 = arith.constant 0 : i32
          %dma_wait3A_214 = arith.constant 0 : i32
          %dma_wait3A_215 = tpu.memref_slice %arg10[%dma_wait3A_213, %dma_wait3A_214] : memref<10000x128xf32, #tpu.memory_space<vmem_shared>> -> memref<10000x128xf32, #tpu.memory_space<vmem_shared>>
          %dma_wait3A_216 = tpu.memref_slice %arg14[%rem3A_160] : memref<4x!tpu.dma_semaphore, #tpu.memory_space<semaphore_mem>> -> memref<1x!tpu.dma_semaphore, #tpu.memory_space<semaphore_mem>>
          %dma_wait3A_217 = tpu.memref_squeeze %dma_wait3A_216 : memref<1x!tpu.dma_semaphore, #tpu.memory_space<semaphore_mem>> -> memref<!tpu.dma_semaphore, #tpu.memory_space<semaphore_mem>>
          tpu.wait_indirect_dma semaphore(%dma_wait3A_217 : memref<!tpu.dma_semaphore, #tpu.memory_space<semaphore_mem>>) src(%dma_wait3A_209 : memref<80x128xf32, #tpu.memory_space<vmem>>) dst(%dma_wait3A_215 : memref<10000x128xf32, #tpu.memory_space<vmem_shared>>)
          %dma_wait3A_218 = arith.constant 0 : i32
          %dma_wait3A_219 = arith.constant 0 : i32
          %dma_wait3A_220 = tpu.memref_slice %arg9[%rem3A_160, %dma_wait3A_218, %dma_wait3A_219] : memref<4x80x128xf32, #tpu.memory_space<vmem>> -> memref<1x80x128xf32, #tpu.memory_space<vmem>>
          %dma_wait3A_221 = tpu.memref_squeeze %dma_wait3A_220 : memref<1x80x128xf32, #tpu.memory_space<vmem>> -> memref<80x128xf32, #tpu.memory_space<vmem>>
          %dma_wait3A_222 = arith.constant 0 : i32
          %dma_wait3A_223 = tpu.memref_slice %arg8[%rem3A_160, %dma_wait3A_222] : memref<4x80xi32, #tpu.memory_space<vmem>> -> memref<1x80xi32, #tpu.memory_space<vmem>>
          %dma_wait3A_224 = tpu.memref_squeeze %dma_wait3A_223 : memref<1x80xi32, #tpu.memory_space<vmem>> -> memref<80xi32, #tpu.memory_space<vmem>>
          %dma_wait3A_225 = arith.constant 0 : i32
          %dma_wait3A_226 = arith.constant 0 : i32
          %dma_wait3A_227 = tpu.memref_slice %arg10[%dma_wait3A_225, %dma_wait3A_226] : memref<10000x128xf32, #tpu.memory_space<vmem_shared>> -> memref<10000x128xf32, #tpu.memory_space<vmem_shared>>
          %dma_wait3A_228 = tpu.memref_slice %arg15[%rem3A_160] : memref<4x!tpu.dma_semaphore, #tpu.memory_space<semaphore_mem>> -> memref<1x!tpu.dma_semaphore, #tpu.memory_space<semaphore_mem>>
          %dma_wait3A_229 = tpu.memref_squeeze %dma_wait3A_228 : memref<1x!tpu.dma_semaphore, #tpu.memory_space<semaphore_mem>> -> memref<!tpu.dma_semaphore, #tpu.memory_space<semaphore_mem>>
          tpu.wait_indirect_dma semaphore(%dma_wait3A_229 : memref<!tpu.dma_semaphore, #tpu.memory_space<semaphore_mem>>) src(%dma_wait3A_221 : memref<80x128xf32, #tpu.memory_space<vmem>>) dst(%dma_wait3A_227 : memref<10000x128xf32, #tpu.memory_space<vmem_shared>>)
        } else {
        }
        %mul3A_166 = arith.constant 80 : i32
        %mul3A_167 = arith.muli %add3A_149, %mul3A_166 : i32
        %add3A_168 = arith.addi %mul3A_4, %mul3A_167 : i32
        %add3A_169 = arith.constant 0 : i32
        %add3A_170 = arith.addi %add3A_169, %add3A_168 : i32
        %dma_start3A = arith.constant 0 : i32
        %dma_start3A_171 = tpu.memref_slice %arg7[%rem3A_160, %dma_start3A] : memref<4x80xi32, #tpu.memory_space<vmem>> -> memref<1x80xi32, #tpu.memory_space<vmem>>
        %dma_start3A_172 = tpu.memref_squeeze %dma_start3A_171 : memref<1x80xi32, #tpu.memory_space<vmem>> -> memref<80xi32, #tpu.memory_space<vmem>>
        %dma_start3A_173 = tpu.memref_slice %arg3[%add3A_170] : memref<320000xi32, #tpu.memory_space<hbm>> -> memref<80xi32, #tpu.memory_space<hbm>>
        %dma_start3A_174 = tpu.memref_slice %arg11[%rem3A_160] : memref<4x!tpu.dma_semaphore, #tpu.memory_space<semaphore_mem>> -> memref<1x!tpu.dma_semaphore, #tpu.memory_space<semaphore_mem>>
        %dma_start3A_175 = tpu.memref_squeeze %dma_start3A_174 : memref<1x!tpu.dma_semaphore, #tpu.memory_space<semaphore_mem>> -> memref<!tpu.dma_semaphore, #tpu.memory_space<semaphore_mem>>
        %dma_start3A_176 = arith.constant 0 : i32
        %dma_start3A_177 = tpu.memref_slice %arg7[%rem3A_160, %dma_start3A_176] : memref<4x80xi32, #tpu.memory_space<vmem>> -> memref<1x80xi32, #tpu.memory_space<vmem>>
        %dma_start3A_178 = tpu.memref_squeeze %dma_start3A_177 : memref<1x80xi32, #tpu.memory_space<vmem>> -> memref<80xi32, #tpu.memory_space<vmem>>
        %dma_start3A_179 = tpu.memref_slice %arg3[%add3A_170] : memref<320000xi32, #tpu.memory_space<hbm>> -> memref<80xi32, #tpu.memory_space<hbm>>
        tpu.enqueue_dma source(%dma_start3A_179 : memref<80xi32, #tpu.memory_space<hbm>>) target(%dma_start3A_178 : memref<80xi32, #tpu.memory_space<vmem>>) target_semaphore(%dma_start3A_175 : memref<!tpu.dma_semaphore, #tpu.memory_space<semaphore_mem>>)
        %add3A_180 = arith.constant 0 : i32
        %add3A_181 = arith.addi %add3A_180, %add3A_168 : i32
        %dma_start3A_182 = arith.constant 0 : i32
        %dma_start3A_183 = tpu.memref_slice %arg8[%rem3A_160, %dma_start3A_182] : memref<4x80xi32, #tpu.memory_space<vmem>> -> memref<1x80xi32, #tpu.memory_space<vmem>>
        %dma_start3A_184 = tpu.memref_squeeze %dma_start3A_183 : memref<1x80xi32, #tpu.memory_space<vmem>> -> memref<80xi32, #tpu.memory_space<vmem>>
        %dma_start3A_185 = tpu.memref_slice %arg4[%add3A_181] : memref<320000xi32, #tpu.memory_space<hbm>> -> memref<80xi32, #tpu.memory_space<hbm>>
        %dma_start3A_186 = tpu.memref_slice %arg12[%rem3A_160] : memref<4x!tpu.dma_semaphore, #tpu.memory_space<semaphore_mem>> -> memref<1x!tpu.dma_semaphore, #tpu.memory_space<semaphore_mem>>
        %dma_start3A_187 = tpu.memref_squeeze %dma_start3A_186 : memref<1x!tpu.dma_semaphore, #tpu.memory_space<semaphore_mem>> -> memref<!tpu.dma_semaphore, #tpu.memory_space<semaphore_mem>>
        %dma_start3A_188 = arith.constant 0 : i32
        %dma_start3A_189 = tpu.memref_slice %arg8[%rem3A_160, %dma_start3A_188] : memref<4x80xi32, #tpu.memory_space<vmem>> -> memref<1x80xi32, #tpu.memory_space<vmem>>
        %dma_start3A_190 = tpu.memref_squeeze %dma_start3A_189 : memref<1x80xi32, #tpu.memory_space<vmem>> -> memref<80xi32, #tpu.memory_space<vmem>>
        %dma_start3A_191 = tpu.memref_slice %arg4[%add3A_181] : memref<320000xi32, #tpu.memory_space<hbm>> -> memref<80xi32, #tpu.memory_space<hbm>>
        tpu.enqueue_dma source(%dma_start3A_191 : memref<80xi32, #tpu.memory_space<hbm>>) target(%dma_start3A_190 : memref<80xi32, #tpu.memory_space<vmem>>) target_semaphore(%dma_start3A_187 : memref<!tpu.dma_semaphore, #tpu.memory_space<semaphore_mem>>)
        %dma_start3A_192 = arith.constant 0 : i32
        %dma_start3A_193 = arith.constant 0 : i32
        %dma_start3A_194 = tpu.memref_slice %arg9[%rem3A_160, %dma_start3A_192, %dma_start3A_193] : memref<4x80x128xf32, #tpu.memory_space<vmem>> -> memref<1x80x128xf32, #tpu.memory_space<vmem>>
        %dma_start3A_195 = tpu.memref_squeeze %dma_start3A_194 : memref<1x80x128xf32, #tpu.memory_space<vmem>> -> memref<80x128xf32, #tpu.memory_space<vmem>>
        %dma_start3A_196 = arith.constant 0 : i32
        %dma_start3A_197 = tpu.memref_slice %arg2[%add3A_168, %dma_start3A_196] : memref<161280x128xf32, #tpu.memory_space<hbm>> -> memref<80x128xf32, #tpu.memory_space<hbm>>
        %dma_start3A_198 = tpu.memref_slice %arg13[%rem3A_160] : memref<4x!tpu.dma_semaphore, #tpu.memory_space<semaphore_mem>> -> memref<1x!tpu.dma_semaphore, #tpu.memory_space<semaphore_mem>>
        %dma_start3A_199 = tpu.memref_squeeze %dma_start3A_198 : memref<1x!tpu.dma_semaphore, #tpu.memory_space<semaphore_mem>> -> memref<!tpu.dma_semaphore, #tpu.memory_space<semaphore_mem>>
        %dma_start3A_200 = arith.constant 0 : i32
        %dma_start3A_201 = arith.constant 0 : i32
        %dma_start3A_202 = tpu.memref_slice %arg9[%rem3A_160, %dma_start3A_200, %dma_start3A_201] : memref<4x80x128xf32, #tpu.memory_space<vmem>> -> memref<1x80x128xf32, #tpu.memory_space<vmem>>
        %dma_start3A_203 = tpu.memref_squeeze %dma_start3A_202 : memref<1x80x128xf32, #tpu.memory_space<vmem>> -> memref<80x128xf32, #tpu.memory_space<vmem>>
        %dma_start3A_204 = arith.constant 0 : i32
        %dma_start3A_205 = tpu.memref_slice %arg2[%add3A_168, %dma_start3A_204] : memref<161280x128xf32, #tpu.memory_space<hbm>> -> memref<80x128xf32, #tpu.memory_space<hbm>>
        tpu.enqueue_dma source(%dma_start3A_205 : memref<80x128xf32, #tpu.memory_space<hbm>>) target(%dma_start3A_203 : memref<80x128xf32, #tpu.memory_space<vmem>>) target_semaphore(%dma_start3A_199 : memref<!tpu.dma_semaphore, #tpu.memory_space<semaphore_mem>>)
      } else {
      }
      %sub3A = arith.constant 3 : i32
      %sub3A_155 = arith.subi %add3A_149, %sub3A : i32
      %ge3A = arith.constant 0 : i32
      %ge3A_156 = arith.cmpi sge, %sub3A_155, %ge3A : i32
      %convert_element_type3A_157 = arith.extui %ge3A_156 : i1 to i32
      %cond3A_158 = arith.constant 0 : i32
      %cond3A_159 = arith.cmpi ne, %convert_element_type3A_157, %cond3A_158 : i32
      scf.if %cond3A_159 {
        %rem3A = arith.constant 4 : i32
        %rem3A_160 = arith.remsi %sub3A_155, %rem3A : i32
        %dma_wait3A_161 = arith.constant 0 : i32
        %dma_wait3A_162 = tpu.memref_slice %arg7[%rem3A_160, %dma_wait3A_161] : memref<4x80xi32, #tpu.memory_space<vmem>> -> memref<1x80xi32, #tpu.memory_space<vmem>>
        %dma_wait3A_163 = tpu.memref_squeeze %dma_wait3A_162 : memref<1x80xi32, #tpu.memory_space<vmem>> -> memref<80xi32, #tpu.memory_space<vmem>>
        %dma_wait3A_164 = tpu.memref_slice %arg3[%mul3A_4] : memref<320000xi32, #tpu.memory_space<hbm>> -> memref<80xi32, #tpu.memory_space<hbm>>
        %dma_wait3A_165 = tpu.memref_slice %arg11[%rem3A_160] : memref<4x!tpu.dma_semaphore, #tpu.memory_space<semaphore_mem>> -> memref<1x!tpu.dma_semaphore, #tpu.memory_space<semaphore_mem>>
        %dma_wait3A_166 = tpu.memref_squeeze %dma_wait3A_165 : memref<1x!tpu.dma_semaphore, #tpu.memory_space<semaphore_mem>> -> memref<!tpu.dma_semaphore, #tpu.memory_space<semaphore_mem>>
        %dma_wait3A_167 = arith.constant 0 : i32
        %dma_wait3A_168 = tpu.memref_slice %arg7[%rem3A_160, %dma_wait3A_167] : memref<4x80xi32, #tpu.memory_space<vmem>> -> memref<1x80xi32, #tpu.memory_space<vmem>>
        %dma_wait3A_169 = tpu.memref_squeeze %dma_wait3A_168 : memref<1x80xi32, #tpu.memory_space<vmem>> -> memref<80xi32, #tpu.memory_space<vmem>>
        %dma_wait3A_170 = tpu.memref_slice %arg3[%mul3A_4] : memref<320000xi32, #tpu.memory_space<hbm>> -> memref<80xi32, #tpu.memory_space<hbm>>
        tpu.wait_dma2 semaphore(%dma_wait3A_166 : memref<!tpu.dma_semaphore, #tpu.memory_space<semaphore_mem>>) src(%dma_wait3A_170 : memref<80xi32, #tpu.memory_space<hbm>>) dst(%dma_wait3A_169 : memref<80xi32, #tpu.memory_space<vmem>>)
        %dma_wait3A_171 = arith.constant 0 : i32
        %dma_wait3A_172 = tpu.memref_slice %arg8[%rem3A_160, %dma_wait3A_171] : memref<4x80xi32, #tpu.memory_space<vmem>> -> memref<1x80xi32, #tpu.memory_space<vmem>>
        %dma_wait3A_173 = tpu.memref_squeeze %dma_wait3A_172 : memref<1x80xi32, #tpu.memory_space<vmem>> -> memref<80xi32, #tpu.memory_space<vmem>>
        %dma_wait3A_174 = tpu.memref_slice %arg4[%mul3A_4] : memref<320000xi32, #tpu.memory_space<hbm>> -> memref<80xi32, #tpu.memory_space<hbm>>
        %dma_wait3A_175 = tpu.memref_slice %arg12[%rem3A_160] : memref<4x!tpu.dma_semaphore, #tpu.memory_space<semaphore_mem>> -> memref<1x!tpu.dma_semaphore, #tpu.memory_space<semaphore_mem>>
        %dma_wait3A_176 = tpu.memref_squeeze %dma_wait3A_175 : memref<1x!tpu.dma_semaphore, #tpu.memory_space<semaphore_mem>> -> memref<!tpu.dma_semaphore, #tpu.memory_space<semaphore_mem>>
        %dma_wait3A_177 = arith.constant 0 : i32
        %dma_wait3A_178 = tpu.memref_slice %arg8[%rem3A_160, %dma_wait3A_177] : memref<4x80xi32, #tpu.memory_space<vmem>> -> memref<1x80xi32, #tpu.memory_space<vmem>>
        %dma_wait3A_179 = tpu.memref_squeeze %dma_wait3A_178 : memref<1x80xi32, #tpu.memory_space<vmem>> -> memref<80xi32, #tpu.memory_space<vmem>>
        %dma_wait3A_180 = tpu.memref_slice %arg4[%mul3A_4] : memref<320000xi32, #tpu.memory_space<hbm>> -> memref<80xi32, #tpu.memory_space<hbm>>
        tpu.wait_dma2 semaphore(%dma_wait3A_176 : memref<!tpu.dma_semaphore, #tpu.memory_space<semaphore_mem>>) src(%dma_wait3A_180 : memref<80xi32, #tpu.memory_space<hbm>>) dst(%dma_wait3A_179 : memref<80xi32, #tpu.memory_space<vmem>>)
        %dma_wait3A_181 = arith.constant 0 : i32
        %dma_wait3A_182 = arith.constant 0 : i32
        %dma_wait3A_183 = tpu.memref_slice %arg9[%rem3A_160, %dma_wait3A_181, %dma_wait3A_182] : memref<4x80x128xf32, #tpu.memory_space<vmem>> -> memref<1x80x128xf32, #tpu.memory_space<vmem>>
        %dma_wait3A_184 = tpu.memref_squeeze %dma_wait3A_183 : memref<1x80x128xf32, #tpu.memory_space<vmem>> -> memref<80x128xf32, #tpu.memory_space<vmem>>
        %dma_wait3A_185 = arith.constant 0 : i32
        %dma_wait3A_186 = tpu.memref_slice %arg2[%mul3A_4, %dma_wait3A_185] : memref<161280x128xf32, #tpu.memory_space<hbm>> -> memref<80x128xf32, #tpu.memory_space<hbm>>
        %dma_wait3A_187 = tpu.memref_slice %arg13[%rem3A_160] : memref<4x!tpu.dma_semaphore, #tpu.memory_space<semaphore_mem>> -> memref<1x!tpu.dma_semaphore, #tpu.memory_space<semaphore_mem>>
        %dma_wait3A_188 = tpu.memref_squeeze %dma_wait3A_187 : memref<1x!tpu.dma_semaphore, #tpu.memory_space<semaphore_mem>> -> memref<!tpu.dma_semaphore, #tpu.memory_space<semaphore_mem>>
        %dma_wait3A_189 = arith.constant 0 : i32
        %dma_wait3A_190 = arith.constant 0 : i32
        %dma_wait3A_191 = tpu.memref_slice %arg9[%rem3A_160, %dma_wait3A_189, %dma_wait3A_190] : memref<4x80x128xf32, #tpu.memory_space<vmem>> -> memref<1x80x128xf32, #tpu.memory_space<vmem>>
        %dma_wait3A_192 = tpu.memref_squeeze %dma_wait3A_191 : memref<1x80x128xf32, #tpu.memory_space<vmem>> -> memref<80x128xf32, #tpu.memory_space<vmem>>
        %dma_wait3A_193 = arith.constant 0 : i32
        %dma_wait3A_194 = tpu.memref_slice %arg2[%mul3A_4, %dma_wait3A_193] : memref<161280x128xf32, #tpu.memory_space<hbm>> -> memref<80x128xf32, #tpu.memory_space<hbm>>
        tpu.wait_dma2 semaphore(%dma_wait3A_188 : memref<!tpu.dma_semaphore, #tpu.memory_space<semaphore_mem>>) src(%dma_wait3A_194 : memref<80x128xf32, #tpu.memory_space<hbm>>) dst(%dma_wait3A_192 : memref<80x128xf32, #tpu.memory_space<vmem>>)
        %dma_start3A = arith.constant 0 : i32
        %dma_start3A_195 = arith.constant 0 : i32
        %dma_start3A_196 = tpu.memref_slice %arg9[%rem3A_160, %dma_start3A, %dma_start3A_195] : memref<4x80x128xf32, #tpu.memory_space<vmem>> -> memref<1x80x128xf32, #tpu.memory_space<vmem>>
        %dma_start3A_197 = tpu.memref_squeeze %dma_start3A_196 : memref<1x80x128xf32, #tpu.memory_space<vmem>> -> memref<80x128xf32, #tpu.memory_space<vmem>>
        %dma_start3A_198 = arith.constant 0 : i32
        %dma_start3A_199 = tpu.memref_slice %arg7[%rem3A_160, %dma_start3A_198] : memref<4x80xi32, #tpu.memory_space<vmem>> -> memref<1x80xi32, #tpu.memory_space<vmem>>
        %dma_start3A_200 = tpu.memref_squeeze %dma_start3A_199 : memref<1x80xi32, #tpu.memory_space<vmem>> -> memref<80xi32, #tpu.memory_space<vmem>>
        %dma_start3A_201 = arith.constant 0 : i32
        %dma_start3A_202 = arith.constant 0 : i32
        %dma_start3A_203 = tpu.memref_slice %arg10[%dma_start3A_201, %dma_start3A_202] : memref<10000x128xf32, #tpu.memory_space<vmem_shared>> -> memref<10000x128xf32, #tpu.memory_space<vmem_shared>>
        %dma_start3A_204 = tpu.memref_slice %arg14[%rem3A_160] : memref<4x!tpu.dma_semaphore, #tpu.memory_space<semaphore_mem>> -> memref<1x!tpu.dma_semaphore, #tpu.memory_space<semaphore_mem>>
        %dma_start3A_205 = tpu.memref_squeeze %dma_start3A_204 : memref<1x!tpu.dma_semaphore, #tpu.memory_space<semaphore_mem>> -> memref<!tpu.dma_semaphore, #tpu.memory_space<semaphore_mem>>
        tpu.enqueue_indirect_dma source(%dma_start3A_197 : memref<80x128xf32, #tpu.memory_space<vmem>>) target(%dma_start3A_203 : memref<10000x128xf32, #tpu.memory_space<vmem_shared>>) offsets(%dma_start3A_200 : memref<80xi32, #tpu.memory_space<vmem>>) semaphore(%dma_start3A_205 : memref<!tpu.dma_semaphore, #tpu.memory_space<semaphore_mem>>) {add = true}
        %dma_start3A_206 = arith.constant 0 : i32
        %dma_start3A_207 = arith.constant 0 : i32
        %dma_start3A_208 = tpu.memref_slice %arg9[%rem3A_160, %dma_start3A_206, %dma_start3A_207] : memref<4x80x128xf32, #tpu.memory_space<vmem>> -> memref<1x80x128xf32, #tpu.memory_space<vmem>>
        %dma_start3A_209 = tpu.memref_squeeze %dma_start3A_208 : memref<1x80x128xf32, #tpu.memory_space<vmem>> -> memref<80x128xf32, #tpu.memory_space<vmem>>
        %dma_start3A_210 = arith.constant 0 : i32
        %dma_start3A_211 = tpu.memref_slice %arg8[%rem3A_160, %dma_start3A_210] : memref<4x80xi32, #tpu.memory_space<vmem>> -> memref<1x80xi32, #tpu.memory_space<vmem>>
        %dma_start3A_212 = tpu.memref_squeeze %dma_start3A_211 : memref<1x80xi32, #tpu.memory_space<vmem>> -> memref<80xi32, #tpu.memory_space<vmem>>
        %dma_start3A_213 = arith.constant 0 : i32
        %dma_start3A_214 = arith.constant 0 : i32
        %dma_start3A_215 = tpu.memref_slice %arg10[%dma_start3A_213, %dma_start3A_214] : memref<10000x128xf32, #tpu.memory_space<vmem_shared>> -> memref<10000x128xf32, #tpu.memory_space<vmem_shared>>
        %dma_start3A_216 = tpu.memref_slice %arg15[%rem3A_160] : memref<4x!tpu.dma_semaphore, #tpu.memory_space<semaphore_mem>> -> memref<1x!tpu.dma_semaphore, #tpu.memory_space<semaphore_mem>>
        %dma_start3A_217 = tpu.memref_squeeze %dma_start3A_216 : memref<1x!tpu.dma_semaphore, #tpu.memory_space<semaphore_mem>> -> memref<!tpu.dma_semaphore, #tpu.memory_space<semaphore_mem>>
        tpu.enqueue_indirect_dma source(%dma_start3A_209 : memref<80x128xf32, #tpu.memory_space<vmem>>) target(%dma_start3A_215 : memref<10000x128xf32, #tpu.memory_space<vmem_shared>>) offsets(%dma_start3A_212 : memref<80xi32, #tpu.memory_space<vmem>>) semaphore(%dma_start3A_217 : memref<!tpu.dma_semaphore, #tpu.memory_space<semaphore_mem>>) {add = true}
      } else {
      }
    }
    %scan3A_14 = arith.constant 66 : i32
    %dma_wait3A = arith.constant 0 : i32
    %dma_wait3A_15 = arith.constant 0 : i32
    %dma_wait3A_16 = arith.constant 0 : i32
    %dma_wait3A_17 = arith.constant 0 : i32
    %dma_wait3A_18 = arith.constant 0 : i32
    %dma_wait3A_19 = tpu.memref_slice %arg9[%dma_wait3A, %dma_wait3A_17, %dma_wait3A_18] : memref<4x80x128xf32, #tpu.memory_space<vmem>> -> memref<1x80x128xf32, #tpu.memory_space<vmem>>
    %dma_wait3A_20 = tpu.memref_squeeze %dma_wait3A_19 : memref<1x80x128xf32, #tpu.memory_space<vmem>> -> memref<80x128xf32, #tpu.memory_space<vmem>>
    %dma_wait3A_21 = arith.constant 0 : i32
    %dma_wait3A_22 = tpu.memref_slice %arg7[%dma_wait3A_15, %dma_wait3A_21] : memref<4x80xi32, #tpu.memory_space<vmem>> -> memref<1x80xi32, #tpu.memory_space<vmem>>
    %dma_wait3A_23 = tpu.memref_squeeze %dma_wait3A_22 : memref<1x80xi32, #tpu.memory_space<vmem>> -> memref<80xi32, #tpu.memory_space<vmem>>
    %dma_wait3A_24 = arith.constant 0 : i32
    %dma_wait3A_25 = arith.constant 0 : i32
    %dma_wait3A_26 = tpu.memref_slice %arg10[%dma_wait3A_24, %dma_wait3A_25] : memref<10000x128xf32, #tpu.memory_space<vmem_shared>> -> memref<10000x128xf32, #tpu.memory_space<vmem_shared>>
    %dma_wait3A_27 = tpu.memref_slice %arg14[%dma_wait3A_16] : memref<4x!tpu.dma_semaphore, #tpu.memory_space<semaphore_mem>> -> memref<1x!tpu.dma_semaphore, #tpu.memory_space<semaphore_mem>>
    %dma_wait3A_28 = tpu.memref_squeeze %dma_wait3A_27 : memref<1x!tpu.dma_semaphore, #tpu.memory_space<semaphore_mem>> -> memref<!tpu.dma_semaphore, #tpu.memory_space<semaphore_mem>>
    tpu.wait_indirect_dma semaphore(%dma_wait3A_28 : memref<!tpu.dma_semaphore, #tpu.memory_space<semaphore_mem>>) src(%dma_wait3A_20 : memref<80x128xf32, #tpu.memory_space<vmem>>) dst(%dma_wait3A_26 : memref<10000x128xf32, #tpu.memory_space<vmem_shared>>)
    %dma_wait3A_29 = arith.constant 0 : i32
    %dma_wait3A_30 = arith.constant 0 : i32
    %dma_wait3A_31 = arith.constant 0 : i32
    %dma_wait3A_32 = arith.constant 0 : i32
    %dma_wait3A_33 = arith.constant 0 : i32
    %dma_wait3A_34 = tpu.memref_slice %arg9[%dma_wait3A_29, %dma_wait3A_32, %dma_wait3A_33] : memref<4x80x128xf32, #tpu.memory_space<vmem>> -> memref<1x80x128xf32, #tpu.memory_space<vmem>>
    %dma_wait3A_35 = tpu.memref_squeeze %dma_wait3A_34 : memref<1x80x128xf32, #tpu.memory_space<vmem>> -> memref<80x128xf32, #tpu.memory_space<vmem>>
    %dma_wait3A_36 = arith.constant 0 : i32
    %dma_wait3A_37 = tpu.memref_slice %arg8[%dma_wait3A_30, %dma_wait3A_36] : memref<4x80xi32, #tpu.memory_space<vmem>> -> memref<1x80xi32, #tpu.memory_space<vmem>>
    %dma_wait3A_38 = tpu.memref_squeeze %dma_wait3A_37 : memref<1x80xi32, #tpu.memory_space<vmem>> -> memref<80xi32, #tpu.memory_space<vmem>>
    %dma_wait3A_39 = arith.constant 0 : i32
    %dma_wait3A_40 = arith.constant 0 : i32
    %dma_wait3A_41 = tpu.memref_slice %arg10[%dma_wait3A_39, %dma_wait3A_40] : memref<10000x128xf32, #tpu.memory_space<vmem_shared>> -> memref<10000x128xf32, #tpu.memory_space<vmem_shared>>
    %dma_wait3A_42 = tpu.memref_slice %arg15[%dma_wait3A_31] : memref<4x!tpu.dma_semaphore, #tpu.memory_space<semaphore_mem>> -> memref<1x!tpu.dma_semaphore, #tpu.memory_space<semaphore_mem>>
    %dma_wait3A_43 = tpu.memref_squeeze %dma_wait3A_42 : memref<1x!tpu.dma_semaphore, #tpu.memory_space<semaphore_mem>> -> memref<!tpu.dma_semaphore, #tpu.memory_space<semaphore_mem>>
    tpu.wait_indirect_dma semaphore(%dma_wait3A_43 : memref<!tpu.dma_semaphore, #tpu.memory_space<semaphore_mem>>) src(%dma_wait3A_35 : memref<80x128xf32, #tpu.memory_space<vmem>>) dst(%dma_wait3A_41 : memref<10000x128xf32, #tpu.memory_space<vmem_shared>>)
    %dma_wait3A_44 = arith.constant 1 : i32
    %dma_wait3A_45 = arith.constant 1 : i32
    %dma_wait3A_46 = arith.constant 1 : i32
    %dma_wait3A_47 = arith.constant 0 : i32
    %dma_wait3A_48 = arith.constant 0 : i32
    %dma_wait3A_49 = tpu.memref_slice %arg9[%dma_wait3A_44, %dma_wait3A_47, %dma_wait3A_48] : memref<4x80x128xf32, #tpu.memory_space<vmem>> -> memref<1x80x128xf32, #tpu.memory_space<vmem>>
    %dma_wait3A_50 = tpu.memref_squeeze %dma_wait3A_49 : memref<1x80x128xf32, #tpu.memory_space<vmem>> -> memref<80x128xf32, #tpu.memory_space<vmem>>
    %dma_wait3A_51 = arith.constant 0 : i32
    %dma_wait3A_52 = tpu.memref_slice %arg7[%dma_wait3A_45, %dma_wait3A_51] : memref<4x80xi32, #tpu.memory_space<vmem>> -> memref<1x80xi32, #tpu.memory_space<vmem>>
    %dma_wait3A_53 = tpu.memref_squeeze %dma_wait3A_52 : memref<1x80xi32, #tpu.memory_space<vmem>> -> memref<80xi32, #tpu.memory_space<vmem>>
    %dma_wait3A_54 = arith.constant 0 : i32
    %dma_wait3A_55 = arith.constant 0 : i32
    %dma_wait3A_56 = tpu.memref_slice %arg10[%dma_wait3A_54, %dma_wait3A_55] : memref<10000x128xf32, #tpu.memory_space<vmem_shared>> -> memref<10000x128xf32, #tpu.memory_space<vmem_shared>>
    %dma_wait3A_57 = tpu.memref_slice %arg14[%dma_wait3A_46] : memref<4x!tpu.dma_semaphore, #tpu.memory_space<semaphore_mem>> -> memref<1x!tpu.dma_semaphore, #tpu.memory_space<semaphore_mem>>
    %dma_wait3A_58 = tpu.memref_squeeze %dma_wait3A_57 : memref<1x!tpu.dma_semaphore, #tpu.memory_space<semaphore_mem>> -> memref<!tpu.dma_semaphore, #tpu.memory_space<semaphore_mem>>
    tpu.wait_indirect_dma semaphore(%dma_wait3A_58 : memref<!tpu.dma_semaphore, #tpu.memory_space<semaphore_mem>>) src(%dma_wait3A_50 : memref<80x128xf32, #tpu.memory_space<vmem>>) dst(%dma_wait3A_56 : memref<10000x128xf32, #tpu.memory_space<vmem_shared>>)
    %dma_wait3A_59 = arith.constant 1 : i32
    %dma_wait3A_60 = arith.constant 1 : i32
    %dma_wait3A_61 = arith.constant 1 : i32
    %dma_wait3A_62 = arith.constant 0 : i32
    %dma_wait3A_63 = arith.constant 0 : i32
    %dma_wait3A_64 = tpu.memref_slice %arg9[%dma_wait3A_59, %dma_wait3A_62, %dma_wait3A_63] : memref<4x80x128xf32, #tpu.memory_space<vmem>> -> memref<1x80x128xf32, #tpu.memory_space<vmem>>
    %dma_wait3A_65 = tpu.memref_squeeze %dma_wait3A_64 : memref<1x80x128xf32, #tpu.memory_space<vmem>> -> memref<80x128xf32, #tpu.memory_space<vmem>>
    %dma_wait3A_66 = arith.constant 0 : i32
    %dma_wait3A_67 = tpu.memref_slice %arg8[%dma_wait3A_60, %dma_wait3A_66] : memref<4x80xi32, #tpu.memory_space<vmem>> -> memref<1x80xi32, #tpu.memory_space<vmem>>
    %dma_wait3A_68 = tpu.memref_squeeze %dma_wait3A_67 : memref<1x80xi32, #tpu.memory_space<vmem>> -> memref<80xi32, #tpu.memory_space<vmem>>
    %dma_wait3A_69 = arith.constant 0 : i32
    %dma_wait3A_70 = arith.constant 0 : i32
    %dma_wait3A_71 = tpu.memref_slice %arg10[%dma_wait3A_69, %dma_wait3A_70] : memref<10000x128xf32, #tpu.memory_space<vmem_shared>> -> memref<10000x128xf32, #tpu.memory_space<vmem_shared>>
    %dma_wait3A_72 = tpu.memref_slice %arg15[%dma_wait3A_61] : memref<4x!tpu.dma_semaphore, #tpu.memory_space<semaphore_mem>> -> memref<1x!tpu.dma_semaphore, #tpu.memory_space<semaphore_mem>>
    %dma_wait3A_73 = tpu.memref_squeeze %dma_wait3A_72 : memref<1x!tpu.dma_semaphore, #tpu.memory_space<semaphore_mem>> -> memref<!tpu.dma_semaphore, #tpu.memory_space<semaphore_mem>>
    tpu.wait_indirect_dma semaphore(%dma_wait3A_73 : memref<!tpu.dma_semaphore, #tpu.memory_space<semaphore_mem>>) src(%dma_wait3A_65 : memref<80x128xf32, #tpu.memory_space<vmem>>) dst(%dma_wait3A_71 : memref<10000x128xf32, #tpu.memory_space<vmem_shared>>)
    %dma_wait3A_74 = arith.constant 2 : i32
    %dma_wait3A_75 = arith.constant 2 : i32
    %dma_wait3A_76 = arith.constant 2 : i32
    %dma_wait3A_77 = arith.constant 0 : i32
    %dma_wait3A_78 = arith.constant 0 : i32
    %dma_wait3A_79 = tpu.memref_slice %arg9[%dma_wait3A_74, %dma_wait3A_77, %dma_wait3A_78] : memref<4x80x128xf32, #tpu.memory_space<vmem>> -> memref<1x80x128xf32, #tpu.memory_space<vmem>>
    %dma_wait3A_80 = tpu.memref_squeeze %dma_wait3A_79 : memref<1x80x128xf32, #tpu.memory_space<vmem>> -> memref<80x128xf32, #tpu.memory_space<vmem>>
    %dma_wait3A_81 = arith.constant 0 : i32
    %dma_wait3A_82 = tpu.memref_slice %arg7[%dma_wait3A_75, %dma_wait3A_81] : memref<4x80xi32, #tpu.memory_space<vmem>> -> memref<1x80xi32, #tpu.memory_space<vmem>>
    %dma_wait3A_83 = tpu.memref_squeeze %dma_wait3A_82 : memref<1x80xi32, #tpu.memory_space<vmem>> -> memref<80xi32, #tpu.memory_space<vmem>>
    %dma_wait3A_84 = arith.constant 0 : i32
    %dma_wait3A_85 = arith.constant 0 : i32
    %dma_wait3A_86 = tpu.memref_slice %arg10[%dma_wait3A_84, %dma_wait3A_85] : memref<10000x128xf32, #tpu.memory_space<vmem_shared>> -> memref<10000x128xf32, #tpu.memory_space<vmem_shared>>
    %dma_wait3A_87 = tpu.memref_slice %arg14[%dma_wait3A_76] : memref<4x!tpu.dma_semaphore, #tpu.memory_space<semaphore_mem>> -> memref<1x!tpu.dma_semaphore, #tpu.memory_space<semaphore_mem>>
    %dma_wait3A_88 = tpu.memref_squeeze %dma_wait3A_87 : memref<1x!tpu.dma_semaphore, #tpu.memory_space<semaphore_mem>> -> memref<!tpu.dma_semaphore, #tpu.memory_space<semaphore_mem>>
    tpu.wait_indirect_dma semaphore(%dma_wait3A_88 : memref<!tpu.dma_semaphore, #tpu.memory_space<semaphore_mem>>) src(%dma_wait3A_80 : memref<80x128xf32, #tpu.memory_space<vmem>>) dst(%dma_wait3A_86 : memref<10000x128xf32, #tpu.memory_space<vmem_shared>>)
    %dma_wait3A_89 = arith.constant 2 : i32
    %dma_wait3A_90 = arith.constant 2 : i32
    %dma_wait3A_91 = arith.constant 2 : i32
    %dma_wait3A_92 = arith.constant 0 : i32
    %dma_wait3A_93 = arith.constant 0 : i32
    %dma_wait3A_94 = tpu.memref_slice %arg9[%dma_wait3A_89, %dma_wait3A_92, %dma_wait3A_93] : memref<4x80x128xf32, #tpu.memory_space<vmem>> -> memref<1x80x128xf32, #tpu.memory_space<vmem>>
    %dma_wait3A_95 = tpu.memref_squeeze %dma_wait3A_94 : memref<1x80x128xf32, #tpu.memory_space<vmem>> -> memref<80x128xf32, #tpu.memory_space<vmem>>
    %dma_wait3A_96 = arith.constant 0 : i32
    %dma_wait3A_97 = tpu.memref_slice %arg8[%dma_wait3A_90, %dma_wait3A_96] : memref<4x80xi32, #tpu.memory_space<vmem>> -> memref<1x80xi32, #tpu.memory_space<vmem>>
    %dma_wait3A_98 = tpu.memref_squeeze %dma_wait3A_97 : memref<1x80xi32, #tpu.memory_space<vmem>> -> memref<80xi32, #tpu.memory_space<vmem>>
    %dma_wait3A_99 = arith.constant 0 : i32
    %dma_wait3A_100 = arith.constant 0 : i32
    %dma_wait3A_101 = tpu.memref_slice %arg10[%dma_wait3A_99, %dma_wait3A_100] : memref<10000x128xf32, #tpu.memory_space<vmem_shared>> -> memref<10000x128xf32, #tpu.memory_space<vmem_shared>>
    %dma_wait3A_102 = tpu.memref_slice %arg15[%dma_wait3A_91] : memref<4x!tpu.dma_semaphore, #tpu.memory_space<semaphore_mem>> -> memref<1x!tpu.dma_semaphore, #tpu.memory_space<semaphore_mem>>
    %dma_wait3A_103 = tpu.memref_squeeze %dma_wait3A_102 : memref<1x!tpu.dma_semaphore, #tpu.memory_space<semaphore_mem>> -> memref<!tpu.dma_semaphore, #tpu.memory_space<semaphore_mem>>
    tpu.wait_indirect_dma semaphore(%dma_wait3A_103 : memref<!tpu.dma_semaphore, #tpu.memory_space<semaphore_mem>>) src(%dma_wait3A_95 : memref<80x128xf32, #tpu.memory_space<vmem>>) dst(%dma_wait3A_101 : memref<10000x128xf32, #tpu.memory_space<vmem_shared>>)
    %dma_wait3A_104 = arith.constant 3 : i32
    %dma_wait3A_105 = arith.constant 3 : i32
    %dma_wait3A_106 = arith.constant 3 : i32
    %dma_wait3A_107 = arith.constant 0 : i32
    %dma_wait3A_108 = arith.constant 0 : i32
    %dma_wait3A_109 = tpu.memref_slice %arg9[%dma_wait3A_104, %dma_wait3A_107, %dma_wait3A_108] : memref<4x80x128xf32, #tpu.memory_space<vmem>> -> memref<1x80x128xf32, #tpu.memory_space<vmem>>
    %dma_wait3A_110 = tpu.memref_squeeze %dma_wait3A_109 : memref<1x80x128xf32, #tpu.memory_space<vmem>> -> memref<80x128xf32, #tpu.memory_space<vmem>>
    %dma_wait3A_111 = arith.constant 0 : i32
    %dma_wait3A_112 = tpu.memref_slice %arg7[%dma_wait3A_105, %dma_wait3A_111] : memref<4x80xi32, #tpu.memory_space<vmem>> -> memref<1x80xi32, #tpu.memory_space<vmem>>
    %dma_wait3A_113 = tpu.memref_squeeze %dma_wait3A_112 : memref<1x80xi32, #tpu.memory_space<vmem>> -> memref<80xi32, #tpu.memory_space<vmem>>
    %dma_wait3A_114 = arith.constant 0 : i32
    %dma_wait3A_115 = arith.constant 0 : i32
    %dma_wait3A_116 = tpu.memref_slice %arg10[%dma_wait3A_114, %dma_wait3A_115] : memref<10000x128xf32, #tpu.memory_space<vmem_shared>> -> memref<10000x128xf32, #tpu.memory_space<vmem_shared>>
    %dma_wait3A_117 = tpu.memref_slice %arg14[%dma_wait3A_106] : memref<4x!tpu.dma_semaphore, #tpu.memory_space<semaphore_mem>> -> memref<1x!tpu.dma_semaphore, #tpu.memory_space<semaphore_mem>>
    %dma_wait3A_118 = tpu.memref_squeeze %dma_wait3A_117 : memref<1x!tpu.dma_semaphore, #tpu.memory_space<semaphore_mem>> -> memref<!tpu.dma_semaphore, #tpu.memory_space<semaphore_mem>>
    tpu.wait_indirect_dma semaphore(%dma_wait3A_118 : memref<!tpu.dma_semaphore, #tpu.memory_space<semaphore_mem>>) src(%dma_wait3A_110 : memref<80x128xf32, #tpu.memory_space<vmem>>) dst(%dma_wait3A_116 : memref<10000x128xf32, #tpu.memory_space<vmem_shared>>)
    %dma_wait3A_119 = arith.constant 3 : i32
    %dma_wait3A_120 = arith.constant 3 : i32
    %dma_wait3A_121 = arith.constant 3 : i32
    %dma_wait3A_122 = arith.constant 0 : i32
    %dma_wait3A_123 = arith.constant 0 : i32
    %dma_wait3A_124 = tpu.memref_slice %arg9[%dma_wait3A_119, %dma_wait3A_122, %dma_wait3A_123] : memref<4x80x128xf32, #tpu.memory_space<vmem>> -> memref<1x80x128xf32, #tpu.memory_space<vmem>>
    %dma_wait3A_125 = tpu.memref_squeeze %dma_wait3A_124 : memref<1x80x128xf32, #tpu.memory_space<vmem>> -> memref<80x128xf32, #tpu.memory_space<vmem>>
    %dma_wait3A_126 = arith.constant 0 : i32
    %dma_wait3A_127 = tpu.memref_slice %arg8[%dma_wait3A_120, %dma_wait3A_126] : memref<4x80xi32, #tpu.memory_space<vmem>> -> memref<1x80xi32, #tpu.memory_space<vmem>>
    %dma_wait3A_128 = tpu.memref_squeeze %dma_wait3A_127 : memref<1x80xi32, #tpu.memory_space<vmem>> -> memref<80xi32, #tpu.memory_space<vmem>>
    %dma_wait3A_129 = arith.constant 0 : i32
    %dma_wait3A_130 = arith.constant 0 : i32
    %dma_wait3A_131 = tpu.memref_slice %arg10[%dma_wait3A_129, %dma_wait3A_130] : memref<10000x128xf32, #tpu.memory_space<vmem_shared>> -> memref<10000x128xf32, #tpu.memory_space<vmem_shared>>
    %dma_wait3A_132 = tpu.memref_slice %arg15[%dma_wait3A_121] : memref<4x!tpu.dma_semaphore, #tpu.memory_space<semaphore_mem>> -> memref<1x!tpu.dma_semaphore, #tpu.memory_space<semaphore_mem>>
    %dma_wait3A_133 = tpu.memref_squeeze %dma_wait3A_132 : memref<1x!tpu.dma_semaphore, #tpu.memory_space<semaphore_mem>> -> memref<!tpu.dma_semaphore, #tpu.memory_space<semaphore_mem>>
    tpu.wait_indirect_dma semaphore(%dma_wait3A_133 : memref<!tpu.dma_semaphore, #tpu.memory_space<semaphore_mem>>) src(%dma_wait3A_125 : memref<80x128xf32, #tpu.memory_space<vmem>>) dst(%dma_wait3A_131 : memref<10000x128xf32, #tpu.memory_space<vmem_shared>>)
    %barrier3A_134 = arith.constant 0 : index
    tpu.barrier barrier_id(%barrier3A_134)
    %lt3A_135 = arith.constant 15 : i32
    %lt3A_136 = arith.cmpi slt, %arg1, %lt3A_135 : i32
    %convert_element_type3A_137 = arith.extui %lt3A_136 : i1 to i32
    %cond3A_138 = arith.constant 0 : i32
    %cond3A_139 = arith.cmpi ne, %convert_element_type3A_137, %cond3A_138 : i32
    scf.if %cond3A_139 {
      %mul3A_145 = arith.constant 624 : i32
      %mul3A_146 = arith.muli %arg1, %mul3A_145 : i32
      %mul3A_147 = arith.constant 624 : i32
      %mul3A_148 = arith.muli %arg1, %mul3A_147 : i32
      "tpu.region"() ({
        %run_scoped3A = tpu.sem_alloc : memref<!tpu.dma_semaphore, #tpu.memory_space<semaphore_mem>>
        %dma_start3A = arith.constant 0 : i32
        %dma_start3A_149 = arith.constant 0 : i32
        %dma_start3A_150 = tpu.memref_slice %arg6[%arg0, %dma_start3A, %dma_start3A_149] : memref<2x10000x128xf32, #tpu.memory_space<hbm>> -> memref<1x10000x128xf32, #tpu.memory_space<hbm>>
        %dma_start3A_151 = tpu.memref_squeeze %dma_start3A_150 : memref<1x10000x128xf32, #tpu.memory_space<hbm>> -> memref<10000x128xf32, #tpu.memory_space<hbm>>
        %dma_start3A_152 = arith.constant 0 : i32
        %dma_start3A_153 = tpu.memref_slice %dma_start3A_151[%mul3A_148, %dma_start3A_152] : memref<10000x128xf32, #tpu.memory_space<hbm>> -> memref<624x128xf32, #tpu.memory_space<hbm>>
        %dma_start3A_154 = arith.constant 0 : i32
        %dma_start3A_155 = tpu.memref_slice %arg10[%mul3A_146, %dma_start3A_154] : memref<10000x128xf32, #tpu.memory_space<vmem_shared>> -> memref<624x128xf32, #tpu.memory_space<vmem_shared>>
        tpu.enqueue_dma source(%dma_start3A_155 : memref<624x128xf32, #tpu.memory_space<vmem_shared>>) target(%dma_start3A_153 : memref<624x128xf32, #tpu.memory_space<hbm>>) target_semaphore(%run_scoped3A : memref<!tpu.dma_semaphore, #tpu.memory_space<semaphore_mem>>)
        %dma_wait3A_156 = arith.constant 0 : i32
        %dma_wait3A_157 = arith.constant 0 : i32
        %dma_wait3A_158 = tpu.memref_slice %arg6[%arg0, %dma_wait3A_156, %dma_wait3A_157] : memref<2x10000x128xf32, #tpu.memory_space<hbm>> -> memref<1x10000x128xf32, #tpu.memory_space<hbm>>
        %dma_wait3A_159 = tpu.memref_squeeze %dma_wait3A_158 : memref<1x10000x128xf32, #tpu.memory_space<hbm>> -> memref<10000x128xf32, #tpu.memory_space<hbm>>
        %dma_wait3A_160 = arith.constant 0 : i32
        %dma_wait3A_161 = tpu.memref_slice %dma_wait3A_159[%mul3A_148, %dma_wait3A_160] : memref<10000x128xf32, #tpu.memory_space<hbm>> -> memref<624x128xf32, #tpu.memory_space<hbm>>
        %dma_wait3A_162 = arith.constant 0 : i32
        %dma_wait3A_163 = tpu.memref_slice %arg10[%mul3A_146, %dma_wait3A_162] : memref<10000x128xf32, #tpu.memory_space<vmem_shared>> -> memref<624x128xf32, #tpu.memory_space<vmem_shared>>
        tpu.wait_dma2 semaphore(%run_scoped3A : memref<!tpu.dma_semaphore, #tpu.memory_space<semaphore_mem>>) src(%dma_wait3A_163 : memref<624x128xf32, #tpu.memory_space<vmem_shared>>) dst(%dma_wait3A_161 : memref<624x128xf32, #tpu.memory_space<hbm>>)
        tpu.yield
      }) : () -> ()
    } else {
    }
    %eq3A_140 = arith.constant 15 : i32
    %eq3A_141 = arith.cmpi eq, %arg1, %eq3A_140 : i32
    %convert_element_type3A_142 = arith.extui %eq3A_141 : i1 to i32
    %cond3A_143 = arith.constant 0 : i32
    %cond3A_144 = arith.cmpi ne, %convert_element_type3A_142, %cond3A_143 : i32
    scf.if %cond3A_144 {
      %mul3A_145 = arith.constant 624 : i32
      %mul3A_146 = arith.muli %arg1, %mul3A_145 : i32
      %mul3A_147 = arith.constant 624 : i32
      %mul3A_148 = arith.muli %arg1, %mul3A_147 : i32
      "tpu.region"() ({
        %run_scoped3A = tpu.sem_alloc : memref<!tpu.dma_semaphore, #tpu.memory_space<semaphore_mem>>
        %dma_start3A = arith.constant 0 : i32
        %dma_start3A_149 = arith.constant 0 : i32
        %dma_start3A_150 = tpu.memref_slice %arg6[%arg0, %dma_start3A, %dma_start3A_149] : memref<2x10000x128xf32, #tpu.memory_space<hbm>> -> memref<1x10000x128xf32, #tpu.memory_space<hbm>>
        %dma_start3A_151 = tpu.memref_squeeze %dma_start3A_150 : memref<1x10000x128xf32, #tpu.memory_space<hbm>> -> memref<10000x128xf32, #tpu.memory_space<hbm>>
        %dma_start3A_152 = arith.constant 0 : i32
        %dma_start3A_153 = tpu.memref_slice %dma_start3A_151[%mul3A_148, %dma_start3A_152] : memref<10000x128xf32, #tpu.memory_space<hbm>> -> memref<640x128xf32, #tpu.memory_space<hbm>>
        %dma_start3A_154 = arith.constant 0 : i32
        %dma_start3A_155 = tpu.memref_slice %arg10[%mul3A_146, %dma_start3A_154] : memref<10000x128xf32, #tpu.memory_space<vmem_shared>> -> memref<640x128xf32, #tpu.memory_space<vmem_shared>>
        tpu.enqueue_dma source(%dma_start3A_155 : memref<640x128xf32, #tpu.memory_space<vmem_shared>>) target(%dma_start3A_153 : memref<640x128xf32, #tpu.memory_space<hbm>>) target_semaphore(%run_scoped3A : memref<!tpu.dma_semaphore, #tpu.memory_space<semaphore_mem>>)
        %dma_wait3A_156 = arith.constant 0 : i32
        %dma_wait3A_157 = arith.constant 0 : i32
        %dma_wait3A_158 = tpu.memref_slice %arg6[%arg0, %dma_wait3A_156, %dma_wait3A_157] : memref<2x10000x128xf32, #tpu.memory_space<hbm>> -> memref<1x10000x128xf32, #tpu.memory_space<hbm>>
        %dma_wait3A_159 = tpu.memref_squeeze %dma_wait3A_158 : memref<1x10000x128xf32, #tpu.memory_space<hbm>> -> memref<10000x128xf32, #tpu.memory_space<hbm>>
        %dma_wait3A_160 = arith.constant 0 : i32
        %dma_wait3A_161 = tpu.memref_slice %dma_wait3A_159[%mul3A_148, %dma_wait3A_160] : memref<10000x128xf32, #tpu.memory_space<hbm>> -> memref<640x128xf32, #tpu.memory_space<hbm>>
        %dma_wait3A_162 = arith.constant 0 : i32
        %dma_wait3A_163 = tpu.memref_slice %arg10[%mul3A_146, %dma_wait3A_162] : memref<10000x128xf32, #tpu.memory_space<vmem_shared>> -> memref<640x128xf32, #tpu.memory_space<vmem_shared>>
        tpu.wait_dma2 semaphore(%run_scoped3A : memref<!tpu.dma_semaphore, #tpu.memory_space<semaphore_mem>>) src(%dma_wait3A_163 : memref<640x128xf32, #tpu.memory_space<vmem_shared>>) dst(%dma_wait3A_161 : memref<640x128xf32, #tpu.memory_space<hbm>>)
        tpu.yield
      }) : () -> ()
    } else {
    }
    return
  }
}

#map = affine_map<(d0, d1) -> (0, 0)>
#map1 = affine_map<(d0, d1) -> (0)>
#map2 = affine_map<(d0, d1) -> (0, 0, 0)>
module attributes {stable_mosaic.version = 14 : i64} {
  func.func @body(%arg0: i32, %arg1: i32, %arg2: memref<158720x128xf32, #tpu.memory_space<hbm>>, %arg3: memref<320000xi32, #tpu.memory_space<hbm>>, %arg4: memref<320000xi32, #tpu.memory_space<hbm>>, %arg5: memref<10000x128xf32, #tpu.memory_space<hbm>>, %arg6: memref<2x10000x128xf32, #tpu.memory_space<hbm>>, %arg7: memref<4x80xi32, #tpu.memory_space<vmem>>, %arg8: memref<4x80xi32, #tpu.memory_space<vmem>>, %arg9: memref<4x80x128xf32, #tpu.memory_space<vmem>>, %arg10: memref<10000x128xf32, #tpu.memory_space<vmem_shared>>, %arg11: memref<4x!tpu.dma_semaphore, #tpu.memory_space<semaphore_mem>>, %arg12: memref<4x!tpu.dma_semaphore, #tpu.memory_space<semaphore_mem>>, %arg13: memref<4x!tpu.dma_semaphore, #tpu.memory_space<semaphore_mem>>, %arg14: memref<4x!tpu.dma_semaphore, #tpu.memory_space<semaphore_mem>>, %arg15: memref<4x!tpu.dma_semaphore, #tpu.memory_space<semaphore_mem>>) attributes {dimension_semantics = [#tpu.dimension_semantics<core_parallel>, #tpu.dimension_semantics<subcore_parallel>], iteration_bounds = array<i64: 2, 16>, scalar_prefetch = 0 : i64, scratch_operands = 9 : i64, tpu.core_type = #tpu.core_type<sc_vector_subcore>, window_params = [{transform_indices = #map}, {transform_indices = #map1}, {transform_indices = #map1}, {transform_indices = #map}, {transform_indices = #map2}]} {
    %mul3A = arith.constant 16 : i32
    %mul3A_0 = arith.muli %arg0, %mul3A : i32
    %add3A = arith.addi %mul3A_0, %arg1 : i32
    %mul3A_1 = arith.constant 62 : i32
    %mul3A_2 = arith.muli %add3A, %mul3A_1 : i32
    %mul3A_3 = arith.constant 80 : i32
    %mul3A_4 = arith.muli %mul3A_2, %mul3A_3 : i32
    %lt3A = arith.constant 15 : i32
    %lt3A_5 = arith.cmpi slt, %arg1, %lt3A : i32
    %convert_element_type3A = arith.extui %lt3A_5 : i1 to i32
    %cond3A = arith.constant 0 : i32
    %cond3A_6 = arith.cmpi ne, %convert_element_type3A, %cond3A : i32
    scf.if %cond3A_6 {
      %mul3A_145 = arith.constant 624 : i32
      %mul3A_146 = arith.muli %arg1, %mul3A_145 : i32
      %mul3A_147 = arith.constant 624 : i32
      %mul3A_148 = arith.muli %arg1, %mul3A_147 : i32
      "tpu.region"() ({
        %run_scoped3A = tpu.sem_alloc : memref<!tpu.dma_semaphore, #tpu.memory_space<semaphore_mem>>
        %dma_start3A = arith.constant 0 : i32
        %dma_start3A_149 = tpu.memref_slice %arg10[%mul3A_148, %dma_start3A] : memref<10000x128xf32, #tpu.memory_space<vmem_shared>> -> memref<624x128xf32, #tpu.memory_space<vmem_shared>>
        %dma_start3A_150 = arith.constant 0 : i32
        %dma_start3A_151 = tpu.memref_slice %arg5[%mul3A_146, %dma_start3A_150] : memref<10000x128xf32, #tpu.memory_space<hbm>> -> memref<624x128xf32, #tpu.memory_space<hbm>>
        tpu.enqueue_dma source(%dma_start3A_151 : memref<624x128xf32, #tpu.memory_space<hbm>>) target(%dma_start3A_149 : memref<624x128xf32, #tpu.memory_space<vmem_shared>>) target_semaphore(%run_scoped3A : memref<!tpu.dma_semaphore, #tpu.memory_space<semaphore_mem>>)
        %dma_wait3A_152 = arith.constant 0 : i32
        %dma_wait3A_153 = tpu.memref_slice %arg10[%mul3A_148, %dma_wait3A_152] : memref<10000x128xf32, #tpu.memory_space<vmem_shared>> -> memref<624x128xf32, #tpu.memory_space<vmem_shared>>
        %dma_wait3A_154 = arith.constant 0 : i32
        %dma_wait3A_155 = tpu.memref_slice %arg5[%mul3A_146, %dma_wait3A_154] : memref<10000x128xf32, #tpu.memory_space<hbm>> -> memref<624x128xf32, #tpu.memory_space<hbm>>
        tpu.wait_dma2 semaphore(%run_scoped3A : memref<!tpu.dma_semaphore, #tpu.memory_space<semaphore_mem>>) src(%dma_wait3A_155 : memref<624x128xf32, #tpu.memory_space<hbm>>) dst(%dma_wait3A_153 : memref<624x128xf32, #tpu.memory_space<vmem_shared>>)
        tpu.yield
      }) : () -> ()
    } else {
    }
    %eq3A = arith.constant 15 : i32
    %eq3A_7 = arith.cmpi eq, %arg1, %eq3A : i32
    %convert_element_type3A_8 = arith.extui %eq3A_7 : i1 to i32
    %cond3A_9 = arith.constant 0 : i32
    %cond3A_10 = arith.cmpi ne, %convert_element_type3A_8, %cond3A_9 : i32
    scf.if %cond3A_10 {
      %mul3A_145 = arith.constant 624 : i32
      %mul3A_146 = arith.muli %arg1, %mul3A_145 : i32
      %mul3A_147 = arith.constant 624 : i32
      %mul3A_148 = arith.muli %arg1, %mul3A_147 : i32
      "tpu.region"() ({
        %run_scoped3A = tpu.sem_alloc : memref<!tpu.dma_semaphore, #tpu.memory_space<semaphore_mem>>
        %dma_start3A = arith.constant 0 : i32
        %dma_start3A_149 = tpu.memref_slice %arg10[%mul3A_148, %dma_start3A] : memref<10000x128xf32, #tpu.memory_space<vmem_shared>> -> memref<640x128xf32, #tpu.memory_space<vmem_shared>>
        %dma_start3A_150 = arith.constant 0 : i32
        %dma_start3A_151 = tpu.memref_slice %arg5[%mul3A_146, %dma_start3A_150] : memref<10000x128xf32, #tpu.memory_space<hbm>> -> memref<640x128xf32, #tpu.memory_space<hbm>>
        tpu.enqueue_dma source(%dma_start3A_151 : memref<640x128xf32, #tpu.memory_space<hbm>>) target(%dma_start3A_149 : memref<640x128xf32, #tpu.memory_space<vmem_shared>>) target_semaphore(%run_scoped3A : memref<!tpu.dma_semaphore, #tpu.memory_space<semaphore_mem>>)
        %dma_wait3A_152 = arith.constant 0 : i32
        %dma_wait3A_153 = tpu.memref_slice %arg10[%mul3A_148, %dma_wait3A_152] : memref<10000x128xf32, #tpu.memory_space<vmem_shared>> -> memref<640x128xf32, #tpu.memory_space<vmem_shared>>
        %dma_wait3A_154 = arith.constant 0 : i32
        %dma_wait3A_155 = tpu.memref_slice %arg5[%mul3A_146, %dma_wait3A_154] : memref<10000x128xf32, #tpu.memory_space<hbm>> -> memref<640x128xf32, #tpu.memory_space<hbm>>
        tpu.wait_dma2 semaphore(%run_scoped3A : memref<!tpu.dma_semaphore, #tpu.memory_space<semaphore_mem>>) src(%dma_wait3A_155 : memref<640x128xf32, #tpu.memory_space<hbm>>) dst(%dma_wait3A_153 : memref<640x128xf32, #tpu.memory_space<vmem_shared>>)
        tpu.yield
      }) : () -> ()
    } else {
    }
    %barrier3A = arith.constant 0 : index
    tpu.barrier barrier_id(%barrier3A)
    %scan3A = arith.constant 0 : i32
    %scan3A_11 = arith.constant 65 : i32
    %scan3A_12 = arith.addi %scan3A, %scan3A_11 : i32
    %scan3A_13 = arith.constant 1 : i32
    scf.for %scan3A_145 = %scan3A to %scan3A_12 step %scan3A_13  : i32 {
      %mul3A_146 = arith.constant 1 : i32
      %mul3A_147 = arith.muli %scan3A_145, %mul3A_146 : i32
      %add3A_148 = arith.constant 0 : i32
      %add3A_149 = arith.addi %add3A_148, %mul3A_147 : i32
      %lt3A_150 = arith.constant 62 : i32
      %lt3A_151 = arith.cmpi slt, %add3A_149, %lt3A_150 : i32
      %convert_element_type3A_152 = arith.extui %lt3A_151 : i1 to i32
      %cond3A_153 = arith.constant 0 : i32
      %cond3A_154 = arith.cmpi ne, %convert_element_type3A_152, %cond3A_153 : i32
      scf.if %cond3A_154 {
        %rem3A = arith.constant 4 : i32
        %rem3A_160 = arith.remsi %add3A_149, %rem3A : i32
        %ge3A_161 = arith.constant 4 : i32
        %ge3A_162 = arith.cmpi sge, %add3A_149, %ge3A_161 : i32
        %convert_element_type3A_163 = arith.extui %ge3A_162 : i1 to i32
        %cond3A_164 = arith.constant 0 : i32
        %cond3A_165 = arith.cmpi ne, %convert_element_type3A_163, %cond3A_164 : i32
        scf.if %cond3A_165 {
          %dma_wait3A_206 = arith.constant 0 : i32
          %dma_wait3A_207 = arith.constant 0 : i32
          %dma_wait3A_208 = tpu.memref_slice %arg9[%rem3A_160, %dma_wait3A_206, %dma_wait3A_207] : memref<4x80x128xf32, #tpu.memory_space<vmem>> -> memref<1x80x128xf32, #tpu.memory_space<vmem>>
          %dma_wait3A_209 = tpu.memref_squeeze %dma_wait3A_208 : memref<1x80x128xf32, #tpu.memory_space<vmem>> -> memref<80x128xf32, #tpu.memory_space<vmem>>
          %dma_wait3A_210 = arith.constant 0 : i32
          %dma_wait3A_211 = tpu.memref_slice %arg7[%rem3A_160, %dma_wait3A_210] : memref<4x80xi32, #tpu.memory_space<vmem>> -> memref<1x80xi32, #tpu.memory_space<vmem>>
          %dma_wait3A_212 = tpu.memref_squeeze %dma_wait3A_211 : memref<1x80xi32, #tpu.memory_space<vmem>> -> memref<80xi32, #tpu.memory_space<vmem>>
          %dma_wait3A_213 = arith.constant 0 : i32
          %dma_wait3A_214 = arith.constant 0 : i32
          %dma_wait3A_215 = tpu.memref_slice %arg10[%dma_wait3A_213, %dma_wait3A_214] : memref<10000x128xf32, #tpu.memory_space<vmem_shared>> -> memref<10000x128xf32, #tpu.memory_space<vmem_shared>>
          %dma_wait3A_216 = tpu.memref_slice %arg14[%rem3A_160] : memref<4x!tpu.dma_semaphore, #tpu.memory_space<semaphore_mem>> -> memref<1x!tpu.dma_semaphore, #tpu.memory_space<semaphore_mem>>
          %dma_wait3A_217 = tpu.memref_squeeze %dma_wait3A_216 : memref<1x!tpu.dma_semaphore, #tpu.memory_space<semaphore_mem>> -> memref<!tpu.dma_semaphore, #tpu.memory_space<semaphore_mem>>
          tpu.wait_indirect_dma semaphore(%dma_wait3A_217 : memref<!tpu.dma_semaphore, #tpu.memory_space<semaphore_mem>>) src(%dma_wait3A_209 : memref<80x128xf32, #tpu.memory_space<vmem>>) dst(%dma_wait3A_215 : memref<10000x128xf32, #tpu.memory_space<vmem_shared>>)
          %dma_wait3A_218 = arith.constant 0 : i32
          %dma_wait3A_219 = arith.constant 0 : i32
          %dma_wait3A_220 = tpu.memref_slice %arg9[%rem3A_160, %dma_wait3A_218, %dma_wait3A_219] : memref<4x80x128xf32, #tpu.memory_space<vmem>> -> memref<1x80x128xf32, #tpu.memory_space<vmem>>
          %dma_wait3A_221 = tpu.memref_squeeze %dma_wait3A_220 : memref<1x80x128xf32, #tpu.memory_space<vmem>> -> memref<80x128xf32, #tpu.memory_space<vmem>>
          %dma_wait3A_222 = arith.constant 0 : i32
          %dma_wait3A_223 = tpu.memref_slice %arg8[%rem3A_160, %dma_wait3A_222] : memref<4x80xi32, #tpu.memory_space<vmem>> -> memref<1x80xi32, #tpu.memory_space<vmem>>
          %dma_wait3A_224 = tpu.memref_squeeze %dma_wait3A_223 : memref<1x80xi32, #tpu.memory_space<vmem>> -> memref<80xi32, #tpu.memory_space<vmem>>
          %dma_wait3A_225 = arith.constant 0 : i32
          %dma_wait3A_226 = arith.constant 0 : i32
          %dma_wait3A_227 = tpu.memref_slice %arg10[%dma_wait3A_225, %dma_wait3A_226] : memref<10000x128xf32, #tpu.memory_space<vmem_shared>> -> memref<10000x128xf32, #tpu.memory_space<vmem_shared>>
          %dma_wait3A_228 = tpu.memref_slice %arg15[%rem3A_160] : memref<4x!tpu.dma_semaphore, #tpu.memory_space<semaphore_mem>> -> memref<1x!tpu.dma_semaphore, #tpu.memory_space<semaphore_mem>>
          %dma_wait3A_229 = tpu.memref_squeeze %dma_wait3A_228 : memref<1x!tpu.dma_semaphore, #tpu.memory_space<semaphore_mem>> -> memref<!tpu.dma_semaphore, #tpu.memory_space<semaphore_mem>>
          tpu.wait_indirect_dma semaphore(%dma_wait3A_229 : memref<!tpu.dma_semaphore, #tpu.memory_space<semaphore_mem>>) src(%dma_wait3A_221 : memref<80x128xf32, #tpu.memory_space<vmem>>) dst(%dma_wait3A_227 : memref<10000x128xf32, #tpu.memory_space<vmem_shared>>)
        } else {
        }
        %mul3A_166 = arith.constant 80 : i32
        %mul3A_167 = arith.muli %add3A_149, %mul3A_166 : i32
        %add3A_168 = arith.addi %mul3A_4, %mul3A_167 : i32
        %add3A_169 = arith.constant 161280 : i32
        %add3A_170 = arith.addi %add3A_169, %add3A_168 : i32
        %dma_start3A = arith.constant 0 : i32
        %dma_start3A_171 = tpu.memref_slice %arg7[%rem3A_160, %dma_start3A] : memref<4x80xi32, #tpu.memory_space<vmem>> -> memref<1x80xi32, #tpu.memory_space<vmem>>
        %dma_start3A_172 = tpu.memref_squeeze %dma_start3A_171 : memref<1x80xi32, #tpu.memory_space<vmem>> -> memref<80xi32, #tpu.memory_space<vmem>>
        %dma_start3A_173 = tpu.memref_slice %arg3[%add3A_170] : memref<320000xi32, #tpu.memory_space<hbm>> -> memref<80xi32, #tpu.memory_space<hbm>>
        %dma_start3A_174 = tpu.memref_slice %arg11[%rem3A_160] : memref<4x!tpu.dma_semaphore, #tpu.memory_space<semaphore_mem>> -> memref<1x!tpu.dma_semaphore, #tpu.memory_space<semaphore_mem>>
        %dma_start3A_175 = tpu.memref_squeeze %dma_start3A_174 : memref<1x!tpu.dma_semaphore, #tpu.memory_space<semaphore_mem>> -> memref<!tpu.dma_semaphore, #tpu.memory_space<semaphore_mem>>
        %dma_start3A_176 = arith.constant 0 : i32
        %dma_start3A_177 = tpu.memref_slice %arg7[%rem3A_160, %dma_start3A_176] : memref<4x80xi32, #tpu.memory_space<vmem>> -> memref<1x80xi32, #tpu.memory_space<vmem>>
        %dma_start3A_178 = tpu.memref_squeeze %dma_start3A_177 : memref<1x80xi32, #tpu.memory_space<vmem>> -> memref<80xi32, #tpu.memory_space<vmem>>
        %dma_start3A_179 = tpu.memref_slice %arg3[%add3A_170] : memref<320000xi32, #tpu.memory_space<hbm>> -> memref<80xi32, #tpu.memory_space<hbm>>
        tpu.enqueue_dma source(%dma_start3A_179 : memref<80xi32, #tpu.memory_space<hbm>>) target(%dma_start3A_178 : memref<80xi32, #tpu.memory_space<vmem>>) target_semaphore(%dma_start3A_175 : memref<!tpu.dma_semaphore, #tpu.memory_space<semaphore_mem>>)
        %add3A_180 = arith.constant 161280 : i32
        %add3A_181 = arith.addi %add3A_180, %add3A_168 : i32
        %dma_start3A_182 = arith.constant 0 : i32
        %dma_start3A_183 = tpu.memref_slice %arg8[%rem3A_160, %dma_start3A_182] : memref<4x80xi32, #tpu.memory_space<vmem>> -> memref<1x80xi32, #tpu.memory_space<vmem>>
        %dma_start3A_184 = tpu.memref_squeeze %dma_start3A_183 : memref<1x80xi32, #tpu.memory_space<vmem>> -> memref<80xi32, #tpu.memory_space<vmem>>
        %dma_start3A_185 = tpu.memref_slice %arg4[%add3A_181] : memref<320000xi32, #tpu.memory_space<hbm>> -> memref<80xi32, #tpu.memory_space<hbm>>
        %dma_start3A_186 = tpu.memref_slice %arg12[%rem3A_160] : memref<4x!tpu.dma_semaphore, #tpu.memory_space<semaphore_mem>> -> memref<1x!tpu.dma_semaphore, #tpu.memory_space<semaphore_mem>>
        %dma_start3A_187 = tpu.memref_squeeze %dma_start3A_186 : memref<1x!tpu.dma_semaphore, #tpu.memory_space<semaphore_mem>> -> memref<!tpu.dma_semaphore, #tpu.memory_space<semaphore_mem>>
        %dma_start3A_188 = arith.constant 0 : i32
        %dma_start3A_189 = tpu.memref_slice %arg8[%rem3A_160, %dma_start3A_188] : memref<4x80xi32, #tpu.memory_space<vmem>> -> memref<1x80xi32, #tpu.memory_space<vmem>>
        %dma_start3A_190 = tpu.memref_squeeze %dma_start3A_189 : memref<1x80xi32, #tpu.memory_space<vmem>> -> memref<80xi32, #tpu.memory_space<vmem>>
        %dma_start3A_191 = tpu.memref_slice %arg4[%add3A_181] : memref<320000xi32, #tpu.memory_space<hbm>> -> memref<80xi32, #tpu.memory_space<hbm>>
        tpu.enqueue_dma source(%dma_start3A_191 : memref<80xi32, #tpu.memory_space<hbm>>) target(%dma_start3A_190 : memref<80xi32, #tpu.memory_space<vmem>>) target_semaphore(%dma_start3A_187 : memref<!tpu.dma_semaphore, #tpu.memory_space<semaphore_mem>>)
        %dma_start3A_192 = arith.constant 0 : i32
        %dma_start3A_193 = arith.constant 0 : i32
        %dma_start3A_194 = tpu.memref_slice %arg9[%rem3A_160, %dma_start3A_192, %dma_start3A_193] : memref<4x80x128xf32, #tpu.memory_space<vmem>> -> memref<1x80x128xf32, #tpu.memory_space<vmem>>
        %dma_start3A_195 = tpu.memref_squeeze %dma_start3A_194 : memref<1x80x128xf32, #tpu.memory_space<vmem>> -> memref<80x128xf32, #tpu.memory_space<vmem>>
        %dma_start3A_196 = arith.constant 0 : i32
        %dma_start3A_197 = tpu.memref_slice %arg2[%add3A_168, %dma_start3A_196] : memref<158720x128xf32, #tpu.memory_space<hbm>> -> memref<80x128xf32, #tpu.memory_space<hbm>>
        %dma_start3A_198 = tpu.memref_slice %arg13[%rem3A_160] : memref<4x!tpu.dma_semaphore, #tpu.memory_space<semaphore_mem>> -> memref<1x!tpu.dma_semaphore, #tpu.memory_space<semaphore_mem>>
        %dma_start3A_199 = tpu.memref_squeeze %dma_start3A_198 : memref<1x!tpu.dma_semaphore, #tpu.memory_space<semaphore_mem>> -> memref<!tpu.dma_semaphore, #tpu.memory_space<semaphore_mem>>
        %dma_start3A_200 = arith.constant 0 : i32
        %dma_start3A_201 = arith.constant 0 : i32
        %dma_start3A_202 = tpu.memref_slice %arg9[%rem3A_160, %dma_start3A_200, %dma_start3A_201] : memref<4x80x128xf32, #tpu.memory_space<vmem>> -> memref<1x80x128xf32, #tpu.memory_space<vmem>>
        %dma_start3A_203 = tpu.memref_squeeze %dma_start3A_202 : memref<1x80x128xf32, #tpu.memory_space<vmem>> -> memref<80x128xf32, #tpu.memory_space<vmem>>
        %dma_start3A_204 = arith.constant 0 : i32
        %dma_start3A_205 = tpu.memref_slice %arg2[%add3A_168, %dma_start3A_204] : memref<158720x128xf32, #tpu.memory_space<hbm>> -> memref<80x128xf32, #tpu.memory_space<hbm>>
        tpu.enqueue_dma source(%dma_start3A_205 : memref<80x128xf32, #tpu.memory_space<hbm>>) target(%dma_start3A_203 : memref<80x128xf32, #tpu.memory_space<vmem>>) target_semaphore(%dma_start3A_199 : memref<!tpu.dma_semaphore, #tpu.memory_space<semaphore_mem>>)
      } else {
      }
      %sub3A = arith.constant 3 : i32
      %sub3A_155 = arith.subi %add3A_149, %sub3A : i32
      %ge3A = arith.constant 0 : i32
      %ge3A_156 = arith.cmpi sge, %sub3A_155, %ge3A : i32
      %convert_element_type3A_157 = arith.extui %ge3A_156 : i1 to i32
      %cond3A_158 = arith.constant 0 : i32
      %cond3A_159 = arith.cmpi ne, %convert_element_type3A_157, %cond3A_158 : i32
      scf.if %cond3A_159 {
        %rem3A = arith.constant 4 : i32
        %rem3A_160 = arith.remsi %sub3A_155, %rem3A : i32
        %dma_wait3A_161 = arith.constant 0 : i32
        %dma_wait3A_162 = tpu.memref_slice %arg7[%rem3A_160, %dma_wait3A_161] : memref<4x80xi32, #tpu.memory_space<vmem>> -> memref<1x80xi32, #tpu.memory_space<vmem>>
        %dma_wait3A_163 = tpu.memref_squeeze %dma_wait3A_162 : memref<1x80xi32, #tpu.memory_space<vmem>> -> memref<80xi32, #tpu.memory_space<vmem>>
        %dma_wait3A_164 = tpu.memref_slice %arg3[%mul3A_4] : memref<320000xi32, #tpu.memory_space<hbm>> -> memref<80xi32, #tpu.memory_space<hbm>>
        %dma_wait3A_165 = tpu.memref_slice %arg11[%rem3A_160] : memref<4x!tpu.dma_semaphore, #tpu.memory_space<semaphore_mem>> -> memref<1x!tpu.dma_semaphore, #tpu.memory_space<semaphore_mem>>
        %dma_wait3A_166 = tpu.memref_squeeze %dma_wait3A_165 : memref<1x!tpu.dma_semaphore, #tpu.memory_space<semaphore_mem>> -> memref<!tpu.dma_semaphore, #tpu.memory_space<semaphore_mem>>
        %dma_wait3A_167 = arith.constant 0 : i32
        %dma_wait3A_168 = tpu.memref_slice %arg7[%rem3A_160, %dma_wait3A_167] : memref<4x80xi32, #tpu.memory_space<vmem>> -> memref<1x80xi32, #tpu.memory_space<vmem>>
        %dma_wait3A_169 = tpu.memref_squeeze %dma_wait3A_168 : memref<1x80xi32, #tpu.memory_space<vmem>> -> memref<80xi32, #tpu.memory_space<vmem>>
        %dma_wait3A_170 = tpu.memref_slice %arg3[%mul3A_4] : memref<320000xi32, #tpu.memory_space<hbm>> -> memref<80xi32, #tpu.memory_space<hbm>>
        tpu.wait_dma2 semaphore(%dma_wait3A_166 : memref<!tpu.dma_semaphore, #tpu.memory_space<semaphore_mem>>) src(%dma_wait3A_170 : memref<80xi32, #tpu.memory_space<hbm>>) dst(%dma_wait3A_169 : memref<80xi32, #tpu.memory_space<vmem>>)
        %dma_wait3A_171 = arith.constant 0 : i32
        %dma_wait3A_172 = tpu.memref_slice %arg8[%rem3A_160, %dma_wait3A_171] : memref<4x80xi32, #tpu.memory_space<vmem>> -> memref<1x80xi32, #tpu.memory_space<vmem>>
        %dma_wait3A_173 = tpu.memref_squeeze %dma_wait3A_172 : memref<1x80xi32, #tpu.memory_space<vmem>> -> memref<80xi32, #tpu.memory_space<vmem>>
        %dma_wait3A_174 = tpu.memref_slice %arg4[%mul3A_4] : memref<320000xi32, #tpu.memory_space<hbm>> -> memref<80xi32, #tpu.memory_space<hbm>>
        %dma_wait3A_175 = tpu.memref_slice %arg12[%rem3A_160] : memref<4x!tpu.dma_semaphore, #tpu.memory_space<semaphore_mem>> -> memref<1x!tpu.dma_semaphore, #tpu.memory_space<semaphore_mem>>
        %dma_wait3A_176 = tpu.memref_squeeze %dma_wait3A_175 : memref<1x!tpu.dma_semaphore, #tpu.memory_space<semaphore_mem>> -> memref<!tpu.dma_semaphore, #tpu.memory_space<semaphore_mem>>
        %dma_wait3A_177 = arith.constant 0 : i32
        %dma_wait3A_178 = tpu.memref_slice %arg8[%rem3A_160, %dma_wait3A_177] : memref<4x80xi32, #tpu.memory_space<vmem>> -> memref<1x80xi32, #tpu.memory_space<vmem>>
        %dma_wait3A_179 = tpu.memref_squeeze %dma_wait3A_178 : memref<1x80xi32, #tpu.memory_space<vmem>> -> memref<80xi32, #tpu.memory_space<vmem>>
        %dma_wait3A_180 = tpu.memref_slice %arg4[%mul3A_4] : memref<320000xi32, #tpu.memory_space<hbm>> -> memref<80xi32, #tpu.memory_space<hbm>>
        tpu.wait_dma2 semaphore(%dma_wait3A_176 : memref<!tpu.dma_semaphore, #tpu.memory_space<semaphore_mem>>) src(%dma_wait3A_180 : memref<80xi32, #tpu.memory_space<hbm>>) dst(%dma_wait3A_179 : memref<80xi32, #tpu.memory_space<vmem>>)
        %dma_wait3A_181 = arith.constant 0 : i32
        %dma_wait3A_182 = arith.constant 0 : i32
        %dma_wait3A_183 = tpu.memref_slice %arg9[%rem3A_160, %dma_wait3A_181, %dma_wait3A_182] : memref<4x80x128xf32, #tpu.memory_space<vmem>> -> memref<1x80x128xf32, #tpu.memory_space<vmem>>
        %dma_wait3A_184 = tpu.memref_squeeze %dma_wait3A_183 : memref<1x80x128xf32, #tpu.memory_space<vmem>> -> memref<80x128xf32, #tpu.memory_space<vmem>>
        %dma_wait3A_185 = arith.constant 0 : i32
        %dma_wait3A_186 = tpu.memref_slice %arg2[%mul3A_4, %dma_wait3A_185] : memref<158720x128xf32, #tpu.memory_space<hbm>> -> memref<80x128xf32, #tpu.memory_space<hbm>>
        %dma_wait3A_187 = tpu.memref_slice %arg13[%rem3A_160] : memref<4x!tpu.dma_semaphore, #tpu.memory_space<semaphore_mem>> -> memref<1x!tpu.dma_semaphore, #tpu.memory_space<semaphore_mem>>
        %dma_wait3A_188 = tpu.memref_squeeze %dma_wait3A_187 : memref<1x!tpu.dma_semaphore, #tpu.memory_space<semaphore_mem>> -> memref<!tpu.dma_semaphore, #tpu.memory_space<semaphore_mem>>
        %dma_wait3A_189 = arith.constant 0 : i32
        %dma_wait3A_190 = arith.constant 0 : i32
        %dma_wait3A_191 = tpu.memref_slice %arg9[%rem3A_160, %dma_wait3A_189, %dma_wait3A_190] : memref<4x80x128xf32, #tpu.memory_space<vmem>> -> memref<1x80x128xf32, #tpu.memory_space<vmem>>
        %dma_wait3A_192 = tpu.memref_squeeze %dma_wait3A_191 : memref<1x80x128xf32, #tpu.memory_space<vmem>> -> memref<80x128xf32, #tpu.memory_space<vmem>>
        %dma_wait3A_193 = arith.constant 0 : i32
        %dma_wait3A_194 = tpu.memref_slice %arg2[%mul3A_4, %dma_wait3A_193] : memref<158720x128xf32, #tpu.memory_space<hbm>> -> memref<80x128xf32, #tpu.memory_space<hbm>>
        tpu.wait_dma2 semaphore(%dma_wait3A_188 : memref<!tpu.dma_semaphore, #tpu.memory_space<semaphore_mem>>) src(%dma_wait3A_194 : memref<80x128xf32, #tpu.memory_space<hbm>>) dst(%dma_wait3A_192 : memref<80x128xf32, #tpu.memory_space<vmem>>)
        %dma_start3A = arith.constant 0 : i32
        %dma_start3A_195 = arith.constant 0 : i32
        %dma_start3A_196 = tpu.memref_slice %arg9[%rem3A_160, %dma_start3A, %dma_start3A_195] : memref<4x80x128xf32, #tpu.memory_space<vmem>> -> memref<1x80x128xf32, #tpu.memory_space<vmem>>
        %dma_start3A_197 = tpu.memref_squeeze %dma_start3A_196 : memref<1x80x128xf32, #tpu.memory_space<vmem>> -> memref<80x128xf32, #tpu.memory_space<vmem>>
        %dma_start3A_198 = arith.constant 0 : i32
        %dma_start3A_199 = tpu.memref_slice %arg7[%rem3A_160, %dma_start3A_198] : memref<4x80xi32, #tpu.memory_space<vmem>> -> memref<1x80xi32, #tpu.memory_space<vmem>>
        %dma_start3A_200 = tpu.memref_squeeze %dma_start3A_199 : memref<1x80xi32, #tpu.memory_space<vmem>> -> memref<80xi32, #tpu.memory_space<vmem>>
        %dma_start3A_201 = arith.constant 0 : i32
        %dma_start3A_202 = arith.constant 0 : i32
        %dma_start3A_203 = tpu.memref_slice %arg10[%dma_start3A_201, %dma_start3A_202] : memref<10000x128xf32, #tpu.memory_space<vmem_shared>> -> memref<10000x128xf32, #tpu.memory_space<vmem_shared>>
        %dma_start3A_204 = tpu.memref_slice %arg14[%rem3A_160] : memref<4x!tpu.dma_semaphore, #tpu.memory_space<semaphore_mem>> -> memref<1x!tpu.dma_semaphore, #tpu.memory_space<semaphore_mem>>
        %dma_start3A_205 = tpu.memref_squeeze %dma_start3A_204 : memref<1x!tpu.dma_semaphore, #tpu.memory_space<semaphore_mem>> -> memref<!tpu.dma_semaphore, #tpu.memory_space<semaphore_mem>>
        tpu.enqueue_indirect_dma source(%dma_start3A_197 : memref<80x128xf32, #tpu.memory_space<vmem>>) target(%dma_start3A_203 : memref<10000x128xf32, #tpu.memory_space<vmem_shared>>) offsets(%dma_start3A_200 : memref<80xi32, #tpu.memory_space<vmem>>) semaphore(%dma_start3A_205 : memref<!tpu.dma_semaphore, #tpu.memory_space<semaphore_mem>>) {add = true}
        %dma_start3A_206 = arith.constant 0 : i32
        %dma_start3A_207 = arith.constant 0 : i32
        %dma_start3A_208 = tpu.memref_slice %arg9[%rem3A_160, %dma_start3A_206, %dma_start3A_207] : memref<4x80x128xf32, #tpu.memory_space<vmem>> -> memref<1x80x128xf32, #tpu.memory_space<vmem>>
        %dma_start3A_209 = tpu.memref_squeeze %dma_start3A_208 : memref<1x80x128xf32, #tpu.memory_space<vmem>> -> memref<80x128xf32, #tpu.memory_space<vmem>>
        %dma_start3A_210 = arith.constant 0 : i32
        %dma_start3A_211 = tpu.memref_slice %arg8[%rem3A_160, %dma_start3A_210] : memref<4x80xi32, #tpu.memory_space<vmem>> -> memref<1x80xi32, #tpu.memory_space<vmem>>
        %dma_start3A_212 = tpu.memref_squeeze %dma_start3A_211 : memref<1x80xi32, #tpu.memory_space<vmem>> -> memref<80xi32, #tpu.memory_space<vmem>>
        %dma_start3A_213 = arith.constant 0 : i32
        %dma_start3A_214 = arith.constant 0 : i32
        %dma_start3A_215 = tpu.memref_slice %arg10[%dma_start3A_213, %dma_start3A_214] : memref<10000x128xf32, #tpu.memory_space<vmem_shared>> -> memref<10000x128xf32, #tpu.memory_space<vmem_shared>>
        %dma_start3A_216 = tpu.memref_slice %arg15[%rem3A_160] : memref<4x!tpu.dma_semaphore, #tpu.memory_space<semaphore_mem>> -> memref<1x!tpu.dma_semaphore, #tpu.memory_space<semaphore_mem>>
        %dma_start3A_217 = tpu.memref_squeeze %dma_start3A_216 : memref<1x!tpu.dma_semaphore, #tpu.memory_space<semaphore_mem>> -> memref<!tpu.dma_semaphore, #tpu.memory_space<semaphore_mem>>
        tpu.enqueue_indirect_dma source(%dma_start3A_209 : memref<80x128xf32, #tpu.memory_space<vmem>>) target(%dma_start3A_215 : memref<10000x128xf32, #tpu.memory_space<vmem_shared>>) offsets(%dma_start3A_212 : memref<80xi32, #tpu.memory_space<vmem>>) semaphore(%dma_start3A_217 : memref<!tpu.dma_semaphore, #tpu.memory_space<semaphore_mem>>) {add = true}
      } else {
      }
    }
    %scan3A_14 = arith.constant 65 : i32
    %dma_wait3A = arith.constant 0 : i32
    %dma_wait3A_15 = arith.constant 0 : i32
    %dma_wait3A_16 = arith.constant 0 : i32
    %dma_wait3A_17 = arith.constant 0 : i32
    %dma_wait3A_18 = arith.constant 0 : i32
    %dma_wait3A_19 = tpu.memref_slice %arg9[%dma_wait3A, %dma_wait3A_17, %dma_wait3A_18] : memref<4x80x128xf32, #tpu.memory_space<vmem>> -> memref<1x80x128xf32, #tpu.memory_space<vmem>>
    %dma_wait3A_20 = tpu.memref_squeeze %dma_wait3A_19 : memref<1x80x128xf32, #tpu.memory_space<vmem>> -> memref<80x128xf32, #tpu.memory_space<vmem>>
    %dma_wait3A_21 = arith.constant 0 : i32
    %dma_wait3A_22 = tpu.memref_slice %arg7[%dma_wait3A_15, %dma_wait3A_21] : memref<4x80xi32, #tpu.memory_space<vmem>> -> memref<1x80xi32, #tpu.memory_space<vmem>>
    %dma_wait3A_23 = tpu.memref_squeeze %dma_wait3A_22 : memref<1x80xi32, #tpu.memory_space<vmem>> -> memref<80xi32, #tpu.memory_space<vmem>>
    %dma_wait3A_24 = arith.constant 0 : i32
    %dma_wait3A_25 = arith.constant 0 : i32
    %dma_wait3A_26 = tpu.memref_slice %arg10[%dma_wait3A_24, %dma_wait3A_25] : memref<10000x128xf32, #tpu.memory_space<vmem_shared>> -> memref<10000x128xf32, #tpu.memory_space<vmem_shared>>
    %dma_wait3A_27 = tpu.memref_slice %arg14[%dma_wait3A_16] : memref<4x!tpu.dma_semaphore, #tpu.memory_space<semaphore_mem>> -> memref<1x!tpu.dma_semaphore, #tpu.memory_space<semaphore_mem>>
    %dma_wait3A_28 = tpu.memref_squeeze %dma_wait3A_27 : memref<1x!tpu.dma_semaphore, #tpu.memory_space<semaphore_mem>> -> memref<!tpu.dma_semaphore, #tpu.memory_space<semaphore_mem>>
    tpu.wait_indirect_dma semaphore(%dma_wait3A_28 : memref<!tpu.dma_semaphore, #tpu.memory_space<semaphore_mem>>) src(%dma_wait3A_20 : memref<80x128xf32, #tpu.memory_space<vmem>>) dst(%dma_wait3A_26 : memref<10000x128xf32, #tpu.memory_space<vmem_shared>>)
    %dma_wait3A_29 = arith.constant 0 : i32
    %dma_wait3A_30 = arith.constant 0 : i32
    %dma_wait3A_31 = arith.constant 0 : i32
    %dma_wait3A_32 = arith.constant 0 : i32
    %dma_wait3A_33 = arith.constant 0 : i32
    %dma_wait3A_34 = tpu.memref_slice %arg9[%dma_wait3A_29, %dma_wait3A_32, %dma_wait3A_33] : memref<4x80x128xf32, #tpu.memory_space<vmem>> -> memref<1x80x128xf32, #tpu.memory_space<vmem>>
    %dma_wait3A_35 = tpu.memref_squeeze %dma_wait3A_34 : memref<1x80x128xf32, #tpu.memory_space<vmem>> -> memref<80x128xf32, #tpu.memory_space<vmem>>
    %dma_wait3A_36 = arith.constant 0 : i32
    %dma_wait3A_37 = tpu.memref_slice %arg8[%dma_wait3A_30, %dma_wait3A_36] : memref<4x80xi32, #tpu.memory_space<vmem>> -> memref<1x80xi32, #tpu.memory_space<vmem>>
    %dma_wait3A_38 = tpu.memref_squeeze %dma_wait3A_37 : memref<1x80xi32, #tpu.memory_space<vmem>> -> memref<80xi32, #tpu.memory_space<vmem>>
    %dma_wait3A_39 = arith.constant 0 : i32
    %dma_wait3A_40 = arith.constant 0 : i32
    %dma_wait3A_41 = tpu.memref_slice %arg10[%dma_wait3A_39, %dma_wait3A_40] : memref<10000x128xf32, #tpu.memory_space<vmem_shared>> -> memref<10000x128xf32, #tpu.memory_space<vmem_shared>>
    %dma_wait3A_42 = tpu.memref_slice %arg15[%dma_wait3A_31] : memref<4x!tpu.dma_semaphore, #tpu.memory_space<semaphore_mem>> -> memref<1x!tpu.dma_semaphore, #tpu.memory_space<semaphore_mem>>
    %dma_wait3A_43 = tpu.memref_squeeze %dma_wait3A_42 : memref<1x!tpu.dma_semaphore, #tpu.memory_space<semaphore_mem>> -> memref<!tpu.dma_semaphore, #tpu.memory_space<semaphore_mem>>
    tpu.wait_indirect_dma semaphore(%dma_wait3A_43 : memref<!tpu.dma_semaphore, #tpu.memory_space<semaphore_mem>>) src(%dma_wait3A_35 : memref<80x128xf32, #tpu.memory_space<vmem>>) dst(%dma_wait3A_41 : memref<10000x128xf32, #tpu.memory_space<vmem_shared>>)
    %dma_wait3A_44 = arith.constant 1 : i32
    %dma_wait3A_45 = arith.constant 1 : i32
    %dma_wait3A_46 = arith.constant 1 : i32
    %dma_wait3A_47 = arith.constant 0 : i32
    %dma_wait3A_48 = arith.constant 0 : i32
    %dma_wait3A_49 = tpu.memref_slice %arg9[%dma_wait3A_44, %dma_wait3A_47, %dma_wait3A_48] : memref<4x80x128xf32, #tpu.memory_space<vmem>> -> memref<1x80x128xf32, #tpu.memory_space<vmem>>
    %dma_wait3A_50 = tpu.memref_squeeze %dma_wait3A_49 : memref<1x80x128xf32, #tpu.memory_space<vmem>> -> memref<80x128xf32, #tpu.memory_space<vmem>>
    %dma_wait3A_51 = arith.constant 0 : i32
    %dma_wait3A_52 = tpu.memref_slice %arg7[%dma_wait3A_45, %dma_wait3A_51] : memref<4x80xi32, #tpu.memory_space<vmem>> -> memref<1x80xi32, #tpu.memory_space<vmem>>
    %dma_wait3A_53 = tpu.memref_squeeze %dma_wait3A_52 : memref<1x80xi32, #tpu.memory_space<vmem>> -> memref<80xi32, #tpu.memory_space<vmem>>
    %dma_wait3A_54 = arith.constant 0 : i32
    %dma_wait3A_55 = arith.constant 0 : i32
    %dma_wait3A_56 = tpu.memref_slice %arg10[%dma_wait3A_54, %dma_wait3A_55] : memref<10000x128xf32, #tpu.memory_space<vmem_shared>> -> memref<10000x128xf32, #tpu.memory_space<vmem_shared>>
    %dma_wait3A_57 = tpu.memref_slice %arg14[%dma_wait3A_46] : memref<4x!tpu.dma_semaphore, #tpu.memory_space<semaphore_mem>> -> memref<1x!tpu.dma_semaphore, #tpu.memory_space<semaphore_mem>>
    %dma_wait3A_58 = tpu.memref_squeeze %dma_wait3A_57 : memref<1x!tpu.dma_semaphore, #tpu.memory_space<semaphore_mem>> -> memref<!tpu.dma_semaphore, #tpu.memory_space<semaphore_mem>>
    tpu.wait_indirect_dma semaphore(%dma_wait3A_58 : memref<!tpu.dma_semaphore, #tpu.memory_space<semaphore_mem>>) src(%dma_wait3A_50 : memref<80x128xf32, #tpu.memory_space<vmem>>) dst(%dma_wait3A_56 : memref<10000x128xf32, #tpu.memory_space<vmem_shared>>)
    %dma_wait3A_59 = arith.constant 1 : i32
    %dma_wait3A_60 = arith.constant 1 : i32
    %dma_wait3A_61 = arith.constant 1 : i32
    %dma_wait3A_62 = arith.constant 0 : i32
    %dma_wait3A_63 = arith.constant 0 : i32
    %dma_wait3A_64 = tpu.memref_slice %arg9[%dma_wait3A_59, %dma_wait3A_62, %dma_wait3A_63] : memref<4x80x128xf32, #tpu.memory_space<vmem>> -> memref<1x80x128xf32, #tpu.memory_space<vmem>>
    %dma_wait3A_65 = tpu.memref_squeeze %dma_wait3A_64 : memref<1x80x128xf32, #tpu.memory_space<vmem>> -> memref<80x128xf32, #tpu.memory_space<vmem>>
    %dma_wait3A_66 = arith.constant 0 : i32
    %dma_wait3A_67 = tpu.memref_slice %arg8[%dma_wait3A_60, %dma_wait3A_66] : memref<4x80xi32, #tpu.memory_space<vmem>> -> memref<1x80xi32, #tpu.memory_space<vmem>>
    %dma_wait3A_68 = tpu.memref_squeeze %dma_wait3A_67 : memref<1x80xi32, #tpu.memory_space<vmem>> -> memref<80xi32, #tpu.memory_space<vmem>>
    %dma_wait3A_69 = arith.constant 0 : i32
    %dma_wait3A_70 = arith.constant 0 : i32
    %dma_wait3A_71 = tpu.memref_slice %arg10[%dma_wait3A_69, %dma_wait3A_70] : memref<10000x128xf32, #tpu.memory_space<vmem_shared>> -> memref<10000x128xf32, #tpu.memory_space<vmem_shared>>
    %dma_wait3A_72 = tpu.memref_slice %arg15[%dma_wait3A_61] : memref<4x!tpu.dma_semaphore, #tpu.memory_space<semaphore_mem>> -> memref<1x!tpu.dma_semaphore, #tpu.memory_space<semaphore_mem>>
    %dma_wait3A_73 = tpu.memref_squeeze %dma_wait3A_72 : memref<1x!tpu.dma_semaphore, #tpu.memory_space<semaphore_mem>> -> memref<!tpu.dma_semaphore, #tpu.memory_space<semaphore_mem>>
    tpu.wait_indirect_dma semaphore(%dma_wait3A_73 : memref<!tpu.dma_semaphore, #tpu.memory_space<semaphore_mem>>) src(%dma_wait3A_65 : memref<80x128xf32, #tpu.memory_space<vmem>>) dst(%dma_wait3A_71 : memref<10000x128xf32, #tpu.memory_space<vmem_shared>>)
    %dma_wait3A_74 = arith.constant 2 : i32
    %dma_wait3A_75 = arith.constant 2 : i32
    %dma_wait3A_76 = arith.constant 2 : i32
    %dma_wait3A_77 = arith.constant 0 : i32
    %dma_wait3A_78 = arith.constant 0 : i32
    %dma_wait3A_79 = tpu.memref_slice %arg9[%dma_wait3A_74, %dma_wait3A_77, %dma_wait3A_78] : memref<4x80x128xf32, #tpu.memory_space<vmem>> -> memref<1x80x128xf32, #tpu.memory_space<vmem>>
    %dma_wait3A_80 = tpu.memref_squeeze %dma_wait3A_79 : memref<1x80x128xf32, #tpu.memory_space<vmem>> -> memref<80x128xf32, #tpu.memory_space<vmem>>
    %dma_wait3A_81 = arith.constant 0 : i32
    %dma_wait3A_82 = tpu.memref_slice %arg7[%dma_wait3A_75, %dma_wait3A_81] : memref<4x80xi32, #tpu.memory_space<vmem>> -> memref<1x80xi32, #tpu.memory_space<vmem>>
    %dma_wait3A_83 = tpu.memref_squeeze %dma_wait3A_82 : memref<1x80xi32, #tpu.memory_space<vmem>> -> memref<80xi32, #tpu.memory_space<vmem>>
    %dma_wait3A_84 = arith.constant 0 : i32
    %dma_wait3A_85 = arith.constant 0 : i32
    %dma_wait3A_86 = tpu.memref_slice %arg10[%dma_wait3A_84, %dma_wait3A_85] : memref<10000x128xf32, #tpu.memory_space<vmem_shared>> -> memref<10000x128xf32, #tpu.memory_space<vmem_shared>>
    %dma_wait3A_87 = tpu.memref_slice %arg14[%dma_wait3A_76] : memref<4x!tpu.dma_semaphore, #tpu.memory_space<semaphore_mem>> -> memref<1x!tpu.dma_semaphore, #tpu.memory_space<semaphore_mem>>
    %dma_wait3A_88 = tpu.memref_squeeze %dma_wait3A_87 : memref<1x!tpu.dma_semaphore, #tpu.memory_space<semaphore_mem>> -> memref<!tpu.dma_semaphore, #tpu.memory_space<semaphore_mem>>
    tpu.wait_indirect_dma semaphore(%dma_wait3A_88 : memref<!tpu.dma_semaphore, #tpu.memory_space<semaphore_mem>>) src(%dma_wait3A_80 : memref<80x128xf32, #tpu.memory_space<vmem>>) dst(%dma_wait3A_86 : memref<10000x128xf32, #tpu.memory_space<vmem_shared>>)
    %dma_wait3A_89 = arith.constant 2 : i32
    %dma_wait3A_90 = arith.constant 2 : i32
    %dma_wait3A_91 = arith.constant 2 : i32
    %dma_wait3A_92 = arith.constant 0 : i32
    %dma_wait3A_93 = arith.constant 0 : i32
    %dma_wait3A_94 = tpu.memref_slice %arg9[%dma_wait3A_89, %dma_wait3A_92, %dma_wait3A_93] : memref<4x80x128xf32, #tpu.memory_space<vmem>> -> memref<1x80x128xf32, #tpu.memory_space<vmem>>
    %dma_wait3A_95 = tpu.memref_squeeze %dma_wait3A_94 : memref<1x80x128xf32, #tpu.memory_space<vmem>> -> memref<80x128xf32, #tpu.memory_space<vmem>>
    %dma_wait3A_96 = arith.constant 0 : i32
    %dma_wait3A_97 = tpu.memref_slice %arg8[%dma_wait3A_90, %dma_wait3A_96] : memref<4x80xi32, #tpu.memory_space<vmem>> -> memref<1x80xi32, #tpu.memory_space<vmem>>
    %dma_wait3A_98 = tpu.memref_squeeze %dma_wait3A_97 : memref<1x80xi32, #tpu.memory_space<vmem>> -> memref<80xi32, #tpu.memory_space<vmem>>
    %dma_wait3A_99 = arith.constant 0 : i32
    %dma_wait3A_100 = arith.constant 0 : i32
    %dma_wait3A_101 = tpu.memref_slice %arg10[%dma_wait3A_99, %dma_wait3A_100] : memref<10000x128xf32, #tpu.memory_space<vmem_shared>> -> memref<10000x128xf32, #tpu.memory_space<vmem_shared>>
    %dma_wait3A_102 = tpu.memref_slice %arg15[%dma_wait3A_91] : memref<4x!tpu.dma_semaphore, #tpu.memory_space<semaphore_mem>> -> memref<1x!tpu.dma_semaphore, #tpu.memory_space<semaphore_mem>>
    %dma_wait3A_103 = tpu.memref_squeeze %dma_wait3A_102 : memref<1x!tpu.dma_semaphore, #tpu.memory_space<semaphore_mem>> -> memref<!tpu.dma_semaphore, #tpu.memory_space<semaphore_mem>>
    tpu.wait_indirect_dma semaphore(%dma_wait3A_103 : memref<!tpu.dma_semaphore, #tpu.memory_space<semaphore_mem>>) src(%dma_wait3A_95 : memref<80x128xf32, #tpu.memory_space<vmem>>) dst(%dma_wait3A_101 : memref<10000x128xf32, #tpu.memory_space<vmem_shared>>)
    %dma_wait3A_104 = arith.constant 3 : i32
    %dma_wait3A_105 = arith.constant 3 : i32
    %dma_wait3A_106 = arith.constant 3 : i32
    %dma_wait3A_107 = arith.constant 0 : i32
    %dma_wait3A_108 = arith.constant 0 : i32
    %dma_wait3A_109 = tpu.memref_slice %arg9[%dma_wait3A_104, %dma_wait3A_107, %dma_wait3A_108] : memref<4x80x128xf32, #tpu.memory_space<vmem>> -> memref<1x80x128xf32, #tpu.memory_space<vmem>>
    %dma_wait3A_110 = tpu.memref_squeeze %dma_wait3A_109 : memref<1x80x128xf32, #tpu.memory_space<vmem>> -> memref<80x128xf32, #tpu.memory_space<vmem>>
    %dma_wait3A_111 = arith.constant 0 : i32
    %dma_wait3A_112 = tpu.memref_slice %arg7[%dma_wait3A_105, %dma_wait3A_111] : memref<4x80xi32, #tpu.memory_space<vmem>> -> memref<1x80xi32, #tpu.memory_space<vmem>>
    %dma_wait3A_113 = tpu.memref_squeeze %dma_wait3A_112 : memref<1x80xi32, #tpu.memory_space<vmem>> -> memref<80xi32, #tpu.memory_space<vmem>>
    %dma_wait3A_114 = arith.constant 0 : i32
    %dma_wait3A_115 = arith.constant 0 : i32
    %dma_wait3A_116 = tpu.memref_slice %arg10[%dma_wait3A_114, %dma_wait3A_115] : memref<10000x128xf32, #tpu.memory_space<vmem_shared>> -> memref<10000x128xf32, #tpu.memory_space<vmem_shared>>
    %dma_wait3A_117 = tpu.memref_slice %arg14[%dma_wait3A_106] : memref<4x!tpu.dma_semaphore, #tpu.memory_space<semaphore_mem>> -> memref<1x!tpu.dma_semaphore, #tpu.memory_space<semaphore_mem>>
    %dma_wait3A_118 = tpu.memref_squeeze %dma_wait3A_117 : memref<1x!tpu.dma_semaphore, #tpu.memory_space<semaphore_mem>> -> memref<!tpu.dma_semaphore, #tpu.memory_space<semaphore_mem>>
    tpu.wait_indirect_dma semaphore(%dma_wait3A_118 : memref<!tpu.dma_semaphore, #tpu.memory_space<semaphore_mem>>) src(%dma_wait3A_110 : memref<80x128xf32, #tpu.memory_space<vmem>>) dst(%dma_wait3A_116 : memref<10000x128xf32, #tpu.memory_space<vmem_shared>>)
    %dma_wait3A_119 = arith.constant 3 : i32
    %dma_wait3A_120 = arith.constant 3 : i32
    %dma_wait3A_121 = arith.constant 3 : i32
    %dma_wait3A_122 = arith.constant 0 : i32
    %dma_wait3A_123 = arith.constant 0 : i32
    %dma_wait3A_124 = tpu.memref_slice %arg9[%dma_wait3A_119, %dma_wait3A_122, %dma_wait3A_123] : memref<4x80x128xf32, #tpu.memory_space<vmem>> -> memref<1x80x128xf32, #tpu.memory_space<vmem>>
    %dma_wait3A_125 = tpu.memref_squeeze %dma_wait3A_124 : memref<1x80x128xf32, #tpu.memory_space<vmem>> -> memref<80x128xf32, #tpu.memory_space<vmem>>
    %dma_wait3A_126 = arith.constant 0 : i32
    %dma_wait3A_127 = tpu.memref_slice %arg8[%dma_wait3A_120, %dma_wait3A_126] : memref<4x80xi32, #tpu.memory_space<vmem>> -> memref<1x80xi32, #tpu.memory_space<vmem>>
    %dma_wait3A_128 = tpu.memref_squeeze %dma_wait3A_127 : memref<1x80xi32, #tpu.memory_space<vmem>> -> memref<80xi32, #tpu.memory_space<vmem>>
    %dma_wait3A_129 = arith.constant 0 : i32
    %dma_wait3A_130 = arith.constant 0 : i32
    %dma_wait3A_131 = tpu.memref_slice %arg10[%dma_wait3A_129, %dma_wait3A_130] : memref<10000x128xf32, #tpu.memory_space<vmem_shared>> -> memref<10000x128xf32, #tpu.memory_space<vmem_shared>>
    %dma_wait3A_132 = tpu.memref_slice %arg15[%dma_wait3A_121] : memref<4x!tpu.dma_semaphore, #tpu.memory_space<semaphore_mem>> -> memref<1x!tpu.dma_semaphore, #tpu.memory_space<semaphore_mem>>
    %dma_wait3A_133 = tpu.memref_squeeze %dma_wait3A_132 : memref<1x!tpu.dma_semaphore, #tpu.memory_space<semaphore_mem>> -> memref<!tpu.dma_semaphore, #tpu.memory_space<semaphore_mem>>
    tpu.wait_indirect_dma semaphore(%dma_wait3A_133 : memref<!tpu.dma_semaphore, #tpu.memory_space<semaphore_mem>>) src(%dma_wait3A_125 : memref<80x128xf32, #tpu.memory_space<vmem>>) dst(%dma_wait3A_131 : memref<10000x128xf32, #tpu.memory_space<vmem_shared>>)
    %barrier3A_134 = arith.constant 0 : index
    tpu.barrier barrier_id(%barrier3A_134)
    %lt3A_135 = arith.constant 15 : i32
    %lt3A_136 = arith.cmpi slt, %arg1, %lt3A_135 : i32
    %convert_element_type3A_137 = arith.extui %lt3A_136 : i1 to i32
    %cond3A_138 = arith.constant 0 : i32
    %cond3A_139 = arith.cmpi ne, %convert_element_type3A_137, %cond3A_138 : i32
    scf.if %cond3A_139 {
      %mul3A_145 = arith.constant 624 : i32
      %mul3A_146 = arith.muli %arg1, %mul3A_145 : i32
      %mul3A_147 = arith.constant 624 : i32
      %mul3A_148 = arith.muli %arg1, %mul3A_147 : i32
      "tpu.region"() ({
        %run_scoped3A = tpu.sem_alloc : memref<!tpu.dma_semaphore, #tpu.memory_space<semaphore_mem>>
        %dma_start3A = arith.constant 0 : i32
        %dma_start3A_149 = arith.constant 0 : i32
        %dma_start3A_150 = tpu.memref_slice %arg6[%arg0, %dma_start3A, %dma_start3A_149] : memref<2x10000x128xf32, #tpu.memory_space<hbm>> -> memref<1x10000x128xf32, #tpu.memory_space<hbm>>
        %dma_start3A_151 = tpu.memref_squeeze %dma_start3A_150 : memref<1x10000x128xf32, #tpu.memory_space<hbm>> -> memref<10000x128xf32, #tpu.memory_space<hbm>>
        %dma_start3A_152 = arith.constant 0 : i32
        %dma_start3A_153 = tpu.memref_slice %dma_start3A_151[%mul3A_148, %dma_start3A_152] : memref<10000x128xf32, #tpu.memory_space<hbm>> -> memref<624x128xf32, #tpu.memory_space<hbm>>
        %dma_start3A_154 = arith.constant 0 : i32
        %dma_start3A_155 = tpu.memref_slice %arg10[%mul3A_146, %dma_start3A_154] : memref<10000x128xf32, #tpu.memory_space<vmem_shared>> -> memref<624x128xf32, #tpu.memory_space<vmem_shared>>
        tpu.enqueue_dma source(%dma_start3A_155 : memref<624x128xf32, #tpu.memory_space<vmem_shared>>) target(%dma_start3A_153 : memref<624x128xf32, #tpu.memory_space<hbm>>) target_semaphore(%run_scoped3A : memref<!tpu.dma_semaphore, #tpu.memory_space<semaphore_mem>>)
        %dma_wait3A_156 = arith.constant 0 : i32
        %dma_wait3A_157 = arith.constant 0 : i32
        %dma_wait3A_158 = tpu.memref_slice %arg6[%arg0, %dma_wait3A_156, %dma_wait3A_157] : memref<2x10000x128xf32, #tpu.memory_space<hbm>> -> memref<1x10000x128xf32, #tpu.memory_space<hbm>>
        %dma_wait3A_159 = tpu.memref_squeeze %dma_wait3A_158 : memref<1x10000x128xf32, #tpu.memory_space<hbm>> -> memref<10000x128xf32, #tpu.memory_space<hbm>>
        %dma_wait3A_160 = arith.constant 0 : i32
        %dma_wait3A_161 = tpu.memref_slice %dma_wait3A_159[%mul3A_148, %dma_wait3A_160] : memref<10000x128xf32, #tpu.memory_space<hbm>> -> memref<624x128xf32, #tpu.memory_space<hbm>>
        %dma_wait3A_162 = arith.constant 0 : i32
        %dma_wait3A_163 = tpu.memref_slice %arg10[%mul3A_146, %dma_wait3A_162] : memref<10000x128xf32, #tpu.memory_space<vmem_shared>> -> memref<624x128xf32, #tpu.memory_space<vmem_shared>>
        tpu.wait_dma2 semaphore(%run_scoped3A : memref<!tpu.dma_semaphore, #tpu.memory_space<semaphore_mem>>) src(%dma_wait3A_163 : memref<624x128xf32, #tpu.memory_space<vmem_shared>>) dst(%dma_wait3A_161 : memref<624x128xf32, #tpu.memory_space<hbm>>)
        tpu.yield
      }) : () -> ()
    } else {
    }
    %eq3A_140 = arith.constant 15 : i32
    %eq3A_141 = arith.cmpi eq, %arg1, %eq3A_140 : i32
    %convert_element_type3A_142 = arith.extui %eq3A_141 : i1 to i32
    %cond3A_143 = arith.constant 0 : i32
    %cond3A_144 = arith.cmpi ne, %convert_element_type3A_142, %cond3A_143 : i32
    scf.if %cond3A_144 {
      %mul3A_145 = arith.constant 624 : i32
      %mul3A_146 = arith.muli %arg1, %mul3A_145 : i32
      %mul3A_147 = arith.constant 624 : i32
      %mul3A_148 = arith.muli %arg1, %mul3A_147 : i32
      "tpu.region"() ({
        %run_scoped3A = tpu.sem_alloc : memref<!tpu.dma_semaphore, #tpu.memory_space<semaphore_mem>>
        %dma_start3A = arith.constant 0 : i32
        %dma_start3A_149 = arith.constant 0 : i32
        %dma_start3A_150 = tpu.memref_slice %arg6[%arg0, %dma_start3A, %dma_start3A_149] : memref<2x10000x128xf32, #tpu.memory_space<hbm>> -> memref<1x10000x128xf32, #tpu.memory_space<hbm>>
        %dma_start3A_151 = tpu.memref_squeeze %dma_start3A_150 : memref<1x10000x128xf32, #tpu.memory_space<hbm>> -> memref<10000x128xf32, #tpu.memory_space<hbm>>
        %dma_start3A_152 = arith.constant 0 : i32
        %dma_start3A_153 = tpu.memref_slice %dma_start3A_151[%mul3A_148, %dma_start3A_152] : memref<10000x128xf32, #tpu.memory_space<hbm>> -> memref<640x128xf32, #tpu.memory_space<hbm>>
        %dma_start3A_154 = arith.constant 0 : i32
        %dma_start3A_155 = tpu.memref_slice %arg10[%mul3A_146, %dma_start3A_154] : memref<10000x128xf32, #tpu.memory_space<vmem_shared>> -> memref<640x128xf32, #tpu.memory_space<vmem_shared>>
        tpu.enqueue_dma source(%dma_start3A_155 : memref<640x128xf32, #tpu.memory_space<vmem_shared>>) target(%dma_start3A_153 : memref<640x128xf32, #tpu.memory_space<hbm>>) target_semaphore(%run_scoped3A : memref<!tpu.dma_semaphore, #tpu.memory_space<semaphore_mem>>)
        %dma_wait3A_156 = arith.constant 0 : i32
        %dma_wait3A_157 = arith.constant 0 : i32
        %dma_wait3A_158 = tpu.memref_slice %arg6[%arg0, %dma_wait3A_156, %dma_wait3A_157] : memref<2x10000x128xf32, #tpu.memory_space<hbm>> -> memref<1x10000x128xf32, #tpu.memory_space<hbm>>
        %dma_wait3A_159 = tpu.memref_squeeze %dma_wait3A_158 : memref<1x10000x128xf32, #tpu.memory_space<hbm>> -> memref<10000x128xf32, #tpu.memory_space<hbm>>
        %dma_wait3A_160 = arith.constant 0 : i32
        %dma_wait3A_161 = tpu.memref_slice %dma_wait3A_159[%mul3A_148, %dma_wait3A_160] : memref<10000x128xf32, #tpu.memory_space<hbm>> -> memref<640x128xf32, #tpu.memory_space<hbm>>
        %dma_wait3A_162 = arith.constant 0 : i32
        %dma_wait3A_163 = tpu.memref_slice %arg10[%mul3A_146, %dma_wait3A_162] : memref<10000x128xf32, #tpu.memory_space<vmem_shared>> -> memref<640x128xf32, #tpu.memory_space<vmem_shared>>
        tpu.wait_dma2 semaphore(%run_scoped3A : memref<!tpu.dma_semaphore, #tpu.memory_space<semaphore_mem>>) src(%dma_wait3A_163 : memref<640x128xf32, #tpu.memory_space<vmem_shared>>) dst(%dma_wait3A_161 : memref<640x128xf32, #tpu.memory_space<hbm>>)
        tpu.yield
      }) : () -> ()
    } else {
    }
    return
  }
}

module attributes {stable_mosaic.version = 14 : i64} {
  func.func @_edge_mlp_body(%arg0: i32, %arg1: memref<2560x128xf32, #tpu.memory_space<vmem>>, %arg2: memref<2560x128xf32, #tpu.memory_space<vmem>>, %arg3: memref<256x256xf32, #tpu.memory_space<vmem>>, %arg4: memref<1x256xf32, #tpu.memory_space<vmem>>, %arg5: memref<256x128xf32, #tpu.memory_space<vmem>>, %arg6: memref<1x128xf32, #tpu.memory_space<vmem>>, %arg7: memref<2560x128xf32, #tpu.memory_space<vmem>>) attributes {dimension_semantics = [#tpu.dimension_semantics<arbitrary>], iteration_bounds = array<i64: 62>, scalar_prefetch = 0 : i64, scratch_operands = 0 : i64, tpu.core_type = #tpu.core_type<tc>, window_params = [{transform_indices = @transform_0, window_bounds = array<i64: 2560, 128>}, {transform_indices = @transform_1, window_bounds = array<i64: 2560, 128>}, {pipeline_mode = #tpu.pipeline_mode<synchronous>, transform_indices = @transform_2, window_bounds = array<i64: 256, 256>}, {pipeline_mode = #tpu.pipeline_mode<synchronous>, transform_indices = @transform_3, window_bounds = array<i64: 1, 256>}, {pipeline_mode = #tpu.pipeline_mode<synchronous>, transform_indices = @transform_4, window_bounds = array<i64: 256, 128>}, {pipeline_mode = #tpu.pipeline_mode<synchronous>, transform_indices = @transform_5, window_bounds = array<i64: 1, 128>}, {transform_indices = @transform_6, window_bounds = array<i64: 2560, 128>}]} {
    %get3A = arith.constant 0 : index
    %get3A_0 = arith.constant 0 : index
    %get3A_1 = vector.load %arg1[%get3A, %get3A_0] : memref<2560x128xf32, #tpu.memory_space<vmem>>, vector<2560x128xf32>
    %convert_element_type3A = arith.truncf %get3A_1 : vector<2560x128xf32> to vector<2560x128xbf16>
    %get3A_2 = arith.constant 0 : index
    %get3A_3 = arith.constant 0 : index
    %get3A_4 = vector.load %arg2[%get3A_2, %get3A_3] : memref<2560x128xf32, #tpu.memory_space<vmem>>, vector<2560x128xf32>
    %convert_element_type3A_5 = arith.truncf %get3A_4 : vector<2560x128xf32> to vector<2560x128xbf16>
    %concatenate3A = tpu.concatenate %convert_element_type3A, %convert_element_type3A_5 in 1 : vector<2560x128xbf16>, vector<2560x128xbf16> -> vector<2560x256xbf16>
    %get3A_6 = arith.constant 0 : index
    %get3A_7 = arith.constant 0 : index
    %get3A_8 = vector.load %arg3[%get3A_6, %get3A_7] : memref<256x256xf32, #tpu.memory_space<vmem>>, vector<256x256xf32>
    %convert_element_type3A_9 = arith.truncf %get3A_8 : vector<256x256xf32> to vector<256x256xbf16>
    %dot_general3A = arith.constant dense<0.000000e+00> : vector<2560x256xf32>
    %dot_general3A_10 = tpu.matmul %concatenate3A, %convert_element_type3A_9, %dot_general3A {dimension_numbers = #tpu.dot_dimension_numbers<[1], [0], [0], [1], [0, 0, 1, 1], [], []>, transpose_lhs_hint = false} : vector<2560x256xbf16>, vector<256x256xbf16>, vector<2560x256xf32> -> vector<2560x256xf32>
    %get3A_11 = arith.constant 0 : index
    %get3A_12 = arith.constant 0 : index
    %get3A_13 = vector.load %arg4[%get3A_11, %get3A_12] : memref<1x256xf32, #tpu.memory_space<vmem>>, vector<1x256xf32>
    %add3A = vector.broadcast %get3A_13 : vector<1x256xf32> to vector<2560x256xf32>
    %add3A_14 = arith.addf %dot_general3A_10, %add3A : vector<2560x256xf32>
    %max3A = arith.constant 0.000000e+00 : f32
    %max3A_15 = vector.broadcast %max3A : f32 to vector<2560x256xf32>
    %max3A_16 = arith.maximumf %add3A_14, %max3A_15 : vector<2560x256xf32>
    %convert_element_type3A_17 = arith.truncf %max3A_16 : vector<2560x256xf32> to vector<2560x256xbf16>
    %get3A_18 = arith.constant 0 : index
    %get3A_19 = arith.constant 0 : index
    %get3A_20 = vector.load %arg5[%get3A_18, %get3A_19] : memref<256x128xf32, #tpu.memory_space<vmem>>, vector<256x128xf32>
    %convert_element_type3A_21 = arith.truncf %get3A_20 : vector<256x128xf32> to vector<256x128xbf16>
    %dot_general3A_22 = arith.constant dense<0.000000e+00> : vector<2560x128xf32>
    %dot_general3A_23 = tpu.matmul %convert_element_type3A_17, %convert_element_type3A_21, %dot_general3A_22 {dimension_numbers = #tpu.dot_dimension_numbers<[1], [0], [0], [1], [0, 0, 1, 1], [], []>, transpose_lhs_hint = false} : vector<2560x256xbf16>, vector<256x128xbf16>, vector<2560x128xf32> -> vector<2560x128xf32>
    %get3A_24 = arith.constant 0 : index
    %get3A_25 = arith.constant 0 : index
    %get3A_26 = vector.load %arg6[%get3A_24, %get3A_25] : memref<1x128xf32, #tpu.memory_space<vmem>>, vector<1x128xf32>
    %add3A_27 = vector.broadcast %get3A_26 : vector<1x128xf32> to vector<2560x128xf32>
    %add3A_28 = arith.addf %dot_general3A_23, %add3A_27 : vector<2560x128xf32>
    %max3A_29 = arith.constant 0.000000e+00 : f32
    %max3A_30 = vector.broadcast %max3A_29 : f32 to vector<2560x128xf32>
    %max3A_31 = arith.maximumf %add3A_28, %max3A_30 : vector<2560x128xf32>
    %swap3A = arith.constant 0 : index
    %swap3A_32 = arith.constant 0 : index
    %swap3A_33 = vector.load %arg7[%swap3A, %swap3A_32] : memref<2560x128xf32, #tpu.memory_space<vmem>>, vector<2560x128xf32>
    tpu.vector_store %arg7[%swap3A, %swap3A_32], %max3A_31 {strides = array<i32>} : memref<2560x128xf32, #tpu.memory_space<vmem>>, vector<2560x128xf32>,
    return
  }
  func.func @transform_0(%arg0: i32) -> (i32, i32) {
    %add3A = arith.constant 63 : i32
    %add3A_0 = arith.addi %arg0, %add3A : i32
    %c0_i32 = arith.constant 0 : i32
    %c0_i32_1 = arith.constant 0 : i32
    return %add3A_0, %c0_i32 : i32, i32
  }
  func.func @transform_1(%arg0: i32) -> (i32, i32) {
    %c0_i32 = arith.constant 0 : i32
    %c0_i32_0 = arith.constant 0 : i32
    return %arg0, %c0_i32 : i32, i32
  }
  func.func @transform_2(%arg0: i32) -> (i32, i32) {
    %c0_i32 = arith.constant 0 : i32
    %c0_i32_0 = arith.constant 0 : i32
    %c0_i32_1 = arith.constant 0 : i32
    return %c0_i32, %c0_i32_0 : i32, i32
  }
  func.func @transform_3(%arg0: i32) -> (i32, i32) {
    %c0_i32 = arith.constant 0 : i32
    %c0_i32_0 = arith.constant 0 : i32
    %c0_i32_1 = arith.constant 0 : i32
    return %c0_i32, %c0_i32_0 : i32, i32
  }
  func.func @transform_4(%arg0: i32) -> (i32, i32) {
    %c0_i32 = arith.constant 0 : i32
    %c0_i32_0 = arith.constant 0 : i32
    %c0_i32_1 = arith.constant 0 : i32
    return %c0_i32, %c0_i32_0 : i32, i32
  }
  func.func @transform_5(%arg0: i32) -> (i32, i32) {
    %c0_i32 = arith.constant 0 : i32
    %c0_i32_0 = arith.constant 0 : i32
    %c0_i32_1 = arith.constant 0 : i32
    return %c0_i32, %c0_i32_0 : i32, i32
  }
  func.func @transform_6(%arg0: i32) -> (i32, i32) {
    %c0_i32 = arith.constant 0 : i32
    %c0_i32_0 = arith.constant 0 : i32
    return %arg0, %c0_i32 : i32, i32
  }
}

module attributes {stable_mosaic.version = 14 : i64} {
  func.func @_edge_mlp_body(%arg0: i32, %arg1: memref<2560x128xf32, #tpu.memory_space<vmem>>, %arg2: memref<2560x128xf32, #tpu.memory_space<vmem>>, %arg3: memref<256x256xf32, #tpu.memory_space<vmem>>, %arg4: memref<1x256xf32, #tpu.memory_space<vmem>>, %arg5: memref<256x128xf32, #tpu.memory_space<vmem>>, %arg6: memref<1x128xf32, #tpu.memory_space<vmem>>, %arg7: memref<2560x128xf32, #tpu.memory_space<vmem>>) attributes {dimension_semantics = [#tpu.dimension_semantics<arbitrary>], iteration_bounds = array<i64: 63>, scalar_prefetch = 0 : i64, scratch_operands = 0 : i64, tpu.core_type = #tpu.core_type<tc>, window_params = [{transform_indices = @transform_0, window_bounds = array<i64: 2560, 128>}, {transform_indices = @transform_1, window_bounds = array<i64: 2560, 128>}, {pipeline_mode = #tpu.pipeline_mode<synchronous>, transform_indices = @transform_2, window_bounds = array<i64: 256, 256>}, {pipeline_mode = #tpu.pipeline_mode<synchronous>, transform_indices = @transform_3, window_bounds = array<i64: 1, 256>}, {pipeline_mode = #tpu.pipeline_mode<synchronous>, transform_indices = @transform_4, window_bounds = array<i64: 256, 128>}, {pipeline_mode = #tpu.pipeline_mode<synchronous>, transform_indices = @transform_5, window_bounds = array<i64: 1, 128>}, {transform_indices = @transform_6, window_bounds = array<i64: 2560, 128>}]} {
    %get3A = arith.constant 0 : index
    %get3A_0 = arith.constant 0 : index
    %get3A_1 = vector.load %arg1[%get3A, %get3A_0] : memref<2560x128xf32, #tpu.memory_space<vmem>>, vector<2560x128xf32>
    %convert_element_type3A = arith.truncf %get3A_1 : vector<2560x128xf32> to vector<2560x128xbf16>
    %get3A_2 = arith.constant 0 : index
    %get3A_3 = arith.constant 0 : index
    %get3A_4 = vector.load %arg2[%get3A_2, %get3A_3] : memref<2560x128xf32, #tpu.memory_space<vmem>>, vector<2560x128xf32>
    %convert_element_type3A_5 = arith.truncf %get3A_4 : vector<2560x128xf32> to vector<2560x128xbf16>
    %concatenate3A = tpu.concatenate %convert_element_type3A, %convert_element_type3A_5 in 1 : vector<2560x128xbf16>, vector<2560x128xbf16> -> vector<2560x256xbf16>
    %get3A_6 = arith.constant 0 : index
    %get3A_7 = arith.constant 0 : index
    %get3A_8 = vector.load %arg3[%get3A_6, %get3A_7] : memref<256x256xf32, #tpu.memory_space<vmem>>, vector<256x256xf32>
    %convert_element_type3A_9 = arith.truncf %get3A_8 : vector<256x256xf32> to vector<256x256xbf16>
    %dot_general3A = arith.constant dense<0.000000e+00> : vector<2560x256xf32>
    %dot_general3A_10 = tpu.matmul %concatenate3A, %convert_element_type3A_9, %dot_general3A {dimension_numbers = #tpu.dot_dimension_numbers<[1], [0], [0], [1], [0, 0, 1, 1], [], []>, transpose_lhs_hint = false} : vector<2560x256xbf16>, vector<256x256xbf16>, vector<2560x256xf32> -> vector<2560x256xf32>
    %get3A_11 = arith.constant 0 : index
    %get3A_12 = arith.constant 0 : index
    %get3A_13 = vector.load %arg4[%get3A_11, %get3A_12] : memref<1x256xf32, #tpu.memory_space<vmem>>, vector<1x256xf32>
    %add3A = vector.broadcast %get3A_13 : vector<1x256xf32> to vector<2560x256xf32>
    %add3A_14 = arith.addf %dot_general3A_10, %add3A : vector<2560x256xf32>
    %max3A = arith.constant 0.000000e+00 : f32
    %max3A_15 = vector.broadcast %max3A : f32 to vector<2560x256xf32>
    %max3A_16 = arith.maximumf %add3A_14, %max3A_15 : vector<2560x256xf32>
    %convert_element_type3A_17 = arith.truncf %max3A_16 : vector<2560x256xf32> to vector<2560x256xbf16>
    %get3A_18 = arith.constant 0 : index
    %get3A_19 = arith.constant 0 : index
    %get3A_20 = vector.load %arg5[%get3A_18, %get3A_19] : memref<256x128xf32, #tpu.memory_space<vmem>>, vector<256x128xf32>
    %convert_element_type3A_21 = arith.truncf %get3A_20 : vector<256x128xf32> to vector<256x128xbf16>
    %dot_general3A_22 = arith.constant dense<0.000000e+00> : vector<2560x128xf32>
    %dot_general3A_23 = tpu.matmul %convert_element_type3A_17, %convert_element_type3A_21, %dot_general3A_22 {dimension_numbers = #tpu.dot_dimension_numbers<[1], [0], [0], [1], [0, 0, 1, 1], [], []>, transpose_lhs_hint = false} : vector<2560x256xbf16>, vector<256x128xbf16>, vector<2560x128xf32> -> vector<2560x128xf32>
    %get3A_24 = arith.constant 0 : index
    %get3A_25 = arith.constant 0 : index
    %get3A_26 = vector.load %arg6[%get3A_24, %get3A_25] : memref<1x128xf32, #tpu.memory_space<vmem>>, vector<1x128xf32>
    %add3A_27 = vector.broadcast %get3A_26 : vector<1x128xf32> to vector<2560x128xf32>
    %add3A_28 = arith.addf %dot_general3A_23, %add3A_27 : vector<2560x128xf32>
    %max3A_29 = arith.constant 0.000000e+00 : f32
    %max3A_30 = vector.broadcast %max3A_29 : f32 to vector<2560x128xf32>
    %max3A_31 = arith.maximumf %add3A_28, %max3A_30 : vector<2560x128xf32>
    %swap3A = arith.constant 0 : index
    %swap3A_32 = arith.constant 0 : index
    %swap3A_33 = vector.load %arg7[%swap3A, %swap3A_32] : memref<2560x128xf32, #tpu.memory_space<vmem>>, vector<2560x128xf32>
    tpu.vector_store %arg7[%swap3A, %swap3A_32], %max3A_31 {strides = array<i32>} : memref<2560x128xf32, #tpu.memory_space<vmem>>, vector<2560x128xf32>,
    return
  }
  func.func @transform_0(%arg0: i32) -> (i32, i32) {
    %add3A = arith.constant 0 : i32
    %add3A_0 = arith.addi %arg0, %add3A : i32
    %c0_i32 = arith.constant 0 : i32
    %c0_i32_1 = arith.constant 0 : i32
    return %add3A_0, %c0_i32 : i32, i32
  }
  func.func @transform_1(%arg0: i32) -> (i32, i32) {
    %c0_i32 = arith.constant 0 : i32
    %c0_i32_0 = arith.constant 0 : i32
    return %arg0, %c0_i32 : i32, i32
  }
  func.func @transform_2(%arg0: i32) -> (i32, i32) {
    %c0_i32 = arith.constant 0 : i32
    %c0_i32_0 = arith.constant 0 : i32
    %c0_i32_1 = arith.constant 0 : i32
    return %c0_i32, %c0_i32_0 : i32, i32
  }
  func.func @transform_3(%arg0: i32) -> (i32, i32) {
    %c0_i32 = arith.constant 0 : i32
    %c0_i32_0 = arith.constant 0 : i32
    %c0_i32_1 = arith.constant 0 : i32
    return %c0_i32, %c0_i32_0 : i32, i32
  }
  func.func @transform_4(%arg0: i32) -> (i32, i32) {
    %c0_i32 = arith.constant 0 : i32
    %c0_i32_0 = arith.constant 0 : i32
    %c0_i32_1 = arith.constant 0 : i32
    return %c0_i32, %c0_i32_0 : i32, i32
  }
  func.func @transform_5(%arg0: i32) -> (i32, i32) {
    %c0_i32 = arith.constant 0 : i32
    %c0_i32_0 = arith.constant 0 : i32
    %c0_i32_1 = arith.constant 0 : i32
    return %c0_i32, %c0_i32_0 : i32, i32
  }
  func.func @transform_6(%arg0: i32) -> (i32, i32) {
    %c0_i32 = arith.constant 0 : i32
    %c0_i32_0 = arith.constant 0 : i32
    return %arg0, %c0_i32 : i32, i32
  }
}

module attributes {stable_mosaic.version = 14 : i64} {
  func.func @_node_mlp_body(%arg0: i32, %arg1: memref<2000x128xf32, #tpu.memory_space<vmem>>, %arg2: memref<2000x128xf32, #tpu.memory_space<vmem>>, %arg3: memref<2000x128xf32, #tpu.memory_space<vmem>>, %arg4: memref<2000x128xf32, #tpu.memory_space<vmem>>, %arg5: memref<2000x128xf32, #tpu.memory_space<vmem>>, %arg6: memref<256x256xf32, #tpu.memory_space<vmem>>, %arg7: memref<1x256xf32, #tpu.memory_space<vmem>>, %arg8: memref<256x128xf32, #tpu.memory_space<vmem>>, %arg9: memref<1x128xf32, #tpu.memory_space<vmem>>, %arg10: memref<2000x128xf32, #tpu.memory_space<vmem>>) attributes {dimension_semantics = [#tpu.dimension_semantics<arbitrary>], iteration_bounds = array<i64: 5>, scalar_prefetch = 0 : i64, scratch_operands = 0 : i64, tpu.core_type = #tpu.core_type<tc>, window_params = [{transform_indices = @transform_0, window_bounds = array<i64: 2000, 128>}, {transform_indices = @transform_1, window_bounds = array<i64: 2000, 128>}, {transform_indices = @transform_2, window_bounds = array<i64: 2000, 128>}, {transform_indices = @transform_3, window_bounds = array<i64: 2000, 128>}, {transform_indices = @transform_4, window_bounds = array<i64: 2000, 128>}, {pipeline_mode = #tpu.pipeline_mode<synchronous>, transform_indices = @transform_5, window_bounds = array<i64: 256, 256>}, {pipeline_mode = #tpu.pipeline_mode<synchronous>, transform_indices = @transform_6, window_bounds = array<i64: 1, 256>}, {pipeline_mode = #tpu.pipeline_mode<synchronous>, transform_indices = @transform_7, window_bounds = array<i64: 256, 128>}, {pipeline_mode = #tpu.pipeline_mode<synchronous>, transform_indices = @transform_8, window_bounds = array<i64: 1, 128>}, {transform_indices = @transform_9, window_bounds = array<i64: 2000, 128>}]} {
    %get3A = arith.constant 0 : index
    %get3A_0 = arith.constant 0 : index
    %get3A_1 = vector.load %arg2[%get3A, %get3A_0] : memref<2000x128xf32, #tpu.memory_space<vmem>>, vector<2000x128xf32>
    %get3A_2 = arith.constant 0 : index
    %get3A_3 = arith.constant 0 : index
    %get3A_4 = vector.load %arg3[%get3A_2, %get3A_3] : memref<2000x128xf32, #tpu.memory_space<vmem>>, vector<2000x128xf32>
    %add3A = arith.addf %get3A_1, %get3A_4 : vector<2000x128xf32>
    %get3A_5 = arith.constant 0 : index
    %get3A_6 = arith.constant 0 : index
    %get3A_7 = vector.load %arg4[%get3A_5, %get3A_6] : memref<2000x128xf32, #tpu.memory_space<vmem>>, vector<2000x128xf32>
    %add3A_8 = arith.addf %add3A, %get3A_7 : vector<2000x128xf32>
    %get3A_9 = arith.constant 0 : index
    %get3A_10 = arith.constant 0 : index
    %get3A_11 = vector.load %arg5[%get3A_9, %get3A_10] : memref<2000x128xf32, #tpu.memory_space<vmem>>, vector<2000x128xf32>
    %add3A_12 = arith.addf %add3A_8, %get3A_11 : vector<2000x128xf32>
    %get3A_13 = arith.constant 0 : index
    %get3A_14 = arith.constant 0 : index
    %get3A_15 = vector.load %arg1[%get3A_13, %get3A_14] : memref<2000x128xf32, #tpu.memory_space<vmem>>, vector<2000x128xf32>
    %convert_element_type3A = arith.truncf %get3A_15 : vector<2000x128xf32> to vector<2000x128xbf16>
    %convert_element_type3A_16 = arith.truncf %add3A_12 : vector<2000x128xf32> to vector<2000x128xbf16>
    %concatenate3A = tpu.concatenate %convert_element_type3A, %convert_element_type3A_16 in 1 : vector<2000x128xbf16>, vector<2000x128xbf16> -> vector<2000x256xbf16>
    %get3A_17 = arith.constant 0 : index
    %get3A_18 = arith.constant 0 : index
    %get3A_19 = vector.load %arg6[%get3A_17, %get3A_18] : memref<256x256xf32, #tpu.memory_space<vmem>>, vector<256x256xf32>
    %convert_element_type3A_20 = arith.truncf %get3A_19 : vector<256x256xf32> to vector<256x256xbf16>
    %dot_general3A = arith.constant dense<0.000000e+00> : vector<2000x256xf32>
    %dot_general3A_21 = tpu.matmul %concatenate3A, %convert_element_type3A_20, %dot_general3A {dimension_numbers = #tpu.dot_dimension_numbers<[1], [0], [0], [1], [0, 0, 1, 1], [], []>, transpose_lhs_hint = false} : vector<2000x256xbf16>, vector<256x256xbf16>, vector<2000x256xf32> -> vector<2000x256xf32>
    %get3A_22 = arith.constant 0 : index
    %get3A_23 = arith.constant 0 : index
    %get3A_24 = vector.load %arg7[%get3A_22, %get3A_23] : memref<1x256xf32, #tpu.memory_space<vmem>>, vector<1x256xf32>
    %add3A_25 = vector.broadcast %get3A_24 : vector<1x256xf32> to vector<2000x256xf32>
    %add3A_26 = arith.addf %dot_general3A_21, %add3A_25 : vector<2000x256xf32>
    %max3A = arith.constant 0.000000e+00 : f32
    %max3A_27 = vector.broadcast %max3A : f32 to vector<2000x256xf32>
    %max3A_28 = arith.maximumf %add3A_26, %max3A_27 : vector<2000x256xf32>
    %convert_element_type3A_29 = arith.truncf %max3A_28 : vector<2000x256xf32> to vector<2000x256xbf16>
    %get3A_30 = arith.constant 0 : index
    %get3A_31 = arith.constant 0 : index
    %get3A_32 = vector.load %arg8[%get3A_30, %get3A_31] : memref<256x128xf32, #tpu.memory_space<vmem>>, vector<256x128xf32>
    %convert_element_type3A_33 = arith.truncf %get3A_32 : vector<256x128xf32> to vector<256x128xbf16>
    %dot_general3A_34 = arith.constant dense<0.000000e+00> : vector<2000x128xf32>
    %dot_general3A_35 = tpu.matmul %convert_element_type3A_29, %convert_element_type3A_33, %dot_general3A_34 {dimension_numbers = #tpu.dot_dimension_numbers<[1], [0], [0], [1], [0, 0, 1, 1], [], []>, transpose_lhs_hint = false} : vector<2000x256xbf16>, vector<256x128xbf16>, vector<2000x128xf32> -> vector<2000x128xf32>
    %get3A_36 = arith.constant 0 : index
    %get3A_37 = arith.constant 0 : index
    %get3A_38 = vector.load %arg9[%get3A_36, %get3A_37] : memref<1x128xf32, #tpu.memory_space<vmem>>, vector<1x128xf32>
    %add3A_39 = vector.broadcast %get3A_38 : vector<1x128xf32> to vector<2000x128xf32>
    %add3A_40 = arith.addf %dot_general3A_35, %add3A_39 : vector<2000x128xf32>
    %max3A_41 = arith.constant 0.000000e+00 : f32
    %max3A_42 = vector.broadcast %max3A_41 : f32 to vector<2000x128xf32>
    %max3A_43 = arith.maximumf %add3A_40, %max3A_42 : vector<2000x128xf32>
    %swap3A = arith.constant 0 : index
    %swap3A_44 = arith.constant 0 : index
    %swap3A_45 = vector.load %arg10[%swap3A, %swap3A_44] : memref<2000x128xf32, #tpu.memory_space<vmem>>, vector<2000x128xf32>
    tpu.vector_store %arg10[%swap3A, %swap3A_44], %max3A_43 {strides = array<i32>} : memref<2000x128xf32, #tpu.memory_space<vmem>>, vector<2000x128xf32>,
    return
  }
  func.func @transform_0(%arg0: i32) -> (i32, i32) {
    %c0_i32 = arith.constant 0 : i32
    %c0_i32_0 = arith.constant 0 : i32
    return %arg0, %c0_i32 : i32, i32
  }
  func.func @transform_1(%arg0: i32) -> (i32, i32) {
    %c0_i32 = arith.constant 0 : i32
    %c0_i32_0 = arith.constant 0 : i32
    return %arg0, %c0_i32 : i32, i32
  }
  func.func @transform_2(%arg0: i32) -> (i32, i32) {
    %c0_i32 = arith.constant 0 : i32
    %c0_i32_0 = arith.constant 0 : i32
    return %arg0, %c0_i32 : i32, i32
  }
  func.func @transform_3(%arg0: i32) -> (i32, i32) {
    %c0_i32 = arith.constant 0 : i32
    %c0_i32_0 = arith.constant 0 : i32
    return %arg0, %c0_i32 : i32, i32
  }
  func.func @transform_4(%arg0: i32) -> (i32, i32) {
    %c0_i32 = arith.constant 0 : i32
    %c0_i32_0 = arith.constant 0 : i32
    return %arg0, %c0_i32 : i32, i32
  }
  func.func @transform_5(%arg0: i32) -> (i32, i32) {
    %c0_i32 = arith.constant 0 : i32
    %c0_i32_0 = arith.constant 0 : i32
    %c0_i32_1 = arith.constant 0 : i32
    return %c0_i32, %c0_i32_0 : i32, i32
  }
  func.func @transform_6(%arg0: i32) -> (i32, i32) {
    %c0_i32 = arith.constant 0 : i32
    %c0_i32_0 = arith.constant 0 : i32
    %c0_i32_1 = arith.constant 0 : i32
    return %c0_i32, %c0_i32_0 : i32, i32
  }
  func.func @transform_7(%arg0: i32) -> (i32, i32) {
    %c0_i32 = arith.constant 0 : i32
    %c0_i32_0 = arith.constant 0 : i32
    %c0_i32_1 = arith.constant 0 : i32
    return %c0_i32, %c0_i32_0 : i32, i32
  }
  func.func @transform_8(%arg0: i32) -> (i32, i32) {
    %c0_i32 = arith.constant 0 : i32
    %c0_i32_0 = arith.constant 0 : i32
    %c0_i32_1 = arith.constant 0 : i32
    return %c0_i32, %c0_i32_0 : i32, i32
  }
  func.func @transform_9(%arg0: i32) -> (i32, i32) {
    %c0_i32 = arith.constant 0 : i32
    %c0_i32_0 = arith.constant 0 : i32
    return %arg0, %c0_i32 : i32, i32
  }
}

</mosaic_0001>

<sc_bundles>
// kernel: kernel.12.cloned.1.call-start
scs
__scs_entry_jumppad:
0x0: {  	(pc) =	sbr.rel $0x88, $3  }
0x1: {  	(tag) =	ssettag $0x0;
	lr =	simm.s32 $0x1  }
0x2: {  	[smem:$0x3F96] =	sst lr;
	_ =	strace $0xD0000000  }
0x3: {  	_ = 	snop  }
0x4: {  	_ = 	snop  }
0x5: {  	_ = 	snop  }
0x6: {  	_ = 	snop  }
0x7: {  	_ = 	snop  }
__scs_overlays_trampoline_lowered:
0x8: {  	[smem:$0x3FA5] =	sst s0  }
0x9: {  	[smem:$0x3FA6] =	sst s1  }
0xa: {  	[smem:$0x3FA7] =	sst s2  }
0xb: {  	[smem:$0x3FA8] =	sst s3  }
0xc: {  	[smem:$0x3FA9] =	sst s4  }
0xd: {  	[smem:$0x3FAA] =	sst s5  }
0xe: {  	[smem:$0x3FAB] =	sst s6  }
0xf: {  	[smem:$0x3FAC] =	sst s7  }
0x10: {  	[smem:$0x3FAD] =	sst s8  }
0x11: {  	[smem:$0x3FAE] =	sst s9;
	s0 =	simm.s32 @!p0 $0x0  }
0x12: {  	s1 =	sld [smem:$0x3F94];
	s0 =	simm.s32 @p0 $0x1  }
0x13: {  	[smem:$0x3FAF] =	sst s0;
	s0 =	simm.s32 @!p1 $0x0  }
0x14: {  	s2 =	sld [smem:$0x3F93];
	s0 =	simm.s32 @p1 $0x1  }
0x15: {  	[smem:$0x3FB0] =	sst s0;
	s0 =	simm.s32 @!p2 $0x0  }
0x16: {  	s3 =	sld [smem:$0x3FDB];
	s0 =	simm.s32 @p2 $0x1  }
0x17: {  	s4 =	simm.s32 $0x1BF5;
	[smem:$0x3FB2] =	sst s0  }
0x18: {  	s0 =	sld [smem:$0x3F95];
	_ =	swait.ge [sflag:s4], $0x0  }
0x19: {  	s7 =	sld [smem:$0x3F96]  }
0x1a: {  	s8 =	sadd.s32 $0xFFFFE003, lr  }
0x1b: {  	s9 =	sadd.s32 $0xFFFFFEF7, lr;
	s5 =	simm.s32 $0xFFFFFFFF;
	p2 =	slt.u32 s8, $0xFFFFF086  }
0x1c: {  	p1 =	slt.u32 s9, $0xF7A;
	s5 =	simm.s32 @!p2 $0x0  }
0x1d: {  	s5 =	simm.s32 @p1 $0x1;
	p0 =	seq.s32 s7, s2  }
0x1e: {  	s7 =	smul.u32 @!p0 $0xF7A, s2;
	p2 =	seq.s32 @!p0 s5, $0x0  }
0x1f: {  	s9 =	smul.u32 $0xF7A, s1;
	s8 =	simm.s32 @!p0 $0x1BF5;
	p2 =	por !p2, p0  }
0x20: {  	[sflag:s8] =	ssyncset.s32 @!p0 $0xFFFFF086;
	s6 =	sadd.s32 @!p0 s3, s7;
	s7 =	simm.s32 @!p0 $0x108  }
0x21: {  	s3 =	sadd.s32 s3, s9;
	s6 =	sadd.s32 @!p0 $0x88, s6;
	s7 =	simm.s32 @p2 $0x1082  }
0x22: {  	[simem:s7], [sflag:s8] =	dma.local @!p0 [hbm:s6], $0xF7A  }
0x23: {  	s9 =	sor.u32 $0xD0000000, s2;
	s6 =	simm.s32 $0x108;
	_ =	swait.ge @!p0 [sflag:s8], $0x0  }
0x24: {  	s3 =	sadd.s32 $0x88, s3;
	s6 =	simm.s32 @!p1 $0x1082;
	[sflag:s4] =	ssyncset.s32 $0xFFFFF086  }
0x25: {  	[simem:s6], [sflag:s4] =	dma.local [hbm:s3], $0xF7A  }
0x26: {  	[smem:$0x3F96] =	sst s1;
	(tag) =	ssettag s2;
	_ =	strace s9  }
0x27: {  	s1 =	sld [smem:$0x3FA6]  }
0x28: {  	s2 =	sld [smem:$0x3FA7]  }
0x29: {  	s4 =	sld [smem:$0x3FA9]  }
0x2a: {  	p0 =	seq.s32 s5, $0x0;
	s5 =	sld [smem:$0x3FAA]  }
0x2b: {  	s6 =	sld [smem:$0x3FAB]  }
0x2c: {  	s7 =	sld [smem:$0x3FAC]  }
0x2d: {  	s3 =	simm.s32 $0x108;
	s8 =	sld [smem:$0x3FAD]  }
0x2e: {  	s3 =	simm.s32 @!p0 $0x1082;
	s9 =	sld [smem:$0x3FAE]  }
0x2f: {  	lr =	sadd.s32 s0, s3;
	s0 =	sld [smem:$0x3FA5]  }
0x30: {  	s3 =	sld [smem:$0x3FA8]  }
0x31: {  	[smem:$0x3FB1] =	sst s10  }
0x32: {  	s10 =	sld [smem:$0x3FAF];
	_ =	sdelay $0x3  }
0x33: {  	p0 =	seq.s32 s10, $0x1;
	s10 =	sld [smem:$0x3FB1];
	_ =	sdelay $0x3  }
0x34: {  	[smem:$0x3FB1] =	sst s10  }
0x35: {  	s10 =	sld [smem:$0x3FB0];
	_ =	sdelay $0x3  }
0x36: {  	p1 =	seq.s32 s10, $0x1;
	s10 =	sld [smem:$0x3FB1];
	_ =	sdelay $0x3  }
0x37: {  	[smem:$0x3FB1] =	sst s10  }
0x38: {  	s10 =	sld [smem:$0x3FB2]  }
0x39: {  	_ = 	snop;
	(pc) =	sbr.ind lr, $3  }
0x3a: {  	_ = 	snop  }
0x3b: {  	_ = 	snop  }
0x3c: {  	p2 =	seq.s32 s10, $0x1;
	s10 =	sld [smem:$0x3FB1]  }
0x3d: {  	_ =	shalt  }
0x3e: {  	_ =	shalt  }
0x3f: {  	_ =	shalt  }
0x40: {  	_ =	shalt  }
0x41: {  	_ =	shalt  }
0x42: {  	_ =	shalt  }
0x43: {  	_ =	shalt  }
0x44: {  	_ =	shalt  }
0x45: {  	_ =	shalt  }
0x46: {  	_ =	shalt  }
0x47: {  	_ =	shalt  }
0x48: {  	_ =	shalt  }
0x49: {  	_ =	shalt  }
0x4a: {  	_ =	shalt  }
0x4b: {  	_ =	shalt  }
0x4c: {  	_ =	shalt  }
0x4d: {  	_ =	shalt  }
0x4e: {  	_ =	shalt  }
0x4f: {  	_ =	shalt  }
0x50: {  	_ =	shalt  }
0x51: {  	_ =	shalt  }
0x52: {  	_ =	shalt  }
0x53: {  	_ =	shalt  }
0x54: {  	_ =	shalt  }
0x55: {  	_ =	shalt  }
0x56: {  	_ =	shalt  }
0x57: {  	_ =	shalt  }
0x58: {  	_ =	shalt  }
0x59: {  	_ =	shalt  }
0x5a: {  	_ =	shalt  }
0x5b: {  	_ =	shalt  }
0x5c: {  	_ =	shalt  }
0x5d: {  	_ =	shalt  }
0x5e: {  	_ =	shalt  }
0x5f: {  	_ =	shalt  }
0x60: {  	_ =	shalt  }
0x61: {  	_ =	shalt  }
0x62: {  	_ =	shalt  }
0x63: {  	_ =	shalt  }
0x64: {  	_ =	shalt  }
0x65: {  	_ =	shalt  }
0x66: {  	_ =	shalt  }
0x67: {  	_ =	shalt  }
0x68: {  	_ =	shalt  }
0x69: {  	_ =	shalt  }
0x6a: {  	_ =	shalt  }
0x6b: {  	_ =	shalt  }
0x6c: {  	_ =	shalt  }
0x6d: {  	_ =	shalt  }
0x6e: {  	_ =	shalt  }
0x6f: {  	_ =	shalt  }
0x70: {  	_ =	shalt  }
0x71: {  	_ =	shalt  }
0x72: {  	_ =	shalt  }
0x73: {  	_ =	shalt  }
0x74: {  	_ =	shalt  }
0x75: {  	_ =	shalt  }
0x76: {  	_ =	shalt  }
0x77: {  	_ =	shalt  }
0x78: {  	_ =	shalt  }
0x79: {  	_ =	shalt  }
0x7a: {  	_ =	shalt  }
0x7b: {  	_ =	shalt  }
0x7c: {  	_ =	shalt  }
0x7d: {  	_ =	shalt  }
0x7e: {  	_ =	shalt  }
0x7f: {  	_ =	shalt  }
0x80: {  	_ =	shalt  }
0x81: {  	_ =	shalt  }
0x82: {  	_ =	shalt  }
0x83: {  	_ =	shalt  }
0x84: {  	_ =	shalt  }
0x85: {  	_ =	shalt  }
0x86: {  	_ =	shalt  }
0x87: {  	_ =	shalt  }
.Lfunc_end0:
.L_simem_size_0:
called_computation.1_lowered:
.L_overlay_start_0:
0x88: {  	s2 =	sld [smem:$0x3FD9]  }
0x89: {  	s3 =	sld [smem:$0x3FFE];
	_ =	sdelay $0x1  }
0x8a: {  	s1 =	srdreg.scid  }
0x8b: {  	s0 =	sand.u32 $0x1, s1  }
0x8c: {  	s17 =	sshll.u32 s0, $0xA;
	s2 =	sadd.s32 s3, s2  }
0x8d: {  	s2 =	sadd.s32 s2, s17  }
0x8e: {  	[smem:$0x3FBD] =	sst s2  }
0x8f: {  	_ = 	snop  }
0x90: {  	s2 =	sld [smem:$0x3FC9];
	(tm) =	ssettm $0x1  }
0x91: {  	s18 =	sld [smem:$0x3FFB];
	_ =	sdelay $0x3  }
0x92: {  	_ =	strace s18  }
0x93: {  	s3 =	sld [smem:$0x3FFC];
	_ =	sdelay $0x3  }
0x94: {  	_ =	strace s3  }
0x95: {  	s3 =	sld [smem:$0x3FFD];
	_ =	sdelay $0x3  }
0x96: {  	_ =	strace s3  }
0x97: {  	_ =	strace $0x8FFFFFFF  }
0x98: {  	s19 =	sld [smem:$0x3FDB];
	_ =	sdelay $0x1  }
0x99: {  	s4 =	simm.s32 $_scs_section_size  }
0x9a: {  	s5 =	simm.s32 $_size__tile_overlayer_lowered;
	s6 =	simm.s32 $_tile_overlayer_lowered  }
0x9b: {  	s22 =	simm.s32 $0x1BFF;
	s21 =	sshll.u32 s6, $0x1;
	s3 =	sadd.s32 s4, s19  }
0x9c: {  	s7 =	simm.s32 $0x0;
	s20 =	sshll.u32 s5, $0x1;
	s5 =	sadd.s32 s21, s3  }
0x9d: {  	[timem:s7], [sflag:s22] =	dma.local [hbm:s5], s20  }
0x9e: {  	_ =	swait.ge [sflag:s22], s20  }
0x9f: {  	s4 =	ssub.s32 $0x0, s20;
	[sflag:s22] =	ssyncset.done $0x0  }
0xa0: {  	[sflag:s22] =	ssyncadd.s32 s4;
	_ =	sdelay $0x1  }
0xa1: {  	s23 =	simm.s32 $0x1B8B  }
0xa2: {  	_ =	swait.ge [sflag:s23], $0x1  }
0xa3: {  	[sflag:s23] =	ssyncset.done $0x0  }
0xa4: {  	s25 =	simm.s32 $0x1B8E;
	s24 =	sld [smem:$0x3FFE];
	[sflag:s23] =	ssyncadd.s32 $0xFFFFFFFF  }
0xa5: {  	s26 =	simm.s32 $execute0_lowered;
	[smem:$0x3FD2] =	sst s25  }
0xa6: {  	s5 =	sshll.u32 s26, $0x1;
	_ =	strace $0x80000046;
	[dreg:$0x1] =	wrdreg $0xFFFFFFFF  }
0xa7: {  	s28 =	simm.s32 $_size_execute0_lowered;
	s3 =	sadd.s32 s3, s5;
	[dreg:$0x0] =	wrdreg $0x0  }
0xa8: {  	s5 =	sshll.u32 s28, $0x1;
	[dreg:$0x2] =	wrdreg s3  }
0xa9: {  	[dreg:$0x3] =	wrdreg s5  }
0xaa: {  	[dreg:$0x4] =	wrdreg $0xC0  }
0xab: {  	_ =	task [dreg:s7], $0x5FFFF  }
0xac: {  	[dreg:$0x1] =	wrdreg $0xFFFFFFFF  }
0xad: {  	[dreg:$0x0] =	wrdreg $0x60  }
0xae: {  	[dreg:$0x2] =	wrdreg s2  }
0xaf: {  	[dreg:$0x3] =	wrdreg s24  }
0xb0: {  	[dreg:$0x4] =	wrdreg $0x146000  }
0xb1: {  	[dreg:$0x5] =	wrdreg $0xA  }
0xb2: {  	_ =	task.clear_ibuf [dreg:s7], $0x6FFFF;
	_ =	strace $0x90000046  }
0xb3: {  	s29 =	simm.s32 $0xA;
	_ =	strace $0x80000048  }
0xb4: {  	_ =	swait.ge [sflag:s29], $0x1  }
0xb5: {  	[sflag:s29] =	ssyncadd.s32 $0xFFFFFFFF  }
0xb6: {  	_ =	strace $0x90000048  }
0xb7: {  	_ =	sfence  }
0xb8: {  	s30 =	sld [smem:$0x0];
	_ =	sdelay $0x2  }
0xb9: {  	s31 =	sshll.u32 s1, $0xD;
	s1 =	sshrl.u32 s1, $0x2  }
0xba: {  	s3 =	sand.u32 $0x4000, s31;
	s1 =	sadd.s32 s1, s30  }
0xbb: {  	s0 =	sor.u32 s3, s0;
	s1 =	sshll.u32 s1, $0x11  }
0xbc: {  	s0 =	sor.u32 s1, s0  }
0xbd: {  	s0 =	sadd.s32 $0x8F2B, s0  }
0xbe: {  	[sflag:s0] =	ssyncadd.remote.s32 $0x1  }
0xbf: {  	_ =	sfence.sel $0xFFFF  }
0xc0: {  	[dreg:$0x0] =	wrdreg $0xFFFFFFFF;
	(pc) =	sbr.abs _section_cstart, $3  }
0xc1: {  	[dreg:$0x1] =	wrdreg $0xFFFFFFFF  }
0xc2: {  	_ =	task.clear_ibuf [dreg:s7], $0x2FFFF;
	_ =	strace $0x9FFFFFFF  }
0xc3: {  	(tm) =	ssettm $0x7FFFFFFF  }
tec
execute0_lowered:
.L_overlay_start_1:
0x0: {  	(tag) =	ssettag $0x1  }
0x1: {  	s1 =	rddreg [dreg:$0x0];
	s0 =	srdreg.scid  }
0x2: {  	s2 =	rddreg [dreg:$0x1];
	s5 =	sand.u32 $0x1, s0  }
0x3: {  	s0 =	stileid.u32;
	s6 =	smul.u32 $0x13600, s5  }
0x4: {  	s3 =	rddreg [dreg:$0x2];
	s4 =	simm.s32 $0x0;
	s7 =	smul.u32 $0x1360, s0  }
0x5: {  	s15 =	simm.s32 $0x1D;
	s22 =	simm.s32 $0x1C;
	s26 =	smul.u32 $0x140, s0  }
0x6: {  	[smem:$0x7FF] =	sst s4;
	s8 =	smul.u32 $0x136000, s5;
	s5 =	ssub.s32 $0x2, s5  }
0x7: {  	s23 =	simm.s32 $0x0;
	_ =	strace $0x80000047;
	s9 =	sshrl.u32 s5, $0x1  }
0x8: {  	s6 =	sadd.s32 s7, s6;
	s7 =	sshrl.u32 s26, $0x3;
	s5 =	ssub.s32 s5, s9  }
0x9: {  	s30 =	smul.u32 $0x13600, s0;
	s7 =	sadd.s32 s7, s2;
	s5 =	smax.u32 s5, $0x1  }
0xa: {  	s6 =	sadd.s32 $0x27600, s6;
	s28 =	sadd.s32 $0x1C00, s7;
	[dreg:$0x8] =	wrdreg s5  }
0xb: {  	s6 =	sshrl.u32 s6, $0x3;
	s29 =	sadd.s32 $0x1C0A, s7;
	[dreg:$0x4] =	wrdreg s28  }
0xc: {  	s31 =	sadd.s32 $0x1C14, s7;
	s7 =	sadd.s32 $0x1C1E, s7;
	[dreg:$0x5] =	wrdreg s29  }
0xd: {  	s6 =	sadd.s32 s6, s2;
	s2 =	sadd.s32 s8, s2;
	[dreg:$0x6] =	wrdreg s31  }
0xe: {  	s9 =	sshll.u32 s0, $0x2;
	[dreg:$0x7] =	wrdreg s7;
	s2 =	sadd.s32 s30, s2  }
0xf: {  	s11 =	sadd.s32 $0x2000, s6;
	s12 =	sadd.s32 $0xBE00, s6;
	s13 =	sadd.s32 $0x14800, s2  }
.LBB2_1:
0x10: {  	s2 =	rddreg [dreg:$0x4];
	s5 =	simm.s32 $0x14400  }
0x11: {  	s21 =	simm.s32 $0x14480;
	s25 =	simm.s32 $0x14500;
	s30 =	simm.s32 $0x14580  }
0x12: {  	[tilespmem:s5], [sflag:$0x1D] =	stream.linear.gather [hbm4b:s2+s4], $0x50, $0x38;
	[tilespmem:$0x1E600] =	vst v63  }
0x13: {  	p1 =	por $0x0, $0x0;
	p2 =	por $0x1, $0x1;
	_ =	swait.ge [sflag:s15], $0x50  }
0x14: {  	p0 =	por $0x1, $0x1;
	p3 =	por $0x1, $0x1;
	[sflag:s15] =	ssyncset.done $0x0  }
0x15: {  	s2 =	sand.u32 @!p1 $0x3, s4;
	s20 =	rddreg [dreg:$0x5];
	[sflag:s15] =	ssyncadd.s32 $0xFFFFFFB0  }
0x16: {  	[tilespmem:s21], [sflag:$0x1D] =	stream.linear.gather [hbm4b:s20+s4], $0x50, $0x38;
	[tilespmem:$0x1E600] =	vst v63  }
0x17: {  	s5 =	simm.s32 $0xFFFFFFFF;
	s6 =	simm.s32 @!p1 $0x0;
	_ =	swait.ge [sflag:s15], $0x50  }
0x18: {  	s7 =	sshll.u32 @!p1 s2, $0x7;
	s8 =	sadd.s32 @!p1 $0x1, s2;
	[sflag:s15] =	ssyncset.done $0x0  }
0x19: {  	s2 =	sadd.s32 @!p1 $0x5, s2;
	s24 =	rddreg [dreg:$0x6];
	[sflag:s15] =	ssyncadd.s32 $0xFFFFFFB0  }
0x1a: {  	[tilespmem:s25], [sflag:$0x1D] =	stream.linear.gather [hbm4b:s24+s4], $0x50, $0x38;
	[tilespmem:$0x1E600] =	vst v63  }
0x1b: {  	s5 =	sand.u32 @!p2 $0x3, s5;
	s10 =	sor.u32 @!p1 $0x200, s7;
	_ =	swait.ge [sflag:s15], $0x50  }
0x1c: {  	s14 =	sshll.u32 @!p2 s5, $0x7;
	s16 =	smul.u32 @!p2 $0x2800, s5;
	[sflag:s15] =	ssyncset.done $0x0  }
0x1d: {  	s17 =	sadd.s32 @!p2 $0x1, s5;
	s26 =	rddreg [dreg:$0x7];
	[sflag:s15] =	ssyncadd.s32 $0xFFFFFFB0  }
0x1e: {  	[tilespmem:s30], [sflag:$0x1D] =	stream.linear.gather [hbm4b:s26+s4], $0x50, $0x38;
	[tilespmem:$0x1E600] =	vst v63  }
0x1f: {  	s28 =	sadd.s32 @!p2 $0x5, s5;
	s18 =	sor.u32 @!p2 $0x200, s14;
	_ =	swait.ge [sflag:s15], $0x50  }
0x20: {  	s29 =	sor.u32 @!p2 $0x400, s16;
	s16 =	sadd.s32 @!p2 $0xA400, s16;
	[sflag:s15] =	ssyncset.done $0x0  }
0x21: {  	s24 =	simm.s32 $0x1;
	s25 =	sadd.s32 $0x500, s13;
	[sflag:s15] =	ssyncadd.s32 $0xFFFFFFB0  }
0x22: {  	[tilespmem:s7], [sflag:s8] =	stream.linear.gather @!p1 [hbm4b:s12+s6], $0x50, $0x38;
	[tilespmem:$0x1E600] =	vst v63  }
0x23: {  	s26 =	sadd.s32 @!p2 $0x9, s5;
	s5 =	sadd.s32 @!p2 $0xD, s5;
	s8 =	simm.s32 $0xFFFFFFFE  }
0x24: {  	[tilespmem:s10], [sflag:s2] =	stream.linear.gather @!p1 [hbm4b:s11+s6], $0x50, $0x38;
	[tilespmem:$0x1E600] =	vst v63  }
0x25: {  	s7 =	simm.s32 @!p2 $0x50;
	s6 =	sand.u32 @!p0 $0x3, s8;
	_ =	swait.ge @!p2 [sflag:s17], $0x50  }
0x26: {  	p1 =	por @!p0 $0x1, $0x1;
	s2 =	smul.u32 @!p0 $0xA000, s6;
	[sflag:s17] =	ssyncset.done @!p2 $0x0  }
0x27: {  	p1 =	por p1, p0;
	s8 =	sor.u32 @!p0 s9, s6;
	[sflag:s17] =	ssyncadd.s32 @!p2 $0xFFFFFFB0  }
0x28: {  	s10 =	sadd.s32 @!p0 $0x9, s6;
	s31 =	sadd.s32 @!p0 $0x11, s6;
	_ =	swait.ge @!p2 [sflag:s28], $0x50  }
0x29: {  	s8 =	smul.u32 @!p0 $0xA000, s8;
	s2 =	sshrl.u32 @!p0 s2, $0x2;
	[sflag:s28] =	ssyncset.done @!p2 $0x0  }
0x2a: {  	s17 =	sadd.s32 @!p0 $0xD, s6;
	s6 =	sadd.s32 @!p1 $0x19, s6;
	[sflag:s28] =	ssyncadd.s32 @!p2 $0xFFFFFFB0  }
0x2b: {  	[tilespmem:s29], [sflag:s26] =	stream.indirect.gather @!p2 [hbm4b:s1+s7], $0x80, s14, s7, $0xb8;
	[tilespmem:$0x1E600] =	vst v63  }
0x2c: {  	s8 =	sshrl.u32 @!p0 s8, $0x2;
	s2 =	sor.u32 @!p0 $0x400, s2;
	s28 =	sadd.s32 $0xA, s11  }
0x2d: {  	[tilespmem:s16], [sflag:s5] =	stream.indirect.gather @!p2 [hbm4b:s1+s7], $0x80, s18, s7, $0xb8;
	[tilespmem:$0x1E600] =	vst v63  }
0x2e: {  	s14 =	sadd.s32 @!p0 s8, s3;
	s5 =	simm.s32 $0xFFFFFFFD;
	_ =	swait.ge @!p0 [sflag:s10], $0x2800  }
0x2f: {  	s26 =	sadd.s32 $0xA, s12;
	s8 =	sand.u32 @!p3 $0x3, s5;
	[sflag:s10] =	ssyncset.done @!p0 $0x0  }
0x30: {  	p2 =	por $0x1, $0x1;
	s16 =	sadd.s32 @!p3 $0x11, s8;
	[sflag:s10] =	ssyncadd.s32 @!p0 $0xFFFFD800  }
0x31: {  	s5 =	sshll.u32 @!p3 s8, $0x7;
	s7 =	smul.u32 @!p3 $0xA000, s8;
	_ =	swait.ge @!p0 [sflag:s17], $0x2800  }
0x32: {  	s18 =	sor.u32 @!p3 $0x14400, s5;
	s5 =	sand.u32 @!p2 $0x3, s4;
	[sflag:s17] =	ssyncset.done @!p0 $0x0  }
0x33: {  	s29 =	sshrl.u32 @!p3 s7, $0x2;
	s7 =	sor.u32 @!p2 s9, s5;
	[sflag:s17] =	ssyncadd.s32 @!p0 $0xFFFFD800  }
0x34: {  	s8 =	sadd.s32 @!p3 $0x15, s8;
	s10 =	smul.u32 @!p2 $0xA000, s7;
	_ =	swait.ge @!p1 [sflag:s6], $0x500  }
0x35: {  	s7 =	sshll.u32 @!p2 s0, $0x6;
	s17 =	sadd.s32 @!p2 $0x15, s5;
	[sflag:s6] =	ssyncset.done @!p1 $0x0  }
0x36: {  	[sflag:s6] =	ssyncadd.s32 @!p1 $0xFFFFFB00;
	s6 =	sadd.s32 @!p3 $0xA400, s29;
	s29 =	smov.u32 s13  }
.LBB2_2:
0x37: {  	[spmem:s14] =	stream.linear.scatter @!p0 [tilespmem:s2], [sflag:s31], $0x2800, $0x38;
	[tilespmem:$0x1E600] =	vst v63  }
0x38: {  	s30 =	smov.u32 s24  }
0x39: {  	s2 =	sshrl.u32 @!p2 s10, $0x2;
	s5 =	sor.u32 @!p2 s7, s5;
	_ =	swait.ge @!p3 [sflag:s16], $0x2800  }
0x3a: {  	s2 =	sadd.s32 @!p2 s2, s3;
	s5 =	sadd.s32 @!p2 $0x1C19, s5;
	[sflag:s16] =	ssyncset.done @!p3 $0x0  }
0x3b: {  	s7 =	simm.s32 @!p3 $0x50;
	s2 =	sshrl.u32 @!p2 s2, $0x3;
	[sflag:s16] =	ssyncadd.s32 @!p3 $0xFFFFD800  }
0x3c: {  	[spmem:s3] =	stream.indirect.scatter.add.f32 @!p3 [tilespmem:s6], [sflag:s8], $0x80, s18, s7, $0xb8;
	[tilespmem:$0x1E600] =	vst v63  }
0x3d: {  	p4 =	sgt.u32 s24, $0x3D;
	s6 =	sadd.s32 $0xFFFFFFFF, s24;
	_ =	swait.ge @!p2 [sflag:s17], $0x2800  }
0x3e: {  	s7 =	sand.u32 @!p4 $0x3, s24;
	s8 =	simm.s32 @!p4 $0x0;
	[sflag:s17] =	ssyncset.done @!p2 $0x0  }
0x3f: {  	s10 =	sshll.u32 @!p4 s7, $0x7;
	s14 =	sadd.s32 @!p4 $0x1, s7;
	[sflag:s17] =	ssyncadd.s32 @!p2 $0xFFFFD800  }
0x40: {  	s24 =	sadd.s32 $0x1, s24;
	s7 =	sadd.s32 @!p4 $0x5, s7;
	p3 =	sgt.u32 s6, $0x3D  }
0x41: {  	[hbm:s29], [sflag:s5] =	dma.local @!p2 [spmem:s2], $0x500  }
0x42: {  	p1 =	sne.s32 s24, $0x42;
	s2 =	sor.u32 @!p4 $0x200, s10;
	s5 =	sand.u32 @!p3 $0x3, s6  }
0x43: {  	s29 =	smov.u32 s25;
	s6 =	sshll.u32 @!p3 s5, $0x7;
	s16 =	smul.u32 @!p3 $0x2800, s5  }
0x44: {  	s17 =	sadd.s32 @!p3 $0x1, s5;
	s19 =	sadd.s32 @!p3 $0x9, s5;
	s18 =	sor.u32 @!p3 $0x200, s6  }
0x45: {  	s20 =	sadd.s32 @!p3 $0x5, s5;
	s21 =	sor.u32 @!p3 $0x400, s16  }
0x46: {  	s5 =	sadd.s32 @!p3 $0xD, s5;
	s16 =	sadd.s32 @!p3 $0xA400, s16  }
0x47: {  	[tilespmem:s10], [sflag:s14] =	stream.linear.gather @!p4 [hbm4b:s26+s8], $0x50, $0x38;
	[tilespmem:$0x1E600] =	vst v63  }
0x48: {  	s10 =	simm.s32 @!p3 $0x50;
	s14 =	sadd.s32 $0xFFFFFFFE, s30  }
0x49: {  	s25 =	sadd.s32 $0x500, s25;
	s26 =	sadd.s32 $0xA, s26;
	p0 =	sgt.u32 s14, $0x3D  }
0x4a: {  	[tilespmem:s2], [sflag:s7] =	stream.linear.gather @!p4 [hbm4b:s28+s8], $0x50, $0x38;
	[tilespmem:$0x1E600] =	vst v63  }
0x4b: {  	p2 =	slt.u32 @!p0 s30, $0x6;
	s7 =	sand.u32 @!p0 $0x3, s14;
	_ =	swait.ge @!p3 [sflag:s17], $0x50  }
0x4c: {  	p4 =	por p2, p0;
	s2 =	smul.u32 @!p0 $0xA000, s7;
	[sflag:s17] =	ssyncset.done @!p3 $0x0  }
0x4d: {  	s8 =	sadd.s32 @!p0 $0x9, s7;
	s14 =	sor.u32 @!p0 s9, s7;
	[sflag:s17] =	ssyncadd.s32 @!p3 $0xFFFFFFB0  }
0x4e: {  	s31 =	sadd.s32 @!p0 $0x11, s7;
	s14 =	smul.u32 @!p0 $0xA000, s14;
	_ =	swait.ge @!p3 [sflag:s20], $0x50  }
0x4f: {  	s2 =	sshrl.u32 @!p0 s2, $0x2;
	s17 =	sadd.s32 @!p0 $0xD, s7;
	[sflag:s20] =	ssyncset.done @!p3 $0x0  }
0x50: {  	s2 =	sor.u32 @!p0 $0x400, s2;
	s14 =	sshrl.u32 @!p0 s14, $0x2;
	[sflag:s20] =	ssyncadd.s32 @!p3 $0xFFFFFFB0  }
0x51: {  	[tilespmem:s21], [sflag:s19] =	stream.indirect.gather @!p3 [hbm4b:s1+s10], $0x80, s6, s10, $0xb8;
	[tilespmem:$0x1E600] =	vst v63  }
0x52: {  	s14 =	sadd.s32 @!p0 s14, s3;
	s6 =	sadd.s32 @!p4 $0x19, s7;
	s7 =	sadd.s32 $0xFFFFFFFD, s30  }
0x53: {  	[tilespmem:s16], [sflag:s5] =	stream.indirect.gather @!p3 [hbm4b:s1+s10], $0x80, s18, s10, $0xb8;
	[tilespmem:$0x1E600] =	vst v63  }
0x54: {  	s28 =	sadd.s32 $0xA, s28;
	p3 =	sgt.u32 s7, $0x3D;
	_ =	swait.ge @!p0 [sflag:s8], $0x2800  }
0x55: {  	s5 =	sadd.s32 $0xFFFFFFFC, s30;
	s19 =	sand.u32 @!p3 $0x3, s7;
	[sflag:s8] =	ssyncset.done @!p0 $0x0  }
0x56: {  	s16 =	sadd.s32 @!p3 $0x11, s19;
	s7 =	sshll.u32 @!p3 s19, $0x7;
	[sflag:s8] =	ssyncadd.s32 @!p0 $0xFFFFD800  }
0x57: {  	p2 =	sgt.u32 s5, $0x3D;
	s8 =	smul.u32 @!p3 $0xA000, s19;
	_ =	swait.ge @!p0 [sflag:s17], $0x2800  }
.Ltmp0:
0x58: {  	s18 =	sor.u32 @!p3 $0x14400, s7;
	[sflag:s17] =	ssyncset.done @!p0 $0x0;
	(pc) =	sbr.rel @p1 .LBB2_2-.Ltmp0, $4  }
0x59: {  	s5 =	sand.u32 @!p2 $0x3, s30;
	s8 =	sshrl.u32 @!p3 s8, $0x2;
	[sflag:s17] =	ssyncadd.s32 @!p0 $0xFFFFD800  }
0x5a: {  	s7 =	sor.u32 @!p2 s9, s5;
	s17 =	sadd.s32 @!p2 $0x15, s5;
	_ =	swait.ge @!p4 [sflag:s6], $0x500  }
0x5b: {  	s10 =	smul.u32 @!p2 $0xA000, s7;
	s7 =	sshll.u32 @!p2 s0, $0x6;
	[sflag:s6] =	ssyncset.done @!p4 $0x0  }
0x5c: {  	[sflag:s6] =	ssyncadd.s32 @!p4 $0xFFFFFB00;
	s6 =	sadd.s32 @!p3 $0xA400, s8;
	s8 =	sadd.s32 @!p3 $0x15, s19  }
0x5d: {  	[spmem:s14] =	stream.linear.scatter @!p0 [tilespmem:s2], [sflag:s31], $0x2800, $0x38;
	[tilespmem:$0x1E600] =	vst v63  }
0x5e: {  	_ =	swait.ge @!p3 [sflag:s16], $0x2800  }
0x5f: {  	[sflag:s16] =	ssyncset.done @!p3 $0x0  }
0x60: {  	s2 =	simm.s32 @!p3 $0x50;
	[sflag:s16] =	ssyncadd.s32 @!p3 $0xFFFFD800  }
0x61: {  	[spmem:s3] =	stream.indirect.scatter.add.f32 @!p3 [tilespmem:s6], [sflag:s8], $0x80, s18, s2, $0xb8;
	[tilespmem:$0x1E600] =	vst v63  }
0x62: {  	s5 =	sor.u32 @!p2 s7, s5;
	s2 =	sshrl.u32 @!p2 s10, $0x2;
	_ =	swait.ge @!p2 [sflag:s17], $0x2800  }
0x63: {  	s28 =	simm.s32 $0x19;
	s2 =	sadd.s32 @!p2 s2, s3;
	[sflag:s17] =	ssyncset.done @!p2 $0x0  }
0x64: {  	s5 =	sadd.s32 @!p2 $0x1C19, s5;
	s2 =	sshrl.u32 @!p2 s2, $0x3;
	[sflag:s17] =	ssyncadd.s32 @!p2 $0xFFFFD800  }
0x65: {  	[hbm:s29], [sflag:s5] =	dma.local @!p2 [spmem:s2], $0x500  }
0x66: {  	_ =	swait.ge [sflag:s28], $0x500  }
0x67: {  	[sflag:s28] =	ssyncset.done $0x0  }
0x68: {  	s29 =	simm.s32 $0x1A;
	[sflag:s28] =	ssyncadd.s32 $0xFFFFFB00  }
0x69: {  	_ =	swait.ge [sflag:s29], $0x500  }
0x6a: {  	[sflag:s29] =	ssyncset.done $0x0  }
0x6b: {  	s30 =	simm.s32 $0x1B;
	[sflag:s29] =	ssyncadd.s32 $0xFFFFFB00  }
0x6c: {  	_ =	swait.ge [sflag:s30], $0x500  }
0x6d: {  	[sflag:s30] =	ssyncset.done $0x0  }
0x6e: {  	[sflag:s30] =	ssyncadd.s32 $0xFFFFFB00  }
0x6f: {  	_ =	swait.ge [sflag:s22], $0x500  }
0x70: {  	s23 =	sadd.s32 $0x1, s23;
	s31 =	rddreg [dreg:$0x8]  }
0x71: {  	p0 =	sne.s32 s23, s31  }
.Ltmp1:
0x72: {  	_ = 	snop;
	(pc) =	sbr.rel @p0 .LBB2_1-.Ltmp1, $3  }
0x73: {  	_ =	sdelay $0x1  }
0x74: {  	[sflag:s22] =	ssyncset.done $0x0  }
0x75: {  	[sflag:s22] =	ssyncadd.s32 $0xFFFFFB00  }
0x76: {  	_ =	sfence.sel $0x180000  }
0x77: {  	[bflag:$0x0] =	sbarrier.arrive $0xFFFF  }
0x78: {  	_ =	strace $0x90000047  }
0x79: {  	[bflag:$0x2] =	sbarrier.arrive $0xFFFF  }
0x7a: {  	p0 =	sne.s32 s0, $0x0;
	s0 =	rddreg [dreg:$0x3]  }
0x7b: {  	s0 =	sadd.s32 @!p0 $0x100000, s0  }
0x7c: {  	[sflag:s0] =	ssyncadd.tile.s32 @!p0 $0x1;
	_ =	shalt  }
.Lfunc_end2:
_tile_overlayer_lowered:
.L_overlay_start_2:
0x7d: {  	(tag) =	ssettag $0x2  }
0x7e: {  	s0 =	rddreg [dreg:$0x0];
	s2 =	stileid.u32  }
0x7f: {  	s1 =	rddreg [dreg:$0x1];
	p0 =	sne.s32 s2, $0x0  }
0x80: {  	s3 =	rddreg [dreg:$0x2];
	[bflag:$0x3] =	sbarrier.arrive $0xFFFF;
	s2 =	simm.s32 @!p0 $0x1C1D  }
0x81: {  	[timem:s3], [sflag:s2] =	dma.local @!p0 [hbm:s0], s1  }
0x82: {  	s0 =	simm.s32 @!p0 $0x1D  }
0x83: {  	_ =	swait.ge @!p0 [sflag:s0], s1  }
0x84: {  	s1 =	ssub.s32 @!p0 $0x0, s1;
	[sflag:s0] =	ssyncset.done @!p0 $0x0  }
0x85: {  	[sflag:s0] =	ssyncadd.s32 @!p0 s1  }
0x86: {  	[bflag:$0x3] =	sbarrier.arrive $0xFFFF  }
0x87: {  	_ =	shalt  }

// kernel: kernel.15.cloned.1.call-start
scs
__scs_entry_jumppad:
0x0: {  	(pc) =	sbr.rel $0x88, $3  }
0x1: {  	(tag) =	ssettag $0x0;
	lr =	simm.s32 $0x1  }
0x2: {  	[smem:$0x3F96] =	sst lr;
	_ =	strace $0xD0000000  }
0x3: {  	_ = 	snop  }
0x4: {  	_ = 	snop  }
0x5: {  	_ = 	snop  }
0x6: {  	_ = 	snop  }
0x7: {  	_ = 	snop  }
__scs_overlays_trampoline_lowered:
0x8: {  	[smem:$0x3FA5] =	sst s0  }
0x9: {  	[smem:$0x3FA6] =	sst s1  }
0xa: {  	[smem:$0x3FA7] =	sst s2  }
0xb: {  	[smem:$0x3FA8] =	sst s3  }
0xc: {  	[smem:$0x3FA9] =	sst s4  }
0xd: {  	[smem:$0x3FAA] =	sst s5  }
0xe: {  	[smem:$0x3FAB] =	sst s6  }
0xf: {  	[smem:$0x3FAC] =	sst s7  }
0x10: {  	[smem:$0x3FAD] =	sst s8  }
0x11: {  	[smem:$0x3FAE] =	sst s9;
	s0 =	simm.s32 @!p0 $0x0  }
0x12: {  	s1 =	sld [smem:$0x3F94];
	s0 =	simm.s32 @p0 $0x1  }
0x13: {  	[smem:$0x3FAF] =	sst s0;
	s0 =	simm.s32 @!p1 $0x0  }
0x14: {  	s2 =	sld [smem:$0x3F93];
	s0 =	simm.s32 @p1 $0x1  }
0x15: {  	[smem:$0x3FB0] =	sst s0;
	s0 =	simm.s32 @!p2 $0x0  }
0x16: {  	s3 =	sld [smem:$0x3FDB];
	s0 =	simm.s32 @p2 $0x1  }
0x17: {  	s4 =	simm.s32 $0x1BF5;
	[smem:$0x3FB2] =	sst s0  }
0x18: {  	s0 =	sld [smem:$0x3F95];
	_ =	swait.ge [sflag:s4], $0x0  }
0x19: {  	s7 =	sld [smem:$0x3F96]  }
0x1a: {  	s8 =	sadd.s32 $0xFFFFE003, lr  }
0x1b: {  	s9 =	sadd.s32 $0xFFFFFEF7, lr;
	s5 =	simm.s32 $0xFFFFFFFF;
	p2 =	slt.u32 s8, $0xFFFFF086  }
0x1c: {  	p1 =	slt.u32 s9, $0xF7A;
	s5 =	simm.s32 @!p2 $0x0  }
0x1d: {  	s5 =	simm.s32 @p1 $0x1;
	p0 =	seq.s32 s7, s2  }
0x1e: {  	s7 =	smul.u32 @!p0 $0xF7A, s2;
	p2 =	seq.s32 @!p0 s5, $0x0  }
0x1f: {  	s9 =	smul.u32 $0xF7A, s1;
	s8 =	simm.s32 @!p0 $0x1BF5;
	p2 =	por !p2, p0  }
0x20: {  	[sflag:s8] =	ssyncset.s32 @!p0 $0xFFFFF086;
	s6 =	sadd.s32 @!p0 s3, s7;
	s7 =	simm.s32 @!p0 $0x108  }
0x21: {  	s3 =	sadd.s32 s3, s9;
	s6 =	sadd.s32 @!p0 $0x88, s6;
	s7 =	simm.s32 @p2 $0x1082  }
0x22: {  	[simem:s7], [sflag:s8] =	dma.local @!p0 [hbm:s6], $0xF7A  }
0x23: {  	s9 =	sor.u32 $0xD0000000, s2;
	s6 =	simm.s32 $0x108;
	_ =	swait.ge @!p0 [sflag:s8], $0x0  }
0x24: {  	s3 =	sadd.s32 $0x88, s3;
	s6 =	simm.s32 @!p1 $0x1082;
	[sflag:s4] =	ssyncset.s32 $0xFFFFF086  }
0x25: {  	[simem:s6], [sflag:s4] =	dma.local [hbm:s3], $0xF7A  }
0x26: {  	[smem:$0x3F96] =	sst s1;
	(tag) =	ssettag s2;
	_ =	strace s9  }
0x27: {  	s1 =	sld [smem:$0x3FA6]  }
0x28: {  	s2 =	sld [smem:$0x3FA7]  }
0x29: {  	s4 =	sld [smem:$0x3FA9]  }
0x2a: {  	p0 =	seq.s32 s5, $0x0;
	s5 =	sld [smem:$0x3FAA]  }
0x2b: {  	s6 =	sld [smem:$0x3FAB]  }
0x2c: {  	s7 =	sld [smem:$0x3FAC]  }
0x2d: {  	s3 =	simm.s32 $0x108;
	s8 =	sld [smem:$0x3FAD]  }
0x2e: {  	s3 =	simm.s32 @!p0 $0x1082;
	s9 =	sld [smem:$0x3FAE]  }
0x2f: {  	lr =	sadd.s32 s0, s3;
	s0 =	sld [smem:$0x3FA5]  }
0x30: {  	s3 =	sld [smem:$0x3FA8]  }
0x31: {  	[smem:$0x3FB1] =	sst s10  }
0x32: {  	s10 =	sld [smem:$0x3FAF];
	_ =	sdelay $0x3  }
0x33: {  	p0 =	seq.s32 s10, $0x1;
	s10 =	sld [smem:$0x3FB1];
	_ =	sdelay $0x3  }
0x34: {  	[smem:$0x3FB1] =	sst s10  }
0x35: {  	s10 =	sld [smem:$0x3FB0];
	_ =	sdelay $0x3  }
0x36: {  	p1 =	seq.s32 s10, $0x1;
	s10 =	sld [smem:$0x3FB1];
	_ =	sdelay $0x3  }
0x37: {  	[smem:$0x3FB1] =	sst s10  }
0x38: {  	s10 =	sld [smem:$0x3FB2]  }
0x39: {  	_ = 	snop;
	(pc) =	sbr.ind lr, $3  }
0x3a: {  	_ = 	snop  }
0x3b: {  	_ = 	snop  }
0x3c: {  	p2 =	seq.s32 s10, $0x1;
	s10 =	sld [smem:$0x3FB1]  }
0x3d: {  	_ =	shalt  }
0x3e: {  	_ =	shalt  }
0x3f: {  	_ =	shalt  }
0x40: {  	_ =	shalt  }
0x41: {  	_ =	shalt  }
0x42: {  	_ =	shalt  }
0x43: {  	_ =	shalt  }
0x44: {  	_ =	shalt  }
0x45: {  	_ =	shalt  }
0x46: {  	_ =	shalt  }
0x47: {  	_ =	shalt  }
0x48: {  	_ =	shalt  }
0x49: {  	_ =	shalt  }
0x4a: {  	_ =	shalt  }
0x4b: {  	_ =	shalt  }
0x4c: {  	_ =	shalt  }
0x4d: {  	_ =	shalt  }
0x4e: {  	_ =	shalt  }
0x4f: {  	_ =	shalt  }
0x50: {  	_ =	shalt  }
0x51: {  	_ =	shalt  }
0x52: {  	_ =	shalt  }
0x53: {  	_ =	shalt  }
0x54: {  	_ =	shalt  }
0x55: {  	_ =	shalt  }
0x56: {  	_ =	shalt  }
0x57: {  	_ =	shalt  }
0x58: {  	_ =	shalt  }
0x59: {  	_ =	shalt  }
0x5a: {  	_ =	shalt  }
0x5b: {  	_ =	shalt  }
0x5c: {  	_ =	shalt  }
0x5d: {  	_ =	shalt  }
0x5e: {  	_ =	shalt  }
0x5f: {  	_ =	shalt  }
0x60: {  	_ =	shalt  }
0x61: {  	_ =	shalt  }
0x62: {  	_ =	shalt  }
0x63: {  	_ =	shalt  }
0x64: {  	_ =	shalt  }
0x65: {  	_ =	shalt  }
0x66: {  	_ =	shalt  }
0x67: {  	_ =	shalt  }
0x68: {  	_ =	shalt  }
0x69: {  	_ =	shalt  }
0x6a: {  	_ =	shalt  }
0x6b: {  	_ =	shalt  }
0x6c: {  	_ =	shalt  }
0x6d: {  	_ =	shalt  }
0x6e: {  	_ =	shalt  }
0x6f: {  	_ =	shalt  }
0x70: {  	_ =	shalt  }
0x71: {  	_ =	shalt  }
0x72: {  	_ =	shalt  }
0x73: {  	_ =	shalt  }
0x74: {  	_ =	shalt  }
0x75: {  	_ =	shalt  }
0x76: {  	_ =	shalt  }
0x77: {  	_ =	shalt  }
0x78: {  	_ =	shalt  }
0x79: {  	_ =	shalt  }
0x7a: {  	_ =	shalt  }
0x7b: {  	_ =	shalt  }
0x7c: {  	_ =	shalt  }
0x7d: {  	_ =	shalt  }
0x7e: {  	_ =	shalt  }
0x7f: {  	_ =	shalt  }
0x80: {  	_ =	shalt  }
0x81: {  	_ =	shalt  }
0x82: {  	_ =	shalt  }
0x83: {  	_ =	shalt  }
0x84: {  	_ =	shalt  }
0x85: {  	_ =	shalt  }
0x86: {  	_ =	shalt  }
0x87: {  	_ =	shalt  }
.Lfunc_end0:
.L_simem_size_0:
called_computation.2_lowered:
.L_overlay_start_0:
0x88: {  	s2 =	sld [smem:$0x3FD9]  }
0x89: {  	s3 =	sld [smem:$0x3FFE];
	_ =	sdelay $0x1  }
0x8a: {  	s1 =	srdreg.scid  }
0x8b: {  	s0 =	sand.u32 $0x1, s1  }
0x8c: {  	s15 =	sshll.u32 s0, $0xA;
	s2 =	sadd.s32 s3, s2  }
0x8d: {  	s2 =	sadd.s32 s2, s15  }
0x8e: {  	[smem:$0x3FBD] =	sst s2  }
0x8f: {  	_ = 	snop  }
0x90: {  	s2 =	sld [smem:$0x3FD0];
	_ =	sdelay $0x2  }
0x91: {  	s16 =	simm.s32 $0xB;
	s4 =	simm.s32 $0x10  }
0x92: {  	[smem:s4], [sflag:s16] =	dma.local [hbm:s2], $0x1  }
0x93: {  	_ =	swait.eq [sflag:s16], $0x1  }
0x94: {  	[sflag:s16] =	ssyncset.done $0x0  }
0x95: {  	[sflag:s16] =	ssyncadd.s32 $0xFFFFFFFF  }
0x96: {  	s17 =	sld [smem:$0x10];
	(tm) =	ssettm $0x1  }
0x97: {  	s18 =	sld [smem:$0x3FFB];
	_ =	sdelay $0x3  }
0x98: {  	_ =	strace s18  }
0x99: {  	s2 =	sld [smem:$0x3FFC];
	_ =	sdelay $0x3  }
0x9a: {  	_ =	strace s2  }
0x9b: {  	s2 =	sld [smem:$0x3FFD];
	_ =	sdelay $0x3  }
0x9c: {  	_ =	strace s2  }
0x9d: {  	_ =	strace $0x8FFFFFFF  }
0x9e: {  	s19 =	sld [smem:$0x3FDB];
	_ =	sdelay $0x1  }
0x9f: {  	s20 =	simm.s32 $_scs_section_size  }
0xa0: {  	s5 =	simm.s32 $_size__tile_overlayer_lowered;
	s6 =	simm.s32 $_tile_overlayer_lowered  }
0xa1: {  	s7 =	simm.s32 $0x1BFF;
	s21 =	sshll.u32 s6, $0x1;
	s4 =	sadd.s32 s20, s19  }
0xa2: {  	s22 =	simm.s32 $0x0;
	s5 =	sshll.u32 s5, $0x1;
	s6 =	sadd.s32 s21, s4  }
0xa3: {  	[timem:s22], [sflag:s7] =	dma.local [hbm:s6], s5  }
0xa4: {  	_ =	swait.ge [sflag:s7], s5  }
0xa5: {  	s5 =	ssub.s32 $0x0, s5;
	[sflag:s7] =	ssyncset.done $0x0  }
0xa6: {  	[sflag:s7] =	ssyncadd.s32 s5;
	_ =	sdelay $0x1  }
0xa7: {  	s23 =	simm.s32 $0x1B8B  }
0xa8: {  	_ =	swait.ge [sflag:s23], $0x1  }
0xa9: {  	[sflag:s23] =	ssyncset.done $0x0  }
0xaa: {  	[sflag:s23] =	ssyncadd.s32 $0xFFFFFFFF  }
0xab: {  	s5 =	sld [smem:$0x0]  }
0xac: {  	s6 =	sand.u32 $0xFFFFFFFE, s1  }
0xad: {  	p0 =	sne.s32 s1, s6  }
0xae: {  	s6 =	sshll.u32 @p0 s6, $0xE  }
0xaf: {  	s6 =	sadd.s32 @p0 $0x11B8D, s6;
	s7 =	sshll.u32 @p0 s5, $0x11  }
0xb0: {  	s6 =	sor.u32 @p0 s7, s6  }
0xb1: {  	[sflag:s6] =	ssyncadd.remote.s32 @p0 $0x1;
	_ =	sdelay $0x1  }
0xb2: {  	s6 =	simm.s32 @p0 $0x1B8D  }
0xb3: {  	_ =	swait.eq @p0 [sflag:s6], $0x1  }
0xb4: {  	[sflag:s6] =	ssyncadd.s32 @p0 $0xFFFFFFFF  }
0xb5: {  	s7 =	sshll.u32 @!p0 s1, $0xE  }
0xb6: {  	s7 =	sor.u32 @!p0 $0x4000, s7;
	s6 =	simm.s32 @!p0 $0x1B8D  }
0xb7: {  	s5 =	sshll.u32 @!p0 s5, $0x11;
	s7 =	sadd.s32 @!p0 $0x11B8D, s7;
	_ =	swait.eq @!p0 [sflag:s6], $0x1  }
0xb8: {  	s5 =	sor.u32 @!p0 s5, s7;
	[sflag:s6] =	ssyncadd.s32 @!p0 $0xFFFFFFFF  }
0xb9: {  	s25 =	simm.s32 $0x1B8E;
	s24 =	sld [smem:$0x3FFE];
	[sflag:s5] =	ssyncadd.remote.s32 @!p0 $0x1  }
0xba: {  	s26 =	simm.s32 $execute0_lowered;
	[smem:$0x3FD2] =	sst s25  }
0xbb: {  	s6 =	sshll.u32 s26, $0x1;
	_ =	strace $0x8000004F;
	[dreg:$0x1] =	wrdreg $0xFFFFFFFF  }
0xbc: {  	s28 =	simm.s32 $_size_execute0_lowered;
	s4 =	sadd.s32 s4, s6;
	[dreg:$0x0] =	wrdreg $0x0  }
0xbd: {  	s6 =	sshll.u32 s28, $0x1;
	[dreg:$0x2] =	wrdreg s4  }
0xbe: {  	[dreg:$0x3] =	wrdreg s6  }
0xbf: {  	[dreg:$0x4] =	wrdreg $0xC0  }
0xc0: {  	_ =	task [dreg:s22], $0x5FFFF  }
0xc1: {  	[dreg:$0x1] =	wrdreg $0xFFFFFFFF  }
0xc2: {  	[dreg:$0x0] =	wrdreg $0x60  }
0xc3: {  	[dreg:$0x2] =	wrdreg s24  }
0xc4: {  	[dreg:$0x3] =	wrdreg s17  }
0xc5: {  	[dreg:$0x4] =	wrdreg $0xA4000  }
0xc6: {  	[dreg:$0x5] =	wrdreg $0x9  }
0xc7: {  	_ =	task.clear_ibuf [dreg:s22], $0x6FFFF;
	_ =	strace $0x9000004F  }
0xc8: {  	s29 =	simm.s32 $0x9;
	_ =	strace $0x80000051  }
0xc9: {  	_ =	swait.ge [sflag:s29], $0x1  }
0xca: {  	[sflag:s29] =	ssyncadd.s32 $0xFFFFFFFF  }
0xcb: {  	_ =	strace $0x90000051  }
0xcc: {  	_ =	sfence  }
0xcd: {  	s30 =	sld [smem:$0x0];
	_ =	sdelay $0x2  }
0xce: {  	s31 =	sshll.u32 s1, $0xD;
	s1 =	sshrl.u32 s1, $0x2  }
0xcf: {  	s4 =	sand.u32 $0x4000, s31;
	s1 =	sadd.s32 s1, s30  }
0xd0: {  	s0 =	sor.u32 s4, s0;
	s1 =	sshll.u32 s1, $0x11  }
0xd1: {  	s0 =	sor.u32 s1, s0  }
0xd2: {  	s0 =	sadd.s32 $0x8F2B, s0  }
0xd3: {  	[sflag:s0] =	ssyncadd.remote.s32 $0x1  }
0xd4: {  	_ =	sfence.sel $0xFFFF  }
0xd5: {  	[dreg:$0x0] =	wrdreg $0xFFFFFFFF;
	(pc) =	sbr.abs _section_cstart, $3  }
0xd6: {  	[dreg:$0x1] =	wrdreg $0xFFFFFFFF  }
0xd7: {  	_ =	task.clear_ibuf [dreg:s22], $0x2FFFF;
	_ =	strace $0x9FFFFFFF  }
0xd8: {  	(tm) =	ssettm $0x7FFFFFFF  }
0xd9: {  	_ =	shalt  }
tec
execute0_lowered:
.L_overlay_start_1:
0x0: {  	(tag) =	ssettag $0x1  }
0x1: {  	s4 =	rddreg [dreg:$0x0]  }
0x2: {  	s6 =	rddreg [dreg:$0x1];
	s0 =	srdreg.scid  }
0x3: {  	s2 =	rddreg [dreg:$0x2];
	s3 =	simm.s32 $0x0;
	s5 =	sand.u32 $0x1, s0  }
0x4: {  	s16 =	simm.s32 $0xD;
	s0 =	stileid.u32;
	s7 =	smul.u32 $0x13B00, s5  }
0x5: {  	s17 =	simm.s32 $0x11;
	s18 =	simm.s32 $0xE;
	s8 =	smul.u32 $0x13B0, s0  }
0x6: {  	s19 =	simm.s32 $0x12;
	s20 =	simm.s32 $0xF;
	s9 =	smul.u32 $0x13B000, s5  }
0x7: {  	s21 =	simm.s32 $0x13;
	s22 =	simm.s32 $0x10;
	s28 =	smul.u32 $0x27100, s5  }
0x8: {  	[smem:$0x7FF] =	sst s3;
	s13 =	sadd.s32 $0x124800, s2;
	s29 =	smul.u32 $0x4E000, s0  }
0x9: {  	s23 =	simm.s32 $0x14;
	_ =	strace $0x80000050;
	s1 =	smul.u32 $0x2700, s0  }
0xa: {  	s5 =	ssub.s32 $0x2, s5;
	s12 =	smul.u32 $0x13B00, s0;
	p0 =	seq.s32 s0, $0xF  }
0xb: {  	s10 =	sshrl.u32 s5, $0x1;
	s15 =	sshll.u32 @!p0 s0, $0x6;
	s7 =	sadd.s32 s8, s7  }
0xc: {  	s26 =	sadd.s32 s9, s4;
	s9 =	sadd.s32 s28, s4;
	s10 =	ssub.s32 s5, s10  }
0xd: {  	s30 =	sshrl.u32 s29, $0x2;
	[dreg:$0x4] =	wrdreg s1;
	s1 =	sadd.s32 s6, s1  }
0xe: {  	s6 =	sadd.s32 $0x24900, s6;
	s7 =	sshrl.u32 s7, $0x3;
	s14 =	sadd.s32 s30, s2  }
0xf: {  	[dreg:$0x5] =	wrdreg s1;
	s31 =	sadd.s32 s12, s26;
	s8 =	smax.u32 s10, $0x1  }
0x10: {  	s12 =	sshrl.u32 @p0 s13, $0x3;
	s13 =	sor.u32 @!p0 $0x1C15, s15;
	s15 =	simm.s32 $0x50  }
0x11: {  	s11 =	sadd.s32 s7, s4;
	s7 =	sadd.s32 $0x63E00, s9;
	s9 =	sadd.s32 $0x4EDC00, s31  }
0x12: {  	s14 =	sshrl.u32 @!p0 s14, $0x3;
	s10 =	sadd.s32 $0x2000, s11;
	s11 =	sadd.s32 $0xBE00, s11  }
.LBB2_1:
0x13: {  	s24 =	simm.s32 @p0 $0x1FD5  }
0x14: {  	[spmem:s12], [sflag:s24] =	dma.local @p0 [hbm:s6], $0x2800  }
0x15: {  	s24 =	simm.s32 @p0 $0x15  }
0x16: {  	_ =	swait.ge @p0 [sflag:s24], $0x2800  }
0x17: {  	[sflag:s24] =	ssyncset.done @p0 $0x0  }
0x18: {  	s0 =	rddreg [dreg:$0x5];
	[sflag:s24] =	ssyncadd.s32 @p0 $0xFFFFD800;
	s24 =	simm.s32 @!p0 $0x15  }
0x19: {  	[spmem:s14], [sflag:s13] =	dma.local @!p0 [hbm:s0], $0x2700  }
0x1a: {  	_ =	swait.ge @!p0 [sflag:s24], $0x2700  }
0x1b: {  	s25 =	smov.u32 s11;
	[sflag:s24] =	ssyncset.done @!p0 $0x0  }
0x1c: {  	s26 =	smov.u32 s10;
	s28 =	smov.u32 s9;
	[sflag:s24] =	ssyncadd.s32 @!p0 $0xFFFFD900  }
0x1d: {  	s29 =	simm.s32 $0x0;
	s24 =	simm.s32 $0x1;
	[bflag:$0x0] =	sbarrier.arrive $0xFFFF  }
.LBB2_2:
0x1e: {  	s30 =	sadd.s32 $0xFFFFFFFF, s24  }
0x1f: {  	p1 =	sgt.u32 s30, $0x3E  }
0x20: {  	p2 =	slt.u32 @!p1 s30, $0x4  }
0x21: {  	s31 =	sand.u32 @!p1 $0x3, s30;
	p2 =	por p2, p1  }
0x22: {  	s0 =	sadd.s32 @!p2 $0xD, s31  }
0x23: {  	_ =	swait.ge @!p2 [sflag:s0], $0x2800  }
0x24: {  	[sflag:s0] =	ssyncset.done @!p2 $0x0  }
0x25: {  	[sflag:s0] =	ssyncadd.s32 @!p2 $0xFFFFD800;
	s0 =	sadd.s32 @!p2 $0x11, s31  }
0x26: {  	_ =	swait.ge @!p2 [sflag:s0], $0x2800  }
0x27: {  	s5 =	simm.s32 @!p1 $0x0;
	[sflag:s0] =	ssyncset.done @!p2 $0x0  }
0x28: {  	s1 =	sadd.s32 @!p1 $0x1, s31;
	[sflag:s0] =	ssyncadd.s32 @!p2 $0xFFFFD800;
	s0 =	sshll.u32 @!p1 s31, $0x7  }
0x29: {  	[tilespmem:s0], [sflag:s1] =	stream.linear.gather @!p1 [hbm4b:s25+s5], $0x50, $0x38;
	[tilespmem:$0x1DC80] =	vst v63  }
0x2a: {  	s4 =	smul.u32 @!p1 $0xA000, s31;
	s0 =	sor.u32 @!p1 $0x200, s0;
	s1 =	sadd.s32 @!p1 $0x5, s31  }
0x2b: {  	[tilespmem:s0], [sflag:s1] =	stream.linear.gather @!p1 [hbm4b:s26+s5], $0x50, $0x38;
	[tilespmem:$0x1DC80] =	vst v63  }
0x2c: {  	s0 =	sshrl.u32 @!p1 s4, $0x2  }
0x2d: {  	p2 =	sgt.u32 @!p1 s30, $0x2;
	s1 =	sadd.s32 @!p1 $0x9, s31;
	s0 =	sor.u32 @!p1 $0x400, s0  }
0x2e: {  	[tilespmem:s0], [sflag:s1] =	stream.linear.gather @!p1 [hbm4b:s28+s5], $0x2800, $0x38;
	[tilespmem:$0x1DC80] =	vst v63  }
0x2f: {  	p1 =	por p1, p2  }
0x30: {  	s0 =	sand.u32 @p1 $0x3, s24  }
0x31: {  	s1 =	sadd.s32 @p1 $0x1, s0  }
0x32: {  	_ =	swait.ge @p1 [sflag:s1], $0x50  }
0x33: {  	[sflag:s1] =	ssyncset.done @p1 $0x0  }
0x34: {  	[sflag:s1] =	ssyncadd.s32 @p1 $0xFFFFFFB0;
	s1 =	sadd.s32 @p1 $0x5, s0  }
0x35: {  	_ =	swait.ge @p1 [sflag:s1], $0x50  }
0x36: {  	[sflag:s1] =	ssyncset.done @p1 $0x0  }
0x37: {  	s4 =	smul.u32 @p1 $0xA000, s0;
	[sflag:s1] =	ssyncadd.s32 @p1 $0xFFFFFFB0;
	s1 =	sadd.s32 @p1 $0x9, s0  }
0x38: {  	_ =	swait.ge @p1 [sflag:s1], $0x2800  }
0x39: {  	s5 =	sshll.u32 @p1 s0, $0x7;
	s4 =	sshrl.u32 @p1 s4, $0x2;
	[sflag:s1] =	ssyncset.done @p1 $0x0  }
0x3a: {  	s4 =	sor.u32 @p1 $0x400, s4;
	[sflag:s1] =	ssyncadd.s32 @p1 $0xFFFFD800;
	s1 =	sadd.s32 @p1 $0xD, s0  }
0x3b: {  	[spmem:s2] =	stream.indirect.scatter.add.f32 @p1 [tilespmem:s4], [sflag:s1], $0x80, s5, s15, $0xb8;
	[tilespmem:$0x1DC80] =	vst v63  }
0x3c: {  	s24 =	sadd.s32 $0x1, s24;
	s0 =	sadd.s32 @p1 $0x11, s0;
	s1 =	sor.u32 @p1 $0x200, s5  }
0x3d: {  	[spmem:s2] =	stream.indirect.scatter.add.f32 @p1 [tilespmem:s4], [sflag:s0], $0x80, s1, s15, $0xb8;
	[tilespmem:$0x1DC80] =	vst v63  }
0x3e: {  	p1 =	sne.s32 s24, $0x43  }
.Ltmp0:
0x3f: {  	_ = 	snop;
	(pc) =	sbr.rel @p1 .LBB2_2-.Ltmp0, $3  }
0x40: {  	_ =	sdelay $0x1  }
0x41: {  	s29 =	sadd.s32 $0x1, s29  }
0x42: {  	s25 =	sadd.s32 $0xA, s25;
	s26 =	sadd.s32 $0xA, s26;
	s28 =	sadd.s32 $0x500, s28  }
0x43: {  	_ =	swait.ge [sflag:s16], $0x2800  }
0x44: {  	[sflag:s16] =	ssyncset.done $0x0  }
0x45: {  	[sflag:s16] =	ssyncadd.s32 $0xFFFFD800  }
0x46: {  	_ =	swait.ge [sflag:s17], $0x2800  }
0x47: {  	[sflag:s17] =	ssyncset.done $0x0  }
0x48: {  	[sflag:s17] =	ssyncadd.s32 $0xFFFFD800  }
0x49: {  	_ =	swait.ge [sflag:s18], $0x2800  }
0x4a: {  	[sflag:s18] =	ssyncset.done $0x0  }
0x4b: {  	[sflag:s18] =	ssyncadd.s32 $0xFFFFD800  }
0x4c: {  	_ =	swait.ge [sflag:s19], $0x2800  }
0x4d: {  	[sflag:s19] =	ssyncset.done $0x0  }
0x4e: {  	[sflag:s19] =	ssyncadd.s32 $0xFFFFD800  }
0x4f: {  	_ =	swait.ge [sflag:s20], $0x2800  }
0x50: {  	[sflag:s20] =	ssyncset.done $0x0  }
0x51: {  	[sflag:s20] =	ssyncadd.s32 $0xFFFFD800  }
0x52: {  	_ =	swait.ge [sflag:s21], $0x2800  }
0x53: {  	[sflag:s21] =	ssyncset.done $0x0  }
0x54: {  	[sflag:s21] =	ssyncadd.s32 $0xFFFFD800  }
0x55: {  	_ =	swait.ge [sflag:s22], $0x2800  }
0x56: {  	[sflag:s22] =	ssyncset.done $0x0  }
0x57: {  	[sflag:s22] =	ssyncadd.s32 $0xFFFFD800  }
0x58: {  	_ =	swait.ge [sflag:s23], $0x2800  }
0x59: {  	[sflag:s23] =	ssyncset.done $0x0  }
0x5a: {  	[sflag:s23] =	ssyncadd.s32 $0xFFFFD800  }
0x5b: {  	s0 =	sadd.s32 @p0 $0x24900, s7;
	s1 =	simm.s32 @p0 $0x1FD5;
	[bflag:$0x0] =	sbarrier.arrive $0xFFFF  }
0x5c: {  	[hbm:s0], [sflag:s1] =	dma.local @p0 [spmem:s12], $0x2800  }
0x5d: {  	s0 =	simm.s32 @p0 $0x15  }
0x5e: {  	_ =	swait.ge @p0 [sflag:s0], $0x2800  }
0x5f: {  	[sflag:s0] =	ssyncset.done @p0 $0x0  }
0x60: {  	s3 =	sadd.s32 $0x1, s3;
	[sflag:s0] =	ssyncadd.s32 @p0 $0xFFFFD800;
	s0 =	rddreg [dreg:$0x4]  }
0x61: {  	p1 =	sne.s32 s3, s8;
	s0 =	sadd.s32 @!p0 s0, s7  }
0x62: {  	[hbm:s0], [sflag:s13] =	dma.local @!p0 [spmem:s14], $0x2700  }
.Ltmp1:
0x63: {  	_ = 	snop;
	(pc) =	sbr.rel @p1 .LBB2_1-.Ltmp1, $4  }
0x64: {  	s0 =	simm.s32 @!p0 $0x15  }
0x65: {  	_ =	swait.ge @!p0 [sflag:s0], $0x2700  }
0x66: {  	[sflag:s0] =	ssyncset.done @!p0 $0x0  }
0x67: {  	[sflag:s0] =	ssyncadd.s32 @!p0 $0xFFFFD900  }
0x68: {  	_ =	sfence.sel $0x180000  }
0x69: {  	[bflag:$0x0] =	sbarrier.arrive $0xFFFF  }
0x6a: {  	_ =	strace $0x90000050  }
0x6b: {  	s0 =	stileid.u32;
	[bflag:$0x2] =	sbarrier.arrive $0xFFFF  }
0x6c: {  	p0 =	sne.s32 s0, $0x0;
	s0 =	rddreg [dreg:$0x3]  }
0x6d: {  	s0 =	sadd.s32 @!p0 $0x100000, s0  }
0x6e: {  	[sflag:s0] =	ssyncadd.tile.s32 @!p0 $0x1;
	_ =	shalt  }
.Lfunc_end2:
_tile_overlayer_lowered:
.L_overlay_start_2:
0x6f: {  	(tag) =	ssettag $0x2  }
0x70: {  	s0 =	rddreg [dreg:$0x0];
	s2 =	stileid.u32  }
0x71: {  	s1 =	rddreg [dreg:$0x1];
	p0 =	sne.s32 s2, $0x0  }
0x72: {  	s3 =	rddreg [dreg:$0x2];
	[bflag:$0x3] =	sbarrier.arrive $0xFFFF;
	s2 =	simm.s32 @!p0 $0x1C15  }
0x73: {  	[timem:s3], [sflag:s2] =	dma.local @!p0 [hbm:s0], s1  }
0x74: {  	s0 =	simm.s32 @!p0 $0x15  }
0x75: {  	_ =	swait.ge @!p0 [sflag:s0], s1  }
0x76: {  	s1 =	ssub.s32 @!p0 $0x0, s1;
	[sflag:s0] =	ssyncset.done @!p0 $0x0  }
0x77: {  	[sflag:s0] =	ssyncadd.s32 @!p0 s1  }
0x78: {  	[bflag:$0x3] =	sbarrier.arrive $0xFFFF  }
0x79: {  	_ =	shalt  }

// kernel: kernel.18.cloned.1.call-start
scs
__scs_entry_jumppad:
0x0: {  	(pc) =	sbr.rel $0x88, $3  }
0x1: {  	(tag) =	ssettag $0x0;
	lr =	simm.s32 $0x1  }
0x2: {  	[smem:$0x3F96] =	sst lr;
	_ =	strace $0xD0000000  }
0x3: {  	_ = 	snop  }
0x4: {  	_ = 	snop  }
0x5: {  	_ = 	snop  }
0x6: {  	_ = 	snop  }
0x7: {  	_ = 	snop  }
__scs_overlays_trampoline_lowered:
0x8: {  	[smem:$0x3FA5] =	sst s0  }
0x9: {  	[smem:$0x3FA6] =	sst s1  }
0xa: {  	[smem:$0x3FA7] =	sst s2  }
0xb: {  	[smem:$0x3FA8] =	sst s3  }
0xc: {  	[smem:$0x3FA9] =	sst s4  }
0xd: {  	[smem:$0x3FAA] =	sst s5  }
0xe: {  	[smem:$0x3FAB] =	sst s6  }
0xf: {  	[smem:$0x3FAC] =	sst s7  }
0x10: {  	[smem:$0x3FAD] =	sst s8  }
0x11: {  	[smem:$0x3FAE] =	sst s9;
	s0 =	simm.s32 @!p0 $0x0  }
0x12: {  	s1 =	sld [smem:$0x3F94];
	s0 =	simm.s32 @p0 $0x1  }
0x13: {  	[smem:$0x3FAF] =	sst s0;
	s0 =	simm.s32 @!p1 $0x0  }
0x14: {  	s2 =	sld [smem:$0x3F93];
	s0 =	simm.s32 @p1 $0x1  }
0x15: {  	[smem:$0x3FB0] =	sst s0;
	s0 =	simm.s32 @!p2 $0x0  }
0x16: {  	s3 =	sld [smem:$0x3FDB];
	s0 =	simm.s32 @p2 $0x1  }
0x17: {  	s4 =	simm.s32 $0x1BF5;
	[smem:$0x3FB2] =	sst s0  }
0x18: {  	s0 =	sld [smem:$0x3F95];
	_ =	swait.ge [sflag:s4], $0x0  }
0x19: {  	s7 =	sld [smem:$0x3F96]  }
0x1a: {  	s8 =	sadd.s32 $0xFFFFE003, lr  }
0x1b: {  	s9 =	sadd.s32 $0xFFFFFEF7, lr;
	s5 =	simm.s32 $0xFFFFFFFF;
	p2 =	slt.u32 s8, $0xFFFFF086  }
0x1c: {  	p1 =	slt.u32 s9, $0xF7A;
	s5 =	simm.s32 @!p2 $0x0  }
0x1d: {  	s5 =	simm.s32 @p1 $0x1;
	p0 =	seq.s32 s7, s2  }
0x1e: {  	s7 =	smul.u32 @!p0 $0xF7A, s2;
	p2 =	seq.s32 @!p0 s5, $0x0  }
0x1f: {  	s9 =	smul.u32 $0xF7A, s1;
	s8 =	simm.s32 @!p0 $0x1BF5;
	p2 =	por !p2, p0  }
0x20: {  	[sflag:s8] =	ssyncset.s32 @!p0 $0xFFFFF086;
	s6 =	sadd.s32 @!p0 s3, s7;
	s7 =	simm.s32 @!p0 $0x108  }
0x21: {  	s3 =	sadd.s32 s3, s9;
	s6 =	sadd.s32 @!p0 $0x88, s6;
	s7 =	simm.s32 @p2 $0x1082  }
0x22: {  	[simem:s7], [sflag:s8] =	dma.local @!p0 [hbm:s6], $0xF7A  }
0x23: {  	s9 =	sor.u32 $0xD0000000, s2;
	s6 =	simm.s32 $0x108;
	_ =	swait.ge @!p0 [sflag:s8], $0x0  }
0x24: {  	s3 =	sadd.s32 $0x88, s3;
	s6 =	simm.s32 @!p1 $0x1082;
	[sflag:s4] =	ssyncset.s32 $0xFFFFF086  }
0x25: {  	[simem:s6], [sflag:s4] =	dma.local [hbm:s3], $0xF7A  }
0x26: {  	[smem:$0x3F96] =	sst s1;
	(tag) =	ssettag s2;
	_ =	strace s9  }
0x27: {  	s1 =	sld [smem:$0x3FA6]  }
0x28: {  	s2 =	sld [smem:$0x3FA7]  }
0x29: {  	s4 =	sld [smem:$0x3FA9]  }
0x2a: {  	p0 =	seq.s32 s5, $0x0;
	s5 =	sld [smem:$0x3FAA]  }
0x2b: {  	s6 =	sld [smem:$0x3FAB]  }
0x2c: {  	s7 =	sld [smem:$0x3FAC]  }
0x2d: {  	s3 =	simm.s32 $0x108;
	s8 =	sld [smem:$0x3FAD]  }
0x2e: {  	s3 =	simm.s32 @!p0 $0x1082;
	s9 =	sld [smem:$0x3FAE]  }
0x2f: {  	lr =	sadd.s32 s0, s3;
	s0 =	sld [smem:$0x3FA5]  }
0x30: {  	s3 =	sld [smem:$0x3FA8]  }
0x31: {  	[smem:$0x3FB1] =	sst s10  }
0x32: {  	s10 =	sld [smem:$0x3FAF];
	_ =	sdelay $0x3  }
0x33: {  	p0 =	seq.s32 s10, $0x1;
	s10 =	sld [smem:$0x3FB1];
	_ =	sdelay $0x3  }
0x34: {  	[smem:$0x3FB1] =	sst s10  }
0x35: {  	s10 =	sld [smem:$0x3FB0];
	_ =	sdelay $0x3  }
0x36: {  	p1 =	seq.s32 s10, $0x1;
	s10 =	sld [smem:$0x3FB1];
	_ =	sdelay $0x3  }
0x37: {  	[smem:$0x3FB1] =	sst s10  }
0x38: {  	s10 =	sld [smem:$0x3FB2]  }
0x39: {  	_ = 	snop;
	(pc) =	sbr.ind lr, $3  }
0x3a: {  	_ = 	snop  }
0x3b: {  	_ = 	snop  }
0x3c: {  	p2 =	seq.s32 s10, $0x1;
	s10 =	sld [smem:$0x3FB1]  }
0x3d: {  	_ =	shalt  }
0x3e: {  	_ =	shalt  }
0x3f: {  	_ =	shalt  }
0x40: {  	_ =	shalt  }
0x41: {  	_ =	shalt  }
0x42: {  	_ =	shalt  }
0x43: {  	_ =	shalt  }
0x44: {  	_ =	shalt  }
0x45: {  	_ =	shalt  }
0x46: {  	_ =	shalt  }
0x47: {  	_ =	shalt  }
0x48: {  	_ =	shalt  }
0x49: {  	_ =	shalt  }
0x4a: {  	_ =	shalt  }
0x4b: {  	_ =	shalt  }
0x4c: {  	_ =	shalt  }
0x4d: {  	_ =	shalt  }
0x4e: {  	_ =	shalt  }
0x4f: {  	_ =	shalt  }
0x50: {  	_ =	shalt  }
0x51: {  	_ =	shalt  }
0x52: {  	_ =	shalt  }
0x53: {  	_ =	shalt  }
0x54: {  	_ =	shalt  }
0x55: {  	_ =	shalt  }
0x56: {  	_ =	shalt  }
0x57: {  	_ =	shalt  }
0x58: {  	_ =	shalt  }
0x59: {  	_ =	shalt  }
0x5a: {  	_ =	shalt  }
0x5b: {  	_ =	shalt  }
0x5c: {  	_ =	shalt  }
0x5d: {  	_ =	shalt  }
0x5e: {  	_ =	shalt  }
0x5f: {  	_ =	shalt  }
0x60: {  	_ =	shalt  }
0x61: {  	_ =	shalt  }
0x62: {  	_ =	shalt  }
0x63: {  	_ =	shalt  }
0x64: {  	_ =	shalt  }
0x65: {  	_ =	shalt  }
0x66: {  	_ =	shalt  }
0x67: {  	_ =	shalt  }
0x68: {  	_ =	shalt  }
0x69: {  	_ =	shalt  }
0x6a: {  	_ =	shalt  }
0x6b: {  	_ =	shalt  }
0x6c: {  	_ =	shalt  }
0x6d: {  	_ =	shalt  }
0x6e: {  	_ =	shalt  }
0x6f: {  	_ =	shalt  }
0x70: {  	_ =	shalt  }
0x71: {  	_ =	shalt  }
0x72: {  	_ =	shalt  }
0x73: {  	_ =	shalt  }
0x74: {  	_ =	shalt  }
0x75: {  	_ =	shalt  }
0x76: {  	_ =	shalt  }
0x77: {  	_ =	shalt  }
0x78: {  	_ =	shalt  }
0x79: {  	_ =	shalt  }
0x7a: {  	_ =	shalt  }
0x7b: {  	_ =	shalt  }
0x7c: {  	_ =	shalt  }
0x7d: {  	_ =	shalt  }
0x7e: {  	_ =	shalt  }
0x7f: {  	_ =	shalt  }
0x80: {  	_ =	shalt  }
0x81: {  	_ =	shalt  }
0x82: {  	_ =	shalt  }
0x83: {  	_ =	shalt  }
0x84: {  	_ =	shalt  }
0x85: {  	_ =	shalt  }
0x86: {  	_ =	shalt  }
0x87: {  	_ =	shalt  }
.Lfunc_end0:
.L_simem_size_0:
called_computation.3_lowered:
.L_overlay_start_0:
0x88: {  	s2 =	sld [smem:$0x3FD9]  }
0x89: {  	s3 =	sld [smem:$0x3FFE];
	_ =	sdelay $0x1  }
0x8a: {  	s1 =	srdreg.scid  }
0x8b: {  	s0 =	sand.u32 $0x1, s1  }
0x8c: {  	s15 =	sshll.u32 s0, $0xA;
	s2 =	sadd.s32 s3, s2  }
0x8d: {  	s2 =	sadd.s32 s2, s15  }
0x8e: {  	[smem:$0x3FBD] =	sst s2  }
0x8f: {  	_ = 	snop  }
0x90: {  	s2 =	sld [smem:$0x3FD0];
	_ =	sdelay $0x2  }
0x91: {  	s16 =	simm.s32 $0xB;
	s4 =	simm.s32 $0x10  }
0x92: {  	[smem:s4], [sflag:s16] =	dma.local [hbm:s2], $0x1  }
0x93: {  	_ =	swait.eq [sflag:s16], $0x1  }
0x94: {  	[sflag:s16] =	ssyncset.done $0x0  }
0x95: {  	[sflag:s16] =	ssyncadd.s32 $0xFFFFFFFF  }
0x96: {  	s17 =	sld [smem:$0x10];
	(tm) =	ssettm $0x1  }
0x97: {  	s18 =	sld [smem:$0x3FFB];
	_ =	sdelay $0x3  }
0x98: {  	_ =	strace s18  }
0x99: {  	s2 =	sld [smem:$0x3FFC];
	_ =	sdelay $0x3  }
0x9a: {  	_ =	strace s2  }
0x9b: {  	s2 =	sld [smem:$0x3FFD];
	_ =	sdelay $0x3  }
0x9c: {  	_ =	strace s2  }
0x9d: {  	_ =	strace $0x8FFFFFFF  }
0x9e: {  	s19 =	sld [smem:$0x3FDB];
	_ =	sdelay $0x1  }
0x9f: {  	s20 =	simm.s32 $_scs_section_size  }
0xa0: {  	s5 =	simm.s32 $_size__tile_overlayer_lowered;
	s6 =	simm.s32 $_tile_overlayer_lowered  }
0xa1: {  	s7 =	simm.s32 $0x1BFF;
	s21 =	sshll.u32 s6, $0x1;
	s4 =	sadd.s32 s20, s19  }
0xa2: {  	s22 =	simm.s32 $0x0;
	s5 =	sshll.u32 s5, $0x1;
	s6 =	sadd.s32 s21, s4  }
0xa3: {  	[timem:s22], [sflag:s7] =	dma.local [hbm:s6], s5  }
0xa4: {  	_ =	swait.ge [sflag:s7], s5  }
0xa5: {  	s5 =	ssub.s32 $0x0, s5;
	[sflag:s7] =	ssyncset.done $0x0  }
0xa6: {  	[sflag:s7] =	ssyncadd.s32 s5;
	_ =	sdelay $0x1  }
0xa7: {  	s23 =	simm.s32 $0x1B8B  }
0xa8: {  	_ =	swait.ge [sflag:s23], $0x1  }
0xa9: {  	[sflag:s23] =	ssyncset.done $0x0  }
0xaa: {  	[sflag:s23] =	ssyncadd.s32 $0xFFFFFFFF  }
0xab: {  	s5 =	sld [smem:$0x0]  }
0xac: {  	s6 =	sand.u32 $0xFFFFFFFE, s1  }
0xad: {  	p0 =	sne.s32 s1, s6  }
0xae: {  	s6 =	sshll.u32 @p0 s6, $0xE  }
0xaf: {  	s6 =	sadd.s32 @p0 $0x11B8D, s6;
	s7 =	sshll.u32 @p0 s5, $0x11  }
0xb0: {  	s6 =	sor.u32 @p0 s7, s6  }
0xb1: {  	[sflag:s6] =	ssyncadd.remote.s32 @p0 $0x1;
	_ =	sdelay $0x1  }
0xb2: {  	s6 =	simm.s32 @p0 $0x1B8D  }
0xb3: {  	_ =	swait.eq @p0 [sflag:s6], $0x1  }
0xb4: {  	[sflag:s6] =	ssyncadd.s32 @p0 $0xFFFFFFFF  }
0xb5: {  	s7 =	sshll.u32 @!p0 s1, $0xE  }
0xb6: {  	s7 =	sor.u32 @!p0 $0x4000, s7;
	s6 =	simm.s32 @!p0 $0x1B8D  }
0xb7: {  	s5 =	sshll.u32 @!p0 s5, $0x11;
	s7 =	sadd.s32 @!p0 $0x11B8D, s7;
	_ =	swait.eq @!p0 [sflag:s6], $0x1  }
0xb8: {  	s5 =	sor.u32 @!p0 s5, s7;
	[sflag:s6] =	ssyncadd.s32 @!p0 $0xFFFFFFFF  }
0xb9: {  	s25 =	simm.s32 $0x1B8E;
	s24 =	sld [smem:$0x3FFE];
	[sflag:s5] =	ssyncadd.remote.s32 @!p0 $0x1  }
0xba: {  	s26 =	simm.s32 $execute0_lowered;
	[smem:$0x3FD2] =	sst s25  }
0xbb: {  	s6 =	sshll.u32 s26, $0x1;
	_ =	strace $0x8000004C;
	[dreg:$0x1] =	wrdreg $0xFFFFFFFF  }
0xbc: {  	s28 =	simm.s32 $_size_execute0_lowered;
	s4 =	sadd.s32 s4, s6;
	[dreg:$0x0] =	wrdreg $0x0  }
0xbd: {  	s6 =	sshll.u32 s28, $0x1;
	[dreg:$0x2] =	wrdreg s4  }
0xbe: {  	[dreg:$0x3] =	wrdreg s6  }
0xbf: {  	[dreg:$0x4] =	wrdreg $0xC0  }
0xc0: {  	_ =	task [dreg:s22], $0x5FFFF  }
0xc1: {  	[dreg:$0x1] =	wrdreg $0xFFFFFFFF  }
0xc2: {  	[dreg:$0x0] =	wrdreg $0x60  }
0xc3: {  	[dreg:$0x2] =	wrdreg s24  }
0xc4: {  	[dreg:$0x3] =	wrdreg s17  }
0xc5: {  	[dreg:$0x4] =	wrdreg $0xA4000  }
0xc6: {  	[dreg:$0x5] =	wrdreg $0xA  }
0xc7: {  	_ =	task.clear_ibuf [dreg:s22], $0x6FFFF;
	_ =	strace $0x9000004C  }
0xc8: {  	s29 =	simm.s32 $0xA;
	_ =	strace $0x8000004E  }
0xc9: {  	_ =	swait.ge [sflag:s29], $0x1  }
0xca: {  	[sflag:s29] =	ssyncadd.s32 $0xFFFFFFFF  }
0xcb: {  	_ =	strace $0x9000004E  }
0xcc: {  	_ =	sfence  }
0xcd: {  	s30 =	sld [smem:$0x0];
	_ =	sdelay $0x2  }
0xce: {  	s31 =	sshll.u32 s1, $0xD;
	s1 =	sshrl.u32 s1, $0x2  }
0xcf: {  	s4 =	sand.u32 $0x4000, s31;
	s1 =	sadd.s32 s1, s30  }
0xd0: {  	s0 =	sor.u32 s4, s0;
	s1 =	sshll.u32 s1, $0x11  }
0xd1: {  	s0 =	sor.u32 s1, s0  }
0xd2: {  	s0 =	sadd.s32 $0x8F2B, s0  }
0xd3: {  	[sflag:s0] =	ssyncadd.remote.s32 $0x1  }
0xd4: {  	_ =	sfence.sel $0xFFFF  }
0xd5: {  	[dreg:$0x0] =	wrdreg $0xFFFFFFFF;
	(pc) =	sbr.abs _section_cstart, $3  }
0xd6: {  	[dreg:$0x1] =	wrdreg $0xFFFFFFFF  }
0xd7: {  	_ =	task.clear_ibuf [dreg:s22], $0x2FFFF;
	_ =	strace $0x9FFFFFFF  }
0xd8: {  	(tm) =	ssettm $0x7FFFFFFF  }
0xd9: {  	_ =	shalt  }
tec
execute0_lowered:
.L_overlay_start_1:
0x0: {  	(tag) =	ssettag $0x1  }
0x1: {  	s4 =	rddreg [dreg:$0x0]  }
0x2: {  	s6 =	rddreg [dreg:$0x1]  }
0x3: {  	s0 =	srdreg.scid;
	s2 =	rddreg [dreg:$0x2]  }
0x4: {  	s3 =	simm.s32 $0x0;
	s16 =	simm.s32 $0xD;
	s5 =	sand.u32 $0x1, s0  }
0x5: {  	s17 =	simm.s32 $0x11;
	s0 =	stileid.u32;
	s7 =	smul.u32 $0x13600, s5  }
0x6: {  	s18 =	simm.s32 $0xE;
	s19 =	simm.s32 $0x12;
	s8 =	smul.u32 $0x1360, s0  }
0x7: {  	s20 =	simm.s32 $0xF;
	s21 =	simm.s32 $0x13;
	s9 =	smul.u32 $0x136000, s5  }
0x8: {  	s22 =	simm.s32 $0x10;
	s23 =	simm.s32 $0x14;
	s28 =	smul.u32 $0x27100, s5  }
0x9: {  	[smem:$0x7FF] =	sst s3;
	s13 =	sadd.s32 $0x124800, s2;
	s29 =	smul.u32 $0x4E000, s0  }
0xa: {  	_ =	strace $0x8000004D;
	s5 =	ssub.s32 $0x2, s5;
	s1 =	smul.u32 $0x2700, s0  }
0xb: {  	s12 =	smul.u32 $0x13600, s0;
	p0 =	seq.s32 s0, $0xF;
	s10 =	sshrl.u32 s5, $0x1  }
0xc: {  	s15 =	sshll.u32 @!p0 s0, $0x6;
	s7 =	sadd.s32 s8, s7;
	s26 =	sadd.s32 s9, s4  }
0xd: {  	s9 =	sadd.s32 s28, s4;
	s10 =	ssub.s32 s5, s10;
	s30 =	sshrl.u32 s29, $0x2  }
0xe: {  	[dreg:$0x4] =	wrdreg s1;
	s1 =	sadd.s32 s6, s1;
	s6 =	sadd.s32 $0x24900, s6  }
0xf: {  	s7 =	sadd.s32 $0x27600, s7;
	s14 =	sadd.s32 s30, s2;
	[dreg:$0x5] =	wrdreg s1  }
0x10: {  	s31 =	sadd.s32 s12, s26;
	s8 =	smax.u32 s10, $0x1;
	s12 =	sshrl.u32 @p0 s13, $0x3  }
0x11: {  	s13 =	sor.u32 @!p0 $0x1C15, s15;
	s15 =	simm.s32 $0x50;
	s7 =	sshrl.u32 s7, $0x3  }
0x12: {  	s14 =	sshrl.u32 @!p0 s14, $0x3;
	s11 =	sadd.s32 s7, s4;
	s7 =	sadd.s32 $0x15C00, s9  }
0x13: {  	s9 =	sadd.s32 $0x281C00, s31;
	s10 =	sadd.s32 $0x2000, s11;
	s11 =	sadd.s32 $0xBE00, s11  }
.LBB2_1:
0x14: {  	s24 =	simm.s32 @p0 $0x1FD5  }
0x15: {  	[spmem:s12], [sflag:s24] =	dma.local @p0 [hbm:s6], $0x2800  }
0x16: {  	s24 =	simm.s32 @p0 $0x15  }
0x17: {  	_ =	swait.ge @p0 [sflag:s24], $0x2800  }
0x18: {  	[sflag:s24] =	ssyncset.done @p0 $0x0  }
0x19: {  	s0 =	rddreg [dreg:$0x5];
	[sflag:s24] =	ssyncadd.s32 @p0 $0xFFFFD800;
	s24 =	simm.s32 @!p0 $0x15  }
0x1a: {  	[spmem:s14], [sflag:s13] =	dma.local @!p0 [hbm:s0], $0x2700  }
0x1b: {  	_ =	swait.ge @!p0 [sflag:s24], $0x2700  }
0x1c: {  	s25 =	smov.u32 s11;
	[sflag:s24] =	ssyncset.done @!p0 $0x0  }
0x1d: {  	s26 =	smov.u32 s10;
	s28 =	smov.u32 s9;
	[sflag:s24] =	ssyncadd.s32 @!p0 $0xFFFFD900  }
0x1e: {  	s29 =	simm.s32 $0x0;
	s24 =	simm.s32 $0x1;
	[bflag:$0x0] =	sbarrier.arrive $0xFFFF  }
.LBB2_2:
0x1f: {  	s30 =	sadd.s32 $0xFFFFFFFF, s24  }
0x20: {  	p1 =	sgt.u32 s30, $0x3D  }
0x21: {  	p2 =	slt.u32 @!p1 s30, $0x4  }
0x22: {  	s31 =	sand.u32 @!p1 $0x3, s30;
	p2 =	por p2, p1  }
0x23: {  	s1 =	sadd.s32 @!p2 $0xD, s31  }
0x24: {  	_ =	swait.ge @!p2 [sflag:s1], $0x2800  }
0x25: {  	[sflag:s1] =	ssyncset.done @!p2 $0x0  }
0x26: {  	[sflag:s1] =	ssyncadd.s32 @!p2 $0xFFFFD800;
	s1 =	sadd.s32 @!p2 $0x11, s31  }
0x27: {  	_ =	swait.ge @!p2 [sflag:s1], $0x2800  }
0x28: {  	s5 =	simm.s32 @!p1 $0x0;
	[sflag:s1] =	ssyncset.done @!p2 $0x0  }
0x29: {  	s0 =	sadd.s32 @!p1 $0x1, s31;
	[sflag:s1] =	ssyncadd.s32 @!p2 $0xFFFFD800;
	s1 =	sshll.u32 @!p1 s31, $0x7  }
0x2a: {  	[tilespmem:s1], [sflag:s0] =	stream.linear.gather @!p1 [hbm4b:s25+s5], $0x50, $0x38;
	[tilespmem:$0x1DC80] =	vst v63  }
0x2b: {  	s4 =	smul.u32 @!p1 $0xA000, s31;
	s0 =	sor.u32 @!p1 $0x200, s1;
	s1 =	sadd.s32 @!p1 $0x5, s31  }
0x2c: {  	[tilespmem:s0], [sflag:s1] =	stream.linear.gather @!p1 [hbm4b:s26+s5], $0x50, $0x38;
	[tilespmem:$0x1DC80] =	vst v63  }
0x2d: {  	s0 =	sshrl.u32 @!p1 s4, $0x2  }
0x2e: {  	p2 =	sgt.u32 @!p1 s30, $0x2;
	s1 =	sadd.s32 @!p1 $0x9, s31;
	s0 =	sor.u32 @!p1 $0x400, s0  }
0x2f: {  	[tilespmem:s0], [sflag:s1] =	stream.linear.gather @!p1 [hbm4b:s28+s5], $0x2800, $0x38;
	[tilespmem:$0x1DC80] =	vst v63  }
0x30: {  	p1 =	por p1, p2  }
0x31: {  	s0 =	sand.u32 @p1 $0x3, s24  }
0x32: {  	s1 =	sadd.s32 @p1 $0x1, s0  }
0x33: {  	_ =	swait.ge @p1 [sflag:s1], $0x50  }
0x34: {  	[sflag:s1] =	ssyncset.done @p1 $0x0  }
0x35: {  	[sflag:s1] =	ssyncadd.s32 @p1 $0xFFFFFFB0;
	s1 =	sadd.s32 @p1 $0x5, s0  }
0x36: {  	_ =	swait.ge @p1 [sflag:s1], $0x50  }
0x37: {  	[sflag:s1] =	ssyncset.done @p1 $0x0  }
0x38: {  	s4 =	smul.u32 @p1 $0xA000, s0;
	[sflag:s1] =	ssyncadd.s32 @p1 $0xFFFFFFB0;
	s1 =	sadd.s32 @p1 $0x9, s0  }
0x39: {  	_ =	swait.ge @p1 [sflag:s1], $0x2800  }
0x3a: {  	s5 =	sshll.u32 @p1 s0, $0x7;
	s4 =	sshrl.u32 @p1 s4, $0x2;
	[sflag:s1] =	ssyncset.done @p1 $0x0  }
0x3b: {  	s4 =	sor.u32 @p1 $0x400, s4;
	[sflag:s1] =	ssyncadd.s32 @p1 $0xFFFFD800;
	s1 =	sadd.s32 @p1 $0xD, s0  }
0x3c: {  	[spmem:s2] =	stream.indirect.scatter.add.f32 @p1 [tilespmem:s4], [sflag:s1], $0x80, s5, s15, $0xb8;
	[tilespmem:$0x1DC80] =	vst v63  }
0x3d: {  	s24 =	sadd.s32 $0x1, s24;
	s0 =	sadd.s32 @p1 $0x11, s0;
	s1 =	sor.u32 @p1 $0x200, s5  }
0x3e: {  	[spmem:s2] =	stream.indirect.scatter.add.f32 @p1 [tilespmem:s4], [sflag:s0], $0x80, s1, s15, $0xb8;
	[tilespmem:$0x1DC80] =	vst v63  }
0x3f: {  	p1 =	sne.s32 s24, $0x42  }
.Ltmp0:
0x40: {  	_ = 	snop;
	(pc) =	sbr.rel @p1 .LBB2_2-.Ltmp0, $3  }
0x41: {  	_ =	sdelay $0x1  }
0x42: {  	s29 =	sadd.s32 $0x1, s29  }
0x43: {  	s25 =	sadd.s32 $0xA, s25;
	s26 =	sadd.s32 $0xA, s26;
	s28 =	sadd.s32 $0x500, s28  }
0x44: {  	_ =	swait.ge [sflag:s16], $0x2800  }
0x45: {  	[sflag:s16] =	ssyncset.done $0x0  }
0x46: {  	[sflag:s16] =	ssyncadd.s32 $0xFFFFD800  }
0x47: {  	_ =	swait.ge [sflag:s17], $0x2800  }
0x48: {  	[sflag:s17] =	ssyncset.done $0x0  }
0x49: {  	[sflag:s17] =	ssyncadd.s32 $0xFFFFD800  }
0x4a: {  	_ =	swait.ge [sflag:s18], $0x2800  }
0x4b: {  	[sflag:s18] =	ssyncset.done $0x0  }
0x4c: {  	[sflag:s18] =	ssyncadd.s32 $0xFFFFD800  }
0x4d: {  	_ =	swait.ge [sflag:s19], $0x2800  }
0x4e: {  	[sflag:s19] =	ssyncset.done $0x0  }
0x4f: {  	[sflag:s19] =	ssyncadd.s32 $0xFFFFD800  }
0x50: {  	_ =	swait.ge [sflag:s20], $0x2800  }
0x51: {  	[sflag:s20] =	ssyncset.done $0x0  }
0x52: {  	[sflag:s20] =	ssyncadd.s32 $0xFFFFD800  }
0x53: {  	_ =	swait.ge [sflag:s21], $0x2800  }
0x54: {  	[sflag:s21] =	ssyncset.done $0x0  }
0x55: {  	[sflag:s21] =	ssyncadd.s32 $0xFFFFD800  }
0x56: {  	_ =	swait.ge [sflag:s22], $0x2800  }
0x57: {  	[sflag:s22] =	ssyncset.done $0x0  }
0x58: {  	[sflag:s22] =	ssyncadd.s32 $0xFFFFD800  }
0x59: {  	_ =	swait.ge [sflag:s23], $0x2800  }
0x5a: {  	[sflag:s23] =	ssyncset.done $0x0  }
0x5b: {  	[sflag:s23] =	ssyncadd.s32 $0xFFFFD800  }
0x5c: {  	s0 =	sadd.s32 @p0 $0x24900, s7;
	s1 =	simm.s32 @p0 $0x1FD5;
	[bflag:$0x0] =	sbarrier.arrive $0xFFFF  }
0x5d: {  	[hbm:s0], [sflag:s1] =	dma.local @p0 [spmem:s12], $0x2800  }
0x5e: {  	s0 =	simm.s32 @p0 $0x15  }
0x5f: {  	_ =	swait.ge @p0 [sflag:s0], $0x2800  }
0x60: {  	[sflag:s0] =	ssyncset.done @p0 $0x0  }
0x61: {  	s3 =	sadd.s32 $0x1, s3;
	[sflag:s0] =	ssyncadd.s32 @p0 $0xFFFFD800;
	s0 =	rddreg [dreg:$0x4]  }
0x62: {  	p1 =	sne.s32 s3, s8;
	s0 =	sadd.s32 @!p0 s0, s7  }
0x63: {  	[hbm:s0], [sflag:s13] =	dma.local @!p0 [spmem:s14], $0x2700  }
.Ltmp1:
0x64: {  	_ = 	snop;
	(pc) =	sbr.rel @p1 .LBB2_1-.Ltmp1, $4  }
0x65: {  	s0 =	simm.s32 @!p0 $0x15  }
0x66: {  	_ =	swait.ge @!p0 [sflag:s0], $0x2700  }
0x67: {  	[sflag:s0] =	ssyncset.done @!p0 $0x0  }
0x68: {  	[sflag:s0] =	ssyncadd.s32 @!p0 $0xFFFFD900  }
0x69: {  	_ =	sfence.sel $0x180000  }
0x6a: {  	[bflag:$0x0] =	sbarrier.arrive $0xFFFF  }
0x6b: {  	_ =	strace $0x9000004D  }
0x6c: {  	s0 =	stileid.u32;
	[bflag:$0x2] =	sbarrier.arrive $0xFFFF  }
0x6d: {  	p0 =	sne.s32 s0, $0x0;
	s0 =	rddreg [dreg:$0x3]  }
0x6e: {  	s0 =	sadd.s32 @!p0 $0x100000, s0  }
0x6f: {  	[sflag:s0] =	ssyncadd.tile.s32 @!p0 $0x1;
	_ =	shalt  }
.Lfunc_end2:
_tile_overlayer_lowered:
.L_overlay_start_2:
0x70: {  	(tag) =	ssettag $0x2  }
0x71: {  	s0 =	rddreg [dreg:$0x0];
	s2 =	stileid.u32  }
0x72: {  	s1 =	rddreg [dreg:$0x1];
	p0 =	sne.s32 s2, $0x0  }
0x73: {  	s3 =	rddreg [dreg:$0x2];
	[bflag:$0x3] =	sbarrier.arrive $0xFFFF;
	s2 =	simm.s32 @!p0 $0x1C15  }
0x74: {  	[timem:s3], [sflag:s2] =	dma.local @!p0 [hbm:s0], s1  }
0x75: {  	s0 =	simm.s32 @!p0 $0x15  }
0x76: {  	_ =	swait.ge @!p0 [sflag:s0], s1  }
0x77: {  	s1 =	ssub.s32 @!p0 $0x0, s1;
	[sflag:s0] =	ssyncset.done @!p0 $0x0  }
0x78: {  	[sflag:s0] =	ssyncadd.s32 @!p0 s1  }
0x79: {  	[bflag:$0x3] =	sbarrier.arrive $0xFFFF  }
0x7a: {  	_ =	shalt  }

// kernel: kernel.9.cloned.1.call-start
scs
__scs_entry_jumppad:
0x0: {  	(pc) =	sbr.rel $0x88, $3  }
0x1: {  	(tag) =	ssettag $0x0;
	lr =	simm.s32 $0x1  }
0x2: {  	[smem:$0x3F96] =	sst lr;
	_ =	strace $0xD0000000  }
0x3: {  	_ = 	snop  }
0x4: {  	_ = 	snop  }
0x5: {  	_ = 	snop  }
0x6: {  	_ = 	snop  }
0x7: {  	_ = 	snop  }
__scs_overlays_trampoline_lowered:
0x8: {  	[smem:$0x3FA5] =	sst s0  }
0x9: {  	[smem:$0x3FA6] =	sst s1  }
0xa: {  	[smem:$0x3FA7] =	sst s2  }
0xb: {  	[smem:$0x3FA8] =	sst s3  }
0xc: {  	[smem:$0x3FA9] =	sst s4  }
0xd: {  	[smem:$0x3FAA] =	sst s5  }
0xe: {  	[smem:$0x3FAB] =	sst s6  }
0xf: {  	[smem:$0x3FAC] =	sst s7  }
0x10: {  	[smem:$0x3FAD] =	sst s8  }
0x11: {  	[smem:$0x3FAE] =	sst s9;
	s0 =	simm.s32 @!p0 $0x0  }
0x12: {  	s1 =	sld [smem:$0x3F94];
	s0 =	simm.s32 @p0 $0x1  }
0x13: {  	[smem:$0x3FAF] =	sst s0;
	s0 =	simm.s32 @!p1 $0x0  }
0x14: {  	s2 =	sld [smem:$0x3F93];
	s0 =	simm.s32 @p1 $0x1  }
0x15: {  	[smem:$0x3FB0] =	sst s0;
	s0 =	simm.s32 @!p2 $0x0  }
0x16: {  	s3 =	sld [smem:$0x3FDB];
	s0 =	simm.s32 @p2 $0x1  }
0x17: {  	s4 =	simm.s32 $0x1BF5;
	[smem:$0x3FB2] =	sst s0  }
0x18: {  	s0 =	sld [smem:$0x3F95];
	_ =	swait.ge [sflag:s4], $0x0  }
0x19: {  	s7 =	sld [smem:$0x3F96]  }
0x1a: {  	s8 =	sadd.s32 $0xFFFFE003, lr  }
0x1b: {  	s9 =	sadd.s32 $0xFFFFFEF7, lr;
	s5 =	simm.s32 $0xFFFFFFFF;
	p2 =	slt.u32 s8, $0xFFFFF086  }
0x1c: {  	p1 =	slt.u32 s9, $0xF7A;
	s5 =	simm.s32 @!p2 $0x0  }
0x1d: {  	s5 =	simm.s32 @p1 $0x1;
	p0 =	seq.s32 s7, s2  }
0x1e: {  	s7 =	smul.u32 @!p0 $0xF7A, s2;
	p2 =	seq.s32 @!p0 s5, $0x0  }
0x1f: {  	s9 =	smul.u32 $0xF7A, s1;
	s8 =	simm.s32 @!p0 $0x1BF5;
	p2 =	por !p2, p0  }
0x20: {  	[sflag:s8] =	ssyncset.s32 @!p0 $0xFFFFF086;
	s6 =	sadd.s32 @!p0 s3, s7;
	s7 =	simm.s32 @!p0 $0x108  }
0x21: {  	s3 =	sadd.s32 s3, s9;
	s6 =	sadd.s32 @!p0 $0x88, s6;
	s7 =	simm.s32 @p2 $0x1082  }
0x22: {  	[simem:s7], [sflag:s8] =	dma.local @!p0 [hbm:s6], $0xF7A  }
0x23: {  	s9 =	sor.u32 $0xD0000000, s2;
	s6 =	simm.s32 $0x108;
	_ =	swait.ge @!p0 [sflag:s8], $0x0  }
0x24: {  	s3 =	sadd.s32 $0x88, s3;
	s6 =	simm.s32 @!p1 $0x1082;
	[sflag:s4] =	ssyncset.s32 $0xFFFFF086  }
0x25: {  	[simem:s6], [sflag:s4] =	dma.local [hbm:s3], $0xF7A  }
0x26: {  	[smem:$0x3F96] =	sst s1;
	(tag) =	ssettag s2;
	_ =	strace s9  }
0x27: {  	s1 =	sld [smem:$0x3FA6]  }
0x28: {  	s2 =	sld [smem:$0x3FA7]  }
0x29: {  	s4 =	sld [smem:$0x3FA9]  }
0x2a: {  	p0 =	seq.s32 s5, $0x0;
	s5 =	sld [smem:$0x3FAA]  }
0x2b: {  	s6 =	sld [smem:$0x3FAB]  }
0x2c: {  	s7 =	sld [smem:$0x3FAC]  }
0x2d: {  	s3 =	simm.s32 $0x108;
	s8 =	sld [smem:$0x3FAD]  }
0x2e: {  	s3 =	simm.s32 @!p0 $0x1082;
	s9 =	sld [smem:$0x3FAE]  }
0x2f: {  	lr =	sadd.s32 s0, s3;
	s0 =	sld [smem:$0x3FA5]  }
0x30: {  	s3 =	sld [smem:$0x3FA8]  }
0x31: {  	[smem:$0x3FB1] =	sst s10  }
0x32: {  	s10 =	sld [smem:$0x3FAF];
	_ =	sdelay $0x3  }
0x33: {  	p0 =	seq.s32 s10, $0x1;
	s10 =	sld [smem:$0x3FB1];
	_ =	sdelay $0x3  }
0x34: {  	[smem:$0x3FB1] =	sst s10  }
0x35: {  	s10 =	sld [smem:$0x3FB0];
	_ =	sdelay $0x3  }
0x36: {  	p1 =	seq.s32 s10, $0x1;
	s10 =	sld [smem:$0x3FB1];
	_ =	sdelay $0x3  }
0x37: {  	[smem:$0x3FB1] =	sst s10  }
0x38: {  	s10 =	sld [smem:$0x3FB2]  }
0x39: {  	_ = 	snop;
	(pc) =	sbr.ind lr, $3  }
0x3a: {  	_ = 	snop  }
0x3b: {  	_ = 	snop  }
0x3c: {  	p2 =	seq.s32 s10, $0x1;
	s10 =	sld [smem:$0x3FB1]  }
0x3d: {  	_ =	shalt  }
0x3e: {  	_ =	shalt  }
0x3f: {  	_ =	shalt  }
0x40: {  	_ =	shalt  }
0x41: {  	_ =	shalt  }
0x42: {  	_ =	shalt  }
0x43: {  	_ =	shalt  }
0x44: {  	_ =	shalt  }
0x45: {  	_ =	shalt  }
0x46: {  	_ =	shalt  }
0x47: {  	_ =	shalt  }
0x48: {  	_ =	shalt  }
0x49: {  	_ =	shalt  }
0x4a: {  	_ =	shalt  }
0x4b: {  	_ =	shalt  }
0x4c: {  	_ =	shalt  }
0x4d: {  	_ =	shalt  }
0x4e: {  	_ =	shalt  }
0x4f: {  	_ =	shalt  }
0x50: {  	_ =	shalt  }
0x51: {  	_ =	shalt  }
0x52: {  	_ =	shalt  }
0x53: {  	_ =	shalt  }
0x54: {  	_ =	shalt  }
0x55: {  	_ =	shalt  }
0x56: {  	_ =	shalt  }
0x57: {  	_ =	shalt  }
0x58: {  	_ =	shalt  }
0x59: {  	_ =	shalt  }
0x5a: {  	_ =	shalt  }
0x5b: {  	_ =	shalt  }
0x5c: {  	_ =	shalt  }
0x5d: {  	_ =	shalt  }
0x5e: {  	_ =	shalt  }
0x5f: {  	_ =	shalt  }
0x60: {  	_ =	shalt  }
0x61: {  	_ =	shalt  }
0x62: {  	_ =	shalt  }
0x63: {  	_ =	shalt  }
0x64: {  	_ =	shalt  }
0x65: {  	_ =	shalt  }
0x66: {  	_ =	shalt  }
0x67: {  	_ =	shalt  }
0x68: {  	_ =	shalt  }
0x69: {  	_ =	shalt  }
0x6a: {  	_ =	shalt  }
0x6b: {  	_ =	shalt  }
0x6c: {  	_ =	shalt  }
0x6d: {  	_ =	shalt  }
0x6e: {  	_ =	shalt  }
0x6f: {  	_ =	shalt  }
0x70: {  	_ =	shalt  }
0x71: {  	_ =	shalt  }
0x72: {  	_ =	shalt  }
0x73: {  	_ =	shalt  }
0x74: {  	_ =	shalt  }
0x75: {  	_ =	shalt  }
0x76: {  	_ =	shalt  }
0x77: {  	_ =	shalt  }
0x78: {  	_ =	shalt  }
0x79: {  	_ =	shalt  }
0x7a: {  	_ =	shalt  }
0x7b: {  	_ =	shalt  }
0x7c: {  	_ =	shalt  }
0x7d: {  	_ =	shalt  }
0x7e: {  	_ =	shalt  }
0x7f: {  	_ =	shalt  }
0x80: {  	_ =	shalt  }
0x81: {  	_ =	shalt  }
0x82: {  	_ =	shalt  }
0x83: {  	_ =	shalt  }
0x84: {  	_ =	shalt  }
0x85: {  	_ =	shalt  }
0x86: {  	_ =	shalt  }
0x87: {  	_ =	shalt  }
.Lfunc_end0:
.L_simem_size_0:
called_computation_lowered:
.L_overlay_start_0:
0x88: {  	s2 =	sld [smem:$0x3FD9]  }
0x89: {  	s3 =	sld [smem:$0x3FFE];
	_ =	sdelay $0x1  }
0x8a: {  	s1 =	srdreg.scid  }
0x8b: {  	s0 =	sand.u32 $0x1, s1  }
0x8c: {  	s15 =	sshll.u32 s0, $0xA;
	s2 =	sadd.s32 s3, s2  }
0x8d: {  	s2 =	sadd.s32 s2, s15  }
0x8e: {  	[smem:$0x3FBD] =	sst s2  }
0x8f: {  	_ = 	snop  }
0x90: {  	s2 =	sld [smem:$0x3FD0];
	_ =	sdelay $0x2  }
0x91: {  	s4 =	simm.s32 $0xB;
	s5 =	simm.s32 $0x10;
	s16 =	sld [smem:$0x3FC9]  }
0x92: {  	[smem:s5], [sflag:s4] =	dma.local [hbm:s2], $0x1  }
0x93: {  	_ =	swait.eq [sflag:s4], $0x1  }
0x94: {  	[sflag:s4] =	ssyncset.done $0x0  }
0x95: {  	[sflag:s4] =	ssyncadd.s32 $0xFFFFFFFF  }
0x96: {  	s17 =	sld [smem:$0x11];
	(tm) =	ssettm $0x1  }
0x97: {  	s18 =	sld [smem:$0x3FFB];
	_ =	sdelay $0x3  }
0x98: {  	_ =	strace s18  }
0x99: {  	s2 =	sld [smem:$0x3FFC];
	_ =	sdelay $0x3  }
0x9a: {  	_ =	strace s2  }
0x9b: {  	s2 =	sld [smem:$0x3FFD];
	_ =	sdelay $0x3  }
0x9c: {  	_ =	strace s2  }
0x9d: {  	_ =	strace $0x8FFFFFFF  }
0x9e: {  	s19 =	sld [smem:$0x3FDB];
	_ =	sdelay $0x1  }
0x9f: {  	s20 =	simm.s32 $_scs_section_size  }
0xa0: {  	s6 =	simm.s32 $_size__tile_overlayer_lowered;
	s7 =	simm.s32 $_tile_overlayer_lowered  }
0xa1: {  	s8 =	simm.s32 $0x1BFF;
	s21 =	sshll.u32 s7, $0x1;
	s5 =	sadd.s32 s20, s19  }
0xa2: {  	s22 =	simm.s32 $0x0;
	s6 =	sshll.u32 s6, $0x1;
	s7 =	sadd.s32 s21, s5  }
0xa3: {  	[timem:s22], [sflag:s8] =	dma.local [hbm:s7], s6  }
0xa4: {  	_ =	swait.ge [sflag:s8], s6  }
0xa5: {  	s6 =	ssub.s32 $0x0, s6;
	[sflag:s8] =	ssyncset.done $0x0  }
0xa6: {  	[sflag:s8] =	ssyncadd.s32 s6;
	_ =	sdelay $0x1  }
0xa7: {  	s23 =	simm.s32 $0x1B8B  }
0xa8: {  	_ =	swait.ge [sflag:s23], $0x1  }
0xa9: {  	[sflag:s23] =	ssyncset.done $0x0  }
0xaa: {  	[sflag:s23] =	ssyncadd.s32 $0xFFFFFFFF  }
0xab: {  	s6 =	sld [smem:$0x0]  }
0xac: {  	s7 =	sand.u32 $0xFFFFFFFE, s1  }
0xad: {  	p0 =	sne.s32 s1, s7  }
0xae: {  	s7 =	sshll.u32 @p0 s7, $0xE  }
0xaf: {  	s7 =	sadd.s32 @p0 $0x11B8D, s7;
	s8 =	sshll.u32 @p0 s6, $0x11  }
0xb0: {  	s7 =	sor.u32 @p0 s8, s7  }
0xb1: {  	[sflag:s7] =	ssyncadd.remote.s32 @p0 $0x1;
	_ =	sdelay $0x1  }
0xb2: {  	s7 =	simm.s32 @p0 $0x1B8D  }
0xb3: {  	_ =	swait.eq @p0 [sflag:s7], $0x1  }
0xb4: {  	[sflag:s7] =	ssyncadd.s32 @p0 $0xFFFFFFFF  }
0xb5: {  	s8 =	sshll.u32 @!p0 s1, $0xE  }
0xb6: {  	s8 =	sor.u32 @!p0 $0x4000, s8;
	s7 =	simm.s32 @!p0 $0x1B8D  }
0xb7: {  	s6 =	sshll.u32 @!p0 s6, $0x11;
	s8 =	sadd.s32 @!p0 $0x11B8D, s8;
	_ =	swait.eq @!p0 [sflag:s7], $0x1  }
0xb8: {  	s6 =	sor.u32 @!p0 s6, s8;
	[sflag:s7] =	ssyncadd.s32 @!p0 $0xFFFFFFFF  }
0xb9: {  	s25 =	simm.s32 $0x1B8E;
	s24 =	sld [smem:$0x3FFE];
	[sflag:s6] =	ssyncadd.remote.s32 @!p0 $0x1  }
0xba: {  	s26 =	simm.s32 $execute0_lowered;
	[smem:$0x3FD2] =	sst s25  }
0xbb: {  	s7 =	sshll.u32 s26, $0x1;
	_ =	strace $0x80000049;
	[dreg:$0x1] =	wrdreg $0xFFFFFFFF  }
0xbc: {  	s28 =	simm.s32 $_size_execute0_lowered;
	s5 =	sadd.s32 s5, s7;
	[dreg:$0x0] =	wrdreg $0x0  }
0xbd: {  	s7 =	sshll.u32 s28, $0x1;
	[dreg:$0x2] =	wrdreg s5  }
0xbe: {  	[dreg:$0x3] =	wrdreg s7  }
0xbf: {  	[dreg:$0x4] =	wrdreg $0xC0  }
0xc0: {  	_ =	task [dreg:s22], $0x5FFFF  }
0xc1: {  	[dreg:$0x1] =	wrdreg $0xFFFFFFFF  }
0xc2: {  	[dreg:$0x0] =	wrdreg $0x60  }
0xc3: {  	[dreg:$0x2] =	wrdreg s16  }
0xc4: {  	[dreg:$0x3] =	wrdreg s24  }
0xc5: {  	[dreg:$0x4] =	wrdreg s17  }
0xc6: {  	[dreg:$0x5] =	wrdreg $0x146000  }
0xc7: {  	[dreg:$0x6] =	wrdreg $0x9  }
0xc8: {  	_ =	task.clear_ibuf [dreg:s22], $0x7FFFF;
	_ =	strace $0x90000049  }
0xc9: {  	s29 =	simm.s32 $0x9;
	_ =	strace $0x8000004B  }
0xca: {  	_ =	swait.ge [sflag:s29], $0x1  }
0xcb: {  	[sflag:s29] =	ssyncadd.s32 $0xFFFFFFFF  }
0xcc: {  	_ =	strace $0x9000004B  }
0xcd: {  	_ =	sfence  }
0xce: {  	s30 =	sld [smem:$0x0];
	_ =	sdelay $0x2  }
0xcf: {  	s31 =	sshll.u32 s1, $0xD;
	s1 =	sshrl.u32 s1, $0x2  }
0xd0: {  	s4 =	sand.u32 $0x4000, s31;
	s1 =	sadd.s32 s1, s30  }
0xd1: {  	s0 =	sor.u32 s4, s0;
	s1 =	sshll.u32 s1, $0x11  }
0xd2: {  	s0 =	sor.u32 s1, s0  }
0xd3: {  	s0 =	sadd.s32 $0x8F2B, s0  }
0xd4: {  	[sflag:s0] =	ssyncadd.remote.s32 $0x1  }
0xd5: {  	_ =	sfence.sel $0xFFFF  }
0xd6: {  	[dreg:$0x0] =	wrdreg $0xFFFFFFFF;
	(pc) =	sbr.abs _section_cstart, $3  }
0xd7: {  	[dreg:$0x1] =	wrdreg $0xFFFFFFFF  }
0xd8: {  	_ =	task.clear_ibuf [dreg:s22], $0x2FFFF;
	_ =	strace $0x9FFFFFFF  }
0xd9: {  	(tm) =	ssettm $0x7FFFFFFF  }
tec
execute0_lowered:
.L_overlay_start_1:
0x0: {  	(tag) =	ssettag $0x1  }
0x1: {  	s0 =	rddreg [dreg:$0x0]  }
0x2: {  	s1 =	rddreg [dreg:$0x1];
	s2 =	srdreg.scid  }
0x3: {  	s5 =	rddreg [dreg:$0x2];
	s6 =	sand.u32 $0x1, s2  }
0x4: {  	s2 =	stileid.u32;
	s7 =	smul.u32 $0x13B00, s6  }
0x5: {  	s3 =	rddreg [dreg:$0x3];
	s8 =	smul.u32 $0x13B0, s2  }
0x6: {  	s4 =	simm.s32 $0x0;
	s15 =	simm.s32 $0x1D;
	s9 =	smul.u32 $0x140, s2  }
0x7: {  	[smem:$0x7FF] =	sst s4;
	s24 =	ssub.s32 $0x2, s6;
	s6 =	smul.u32 $0x13B000, s6  }
0x8: {  	s22 =	simm.s32 $0x1C;
	_ =	strace $0x8000004A;
	s10 =	smul.u32 $0x13B00, s2  }
0x9: {  	s25 =	sshrl.u32 s24, $0x1;
	s7 =	sadd.s32 s8, s7;
	s23 =	sshrl.u32 s9, $0x3  }
0xa: {  	s8 =	ssub.s32 s24, s25;
	s9 =	sshll.u32 s2, $0x2;
	s7 =	sshrl.u32 s7, $0x3  }
0xb: {  	s31 =	smax.u32 s8, $0x1;
	s7 =	sadd.s32 s7, s1;
	s1 =	sadd.s32 s23, s1  }
0xc: {  	s30 =	sadd.s32 s6, s5;
	[dreg:$0x9] =	wrdreg s31;
	s26 =	sadd.s32 $0x1C00, s1  }
0xd: {  	s23 =	simm.s32 $0x0;
	s28 =	sadd.s32 $0x1C0A, s1;
	[dreg:$0x5] =	wrdreg s26  }
0xe: {  	s29 =	sadd.s32 $0x1C14, s1;
	s1 =	sadd.s32 $0x1C1E, s1;
	[dreg:$0x6] =	wrdreg s28  }
0xf: {  	s11 =	sadd.s32 $0x2000, s7;
	[dreg:$0x8] =	wrdreg s1;
	s1 =	sadd.s32 s10, s30  }
0x10: {  	s12 =	sadd.s32 $0xBE00, s7;
	[dreg:$0x7] =	wrdreg s29;
	s13 =	sadd.s32 $0xFFFFEC00, s1  }
.LBB2_1:
0x11: {  	s1 =	rddreg [dreg:$0x5];
	s5 =	simm.s32 $0x14400  }
0x12: {  	s21 =	simm.s32 $0x14480;
	s25 =	simm.s32 $0x14500;
	s30 =	simm.s32 $0x14580  }
0x13: {  	[tilespmem:s5], [sflag:$0x1D] =	stream.linear.gather [hbm4b:s1+s4], $0x50, $0x38;
	[tilespmem:$0x1E600] =	vst v63  }
0x14: {  	p1 =	por $0x0, $0x0;
	p2 =	por $0x1, $0x1;
	_ =	swait.ge [sflag:s15], $0x50  }
0x15: {  	p0 =	por $0x1, $0x1;
	p3 =	por $0x1, $0x1;
	[sflag:s15] =	ssyncset.done $0x0  }
0x16: {  	s1 =	sand.u32 @!p1 $0x3, s4;
	s20 =	rddreg [dreg:$0x6];
	[sflag:s15] =	ssyncadd.s32 $0xFFFFFFB0  }
0x17: {  	[tilespmem:s21], [sflag:$0x1D] =	stream.linear.gather [hbm4b:s20+s4], $0x50, $0x38;
	[tilespmem:$0x1E600] =	vst v63  }
0x18: {  	s5 =	simm.s32 $0xFFFFFFFF;
	s6 =	simm.s32 @!p1 $0x0;
	_ =	swait.ge [sflag:s15], $0x50  }
0x19: {  	s7 =	sshll.u32 @!p1 s1, $0x7;
	s8 =	sadd.s32 @!p1 $0x1, s1;
	[sflag:s15] =	ssyncset.done $0x0  }
0x1a: {  	s1 =	sadd.s32 @!p1 $0x5, s1;
	s24 =	rddreg [dreg:$0x7];
	[sflag:s15] =	ssyncadd.s32 $0xFFFFFFB0  }
0x1b: {  	[tilespmem:s25], [sflag:$0x1D] =	stream.linear.gather [hbm4b:s24+s4], $0x50, $0x38;
	[tilespmem:$0x1E600] =	vst v63  }
0x1c: {  	s5 =	sand.u32 @!p2 $0x3, s5;
	s10 =	sor.u32 @!p1 $0x200, s7;
	_ =	swait.ge [sflag:s15], $0x50  }
0x1d: {  	s14 =	sshll.u32 @!p2 s5, $0x7;
	s16 =	smul.u32 @!p2 $0x2800, s5;
	[sflag:s15] =	ssyncset.done $0x0  }
0x1e: {  	s17 =	sadd.s32 @!p2 $0x1, s5;
	s26 =	rddreg [dreg:$0x8];
	[sflag:s15] =	ssyncadd.s32 $0xFFFFFFB0  }
0x1f: {  	[tilespmem:s30], [sflag:$0x1D] =	stream.linear.gather [hbm4b:s26+s4], $0x50, $0x38;
	[tilespmem:$0x1E600] =	vst v63  }
0x20: {  	s28 =	sadd.s32 @!p2 $0x5, s5;
	s18 =	sor.u32 @!p2 $0x200, s14;
	_ =	swait.ge [sflag:s15], $0x50  }
0x21: {  	s29 =	sor.u32 @!p2 $0x400, s16;
	s16 =	sadd.s32 @!p2 $0xA400, s16;
	[sflag:s15] =	ssyncset.done $0x0  }
0x22: {  	s24 =	simm.s32 $0x1;
	s25 =	sadd.s32 $0x500, s13;
	[sflag:s15] =	ssyncadd.s32 $0xFFFFFFB0  }
0x23: {  	[tilespmem:s7], [sflag:s8] =	stream.linear.gather @!p1 [hbm4b:s12+s6], $0x50, $0x38;
	[tilespmem:$0x1E600] =	vst v63  }
0x24: {  	s26 =	sadd.s32 @!p2 $0x9, s5;
	s5 =	sadd.s32 @!p2 $0xD, s5;
	s8 =	simm.s32 $0xFFFFFFFE  }
0x25: {  	[tilespmem:s10], [sflag:s1] =	stream.linear.gather @!p1 [hbm4b:s11+s6], $0x50, $0x38;
	[tilespmem:$0x1E600] =	vst v63  }
0x26: {  	s7 =	simm.s32 @!p2 $0x50;
	s6 =	sand.u32 @!p0 $0x3, s8;
	_ =	swait.ge @!p2 [sflag:s17], $0x50  }
0x27: {  	p1 =	por @!p0 $0x1, $0x1;
	s1 =	smul.u32 @!p0 $0xA000, s6;
	[sflag:s17] =	ssyncset.done @!p2 $0x0  }
0x28: {  	p1 =	por p1, p0;
	s8 =	sor.u32 @!p0 s9, s6;
	[sflag:s17] =	ssyncadd.s32 @!p2 $0xFFFFFFB0  }
0x29: {  	s10 =	sadd.s32 @!p0 $0x9, s6;
	s31 =	sadd.s32 @!p0 $0x11, s6;
	_ =	swait.ge @!p2 [sflag:s28], $0x50  }
0x2a: {  	s8 =	smul.u32 @!p0 $0xA000, s8;
	s1 =	sshrl.u32 @!p0 s1, $0x2;
	[sflag:s28] =	ssyncset.done @!p2 $0x0  }
0x2b: {  	s17 =	sadd.s32 @!p0 $0xD, s6;
	s6 =	sadd.s32 @!p1 $0x19, s6;
	[sflag:s28] =	ssyncadd.s32 @!p2 $0xFFFFFFB0  }
0x2c: {  	[tilespmem:s29], [sflag:s26] =	stream.indirect.gather @!p2 [hbm4b:s0+s7], $0x80, s14, s7, $0xb8;
	[tilespmem:$0x1E600] =	vst v63  }
0x2d: {  	s8 =	sshrl.u32 @!p0 s8, $0x2;
	s1 =	sor.u32 @!p0 $0x400, s1;
	s28 =	sadd.s32 $0xA, s11  }
0x2e: {  	[tilespmem:s16], [sflag:s5] =	stream.indirect.gather @!p2 [hbm4b:s0+s7], $0x80, s18, s7, $0xb8;
	[tilespmem:$0x1E600] =	vst v63  }
0x2f: {  	s14 =	sadd.s32 @!p0 s8, s3;
	s5 =	simm.s32 $0xFFFFFFFD;
	_ =	swait.ge @!p0 [sflag:s10], $0x2800  }
0x30: {  	s26 =	sadd.s32 $0xA, s12;
	s8 =	sand.u32 @!p3 $0x3, s5;
	[sflag:s10] =	ssyncset.done @!p0 $0x0  }
0x31: {  	p2 =	por $0x1, $0x1;
	s16 =	sadd.s32 @!p3 $0x11, s8;
	[sflag:s10] =	ssyncadd.s32 @!p0 $0xFFFFD800  }
0x32: {  	s5 =	sshll.u32 @!p3 s8, $0x7;
	s7 =	smul.u32 @!p3 $0xA000, s8;
	_ =	swait.ge @!p0 [sflag:s17], $0x2800  }
0x33: {  	s18 =	sor.u32 @!p3 $0x14400, s5;
	s5 =	sand.u32 @!p2 $0x3, s4;
	[sflag:s17] =	ssyncset.done @!p0 $0x0  }
0x34: {  	s29 =	sshrl.u32 @!p3 s7, $0x2;
	s7 =	sor.u32 @!p2 s9, s5;
	[sflag:s17] =	ssyncadd.s32 @!p0 $0xFFFFD800  }
0x35: {  	s8 =	sadd.s32 @!p3 $0x15, s8;
	s10 =	smul.u32 @!p2 $0xA000, s7;
	_ =	swait.ge @!p1 [sflag:s6], $0x500  }
0x36: {  	s7 =	sshll.u32 @!p2 s2, $0x6;
	s17 =	sadd.s32 @!p2 $0x15, s5;
	[sflag:s6] =	ssyncset.done @!p1 $0x0  }
0x37: {  	[sflag:s6] =	ssyncadd.s32 @!p1 $0xFFFFFB00;
	s6 =	sadd.s32 @!p3 $0xA400, s29;
	s29 =	smov.u32 s13  }
.LBB2_2:
0x38: {  	[spmem:s14] =	stream.linear.scatter @!p0 [tilespmem:s1], [sflag:s31], $0x2800, $0x38;
	[tilespmem:$0x1E600] =	vst v63  }
0x39: {  	s30 =	smov.u32 s24  }
0x3a: {  	s1 =	sshrl.u32 @!p2 s10, $0x2;
	s5 =	sor.u32 @!p2 s7, s5;
	_ =	swait.ge @!p3 [sflag:s16], $0x2800  }
0x3b: {  	s1 =	sadd.s32 @!p2 s1, s3;
	s5 =	sadd.s32 @!p2 $0x1C19, s5;
	[sflag:s16] =	ssyncset.done @!p3 $0x0  }
0x3c: {  	s7 =	simm.s32 @!p3 $0x50;
	s1 =	sshrl.u32 @!p2 s1, $0x3;
	[sflag:s16] =	ssyncadd.s32 @!p3 $0xFFFFD800  }
0x3d: {  	[spmem:s3] =	stream.indirect.scatter.add.f32 @!p3 [tilespmem:s6], [sflag:s8], $0x80, s18, s7, $0xb8;
	[tilespmem:$0x1E600] =	vst v63  }
0x3e: {  	p4 =	sgt.u32 s24, $0x3E;
	s6 =	sadd.s32 $0xFFFFFFFF, s24;
	_ =	swait.ge @!p2 [sflag:s17], $0x2800  }
0x3f: {  	s7 =	sand.u32 @!p4 $0x3, s24;
	s8 =	simm.s32 @!p4 $0x0;
	[sflag:s17] =	ssyncset.done @!p2 $0x0  }
0x40: {  	s10 =	sshll.u32 @!p4 s7, $0x7;
	s14 =	sadd.s32 @!p4 $0x1, s7;
	[sflag:s17] =	ssyncadd.s32 @!p2 $0xFFFFD800  }
0x41: {  	s24 =	sadd.s32 $0x1, s24;
	s7 =	sadd.s32 @!p4 $0x5, s7;
	p3 =	sgt.u32 s6, $0x3E  }
0x42: {  	[hbm:s29], [sflag:s5] =	dma.local @!p2 [spmem:s1], $0x500  }
0x43: {  	p1 =	sne.s32 s24, $0x43;
	s1 =	sor.u32 @!p4 $0x200, s10;
	s5 =	sand.u32 @!p3 $0x3, s6  }
0x44: {  	s29 =	smov.u32 s25;
	s6 =	sshll.u32 @!p3 s5, $0x7;
	s16 =	smul.u32 @!p3 $0x2800, s5  }
0x45: {  	s17 =	sadd.s32 @!p3 $0x1, s5;
	s19 =	sadd.s32 @!p3 $0x9, s5;
	s18 =	sor.u32 @!p3 $0x200, s6  }
0x46: {  	s20 =	sadd.s32 @!p3 $0x5, s5;
	s21 =	sor.u32 @!p3 $0x400, s16  }
0x47: {  	s5 =	sadd.s32 @!p3 $0xD, s5;
	s16 =	sadd.s32 @!p3 $0xA400, s16  }
0x48: {  	[tilespmem:s10], [sflag:s14] =	stream.linear.gather @!p4 [hbm4b:s26+s8], $0x50, $0x38;
	[tilespmem:$0x1E600] =	vst v63  }
0x49: {  	s10 =	simm.s32 @!p3 $0x50;
	s14 =	sadd.s32 $0xFFFFFFFE, s30  }
0x4a: {  	s25 =	sadd.s32 $0x500, s25;
	s26 =	sadd.s32 $0xA, s26;
	p0 =	sgt.u32 s14, $0x3E  }
0x4b: {  	[tilespmem:s1], [sflag:s7] =	stream.linear.gather @!p4 [hbm4b:s28+s8], $0x50, $0x38;
	[tilespmem:$0x1E600] =	vst v63  }
0x4c: {  	p2 =	slt.u32 @!p0 s30, $0x6;
	s7 =	sand.u32 @!p0 $0x3, s14;
	_ =	swait.ge @!p3 [sflag:s17], $0x50  }
0x4d: {  	p4 =	por p2, p0;
	s1 =	smul.u32 @!p0 $0xA000, s7;
	[sflag:s17] =	ssyncset.done @!p3 $0x0  }
0x4e: {  	s8 =	sadd.s32 @!p0 $0x9, s7;
	s14 =	sor.u32 @!p0 s9, s7;
	[sflag:s17] =	ssyncadd.s32 @!p3 $0xFFFFFFB0  }
0x4f: {  	s31 =	sadd.s32 @!p0 $0x11, s7;
	s14 =	smul.u32 @!p0 $0xA000, s14;
	_ =	swait.ge @!p3 [sflag:s20], $0x50  }
0x50: {  	s1 =	sshrl.u32 @!p0 s1, $0x2;
	s17 =	sadd.s32 @!p0 $0xD, s7;
	[sflag:s20] =	ssyncset.done @!p3 $0x0  }
0x51: {  	s1 =	sor.u32 @!p0 $0x400, s1;
	s14 =	sshrl.u32 @!p0 s14, $0x2;
	[sflag:s20] =	ssyncadd.s32 @!p3 $0xFFFFFFB0  }
0x52: {  	[tilespmem:s21], [sflag:s19] =	stream.indirect.gather @!p3 [hbm4b:s0+s10], $0x80, s6, s10, $0xb8;
	[tilespmem:$0x1E600] =	vst v63  }
0x53: {  	s14 =	sadd.s32 @!p0 s14, s3;
	s6 =	sadd.s32 @!p4 $0x19, s7;
	s7 =	sadd.s32 $0xFFFFFFFD, s30  }
0x54: {  	[tilespmem:s16], [sflag:s5] =	stream.indirect.gather @!p3 [hbm4b:s0+s10], $0x80, s18, s10, $0xb8;
	[tilespmem:$0x1E600] =	vst v63  }
0x55: {  	s28 =	sadd.s32 $0xA, s28;
	p3 =	sgt.u32 s7, $0x3E;
	_ =	swait.ge @!p0 [sflag:s8], $0x2800  }
0x56: {  	s5 =	sadd.s32 $0xFFFFFFFC, s30;
	s19 =	sand.u32 @!p3 $0x3, s7;
	[sflag:s8] =	ssyncset.done @!p0 $0x0  }
0x57: {  	s16 =	sadd.s32 @!p3 $0x11, s19;
	s7 =	sshll.u32 @!p3 s19, $0x7;
	[sflag:s8] =	ssyncadd.s32 @!p0 $0xFFFFD800  }
0x58: {  	p2 =	sgt.u32 s5, $0x3E;
	s8 =	smul.u32 @!p3 $0xA000, s19;
	_ =	swait.ge @!p0 [sflag:s17], $0x2800  }
.Ltmp0:
0x59: {  	s18 =	sor.u32 @!p3 $0x14400, s7;
	[sflag:s17] =	ssyncset.done @!p0 $0x0;
	(pc) =	sbr.rel @p1 .LBB2_2-.Ltmp0, $4  }
0x5a: {  	s5 =	sand.u32 @!p2 $0x3, s30;
	s8 =	sshrl.u32 @!p3 s8, $0x2;
	[sflag:s17] =	ssyncadd.s32 @!p0 $0xFFFFD800  }
0x5b: {  	s7 =	sor.u32 @!p2 s9, s5;
	s17 =	sadd.s32 @!p2 $0x15, s5;
	_ =	swait.ge @!p4 [sflag:s6], $0x500  }
0x5c: {  	s10 =	smul.u32 @!p2 $0xA000, s7;
	s7 =	sshll.u32 @!p2 s2, $0x6;
	[sflag:s6] =	ssyncset.done @!p4 $0x0  }
0x5d: {  	[sflag:s6] =	ssyncadd.s32 @!p4 $0xFFFFFB00;
	s6 =	sadd.s32 @!p3 $0xA400, s8;
	s8 =	sadd.s32 @!p3 $0x15, s19  }
0x5e: {  	[spmem:s14] =	stream.linear.scatter @!p0 [tilespmem:s1], [sflag:s31], $0x2800, $0x38;
	[tilespmem:$0x1E600] =	vst v63  }
0x5f: {  	_ =	swait.ge @!p3 [sflag:s16], $0x2800  }
0x60: {  	[sflag:s16] =	ssyncset.done @!p3 $0x0  }
0x61: {  	s1 =	simm.s32 @!p3 $0x50;
	[sflag:s16] =	ssyncadd.s32 @!p3 $0xFFFFD800  }
0x62: {  	[spmem:s3] =	stream.indirect.scatter.add.f32 @!p3 [tilespmem:s6], [sflag:s8], $0x80, s18, s1, $0xb8;
	[tilespmem:$0x1E600] =	vst v63  }
0x63: {  	s5 =	sor.u32 @!p2 s7, s5;
	s1 =	sshrl.u32 @!p2 s10, $0x2;
	_ =	swait.ge @!p2 [sflag:s17], $0x2800  }
0x64: {  	s28 =	simm.s32 $0x19;
	s1 =	sadd.s32 @!p2 s1, s3;
	[sflag:s17] =	ssyncset.done @!p2 $0x0  }
0x65: {  	s5 =	sadd.s32 @!p2 $0x1C19, s5;
	s1 =	sshrl.u32 @!p2 s1, $0x3;
	[sflag:s17] =	ssyncadd.s32 @!p2 $0xFFFFD800  }
0x66: {  	[hbm:s29], [sflag:s5] =	dma.local @!p2 [spmem:s1], $0x500  }
0x67: {  	_ =	swait.ge [sflag:s28], $0x500  }
0x68: {  	[sflag:s28] =	ssyncset.done $0x0  }
0x69: {  	s29 =	simm.s32 $0x1A;
	[sflag:s28] =	ssyncadd.s32 $0xFFFFFB00  }
0x6a: {  	_ =	swait.ge [sflag:s29], $0x500  }
0x6b: {  	[sflag:s29] =	ssyncset.done $0x0  }
0x6c: {  	s30 =	simm.s32 $0x1B;
	[sflag:s29] =	ssyncadd.s32 $0xFFFFFB00  }
0x6d: {  	_ =	swait.ge [sflag:s30], $0x500  }
0x6e: {  	[sflag:s30] =	ssyncset.done $0x0  }
0x6f: {  	[sflag:s30] =	ssyncadd.s32 $0xFFFFFB00  }
0x70: {  	_ =	swait.ge [sflag:s22], $0x500  }
0x71: {  	s23 =	sadd.s32 $0x1, s23;
	s31 =	rddreg [dreg:$0x9]  }
0x72: {  	p0 =	sne.s32 s23, s31  }
.Ltmp1:
0x73: {  	_ = 	snop;
	(pc) =	sbr.rel @p0 .LBB2_1-.Ltmp1, $3  }
0x74: {  	_ =	sdelay $0x1  }
0x75: {  	[sflag:s22] =	ssyncset.done $0x0  }
0x76: {  	[sflag:s22] =	ssyncadd.s32 $0xFFFFFB00  }
0x77: {  	_ =	sfence.sel $0x180000  }
0x78: {  	[bflag:$0x0] =	sbarrier.arrive $0xFFFF  }
0x79: {  	_ =	strace $0x9000004A  }
0x7a: {  	[bflag:$0x2] =	sbarrier.arrive $0xFFFF  }
0x7b: {  	p0 =	sne.s32 s2, $0x0;
	s0 =	rddreg [dreg:$0x4]  }
0x7c: {  	s0 =	sadd.s32 @!p0 $0x100000, s0  }
0x7d: {  	[sflag:s0] =	ssyncadd.tile.s32 @!p0 $0x1;
	_ =	shalt  }
.Lfunc_end2:
_tile_overlayer_lowered:
.L_overlay_start_2:
0x7e: {  	(tag) =	ssettag $0x2  }
0x7f: {  	s0 =	rddreg [dreg:$0x0];
	s2 =	stileid.u32  }
0x80: {  	s1 =	rddreg [dreg:$0x1];
	p0 =	sne.s32 s2, $0x0  }
0x81: {  	s3 =	rddreg [dreg:$0x2];
	[bflag:$0x3] =	sbarrier.arrive $0xFFFF;
	s2 =	simm.s32 @!p0 $0x1C1D  }
0x82: {  	[timem:s3], [sflag:s2] =	dma.local @!p0 [hbm:s0], s1  }
0x83: {  	s0 =	simm.s32 @!p0 $0x1D  }
0x84: {  	_ =	swait.ge @!p0 [sflag:s0], s1  }
0x85: {  	s1 =	ssub.s32 @!p0 $0x0, s1;
	[sflag:s0] =	ssyncset.done @!p0 $0x0  }
0x86: {  	[sflag:s0] =	ssyncadd.s32 @!p0 s1  }
0x87: {  	[bflag:$0x3] =	sbarrier.arrive $0xFFFF  }
0x88: {  	_ =	shalt  }

</sc_bundles>
